<compile_context>
chip_gen: v7x
topology: tpu7x:2x2x1
jax: 0.10.2.dev20260603
libtpu: 0.0.44.dev20260713+nightly
codegen_flags: <defaults>
</compile_context>

<pallas_src>
import functools

import jax
import jax.numpy as jnp
from jax import lax
from jax.experimental import pallas as pl
from jax.experimental.pallas import tpu as pltpu
from jax.experimental.pallas import tpu_sc as plsc

N = 10000
E = 320000
D = 128
OUT = 2
NC = 2
NS = 16
NW = NC * NS
L = 16
NP = 10240
EPW = E // NW

EBIG = 79 * 128
ESM = 78 * 128
NBIG = (E - NW * ESM) // (EBIG - ESM)

_SC_MESH = dict(core_axis_name="c", subcore_axis_name="s")


def _mesh():
    return plsc.VectorSubcoreMesh(num_cores=NC, num_subcores=NS, **_SC_MESH)


def _sc_params():
    return pltpu.CompilerParams(needs_layout_passes=False)


def _zero_vmem(refs, n):
    z = jnp.zeros((L,), jnp.float32)

    @plsc.parallel_loop(0, n // (8 * L))
    def _(i):
        for u in range(8):
            for r in refs:
                r[pl.ds((i * 8 + u) * L, L)] = z


def _sc_degree(edge_index):

    @functools.partial(
        pl.kernel,
        out_type=(jax.ShapeDtypeStruct((E,), jnp.int32),
                  jax.ShapeDtypeStruct((E,), jnp.int32),
                  jax.ShapeDtypeStruct((NW, NP), jnp.float32)),
        mesh=_mesh(),
        compiler_params=_sc_params(),
        scratch_types=[
            pltpu.VMEM((2, EBIG), jnp.int32),
            pltpu.VMEM((NP,), jnp.float32),
            pltpu.VMEM((NP,), jnp.float32),
            pltpu.VMEM((NP,), jnp.float32),
            pltpu.VMEM((NP,), jnp.float32),
            pltpu.SemaphoreType.DMA,
        ],
    )
    def k(edge_hbm, src_out, dst_out, degp_out, ed_v, a0, a1, a2, a3, sem):
        wid = lax.axis_index("c") * NS + lax.axis_index("s")
        accs = (a0, a1, a2, a3)
        off = jnp.where(wid < NBIG, wid * EBIG,
                        NBIG * EBIG + (wid - NBIG) * ESM)
        off = pl.multiple_of(off, 128)
        ones = jnp.ones((L,), jnp.float32)

        def work(sz):
            cp = pltpu.async_copy(edge_hbm.at[:, pl.ds(off, sz)],
                                  ed_v.at[:, pl.ds(0, sz)], sem)
            _zero_vmem(accs, NP)
            cp.wait()

            @plsc.parallel_loop(0, sz // L // 4)
            def _(j):
                for u in range(4):
                    d = ed_v[1, pl.ds((j * 4 + u) * L, L)]
                    plsc.addupdate_scatter(accs[u], [d], ones)

            cp0 = pltpu.async_copy(ed_v.at[0, pl.ds(0, sz)],
                                   src_out.at[pl.ds(off, sz)], sem)
            cp1 = pltpu.async_copy(ed_v.at[1, pl.ds(0, sz)],
                                   dst_out.at[pl.ds(off, sz)], sem)

            @plsc.parallel_loop(0, NP // (4 * L))
            def _(i):
                for u in range(4):
                    sl = pl.ds((i * 4 + u) * L, L)
                    a0[sl] = (a0[sl] + a1[sl]) + (a2[sl] + a3[sl])

            cp0.wait()
            cp1.wait()

        pl.when(wid < NBIG)(lambda: work(EBIG))
        pl.when(wid >= NBIG)(lambda: work(ESM))

        pltpu.sync_copy(a0, degp_out.at[wid])

    return k(edge_index)


def _sc_scatter(g, src, dst):

    @functools.partial(
        pl.kernel,
        out_type=jax.ShapeDtypeStruct((NW, OUT, NP), jnp.float32),
        mesh=_mesh(),
        compiler_params=_sc_params(),
        scratch_types=[
            pltpu.VMEM((NP,), jnp.float32),
            pltpu.VMEM((NP,), jnp.float32),
            pltpu.VMEM((EPW,), jnp.int32),
            pltpu.VMEM((EPW,), jnp.int32),
            pltpu.VMEM((NP,), jnp.float32),
            pltpu.VMEM((NP,), jnp.float32),
            pltpu.VMEM((NP,), jnp.float32),
            pltpu.VMEM((NP,), jnp.float32),
            pltpu.SemaphoreType.DMA,
        ],
    )
    def k(g_hbm, src_hbm, dst_hbm, out_hbm, g0_v, g1_v, src_v, dst_v,
          a0a, a1a, a0b, a1b, sem):
        wid = lax.axis_index("c") * NS + lax.axis_index("s")
        cps = [pltpu.async_copy(g_hbm.at[0], g0_v, sem),
               pltpu.async_copy(g_hbm.at[1], g1_v, sem),
               pltpu.async_copy(src_hbm.at[pl.ds(wid * EPW, EPW)], src_v, sem),
               pltpu.async_copy(dst_hbm.at[pl.ds(wid * EPW, EPW)], dst_v, sem)]
        _zero_vmem((a0a, a1a, a0b, a1b), NP)
        for cp in cps:
            cp.wait()
        pairs = ((a0a, a1a), (a0b, a1b))
        nu = (EPW // L) // 2

        @plsc.parallel_loop(0, nu)
        def _(j):
            for u in range(2):
                acc0, acc1 = pairs[u]
                s16 = src_v[pl.ds((j * 2 + u) * L, L)]
                d16 = dst_v[pl.ds((j * 2 + u) * L, L)]
                plsc.addupdate_scatter(acc0, [d16],
                                       plsc.load_gather(g0_v, [s16]))
                plsc.addupdate_scatter(acc1, [d16],
                                       plsc.load_gather(g1_v, [s16]))

        for j in range(nu * 2, EPW // L):
            s16 = src_v[pl.ds(j * L, L)]
            d16 = dst_v[pl.ds(j * L, L)]
            plsc.addupdate_scatter(a0a, [d16], plsc.load_gather(g0_v, [s16]))
            plsc.addupdate_scatter(a1a, [d16], plsc.load_gather(g1_v, [s16]))

        @plsc.parallel_loop(0, NP // (4 * L))
        def _(i):
            for u in range(4):
                s = pl.ds((i * 4 + u) * L, L)
                a0a[s] = a0a[s] + a0b[s]
                a1a[s] = a1a[s] + a1b[s]

        pltpu.sync_copy(a0a, out_hbm.at[wid, 0])
        pltpu.sync_copy(a1a, out_hbm.at[wid, 1])

    return k(g, src, dst)


def _tc_matmul(in_feat, Wc):

    def k(x_ref, wc_ref, zt_ref):
        zt_ref[...] = lax.dot_general(wc_ref[...], x_ref[...],
                                      (((1,), (1,)), ((), ())),
                                      preferred_element_type=jnp.float32)

    return pl.pallas_call(
        k, out_shape=jax.ShapeDtypeStruct((8, N), jnp.float32),
    )(in_feat, Wc)


def _tc_prep(zt, degp):

    def k(zt_ref, degp_ref, meta_ref, g1_ref):
        zt = zt_ref[...]
        deg = jnp.sum(degp_ref[...], axis=0)[:N]
        n = lax.rsqrt(jnp.maximum(deg, 1.0))
        meta = jnp.concatenate(
            [zt[0:2] - zt[4:6],
             zt[2:4],
             n[None, :],
             jnp.zeros((3, N), jnp.float32)], axis=0)
        meta_ref[...] = jnp.pad(meta, ((0, 0), (0, NP - N)))
        g1 = zt[4:6] * n[None, :]
        g1_ref[...] = jnp.pad(g1, ((0, 0), (0, NP - N)))

    return pl.pallas_call(
        k,
        out_shape=(jax.ShapeDtypeStruct((8, NP), jnp.float32),
                   jax.ShapeDtypeStruct((OUT, NP), jnp.float32)),
    )(zt, degp)


def _tc_mid(meta, aggp1):

    def k(meta_ref, aggp_ref, g2_ref):
        agg1 = jnp.sum(aggp_ref[...], axis=0)
        y1 = meta_ref[2:4, :]
        n = meta_ref[4, :][None, :]
        g2_ref[...] = (-y1 + 2.0 * n * agg1) * n

    return pl.pallas_call(
        k, out_shape=jax.ShapeDtypeStruct((OUT, NP), jnp.float32),
    )(meta, aggp1)


def _tc_final(meta, aggp2):

    def k(meta_ref, aggp_ref, out_ref):
        agg2 = jnp.sum(aggp_ref[...], axis=0)
        base = meta_ref[0:2, :]
        n = meta_ref[4, :][None, :]
        out_ref[...] = (base + n * agg2)[:, :N]

    return pl.pallas_call(
        k, out_shape=jax.ShapeDtypeStruct((OUT, N), jnp.float32),
    )(meta, aggp2)


def kernel(in_feat, edge_index, W):
    W0 = W[:, 0:D]
    W1 = W[:, D:2 * D]
    W2 = W[:, 2 * D:3 * D]
    Wc = jnp.concatenate([W0, W1, W2, jnp.zeros((2, D), W.dtype)], axis=0)

    src, dst, degp = _sc_degree(edge_index)
    zt = _tc_matmul(in_feat, Wc)
    meta, g1 = _tc_prep(zt, degp)
    aggp1 = _sc_scatter(g1, src, dst)
    g2 = _tc_mid(meta, aggp1)
    aggp2 = _sc_scatter(g2, src, dst)
    return _tc_final(meta, aggp2).T

# --- scband reference (transcript-rebuilt; emitter-appended) ---
"""Pipeline reference for scband-gcn-61907658605175 (READ-ONLY COPY).

The authoritative reference and input builder live on the scoring server;
editing this copy changes nothing except your own understanding.
"""

import jax, jax.numpy as jnp
import numpy as np

N = 10000
E = 320000
D = 128
K = 3
OUT = 2


def setup_inputs(seed: int = 0) -> dict:
    key = jax.random.key(seed)
    k1, k2, k3 = jax.random.split(key, 3)
    in_feat = jax.random.normal(k1, (N, D), dtype=jnp.float32)
    edge_index = jax.random.randint(k2, (2, E), 0, N, dtype=jnp.int32)
    # ChebConv linear weight: Linear(K*in_feats, out_feats, bias=False) -> W shape (OUT, K*D)
    W = jax.random.normal(k3, (OUT, K * D), dtype=jnp.float32) * (1.0 / np.sqrt(K * D))
    return {"in_feat": in_feat, "edge_index": edge_index, "W": W}


def reference(in_feat, edge_index, W):
    # DGL ChebConv, k=3, bias=False. lambda_max precomputed (hardcoded 2.0, the
    # upper bound for a normalized Laplacian, matching dgl.laplacian_lambda_max
    # on large random graphs to good approximation).
    x = in_feat
    src = edge_index[0]
    dst = edge_index[1]
    n = x.shape[0]
    in_deg = jnp.zeros((n,), x.dtype).at[dst].add(1.0)
    norm = jnp.power(jnp.clip(in_deg, 1.0, None), -0.5)[:, None]
    lambda_max = 2.0
    re_norm = 2.0 / lambda_max

    def prop(h_in):
        # D^{-1/2} A D^{-1/2} h_in via copy_u -> sum scatter-add on dst
        m = (h_in * norm)[src]
        agg = jnp.zeros_like(h_in).at[dst].add(m)
        return agg * norm

    X0 = x
    Xs = [X0]
    # X_1 = -re_norm * (norm A norm) X_0 + X_0 * (re_norm - 1)
    h = prop(X0)
    X1 = -re_norm * h + X0 * (re_norm - 1.0)
    Xs.append(X1)
    Xm2, Xm1 = X0, X1
    for _ in range(2, K):
        h = prop(Xm1)
        Xi = -2.0 * re_norm * h + Xm1 * (2.0 * (re_norm - 1.0)) - Xm2
        Xs.append(Xi)
        Xm2, Xm1 = Xm1, Xi
    Xcat = jnp.concatenate(Xs, axis=1)
    return Xcat @ W.T

if __name__ == "__main__":
    import jax
    _d = setup_inputs()
    print(jax.jit(kernel)(*tuple(_d.values())))

</pallas_src>

<mosaic_0001>
#map = affine_map<(d0, d1) -> (0, 0)>
#map1 = affine_map<(d0, d1) -> (0)>
#map2 = affine_map<(d0, d1) -> (0, 0, 0)>
module attributes {stable_mosaic.version = 14 : i64} {
  func.func @k(%arg0: i32, %arg1: i32, %arg2: memref<2x10240xf32, #tpu.memory_space<hbm>>, %arg3: memref<320000xi32, #tpu.memory_space<hbm>>, %arg4: memref<320000xi32, #tpu.memory_space<hbm>>, %arg5: memref<32x2x10240xf32, #tpu.memory_space<hbm>>, %arg6: memref<10240xf32, #tpu.memory_space<vmem>>, %arg7: memref<10240xf32, #tpu.memory_space<vmem>>, %arg8: memref<10000xi32, #tpu.memory_space<vmem>>, %arg9: memref<10000xi32, #tpu.memory_space<vmem>>, %arg10: memref<10240xf32, #tpu.memory_space<vmem>>, %arg11: memref<10240xf32, #tpu.memory_space<vmem>>, %arg12: memref<10240xf32, #tpu.memory_space<vmem>>, %arg13: memref<10240xf32, #tpu.memory_space<vmem>>, %arg14: memref<!tpu.dma_semaphore, #tpu.memory_space<semaphore_mem>>) attributes {dimension_semantics = [#tpu.dimension_semantics<core_parallel>, #tpu.dimension_semantics<subcore_parallel>], iteration_bounds = array<i64: 2, 16>, scalar_prefetch = 0 : i64, scratch_operands = 9 : i64, tpu.core_type = #tpu.core_type<sc_vector_subcore>, window_params = [{transform_indices = #map}, {transform_indices = #map1}, {transform_indices = #map1}, {transform_indices = #map2}]} {
    %mul3A = arith.constant 16 : i32
    %mul3A_0 = arith.muli %arg0, %mul3A : i32
    %add3A = arith.addi %mul3A_0, %arg1 : i32
    %dma_start3A = arith.constant 0 : i32
    %dma_start3A_1 = arith.constant 0 : i32
    %dma_start3A_2 = tpu.memref_slice %arg2[%dma_start3A, %dma_start3A_1] : memref<2x10240xf32, #tpu.memory_space<hbm>> -> memref<1x10240xf32, #tpu.memory_space<hbm>>
    %dma_start3A_3 = tpu.memref_squeeze %dma_start3A_2 : memref<1x10240xf32, #tpu.memory_space<hbm>> -> memref<10240xf32, #tpu.memory_space<hbm>>
    %dma_start3A_4 = arith.constant 0 : i32
    %dma_start3A_5 = tpu.memref_slice %arg2[%dma_start3A, %dma_start3A_4] : memref<2x10240xf32, #tpu.memory_space<hbm>> -> memref<1x10240xf32, #tpu.memory_space<hbm>>
    %dma_start3A_6 = tpu.memref_squeeze %dma_start3A_5 : memref<1x10240xf32, #tpu.memory_space<hbm>> -> memref<10240xf32, #tpu.memory_space<hbm>>
    tpu.enqueue_dma source(%dma_start3A_6 : memref<10240xf32, #tpu.memory_space<hbm>>) target(%arg6 : memref<10240xf32, #tpu.memory_space<vmem>>) target_semaphore(%arg14 : memref<!tpu.dma_semaphore, #tpu.memory_space<semaphore_mem>>)
    %dma_start3A_7 = arith.constant 1 : i32
    %dma_start3A_8 = arith.constant 0 : i32
    %dma_start3A_9 = tpu.memref_slice %arg2[%dma_start3A_7, %dma_start3A_8] : memref<2x10240xf32, #tpu.memory_space<hbm>> -> memref<1x10240xf32, #tpu.memory_space<hbm>>
    %dma_start3A_10 = tpu.memref_squeeze %dma_start3A_9 : memref<1x10240xf32, #tpu.memory_space<hbm>> -> memref<10240xf32, #tpu.memory_space<hbm>>
    %dma_start3A_11 = arith.constant 0 : i32
    %dma_start3A_12 = tpu.memref_slice %arg2[%dma_start3A_7, %dma_start3A_11] : memref<2x10240xf32, #tpu.memory_space<hbm>> -> memref<1x10240xf32, #tpu.memory_space<hbm>>
    %dma_start3A_13 = tpu.memref_squeeze %dma_start3A_12 : memref<1x10240xf32, #tpu.memory_space<hbm>> -> memref<10240xf32, #tpu.memory_space<hbm>>
    tpu.enqueue_dma source(%dma_start3A_13 : memref<10240xf32, #tpu.memory_space<hbm>>) target(%arg7 : memref<10240xf32, #tpu.memory_space<vmem>>) target_semaphore(%arg14 : memref<!tpu.dma_semaphore, #tpu.memory_space<semaphore_mem>>)
    %mul3A_14 = arith.constant 10000 : i32
    %mul3A_15 = arith.muli %add3A, %mul3A_14 : i32
    %dma_start3A_16 = tpu.memref_slice %arg3[%mul3A_15] : memref<320000xi32, #tpu.memory_space<hbm>> -> memref<10000xi32, #tpu.memory_space<hbm>>
    %dma_start3A_17 = tpu.memref_slice %arg3[%mul3A_15] : memref<320000xi32, #tpu.memory_space<hbm>> -> memref<10000xi32, #tpu.memory_space<hbm>>
    tpu.enqueue_dma source(%dma_start3A_17 : memref<10000xi32, #tpu.memory_space<hbm>>) target(%arg8 : memref<10000xi32, #tpu.memory_space<vmem>>) target_semaphore(%arg14 : memref<!tpu.dma_semaphore, #tpu.memory_space<semaphore_mem>>)
    %mul3A_18 = arith.constant 10000 : i32
    %mul3A_19 = arith.muli %add3A, %mul3A_18 : i32
    %dma_start3A_20 = tpu.memref_slice %arg4[%mul3A_19] : memref<320000xi32, #tpu.memory_space<hbm>> -> memref<10000xi32, #tpu.memory_space<hbm>>
    %dma_start3A_21 = tpu.memref_slice %arg4[%mul3A_19] : memref<320000xi32, #tpu.memory_space<hbm>> -> memref<10000xi32, #tpu.memory_space<hbm>>
    tpu.enqueue_dma source(%dma_start3A_21 : memref<10000xi32, #tpu.memory_space<hbm>>) target(%arg9 : memref<10000xi32, #tpu.memory_space<vmem>>) target_semaphore(%arg14 : memref<!tpu.dma_semaphore, #tpu.memory_space<semaphore_mem>>)
    %broadcast_in_dim3A = arith.constant 0.000000e+00 : f32
    %broadcast_in_dim3A_22 = vector.broadcast %broadcast_in_dim3A : f32 to vector<16xf32>
    %parallel_loop3A = arith.constant 0 : i32
    %parallel_loop3A_23 = arith.constant 80 : i32
    %parallel_loop3A_24 = arith.constant 1 : i32
    scf.for %parallel_loop3A_53 = %parallel_loop3A to %parallel_loop3A_23 step %parallel_loop3A_24  : i32 {
      %parallel_loop3A_54 = arith.constant 8 : i32
      %parallel_loop3A_55 = arith.muli %parallel_loop3A_53, %parallel_loop3A_54 : i32
      %parallel_loop3A_56 = arith.constant 0 : i32
      %parallel_loop3A_57 = arith.addi %parallel_loop3A_55, %parallel_loop3A_56 : i32
      %parallel_loop3A_58 = arith.constant 16 : i32
      %parallel_loop3A_59 = arith.muli %parallel_loop3A_57, %parallel_loop3A_58 : i32
      %parallel_loop3A_60 = arith.index_cast %parallel_loop3A_59 : i32 to index
      %parallel_loop3A_61 = tpu.vector_load %arg10[%parallel_loop3A_60] {strides = array<i32>} : memref<10240xf32, #tpu.memory_space<vmem>>, vector<16xf32>,
      tpu.vector_store %arg10[%parallel_loop3A_60], %broadcast_in_dim3A_22 {strides = array<i32>} : memref<10240xf32, #tpu.memory_space<vmem>>, vector<16xf32>,
      %parallel_loop3A_62 = arith.constant 8 : i32
      %parallel_loop3A_63 = arith.muli %parallel_loop3A_53, %parallel_loop3A_62 : i32
      %parallel_loop3A_64 = arith.constant 0 : i32
      %parallel_loop3A_65 = arith.addi %parallel_loop3A_63, %parallel_loop3A_64 : i32
      %parallel_loop3A_66 = arith.constant 16 : i32
      %parallel_loop3A_67 = arith.muli %parallel_loop3A_65, %parallel_loop3A_66 : i32
      %parallel_loop3A_68 = arith.index_cast %parallel_loop3A_67 : i32 to index
      %parallel_loop3A_69 = tpu.vector_load %arg11[%parallel_loop3A_68] {strides = array<i32>} : memref<10240xf32, #tpu.memory_space<vmem>>, vector<16xf32>,
      tpu.vector_store %arg11[%parallel_loop3A_68], %broadcast_in_dim3A_22 {strides = array<i32>} : memref<10240xf32, #tpu.memory_space<vmem>>, vector<16xf32>,
      %parallel_loop3A_70 = arith.constant 8 : i32
      %parallel_loop3A_71 = arith.muli %parallel_loop3A_53, %parallel_loop3A_70 : i32
      %parallel_loop3A_72 = arith.constant 0 : i32
      %parallel_loop3A_73 = arith.addi %parallel_loop3A_71, %parallel_loop3A_72 : i32
      %parallel_loop3A_74 = arith.constant 16 : i32
      %parallel_loop3A_75 = arith.muli %parallel_loop3A_73, %parallel_loop3A_74 : i32
      %parallel_loop3A_76 = arith.index_cast %parallel_loop3A_75 : i32 to index
      %parallel_loop3A_77 = tpu.vector_load %arg12[%parallel_loop3A_76] {strides = array<i32>} : memref<10240xf32, #tpu.memory_space<vmem>>, vector<16xf32>,
      tpu.vector_store %arg12[%parallel_loop3A_76], %broadcast_in_dim3A_22 {strides = array<i32>} : memref<10240xf32, #tpu.memory_space<vmem>>, vector<16xf32>,
      %parallel_loop3A_78 = arith.constant 8 : i32
      %parallel_loop3A_79 = arith.muli %parallel_loop3A_53, %parallel_loop3A_78 : i32
      %parallel_loop3A_80 = arith.constant 0 : i32
      %parallel_loop3A_81 = arith.addi %parallel_loop3A_79, %parallel_loop3A_80 : i32
      %parallel_loop3A_82 = arith.constant 16 : i32
      %parallel_loop3A_83 = arith.muli %parallel_loop3A_81, %parallel_loop3A_82 : i32
      %parallel_loop3A_84 = arith.index_cast %parallel_loop3A_83 : i32 to index
      %parallel_loop3A_85 = tpu.vector_load %arg13[%parallel_loop3A_84] {strides = array<i32>} : memref<10240xf32, #tpu.memory_space<vmem>>, vector<16xf32>,
      tpu.vector_store %arg13[%parallel_loop3A_84], %broadcast_in_dim3A_22 {strides = array<i32>} : memref<10240xf32, #tpu.memory_space<vmem>>, vector<16xf32>,
      %parallel_loop3A_86 = arith.constant 8 : i32
      %parallel_loop3A_87 = arith.muli %parallel_loop3A_53, %parallel_loop3A_86 : i32
      %parallel_loop3A_88 = arith.constant 1 : i32
      %parallel_loop3A_89 = arith.addi %parallel_loop3A_87, %parallel_loop3A_88 : i32
      %parallel_loop3A_90 = arith.constant 16 : i32
      %parallel_loop3A_91 = arith.muli %parallel_loop3A_89, %parallel_loop3A_90 : i32
      %parallel_loop3A_92 = arith.index_cast %parallel_loop3A_91 : i32 to index
      %parallel_loop3A_93 = tpu.vector_load %arg10[%parallel_loop3A_92] {strides = array<i32>} : memref<10240xf32, #tpu.memory_space<vmem>>, vector<16xf32>,
      tpu.vector_store %arg10[%parallel_loop3A_92], %broadcast_in_dim3A_22 {strides = array<i32>} : memref<10240xf32, #tpu.memory_space<vmem>>, vector<16xf32>,
      %parallel_loop3A_94 = arith.constant 8 : i32
      %parallel_loop3A_95 = arith.muli %parallel_loop3A_53, %parallel_loop3A_94 : i32
      %parallel_loop3A_96 = arith.constant 1 : i32
      %parallel_loop3A_97 = arith.addi %parallel_loop3A_95, %parallel_loop3A_96 : i32
      %parallel_loop3A_98 = arith.constant 16 : i32
      %parallel_loop3A_99 = arith.muli %parallel_loop3A_97, %parallel_loop3A_98 : i32
      %parallel_loop3A_100 = arith.index_cast %parallel_loop3A_99 : i32 to index
      %parallel_loop3A_101 = tpu.vector_load %arg11[%parallel_loop3A_100] {strides = array<i32>} : memref<10240xf32, #tpu.memory_space<vmem>>, vector<16xf32>,
      tpu.vector_store %arg11[%parallel_loop3A_100], %broadcast_in_dim3A_22 {strides = array<i32>} : memref<10240xf32, #tpu.memory_space<vmem>>, vector<16xf32>,
      %parallel_loop3A_102 = arith.constant 8 : i32
      %parallel_loop3A_103 = arith.muli %parallel_loop3A_53, %parallel_loop3A_102 : i32
      %parallel_loop3A_104 = arith.constant 1 : i32
      %parallel_loop3A_105 = arith.addi %parallel_loop3A_103, %parallel_loop3A_104 : i32
      %parallel_loop3A_106 = arith.constant 16 : i32
      %parallel_loop3A_107 = arith.muli %parallel_loop3A_105, %parallel_loop3A_106 : i32
      %parallel_loop3A_108 = arith.index_cast %parallel_loop3A_107 : i32 to index
      %parallel_loop3A_109 = tpu.vector_load %arg12[%parallel_loop3A_108] {strides = array<i32>} : memref<10240xf32, #tpu.memory_space<vmem>>, vector<16xf32>,
      tpu.vector_store %arg12[%parallel_loop3A_108], %broadcast_in_dim3A_22 {strides = array<i32>} : memref<10240xf32, #tpu.memory_space<vmem>>, vector<16xf32>,
      %parallel_loop3A_110 = arith.constant 8 : i32
      %parallel_loop3A_111 = arith.muli %parallel_loop3A_53, %parallel_loop3A_110 : i32
      %parallel_loop3A_112 = arith.constant 1 : i32
      %parallel_loop3A_113 = arith.addi %parallel_loop3A_111, %parallel_loop3A_112 : i32
      %parallel_loop3A_114 = arith.constant 16 : i32
      %parallel_loop3A_115 = arith.muli %parallel_loop3A_113, %parallel_loop3A_114 : i32
      %parallel_loop3A_116 = arith.index_cast %parallel_loop3A_115 : i32 to index
      %parallel_loop3A_117 = tpu.vector_load %arg13[%parallel_loop3A_116] {strides = array<i32>} : memref<10240xf32, #tpu.memory_space<vmem>>, vector<16xf32>,
      tpu.vector_store %arg13[%parallel_loop3A_116], %broadcast_in_dim3A_22 {strides = array<i32>} : memref<10240xf32, #tpu.memory_space<vmem>>, vector<16xf32>,
      %parallel_loop3A_118 = arith.constant 8 : i32
      %parallel_loop3A_119 = arith.muli %parallel_loop3A_53, %parallel_loop3A_118 : i32
      %parallel_loop3A_120 = arith.constant 2 : i32
      %parallel_loop3A_121 = arith.addi %parallel_loop3A_119, %parallel_loop3A_120 : i32
      %parallel_loop3A_122 = arith.constant 16 : i32
      %parallel_loop3A_123 = arith.muli %parallel_loop3A_121, %parallel_loop3A_122 : i32
      %parallel_loop3A_124 = arith.index_cast %parallel_loop3A_123 : i32 to index
      %parallel_loop3A_125 = tpu.vector_load %arg10[%parallel_loop3A_124] {strides = array<i32>} : memref<10240xf32, #tpu.memory_space<vmem>>, vector<16xf32>,
      tpu.vector_store %arg10[%parallel_loop3A_124], %broadcast_in_dim3A_22 {strides = array<i32>} : memref<10240xf32, #tpu.memory_space<vmem>>, vector<16xf32>,
      %parallel_loop3A_126 = arith.constant 8 : i32
      %parallel_loop3A_127 = arith.muli %parallel_loop3A_53, %parallel_loop3A_126 : i32
      %parallel_loop3A_128 = arith.constant 2 : i32
      %parallel_loop3A_129 = arith.addi %parallel_loop3A_127, %parallel_loop3A_128 : i32
      %parallel_loop3A_130 = arith.constant 16 : i32
      %parallel_loop3A_131 = arith.muli %parallel_loop3A_129, %parallel_loop3A_130 : i32
      %parallel_loop3A_132 = arith.index_cast %parallel_loop3A_131 : i32 to index
      %parallel_loop3A_133 = tpu.vector_load %arg11[%parallel_loop3A_132] {strides = array<i32>} : memref<10240xf32, #tpu.memory_space<vmem>>, vector<16xf32>,
      tpu.vector_store %arg11[%parallel_loop3A_132], %broadcast_in_dim3A_22 {strides = array<i32>} : memref<10240xf32, #tpu.memory_space<vmem>>, vector<16xf32>,
      %parallel_loop3A_134 = arith.constant 8 : i32
      %parallel_loop3A_135 = arith.muli %parallel_loop3A_53, %parallel_loop3A_134 : i32
      %parallel_loop3A_136 = arith.constant 2 : i32
      %parallel_loop3A_137 = arith.addi %parallel_loop3A_135, %parallel_loop3A_136 : i32
      %parallel_loop3A_138 = arith.constant 16 : i32
      %parallel_loop3A_139 = arith.muli %parallel_loop3A_137, %parallel_loop3A_138 : i32
      %parallel_loop3A_140 = arith.index_cast %parallel_loop3A_139 : i32 to index
      %parallel_loop3A_141 = tpu.vector_load %arg12[%parallel_loop3A_140] {strides = array<i32>} : memref<10240xf32, #tpu.memory_space<vmem>>, vector<16xf32>,
      tpu.vector_store %arg12[%parallel_loop3A_140], %broadcast_in_dim3A_22 {strides = array<i32>} : memref<10240xf32, #tpu.memory_space<vmem>>, vector<16xf32>,
      %parallel_loop3A_142 = arith.constant 8 : i32
      %parallel_loop3A_143 = arith.muli %parallel_loop3A_53, %parallel_loop3A_142 : i32
      %parallel_loop3A_144 = arith.constant 2 : i32
      %parallel_loop3A_145 = arith.addi %parallel_loop3A_143, %parallel_loop3A_144 : i32
      %parallel_loop3A_146 = arith.constant 16 : i32
      %parallel_loop3A_147 = arith.muli %parallel_loop3A_145, %parallel_loop3A_146 : i32
      %parallel_loop3A_148 = arith.index_cast %parallel_loop3A_147 : i32 to index
      %parallel_loop3A_149 = tpu.vector_load %arg13[%parallel_loop3A_148] {strides = array<i32>} : memref<10240xf32, #tpu.memory_space<vmem>>, vector<16xf32>,
      tpu.vector_store %arg13[%parallel_loop3A_148], %broadcast_in_dim3A_22 {strides = array<i32>} : memref<10240xf32, #tpu.memory_space<vmem>>, vector<16xf32>,
      %parallel_loop3A_150 = arith.constant 8 : i32
      %parallel_loop3A_151 = arith.muli %parallel_loop3A_53, %parallel_loop3A_150 : i32
      %parallel_loop3A_152 = arith.constant 3 : i32
      %parallel_loop3A_153 = arith.addi %parallel_loop3A_151, %parallel_loop3A_152 : i32
      %parallel_loop3A_154 = arith.constant 16 : i32
      %parallel_loop3A_155 = arith.muli %parallel_loop3A_153, %parallel_loop3A_154 : i32
      %parallel_loop3A_156 = arith.index_cast %parallel_loop3A_155 : i32 to index
      %parallel_loop3A_157 = tpu.vector_load %arg10[%parallel_loop3A_156] {strides = array<i32>} : memref<10240xf32, #tpu.memory_space<vmem>>, vector<16xf32>,
      tpu.vector_store %arg10[%parallel_loop3A_156], %broadcast_in_dim3A_22 {strides = array<i32>} : memref<10240xf32, #tpu.memory_space<vmem>>, vector<16xf32>,
      %parallel_loop3A_158 = arith.constant 8 : i32
      %parallel_loop3A_159 = arith.muli %parallel_loop3A_53, %parallel_loop3A_158 : i32
      %parallel_loop3A_160 = arith.constant 3 : i32
      %parallel_loop3A_161 = arith.addi %parallel_loop3A_159, %parallel_loop3A_160 : i32
      %parallel_loop3A_162 = arith.constant 16 : i32
      %parallel_loop3A_163 = arith.muli %parallel_loop3A_161, %parallel_loop3A_162 : i32
      %parallel_loop3A_164 = arith.index_cast %parallel_loop3A_163 : i32 to index
      %parallel_loop3A_165 = tpu.vector_load %arg11[%parallel_loop3A_164] {strides = array<i32>} : memref<10240xf32, #tpu.memory_space<vmem>>, vector<16xf32>,
      tpu.vector_store %arg11[%parallel_loop3A_164], %broadcast_in_dim3A_22 {strides = array<i32>} : memref<10240xf32, #tpu.memory_space<vmem>>, vector<16xf32>,
      %parallel_loop3A_166 = arith.constant 8 : i32
      %parallel_loop3A_167 = arith.muli %parallel_loop3A_53, %parallel_loop3A_166 : i32
      %parallel_loop3A_168 = arith.constant 3 : i32
      %parallel_loop3A_169 = arith.addi %parallel_loop3A_167, %parallel_loop3A_168 : i32
      %parallel_loop3A_170 = arith.constant 16 : i32
      %parallel_loop3A_171 = arith.muli %parallel_loop3A_169, %parallel_loop3A_170 : i32
      %parallel_loop3A_172 = arith.index_cast %parallel_loop3A_171 : i32 to index
      %parallel_loop3A_173 = tpu.vector_load %arg12[%parallel_loop3A_172] {strides = array<i32>} : memref<10240xf32, #tpu.memory_space<vmem>>, vector<16xf32>,
      tpu.vector_store %arg12[%parallel_loop3A_172], %broadcast_in_dim3A_22 {strides = array<i32>} : memref<10240xf32, #tpu.memory_space<vmem>>, vector<16xf32>,
      %parallel_loop3A_174 = arith.constant 8 : i32
      %parallel_loop3A_175 = arith.muli %parallel_loop3A_53, %parallel_loop3A_174 : i32
      %parallel_loop3A_176 = arith.constant 3 : i32
      %parallel_loop3A_177 = arith.addi %parallel_loop3A_175, %parallel_loop3A_176 : i32
      %parallel_loop3A_178 = arith.constant 16 : i32
      %parallel_loop3A_179 = arith.muli %parallel_loop3A_177, %parallel_loop3A_178 : i32
      %parallel_loop3A_180 = arith.index_cast %parallel_loop3A_179 : i32 to index
      %parallel_loop3A_181 = tpu.vector_load %arg13[%parallel_loop3A_180] {strides = array<i32>} : memref<10240xf32, #tpu.memory_space<vmem>>, vector<16xf32>,
      tpu.vector_store %arg13[%parallel_loop3A_180], %broadcast_in_dim3A_22 {strides = array<i32>} : memref<10240xf32, #tpu.memory_space<vmem>>, vector<16xf32>,
      %parallel_loop3A_182 = arith.constant 8 : i32
      %parallel_loop3A_183 = arith.muli %parallel_loop3A_53, %parallel_loop3A_182 : i32
      %parallel_loop3A_184 = arith.constant 4 : i32
      %parallel_loop3A_185 = arith.addi %parallel_loop3A_183, %parallel_loop3A_184 : i32
      %parallel_loop3A_186 = arith.constant 16 : i32
      %parallel_loop3A_187 = arith.muli %parallel_loop3A_185, %parallel_loop3A_186 : i32
      %parallel_loop3A_188 = arith.index_cast %parallel_loop3A_187 : i32 to index
      %parallel_loop3A_189 = tpu.vector_load %arg10[%parallel_loop3A_188] {strides = array<i32>} : memref<10240xf32, #tpu.memory_space<vmem>>, vector<16xf32>,
      tpu.vector_store %arg10[%parallel_loop3A_188], %broadcast_in_dim3A_22 {strides = array<i32>} : memref<10240xf32, #tpu.memory_space<vmem>>, vector<16xf32>,
      %parallel_loop3A_190 = arith.constant 8 : i32
      %parallel_loop3A_191 = arith.muli %parallel_loop3A_53, %parallel_loop3A_190 : i32
      %parallel_loop3A_192 = arith.constant 4 : i32
      %parallel_loop3A_193 = arith.addi %parallel_loop3A_191, %parallel_loop3A_192 : i32
      %parallel_loop3A_194 = arith.constant 16 : i32
      %parallel_loop3A_195 = arith.muli %parallel_loop3A_193, %parallel_loop3A_194 : i32
      %parallel_loop3A_196 = arith.index_cast %parallel_loop3A_195 : i32 to index
      %parallel_loop3A_197 = tpu.vector_load %arg11[%parallel_loop3A_196] {strides = array<i32>} : memref<10240xf32, #tpu.memory_space<vmem>>, vector<16xf32>,
      tpu.vector_store %arg11[%parallel_loop3A_196], %broadcast_in_dim3A_22 {strides = array<i32>} : memref<10240xf32, #tpu.memory_space<vmem>>, vector<16xf32>,
      %parallel_loop3A_198 = arith.constant 8 : i32
      %parallel_loop3A_199 = arith.muli %parallel_loop3A_53, %parallel_loop3A_198 : i32
      %parallel_loop3A_200 = arith.constant 4 : i32
      %parallel_loop3A_201 = arith.addi %parallel_loop3A_199, %parallel_loop3A_200 : i32
      %parallel_loop3A_202 = arith.constant 16 : i32
      %parallel_loop3A_203 = arith.muli %parallel_loop3A_201, %parallel_loop3A_202 : i32
      %parallel_loop3A_204 = arith.index_cast %parallel_loop3A_203 : i32 to index
      %parallel_loop3A_205 = tpu.vector_load %arg12[%parallel_loop3A_204] {strides = array<i32>} : memref<10240xf32, #tpu.memory_space<vmem>>, vector<16xf32>,
      tpu.vector_store %arg12[%parallel_loop3A_204], %broadcast_in_dim3A_22 {strides = array<i32>} : memref<10240xf32, #tpu.memory_space<vmem>>, vector<16xf32>,
      %parallel_loop3A_206 = arith.constant 8 : i32
      %parallel_loop3A_207 = arith.muli %parallel_loop3A_53, %parallel_loop3A_206 : i32
      %parallel_loop3A_208 = arith.constant 4 : i32
      %parallel_loop3A_209 = arith.addi %parallel_loop3A_207, %parallel_loop3A_208 : i32
      %parallel_loop3A_210 = arith.constant 16 : i32
      %parallel_loop3A_211 = arith.muli %parallel_loop3A_209, %parallel_loop3A_210 : i32
      %parallel_loop3A_212 = arith.index_cast %parallel_loop3A_211 : i32 to index
      %parallel_loop3A_213 = tpu.vector_load %arg13[%parallel_loop3A_212] {strides = array<i32>} : memref<10240xf32, #tpu.memory_space<vmem>>, vector<16xf32>,
      tpu.vector_store %arg13[%parallel_loop3A_212], %broadcast_in_dim3A_22 {strides = array<i32>} : memref<10240xf32, #tpu.memory_space<vmem>>, vector<16xf32>,
      %parallel_loop3A_214 = arith.constant 8 : i32
      %parallel_loop3A_215 = arith.muli %parallel_loop3A_53, %parallel_loop3A_214 : i32
      %parallel_loop3A_216 = arith.constant 5 : i32
      %parallel_loop3A_217 = arith.addi %parallel_loop3A_215, %parallel_loop3A_216 : i32
      %parallel_loop3A_218 = arith.constant 16 : i32
      %parallel_loop3A_219 = arith.muli %parallel_loop3A_217, %parallel_loop3A_218 : i32
      %parallel_loop3A_220 = arith.index_cast %parallel_loop3A_219 : i32 to index
      %parallel_loop3A_221 = tpu.vector_load %arg10[%parallel_loop3A_220] {strides = array<i32>} : memref<10240xf32, #tpu.memory_space<vmem>>, vector<16xf32>,
      tpu.vector_store %arg10[%parallel_loop3A_220], %broadcast_in_dim3A_22 {strides = array<i32>} : memref<10240xf32, #tpu.memory_space<vmem>>, vector<16xf32>,
      %parallel_loop3A_222 = arith.constant 8 : i32
      %parallel_loop3A_223 = arith.muli %parallel_loop3A_53, %parallel_loop3A_222 : i32
      %parallel_loop3A_224 = arith.constant 5 : i32
      %parallel_loop3A_225 = arith.addi %parallel_loop3A_223, %parallel_loop3A_224 : i32
      %parallel_loop3A_226 = arith.constant 16 : i32
      %parallel_loop3A_227 = arith.muli %parallel_loop3A_225, %parallel_loop3A_226 : i32
      %parallel_loop3A_228 = arith.index_cast %parallel_loop3A_227 : i32 to index
      %parallel_loop3A_229 = tpu.vector_load %arg11[%parallel_loop3A_228] {strides = array<i32>} : memref<10240xf32, #tpu.memory_space<vmem>>, vector<16xf32>,
      tpu.vector_store %arg11[%parallel_loop3A_228], %broadcast_in_dim3A_22 {strides = array<i32>} : memref<10240xf32, #tpu.memory_space<vmem>>, vector<16xf32>,
      %parallel_loop3A_230 = arith.constant 8 : i32
      %parallel_loop3A_231 = arith.muli %parallel_loop3A_53, %parallel_loop3A_230 : i32
      %parallel_loop3A_232 = arith.constant 5 : i32
      %parallel_loop3A_233 = arith.addi %parallel_loop3A_231, %parallel_loop3A_232 : i32
      %parallel_loop3A_234 = arith.constant 16 : i32
      %parallel_loop3A_235 = arith.muli %parallel_loop3A_233, %parallel_loop3A_234 : i32
      %parallel_loop3A_236 = arith.index_cast %parallel_loop3A_235 : i32 to index
      %parallel_loop3A_237 = tpu.vector_load %arg12[%parallel_loop3A_236] {strides = array<i32>} : memref<10240xf32, #tpu.memory_space<vmem>>, vector<16xf32>,
      tpu.vector_store %arg12[%parallel_loop3A_236], %broadcast_in_dim3A_22 {strides = array<i32>} : memref<10240xf32, #tpu.memory_space<vmem>>, vector<16xf32>,
      %parallel_loop3A_238 = arith.constant 8 : i32
      %parallel_loop3A_239 = arith.muli %parallel_loop3A_53, %parallel_loop3A_238 : i32
      %parallel_loop3A_240 = arith.constant 5 : i32
      %parallel_loop3A_241 = arith.addi %parallel_loop3A_239, %parallel_loop3A_240 : i32
      %parallel_loop3A_242 = arith.constant 16 : i32
      %parallel_loop3A_243 = arith.muli %parallel_loop3A_241, %parallel_loop3A_242 : i32
      %parallel_loop3A_244 = arith.index_cast %parallel_loop3A_243 : i32 to index
      %parallel_loop3A_245 = tpu.vector_load %arg13[%parallel_loop3A_244] {strides = array<i32>} : memref<10240xf32, #tpu.memory_space<vmem>>, vector<16xf32>,
      tpu.vector_store %arg13[%parallel_loop3A_244], %broadcast_in_dim3A_22 {strides = array<i32>} : memref<10240xf32, #tpu.memory_space<vmem>>, vector<16xf32>,
      %parallel_loop3A_246 = arith.constant 8 : i32
      %parallel_loop3A_247 = arith.muli %parallel_loop3A_53, %parallel_loop3A_246 : i32
      %parallel_loop3A_248 = arith.constant 6 : i32
      %parallel_loop3A_249 = arith.addi %parallel_loop3A_247, %parallel_loop3A_248 : i32
      %parallel_loop3A_250 = arith.constant 16 : i32
      %parallel_loop3A_251 = arith.muli %parallel_loop3A_249, %parallel_loop3A_250 : i32
      %parallel_loop3A_252 = arith.index_cast %parallel_loop3A_251 : i32 to index
      %parallel_loop3A_253 = tpu.vector_load %arg10[%parallel_loop3A_252] {strides = array<i32>} : memref<10240xf32, #tpu.memory_space<vmem>>, vector<16xf32>,
      tpu.vector_store %arg10[%parallel_loop3A_252], %broadcast_in_dim3A_22 {strides = array<i32>} : memref<10240xf32, #tpu.memory_space<vmem>>, vector<16xf32>,
      %parallel_loop3A_254 = arith.constant 8 : i32
      %parallel_loop3A_255 = arith.muli %parallel_loop3A_53, %parallel_loop3A_254 : i32
      %parallel_loop3A_256 = arith.constant 6 : i32
      %parallel_loop3A_257 = arith.addi %parallel_loop3A_255, %parallel_loop3A_256 : i32
      %parallel_loop3A_258 = arith.constant 16 : i32
      %parallel_loop3A_259 = arith.muli %parallel_loop3A_257, %parallel_loop3A_258 : i32
      %parallel_loop3A_260 = arith.index_cast %parallel_loop3A_259 : i32 to index
      %parallel_loop3A_261 = tpu.vector_load %arg11[%parallel_loop3A_260] {strides = array<i32>} : memref<10240xf32, #tpu.memory_space<vmem>>, vector<16xf32>,
      tpu.vector_store %arg11[%parallel_loop3A_260], %broadcast_in_dim3A_22 {strides = array<i32>} : memref<10240xf32, #tpu.memory_space<vmem>>, vector<16xf32>,
      %parallel_loop3A_262 = arith.constant 8 : i32
      %parallel_loop3A_263 = arith.muli %parallel_loop3A_53, %parallel_loop3A_262 : i32
      %parallel_loop3A_264 = arith.constant 6 : i32
      %parallel_loop3A_265 = arith.addi %parallel_loop3A_263, %parallel_loop3A_264 : i32
      %parallel_loop3A_266 = arith.constant 16 : i32
      %parallel_loop3A_267 = arith.muli %parallel_loop3A_265, %parallel_loop3A_266 : i32
      %parallel_loop3A_268 = arith.index_cast %parallel_loop3A_267 : i32 to index
      %parallel_loop3A_269 = tpu.vector_load %arg12[%parallel_loop3A_268] {strides = array<i32>} : memref<10240xf32, #tpu.memory_space<vmem>>, vector<16xf32>,
      tpu.vector_store %arg12[%parallel_loop3A_268], %broadcast_in_dim3A_22 {strides = array<i32>} : memref<10240xf32, #tpu.memory_space<vmem>>, vector<16xf32>,
      %parallel_loop3A_270 = arith.constant 8 : i32
      %parallel_loop3A_271 = arith.muli %parallel_loop3A_53, %parallel_loop3A_270 : i32
      %parallel_loop3A_272 = arith.constant 6 : i32
      %parallel_loop3A_273 = arith.addi %parallel_loop3A_271, %parallel_loop3A_272 : i32
      %parallel_loop3A_274 = arith.constant 16 : i32
      %parallel_loop3A_275 = arith.muli %parallel_loop3A_273, %parallel_loop3A_274 : i32
      %parallel_loop3A_276 = arith.index_cast %parallel_loop3A_275 : i32 to index
      %parallel_loop3A_277 = tpu.vector_load %arg13[%parallel_loop3A_276] {strides = array<i32>} : memref<10240xf32, #tpu.memory_space<vmem>>, vector<16xf32>,
      tpu.vector_store %arg13[%parallel_loop3A_276], %broadcast_in_dim3A_22 {strides = array<i32>} : memref<10240xf32, #tpu.memory_space<vmem>>, vector<16xf32>,
      %parallel_loop3A_278 = arith.constant 8 : i32
      %parallel_loop3A_279 = arith.muli %parallel_loop3A_53, %parallel_loop3A_278 : i32
      %parallel_loop3A_280 = arith.constant 7 : i32
      %parallel_loop3A_281 = arith.addi %parallel_loop3A_279, %parallel_loop3A_280 : i32
      %parallel_loop3A_282 = arith.constant 16 : i32
      %parallel_loop3A_283 = arith.muli %parallel_loop3A_281, %parallel_loop3A_282 : i32
      %parallel_loop3A_284 = arith.index_cast %parallel_loop3A_283 : i32 to index
      %parallel_loop3A_285 = tpu.vector_load %arg10[%parallel_loop3A_284] {strides = array<i32>} : memref<10240xf32, #tpu.memory_space<vmem>>, vector<16xf32>,
      tpu.vector_store %arg10[%parallel_loop3A_284], %broadcast_in_dim3A_22 {strides = array<i32>} : memref<10240xf32, #tpu.memory_space<vmem>>, vector<16xf32>,
      %parallel_loop3A_286 = arith.constant 8 : i32
      %parallel_loop3A_287 = arith.muli %parallel_loop3A_53, %parallel_loop3A_286 : i32
      %parallel_loop3A_288 = arith.constant 7 : i32
      %parallel_loop3A_289 = arith.addi %parallel_loop3A_287, %parallel_loop3A_288 : i32
      %parallel_loop3A_290 = arith.constant 16 : i32
      %parallel_loop3A_291 = arith.muli %parallel_loop3A_289, %parallel_loop3A_290 : i32
      %parallel_loop3A_292 = arith.index_cast %parallel_loop3A_291 : i32 to index
      %parallel_loop3A_293 = tpu.vector_load %arg11[%parallel_loop3A_292] {strides = array<i32>} : memref<10240xf32, #tpu.memory_space<vmem>>, vector<16xf32>,
      tpu.vector_store %arg11[%parallel_loop3A_292], %broadcast_in_dim3A_22 {strides = array<i32>} : memref<10240xf32, #tpu.memory_space<vmem>>, vector<16xf32>,
      %parallel_loop3A_294 = arith.constant 8 : i32
      %parallel_loop3A_295 = arith.muli %parallel_loop3A_53, %parallel_loop3A_294 : i32
      %parallel_loop3A_296 = arith.constant 7 : i32
      %parallel_loop3A_297 = arith.addi %parallel_loop3A_295, %parallel_loop3A_296 : i32
      %parallel_loop3A_298 = arith.constant 16 : i32
      %parallel_loop3A_299 = arith.muli %parallel_loop3A_297, %parallel_loop3A_298 : i32
      %parallel_loop3A_300 = arith.index_cast %parallel_loop3A_299 : i32 to index
      %parallel_loop3A_301 = tpu.vector_load %arg12[%parallel_loop3A_300] {strides = array<i32>} : memref<10240xf32, #tpu.memory_space<vmem>>, vector<16xf32>,
      tpu.vector_store %arg12[%parallel_loop3A_300], %broadcast_in_dim3A_22 {strides = array<i32>} : memref<10240xf32, #tpu.memory_space<vmem>>, vector<16xf32>,
      %parallel_loop3A_302 = arith.constant 8 : i32
      %parallel_loop3A_303 = arith.muli %parallel_loop3A_53, %parallel_loop3A_302 : i32
      %parallel_loop3A_304 = arith.constant 7 : i32
      %parallel_loop3A_305 = arith.addi %parallel_loop3A_303, %parallel_loop3A_304 : i32
      %parallel_loop3A_306 = arith.constant 16 : i32
      %parallel_loop3A_307 = arith.muli %parallel_loop3A_305, %parallel_loop3A_306 : i32
      %parallel_loop3A_308 = arith.index_cast %parallel_loop3A_307 : i32 to index
      %parallel_loop3A_309 = tpu.vector_load %arg13[%parallel_loop3A_308] {strides = array<i32>} : memref<10240xf32, #tpu.memory_space<vmem>>, vector<16xf32>,
      tpu.vector_store %arg13[%parallel_loop3A_308], %broadcast_in_dim3A_22 {strides = array<i32>} : memref<10240xf32, #tpu.memory_space<vmem>>, vector<16xf32>,
    } {sc.loop_unroll_factor = 1 : i64, sc.parallel_access}
    %dma_wait3A = arith.constant 0 : i32
    %dma_wait3A_25 = arith.constant 0 : i32
    %dma_wait3A_26 = tpu.memref_slice %arg2[%dma_wait3A, %dma_wait3A_25] : memref<2x10240xf32, #tpu.memory_space<hbm>> -> memref<1x10240xf32, #tpu.memory_space<hbm>>
    %dma_wait3A_27 = tpu.memref_squeeze %dma_wait3A_26 : memref<1x10240xf32, #tpu.memory_space<hbm>> -> memref<10240xf32, #tpu.memory_space<hbm>>
    %dma_wait3A_28 = arith.constant 0 : i32
    %dma_wait3A_29 = tpu.memref_slice %arg2[%dma_wait3A, %dma_wait3A_28] : memref<2x10240xf32, #tpu.memory_space<hbm>> -> memref<1x10240xf32, #tpu.memory_space<hbm>>
    %dma_wait3A_30 = tpu.memref_squeeze %dma_wait3A_29 : memref<1x10240xf32, #tpu.memory_space<hbm>> -> memref<10240xf32, #tpu.memory_space<hbm>>
    tpu.wait_dma2 semaphore(%arg14 : memref<!tpu.dma_semaphore, #tpu.memory_space<semaphore_mem>>) src(%dma_wait3A_30 : memref<10240xf32, #tpu.memory_space<hbm>>) dst(%arg6 : memref<10240xf32, #tpu.memory_space<vmem>>)
    %dma_wait3A_31 = arith.constant 1 : i32
    %dma_wait3A_32 = arith.constant 0 : i32
    %dma_wait3A_33 = tpu.memref_slice %arg2[%dma_wait3A_31, %dma_wait3A_32] : memref<2x10240xf32, #tpu.memory_space<hbm>> -> memref<1x10240xf32, #tpu.memory_space<hbm>>
    %dma_wait3A_34 = tpu.memref_squeeze %dma_wait3A_33 : memref<1x10240xf32, #tpu.memory_space<hbm>> -> memref<10240xf32, #tpu.memory_space<hbm>>
    %dma_wait3A_35 = arith.constant 0 : i32
    %dma_wait3A_36 = tpu.memref_slice %arg2[%dma_wait3A_31, %dma_wait3A_35] : memref<2x10240xf32, #tpu.memory_space<hbm>> -> memref<1x10240xf32, #tpu.memory_space<hbm>>
    %dma_wait3A_37 = tpu.memref_squeeze %dma_wait3A_36 : memref<1x10240xf32, #tpu.memory_space<hbm>> -> memref<10240xf32, #tpu.memory_space<hbm>>
    tpu.wait_dma2 semaphore(%arg14 : memref<!tpu.dma_semaphore, #tpu.memory_space<semaphore_mem>>) src(%dma_wait3A_37 : memref<10240xf32, #tpu.memory_space<hbm>>) dst(%arg7 : memref<10240xf32, #tpu.memory_space<vmem>>)
    %dma_wait3A_38 = tpu.memref_slice %arg3[%mul3A_15] : memref<320000xi32, #tpu.memory_space<hbm>> -> memref<10000xi32, #tpu.memory_space<hbm>>
    %dma_wait3A_39 = tpu.memref_slice %arg3[%mul3A_15] : memref<320000xi32, #tpu.memory_space<hbm>> -> memref<10000xi32, #tpu.memory_space<hbm>>
    tpu.wait_dma2 semaphore(%arg14 : memref<!tpu.dma_semaphore, #tpu.memory_space<semaphore_mem>>) src(%dma_wait3A_39 : memref<10000xi32, #tpu.memory_space<hbm>>) dst(%arg8 : memref<10000xi32, #tpu.memory_space<vmem>>)
    %dma_wait3A_40 = tpu.memref_slice %arg4[%mul3A_19] : memref<320000xi32, #tpu.memory_space<hbm>> -> memref<10000xi32, #tpu.memory_space<hbm>>
    %dma_wait3A_41 = tpu.memref_slice %arg4[%mul3A_19] : memref<320000xi32, #tpu.memory_space<hbm>> -> memref<10000xi32, #tpu.memory_space<hbm>>
    tpu.wait_dma2 semaphore(%arg14 : memref<!tpu.dma_semaphore, #tpu.memory_space<semaphore_mem>>) src(%dma_wait3A_41 : memref<10000xi32, #tpu.memory_space<hbm>>) dst(%arg9 : memref<10000xi32, #tpu.memory_space<vmem>>)
    %parallel_loop3A_42 = arith.constant 0 : i32
    %parallel_loop3A_43 = arith.constant 312 : i32
    %parallel_loop3A_44 = arith.constant 1 : i32
    scf.for %parallel_loop3A_53 = %parallel_loop3A_42 to %parallel_loop3A_43 step %parallel_loop3A_44  : i32 {
      %parallel_loop3A_54 = arith.constant 2 : i32
      %parallel_loop3A_55 = arith.muli %parallel_loop3A_53, %parallel_loop3A_54 : i32
      %parallel_loop3A_56 = arith.constant 0 : i32
      %parallel_loop3A_57 = arith.addi %parallel_loop3A_55, %parallel_loop3A_56 : i32
      %parallel_loop3A_58 = arith.constant 16 : i32
      %parallel_loop3A_59 = arith.muli %parallel_loop3A_57, %parallel_loop3A_58 : i32
      %parallel_loop3A_60 = arith.index_cast %parallel_loop3A_59 : i32 to index
      %parallel_loop3A_61 = tpu.vector_load %arg8[%parallel_loop3A_60] {strides = array<i32>} : memref<10000xi32, #tpu.memory_space<vmem>>, vector<16xi32>,
      %parallel_loop3A_62 = arith.constant 2 : i32
      %parallel_loop3A_63 = arith.muli %parallel_loop3A_53, %parallel_loop3A_62 : i32
      %parallel_loop3A_64 = arith.constant 0 : i32
      %parallel_loop3A_65 = arith.addi %parallel_loop3A_63, %parallel_loop3A_64 : i32
      %parallel_loop3A_66 = arith.constant 16 : i32
      %parallel_loop3A_67 = arith.muli %parallel_loop3A_65, %parallel_loop3A_66 : i32
      %parallel_loop3A_68 = arith.index_cast %parallel_loop3A_67 : i32 to index
      %parallel_loop3A_69 = tpu.vector_load %arg9[%parallel_loop3A_68] {strides = array<i32>} : memref<10000xi32, #tpu.memory_space<vmem>>, vector<16xi32>,
      %parallel_loop3A_70 = tpu.vector_load_idx %arg6[%parallel_loop3A_61] : memref<10240xf32, #tpu.memory_space<vmem>>[vector<16xi32>], vector<16xf32>,
      tpu.vector_store_idx %arg10[%parallel_loop3A_69], %parallel_loop3A_70 {add = true} : memref<10240xf32, #tpu.memory_space<vmem>>[vector<16xi32>], vector<16xf32>,
      %parallel_loop3A_71 = tpu.vector_load_idx %arg7[%parallel_loop3A_61] : memref<10240xf32, #tpu.memory_space<vmem>>[vector<16xi32>], vector<16xf32>,
      tpu.vector_store_idx %arg11[%parallel_loop3A_69], %parallel_loop3A_71 {add = true} : memref<10240xf32, #tpu.memory_space<vmem>>[vector<16xi32>], vector<16xf32>,
      %parallel_loop3A_72 = arith.constant 2 : i32
      %parallel_loop3A_73 = arith.muli %parallel_loop3A_53, %parallel_loop3A_72 : i32
      %parallel_loop3A_74 = arith.constant 1 : i32
      %parallel_loop3A_75 = arith.addi %parallel_loop3A_73, %parallel_loop3A_74 : i32
      %parallel_loop3A_76 = arith.constant 16 : i32
      %parallel_loop3A_77 = arith.muli %parallel_loop3A_75, %parallel_loop3A_76 : i32
      %parallel_loop3A_78 = arith.index_cast %parallel_loop3A_77 : i32 to index
      %parallel_loop3A_79 = tpu.vector_load %arg8[%parallel_loop3A_78] {strides = array<i32>} : memref<10000xi32, #tpu.memory_space<vmem>>, vector<16xi32>,
      %parallel_loop3A_80 = arith.constant 2 : i32
      %parallel_loop3A_81 = arith.muli %parallel_loop3A_53, %parallel_loop3A_80 : i32
      %parallel_loop3A_82 = arith.constant 1 : i32
      %parallel_loop3A_83 = arith.addi %parallel_loop3A_81, %parallel_loop3A_82 : i32
      %parallel_loop3A_84 = arith.constant 16 : i32
      %parallel_loop3A_85 = arith.muli %parallel_loop3A_83, %parallel_loop3A_84 : i32
      %parallel_loop3A_86 = arith.index_cast %parallel_loop3A_85 : i32 to index
      %parallel_loop3A_87 = tpu.vector_load %arg9[%parallel_loop3A_86] {strides = array<i32>} : memref<10000xi32, #tpu.memory_space<vmem>>, vector<16xi32>,
      %parallel_loop3A_88 = tpu.vector_load_idx %arg6[%parallel_loop3A_79] : memref<10240xf32, #tpu.memory_space<vmem>>[vector<16xi32>], vector<16xf32>,
      tpu.vector_store_idx %arg12[%parallel_loop3A_87], %parallel_loop3A_88 {add = true} : memref<10240xf32, #tpu.memory_space<vmem>>[vector<16xi32>], vector<16xf32>,
      %parallel_loop3A_89 = tpu.vector_load_idx %arg7[%parallel_loop3A_79] : memref<10240xf32, #tpu.memory_space<vmem>>[vector<16xi32>], vector<16xf32>,
      tpu.vector_store_idx %arg13[%parallel_loop3A_87], %parallel_loop3A_89 {add = true} : memref<10240xf32, #tpu.memory_space<vmem>>[vector<16xi32>], vector<16xf32>,
    } {sc.loop_unroll_factor = 1 : i64, sc.parallel_access}
    %get3A = arith.constant 9984 : index
    %get3A_45 = tpu.vector_load %arg8[%get3A] {strides = array<i32>} : memref<10000xi32, #tpu.memory_space<vmem>>, vector<16xi32>,
    %get3A_46 = arith.constant 9984 : index
    %get3A_47 = tpu.vector_load %arg9[%get3A_46] {strides = array<i32>} : memref<10000xi32, #tpu.memory_space<vmem>>, vector<16xi32>,
    %gather3A = tpu.vector_load_idx %arg6[%get3A_45] : memref<10240xf32, #tpu.memory_space<vmem>>[vector<16xi32>], vector<16xf32>,
    tpu.vector_store_idx %arg10[%get3A_47], %gather3A {add = true} : memref<10240xf32, #tpu.memory_space<vmem>>[vector<16xi32>], vector<16xf32>,
    %gather3A_48 = tpu.vector_load_idx %arg7[%get3A_45] : memref<10240xf32, #tpu.memory_space<vmem>>[vector<16xi32>], vector<16xf32>,
    tpu.vector_store_idx %arg11[%get3A_47], %gather3A_48 {add = true} : memref<10240xf32, #tpu.memory_space<vmem>>[vector<16xi32>], vector<16xf32>,
    %parallel_loop3A_49 = arith.constant 0 : i32
    %parallel_loop3A_50 = arith.constant 160 : i32
    %parallel_loop3A_51 = arith.constant 1 : i32
    scf.for %parallel_loop3A_53 = %parallel_loop3A_49 to %parallel_loop3A_50 step %parallel_loop3A_51  : i32 {
      %parallel_loop3A_54 = arith.constant 4 : i32
      %parallel_loop3A_55 = arith.muli %parallel_loop3A_53, %parallel_loop3A_54 : i32
      %parallel_loop3A_56 = arith.constant 0 : i32
      %parallel_loop3A_57 = arith.addi %parallel_loop3A_55, %parallel_loop3A_56 : i32
      %parallel_loop3A_58 = arith.constant 16 : i32
      %parallel_loop3A_59 = arith.muli %parallel_loop3A_57, %parallel_loop3A_58 : i32
      %parallel_loop3A_60 = arith.index_cast %parallel_loop3A_59 : i32 to index
      %parallel_loop3A_61 = tpu.vector_load %arg10[%parallel_loop3A_60] {strides = array<i32>} : memref<10240xf32, #tpu.memory_space<vmem>>, vector<16xf32>,
      %parallel_loop3A_62 = arith.index_cast %parallel_loop3A_59 : i32 to index
      %parallel_loop3A_63 = tpu.vector_load %arg12[%parallel_loop3A_62] {strides = array<i32>} : memref<10240xf32, #tpu.memory_space<vmem>>, vector<16xf32>,
      %parallel_loop3A_64 = arith.addf %parallel_loop3A_61, %parallel_loop3A_63 : vector<16xf32>
      %parallel_loop3A_65 = arith.index_cast %parallel_loop3A_59 : i32 to index
      %parallel_loop3A_66 = tpu.vector_load %arg10[%parallel_loop3A_65] {strides = array<i32>} : memref<10240xf32, #tpu.memory_space<vmem>>, vector<16xf32>,
      tpu.vector_store %arg10[%parallel_loop3A_65], %parallel_loop3A_64 {strides = array<i32>} : memref<10240xf32, #tpu.memory_space<vmem>>, vector<16xf32>,
      %parallel_loop3A_67 = arith.index_cast %parallel_loop3A_59 : i32 to index
      %parallel_loop3A_68 = tpu.vector_load %arg11[%parallel_loop3A_67] {strides = array<i32>} : memref<10240xf32, #tpu.memory_space<vmem>>, vector<16xf32>,
      %parallel_loop3A_69 = arith.index_cast %parallel_loop3A_59 : i32 to index
      %parallel_loop3A_70 = tpu.vector_load %arg13[%parallel_loop3A_69] {strides = array<i32>} : memref<10240xf32, #tpu.memory_space<vmem>>, vector<16xf32>,
      %parallel_loop3A_71 = arith.addf %parallel_loop3A_68, %parallel_loop3A_70 : vector<16xf32>
      %parallel_loop3A_72 = arith.index_cast %parallel_loop3A_59 : i32 to index
      %parallel_loop3A_73 = tpu.vector_load %arg11[%parallel_loop3A_72] {strides = array<i32>} : memref<10240xf32, #tpu.memory_space<vmem>>, vector<16xf32>,
      tpu.vector_store %arg11[%parallel_loop3A_72], %parallel_loop3A_71 {strides = array<i32>} : memref<10240xf32, #tpu.memory_space<vmem>>, vector<16xf32>,
      %parallel_loop3A_74 = arith.constant 4 : i32
      %parallel_loop3A_75 = arith.muli %parallel_loop3A_53, %parallel_loop3A_74 : i32
      %parallel_loop3A_76 = arith.constant 1 : i32
      %parallel_loop3A_77 = arith.addi %parallel_loop3A_75, %parallel_loop3A_76 : i32
      %parallel_loop3A_78 = arith.constant 16 : i32
      %parallel_loop3A_79 = arith.muli %parallel_loop3A_77, %parallel_loop3A_78 : i32
      %parallel_loop3A_80 = arith.index_cast %parallel_loop3A_79 : i32 to index
      %parallel_loop3A_81 = tpu.vector_load %arg10[%parallel_loop3A_80] {strides = array<i32>} : memref<10240xf32, #tpu.memory_space<vmem>>, vector<16xf32>,
      %parallel_loop3A_82 = arith.index_cast %parallel_loop3A_79 : i32 to index
      %parallel_loop3A_83 = tpu.vector_load %arg12[%parallel_loop3A_82] {strides = array<i32>} : memref<10240xf32, #tpu.memory_space<vmem>>, vector<16xf32>,
      %parallel_loop3A_84 = arith.addf %parallel_loop3A_81, %parallel_loop3A_83 : vector<16xf32>
      %parallel_loop3A_85 = arith.index_cast %parallel_loop3A_79 : i32 to index
      %parallel_loop3A_86 = tpu.vector_load %arg10[%parallel_loop3A_85] {strides = array<i32>} : memref<10240xf32, #tpu.memory_space<vmem>>, vector<16xf32>,
      tpu.vector_store %arg10[%parallel_loop3A_85], %parallel_loop3A_84 {strides = array<i32>} : memref<10240xf32, #tpu.memory_space<vmem>>, vector<16xf32>,
      %parallel_loop3A_87 = arith.index_cast %parallel_loop3A_79 : i32 to index
      %parallel_loop3A_88 = tpu.vector_load %arg11[%parallel_loop3A_87] {strides = array<i32>} : memref<10240xf32, #tpu.memory_space<vmem>>, vector<16xf32>,
      %parallel_loop3A_89 = arith.index_cast %parallel_loop3A_79 : i32 to index
      %parallel_loop3A_90 = tpu.vector_load %arg13[%parallel_loop3A_89] {strides = array<i32>} : memref<10240xf32, #tpu.memory_space<vmem>>, vector<16xf32>,
      %parallel_loop3A_91 = arith.addf %parallel_loop3A_88, %parallel_loop3A_90 : vector<16xf32>
      %parallel_loop3A_92 = arith.index_cast %parallel_loop3A_79 : i32 to index
      %parallel_loop3A_93 = tpu.vector_load %arg11[%parallel_loop3A_92] {strides = array<i32>} : memref<10240xf32, #tpu.memory_space<vmem>>, vector<16xf32>,
      tpu.vector_store %arg11[%parallel_loop3A_92], %parallel_loop3A_91 {strides = array<i32>} : memref<10240xf32, #tpu.memory_space<vmem>>, vector<16xf32>,
      %parallel_loop3A_94 = arith.constant 4 : i32
      %parallel_loop3A_95 = arith.muli %parallel_loop3A_53, %parallel_loop3A_94 : i32
      %parallel_loop3A_96 = arith.constant 2 : i32
      %parallel_loop3A_97 = arith.addi %parallel_loop3A_95, %parallel_loop3A_96 : i32
      %parallel_loop3A_98 = arith.constant 16 : i32
      %parallel_loop3A_99 = arith.muli %parallel_loop3A_97, %parallel_loop3A_98 : i32
      %parallel_loop3A_100 = arith.index_cast %parallel_loop3A_99 : i32 to index
      %parallel_loop3A_101 = tpu.vector_load %arg10[%parallel_loop3A_100] {strides = array<i32>} : memref<10240xf32, #tpu.memory_space<vmem>>, vector<16xf32>,
      %parallel_loop3A_102 = arith.index_cast %parallel_loop3A_99 : i32 to index
      %parallel_loop3A_103 = tpu.vector_load %arg12[%parallel_loop3A_102] {strides = array<i32>} : memref<10240xf32, #tpu.memory_space<vmem>>, vector<16xf32>,
      %parallel_loop3A_104 = arith.addf %parallel_loop3A_101, %parallel_loop3A_103 : vector<16xf32>
      %parallel_loop3A_105 = arith.index_cast %parallel_loop3A_99 : i32 to index
      %parallel_loop3A_106 = tpu.vector_load %arg10[%parallel_loop3A_105] {strides = array<i32>} : memref<10240xf32, #tpu.memory_space<vmem>>, vector<16xf32>,
      tpu.vector_store %arg10[%parallel_loop3A_105], %parallel_loop3A_104 {strides = array<i32>} : memref<10240xf32, #tpu.memory_space<vmem>>, vector<16xf32>,
      %parallel_loop3A_107 = arith.index_cast %parallel_loop3A_99 : i32 to index
      %parallel_loop3A_108 = tpu.vector_load %arg11[%parallel_loop3A_107] {strides = array<i32>} : memref<10240xf32, #tpu.memory_space<vmem>>, vector<16xf32>,
      %parallel_loop3A_109 = arith.index_cast %parallel_loop3A_99 : i32 to index
      %parallel_loop3A_110 = tpu.vector_load %arg13[%parallel_loop3A_109] {strides = array<i32>} : memref<10240xf32, #tpu.memory_space<vmem>>, vector<16xf32>,
      %parallel_loop3A_111 = arith.addf %parallel_loop3A_108, %parallel_loop3A_110 : vector<16xf32>
      %parallel_loop3A_112 = arith.index_cast %parallel_loop3A_99 : i32 to index
      %parallel_loop3A_113 = tpu.vector_load %arg11[%parallel_loop3A_112] {strides = array<i32>} : memref<10240xf32, #tpu.memory_space<vmem>>, vector<16xf32>,
      tpu.vector_store %arg11[%parallel_loop3A_112], %parallel_loop3A_111 {strides = array<i32>} : memref<10240xf32, #tpu.memory_space<vmem>>, vector<16xf32>,
      %parallel_loop3A_114 = arith.constant 4 : i32
      %parallel_loop3A_115 = arith.muli %parallel_loop3A_53, %parallel_loop3A_114 : i32
      %parallel_loop3A_116 = arith.constant 3 : i32
      %parallel_loop3A_117 = arith.addi %parallel_loop3A_115, %parallel_loop3A_116 : i32
      %parallel_loop3A_118 = arith.constant 16 : i32
      %parallel_loop3A_119 = arith.muli %parallel_loop3A_117, %parallel_loop3A_118 : i32
      %parallel_loop3A_120 = arith.index_cast %parallel_loop3A_119 : i32 to index
      %parallel_loop3A_121 = tpu.vector_load %arg10[%parallel_loop3A_120] {strides = array<i32>} : memref<10240xf32, #tpu.memory_space<vmem>>, vector<16xf32>,
      %parallel_loop3A_122 = arith.index_cast %parallel_loop3A_119 : i32 to index
      %parallel_loop3A_123 = tpu.vector_load %arg12[%parallel_loop3A_122] {strides = array<i32>} : memref<10240xf32, #tpu.memory_space<vmem>>, vector<16xf32>,
      %parallel_loop3A_124 = arith.addf %parallel_loop3A_121, %parallel_loop3A_123 : vector<16xf32>
      %parallel_loop3A_125 = arith.index_cast %parallel_loop3A_119 : i32 to index
      %parallel_loop3A_126 = tpu.vector_load %arg10[%parallel_loop3A_125] {strides = array<i32>} : memref<10240xf32, #tpu.memory_space<vmem>>, vector<16xf32>,
      tpu.vector_store %arg10[%parallel_loop3A_125], %parallel_loop3A_124 {strides = array<i32>} : memref<10240xf32, #tpu.memory_space<vmem>>, vector<16xf32>,
      %parallel_loop3A_127 = arith.index_cast %parallel_loop3A_119 : i32 to index
      %parallel_loop3A_128 = tpu.vector_load %arg11[%parallel_loop3A_127] {strides = array<i32>} : memref<10240xf32, #tpu.memory_space<vmem>>, vector<16xf32>,
      %parallel_loop3A_129 = arith.index_cast %parallel_loop3A_119 : i32 to index
      %parallel_loop3A_130 = tpu.vector_load %arg13[%parallel_loop3A_129] {strides = array<i32>} : memref<10240xf32, #tpu.memory_space<vmem>>, vector<16xf32>,
      %parallel_loop3A_131 = arith.addf %parallel_loop3A_128, %parallel_loop3A_130 : vector<16xf32>
      %parallel_loop3A_132 = arith.index_cast %parallel_loop3A_119 : i32 to index
      %parallel_loop3A_133 = tpu.vector_load %arg11[%parallel_loop3A_132] {strides = array<i32>} : memref<10240xf32, #tpu.memory_space<vmem>>, vector<16xf32>,
      tpu.vector_store %arg11[%parallel_loop3A_132], %parallel_loop3A_131 {strides = array<i32>} : memref<10240xf32, #tpu.memory_space<vmem>>, vector<16xf32>,
    } {sc.loop_unroll_factor = 1 : i64, sc.parallel_access}
    %run_scoped3A = arith.constant 0 : i32
    "tpu.region"() ({
      %run_scoped3A_53 = tpu.sem_alloc : memref<!tpu.dma_semaphore, #tpu.memory_space<semaphore_mem>>
      %dma_start3A_54 = arith.constant 0 : i32
      %dma_start3A_55 = tpu.memref_slice %arg5[%add3A, %run_scoped3A, %dma_start3A_54] : memref<32x2x10240xf32, #tpu.memory_space<hbm>> -> memref<1x1x10240xf32, #tpu.memory_space<hbm>>
      %dma_start3A_56 = tpu.memref_squeeze %dma_start3A_55 : memref<1x1x10240xf32, #tpu.memory_space<hbm>> -> memref<10240xf32, #tpu.memory_space<hbm>>
      %dma_start3A_57 = arith.constant 0 : i32
      %dma_start3A_58 = tpu.memref_slice %arg5[%add3A, %run_scoped3A, %dma_start3A_57] : memref<32x2x10240xf32, #tpu.memory_space<hbm>> -> memref<1x1x10240xf32, #tpu.memory_space<hbm>>
      %dma_start3A_59 = tpu.memref_squeeze %dma_start3A_58 : memref<1x1x10240xf32, #tpu.memory_space<hbm>> -> memref<10240xf32, #tpu.memory_space<hbm>>
      tpu.enqueue_dma source(%arg10 : memref<10240xf32, #tpu.memory_space<vmem>>) target(%dma_start3A_59 : memref<10240xf32, #tpu.memory_space<hbm>>) target_semaphore(%run_scoped3A_53 : memref<!tpu.dma_semaphore, #tpu.memory_space<semaphore_mem>>)
      %dma_wait3A_60 = arith.constant 0 : i32
      %dma_wait3A_61 = tpu.memref_slice %arg5[%add3A, %run_scoped3A, %dma_wait3A_60] : memref<32x2x10240xf32, #tpu.memory_space<hbm>> -> memref<1x1x10240xf32, #tpu.memory_space<hbm>>
      %dma_wait3A_62 = tpu.memref_squeeze %dma_wait3A_61 : memref<1x1x10240xf32, #tpu.memory_space<hbm>> -> memref<10240xf32, #tpu.memory_space<hbm>>
      %dma_wait3A_63 = arith.constant 0 : i32
      %dma_wait3A_64 = tpu.memref_slice %arg5[%add3A, %run_scoped3A, %dma_wait3A_63] : memref<32x2x10240xf32, #tpu.memory_space<hbm>> -> memref<1x1x10240xf32, #tpu.memory_space<hbm>>
      %dma_wait3A_65 = tpu.memref_squeeze %dma_wait3A_64 : memref<1x1x10240xf32, #tpu.memory_space<hbm>> -> memref<10240xf32, #tpu.memory_space<hbm>>
      tpu.wait_dma2 semaphore(%run_scoped3A_53 : memref<!tpu.dma_semaphore, #tpu.memory_space<semaphore_mem>>) src(%arg10 : memref<10240xf32, #tpu.memory_space<vmem>>) dst(%dma_wait3A_65 : memref<10240xf32, #tpu.memory_space<hbm>>)
      tpu.yield
    }) : () -> ()
    %run_scoped3A_52 = arith.constant 1 : i32
    "tpu.region"() ({
      %run_scoped3A_53 = tpu.sem_alloc : memref<!tpu.dma_semaphore, #tpu.memory_space<semaphore_mem>>
      %dma_start3A_54 = arith.constant 0 : i32
      %dma_start3A_55 = tpu.memref_slice %arg5[%add3A, %run_scoped3A_52, %dma_start3A_54] : memref<32x2x10240xf32, #tpu.memory_space<hbm>> -> memref<1x1x10240xf32, #tpu.memory_space<hbm>>
      %dma_start3A_56 = tpu.memref_squeeze %dma_start3A_55 : memref<1x1x10240xf32, #tpu.memory_space<hbm>> -> memref<10240xf32, #tpu.memory_space<hbm>>
      %dma_start3A_57 = arith.constant 0 : i32
      %dma_start3A_58 = tpu.memref_slice %arg5[%add3A, %run_scoped3A_52, %dma_start3A_57] : memref<32x2x10240xf32, #tpu.memory_space<hbm>> -> memref<1x1x10240xf32, #tpu.memory_space<hbm>>
      %dma_start3A_59 = tpu.memref_squeeze %dma_start3A_58 : memref<1x1x10240xf32, #tpu.memory_space<hbm>> -> memref<10240xf32, #tpu.memory_space<hbm>>
      tpu.enqueue_dma source(%arg11 : memref<10240xf32, #tpu.memory_space<vmem>>) target(%dma_start3A_59 : memref<10240xf32, #tpu.memory_space<hbm>>) target_semaphore(%run_scoped3A_53 : memref<!tpu.dma_semaphore, #tpu.memory_space<semaphore_mem>>)
      %dma_wait3A_60 = arith.constant 0 : i32
      %dma_wait3A_61 = tpu.memref_slice %arg5[%add3A, %run_scoped3A_52, %dma_wait3A_60] : memref<32x2x10240xf32, #tpu.memory_space<hbm>> -> memref<1x1x10240xf32, #tpu.memory_space<hbm>>
      %dma_wait3A_62 = tpu.memref_squeeze %dma_wait3A_61 : memref<1x1x10240xf32, #tpu.memory_space<hbm>> -> memref<10240xf32, #tpu.memory_space<hbm>>
      %dma_wait3A_63 = arith.constant 0 : i32
      %dma_wait3A_64 = tpu.memref_slice %arg5[%add3A, %run_scoped3A_52, %dma_wait3A_63] : memref<32x2x10240xf32, #tpu.memory_space<hbm>> -> memref<1x1x10240xf32, #tpu.memory_space<hbm>>
      %dma_wait3A_65 = tpu.memref_squeeze %dma_wait3A_64 : memref<1x1x10240xf32, #tpu.memory_space<hbm>> -> memref<10240xf32, #tpu.memory_space<hbm>>
      tpu.wait_dma2 semaphore(%run_scoped3A_53 : memref<!tpu.dma_semaphore, #tpu.memory_space<semaphore_mem>>) src(%arg11 : memref<10240xf32, #tpu.memory_space<vmem>>) dst(%dma_wait3A_65 : memref<10240xf32, #tpu.memory_space<hbm>>)
      tpu.yield
    }) : () -> ()
    return
  }
}

#map = affine_map<(d0, d1) -> (0, 0)>
#map1 = affine_map<(d0, d1) -> (0)>
#map2 = affine_map<(d0, d1) -> (0, 0, 0)>
module attributes {stable_mosaic.version = 14 : i64} {
  func.func @k(%arg0: i32, %arg1: i32, %arg2: memref<2x10240xf32, #tpu.memory_space<hbm>>, %arg3: memref<320000xi32, #tpu.memory_space<hbm>>, %arg4: memref<320000xi32, #tpu.memory_space<hbm>>, %arg5: memref<32x2x10240xf32, #tpu.memory_space<hbm>>, %arg6: memref<10240xf32, #tpu.memory_space<vmem>>, %arg7: memref<10240xf32, #tpu.memory_space<vmem>>, %arg8: memref<10000xi32, #tpu.memory_space<vmem>>, %arg9: memref<10000xi32, #tpu.memory_space<vmem>>, %arg10: memref<10240xf32, #tpu.memory_space<vmem>>, %arg11: memref<10240xf32, #tpu.memory_space<vmem>>, %arg12: memref<10240xf32, #tpu.memory_space<vmem>>, %arg13: memref<10240xf32, #tpu.memory_space<vmem>>, %arg14: memref<!tpu.dma_semaphore, #tpu.memory_space<semaphore_mem>>) attributes {dimension_semantics = [#tpu.dimension_semantics<core_parallel>, #tpu.dimension_semantics<subcore_parallel>], iteration_bounds = array<i64: 2, 16>, scalar_prefetch = 0 : i64, scratch_operands = 9 : i64, tpu.core_type = #tpu.core_type<sc_vector_subcore>, window_params = [{transform_indices = #map}, {transform_indices = #map1}, {transform_indices = #map1}, {transform_indices = #map2}]} {
    %mul3A = arith.constant 16 : i32
    %mul3A_0 = arith.muli %arg0, %mul3A : i32
    %add3A = arith.addi %mul3A_0, %arg1 : i32
    %dma_start3A = arith.constant 0 : i32
    %dma_start3A_1 = arith.constant 0 : i32
    %dma_start3A_2 = tpu.memref_slice %arg2[%dma_start3A, %dma_start3A_1] : memref<2x10240xf32, #tpu.memory_space<hbm>> -> memref<1x10240xf32, #tpu.memory_space<hbm>>
    %dma_start3A_3 = tpu.memref_squeeze %dma_start3A_2 : memref<1x10240xf32, #tpu.memory_space<hbm>> -> memref<10240xf32, #tpu.memory_space<hbm>>
    %dma_start3A_4 = arith.constant 0 : i32
    %dma_start3A_5 = tpu.memref_slice %arg2[%dma_start3A, %dma_start3A_4] : memref<2x10240xf32, #tpu.memory_space<hbm>> -> memref<1x10240xf32, #tpu.memory_space<hbm>>
    %dma_start3A_6 = tpu.memref_squeeze %dma_start3A_5 : memref<1x10240xf32, #tpu.memory_space<hbm>> -> memref<10240xf32, #tpu.memory_space<hbm>>
    tpu.enqueue_dma source(%dma_start3A_6 : memref<10240xf32, #tpu.memory_space<hbm>>) target(%arg6 : memref<10240xf32, #tpu.memory_space<vmem>>) target_semaphore(%arg14 : memref<!tpu.dma_semaphore, #tpu.memory_space<semaphore_mem>>)
    %dma_start3A_7 = arith.constant 1 : i32
    %dma_start3A_8 = arith.constant 0 : i32
    %dma_start3A_9 = tpu.memref_slice %arg2[%dma_start3A_7, %dma_start3A_8] : memref<2x10240xf32, #tpu.memory_space<hbm>> -> memref<1x10240xf32, #tpu.memory_space<hbm>>
    %dma_start3A_10 = tpu.memref_squeeze %dma_start3A_9 : memref<1x10240xf32, #tpu.memory_space<hbm>> -> memref<10240xf32, #tpu.memory_space<hbm>>
    %dma_start3A_11 = arith.constant 0 : i32
    %dma_start3A_12 = tpu.memref_slice %arg2[%dma_start3A_7, %dma_start3A_11] : memref<2x10240xf32, #tpu.memory_space<hbm>> -> memref<1x10240xf32, #tpu.memory_space<hbm>>
    %dma_start3A_13 = tpu.memref_squeeze %dma_start3A_12 : memref<1x10240xf32, #tpu.memory_space<hbm>> -> memref<10240xf32, #tpu.memory_space<hbm>>
    tpu.enqueue_dma source(%dma_start3A_13 : memref<10240xf32, #tpu.memory_space<hbm>>) target(%arg7 : memref<10240xf32, #tpu.memory_space<vmem>>) target_semaphore(%arg14 : memref<!tpu.dma_semaphore, #tpu.memory_space<semaphore_mem>>)
    %mul3A_14 = arith.constant 10000 : i32
    %mul3A_15 = arith.muli %add3A, %mul3A_14 : i32
    %dma_start3A_16 = tpu.memref_slice %arg3[%mul3A_15] : memref<320000xi32, #tpu.memory_space<hbm>> -> memref<10000xi32, #tpu.memory_space<hbm>>
    %dma_start3A_17 = tpu.memref_slice %arg3[%mul3A_15] : memref<320000xi32, #tpu.memory_space<hbm>> -> memref<10000xi32, #tpu.memory_space<hbm>>
    tpu.enqueue_dma source(%dma_start3A_17 : memref<10000xi32, #tpu.memory_space<hbm>>) target(%arg8 : memref<10000xi32, #tpu.memory_space<vmem>>) target_semaphore(%arg14 : memref<!tpu.dma_semaphore, #tpu.memory_space<semaphore_mem>>)
    %mul3A_18 = arith.constant 10000 : i32
    %mul3A_19 = arith.muli %add3A, %mul3A_18 : i32
    %dma_start3A_20 = tpu.memref_slice %arg4[%mul3A_19] : memref<320000xi32, #tpu.memory_space<hbm>> -> memref<10000xi32, #tpu.memory_space<hbm>>
    %dma_start3A_21 = tpu.memref_slice %arg4[%mul3A_19] : memref<320000xi32, #tpu.memory_space<hbm>> -> memref<10000xi32, #tpu.memory_space<hbm>>
    tpu.enqueue_dma source(%dma_start3A_21 : memref<10000xi32, #tpu.memory_space<hbm>>) target(%arg9 : memref<10000xi32, #tpu.memory_space<vmem>>) target_semaphore(%arg14 : memref<!tpu.dma_semaphore, #tpu.memory_space<semaphore_mem>>)
    %broadcast_in_dim3A = arith.constant 0.000000e+00 : f32
    %broadcast_in_dim3A_22 = vector.broadcast %broadcast_in_dim3A : f32 to vector<16xf32>
    %parallel_loop3A = arith.constant 0 : i32
    %parallel_loop3A_23 = arith.constant 80 : i32
    %parallel_loop3A_24 = arith.constant 1 : i32
    scf.for %parallel_loop3A_53 = %parallel_loop3A to %parallel_loop3A_23 step %parallel_loop3A_24  : i32 {
      %parallel_loop3A_54 = arith.constant 8 : i32
      %parallel_loop3A_55 = arith.muli %parallel_loop3A_53, %parallel_loop3A_54 : i32
      %parallel_loop3A_56 = arith.constant 0 : i32
      %parallel_loop3A_57 = arith.addi %parallel_loop3A_55, %parallel_loop3A_56 : i32
      %parallel_loop3A_58 = arith.constant 16 : i32
      %parallel_loop3A_59 = arith.muli %parallel_loop3A_57, %parallel_loop3A_58 : i32
      %parallel_loop3A_60 = arith.index_cast %parallel_loop3A_59 : i32 to index
      %parallel_loop3A_61 = tpu.vector_load %arg10[%parallel_loop3A_60] {strides = array<i32>} : memref<10240xf32, #tpu.memory_space<vmem>>, vector<16xf32>,
      tpu.vector_store %arg10[%parallel_loop3A_60], %broadcast_in_dim3A_22 {strides = array<i32>} : memref<10240xf32, #tpu.memory_space<vmem>>, vector<16xf32>,
      %parallel_loop3A_62 = arith.constant 8 : i32
      %parallel_loop3A_63 = arith.muli %parallel_loop3A_53, %parallel_loop3A_62 : i32
      %parallel_loop3A_64 = arith.constant 0 : i32
      %parallel_loop3A_65 = arith.addi %parallel_loop3A_63, %parallel_loop3A_64 : i32
      %parallel_loop3A_66 = arith.constant 16 : i32
      %parallel_loop3A_67 = arith.muli %parallel_loop3A_65, %parallel_loop3A_66 : i32
      %parallel_loop3A_68 = arith.index_cast %parallel_loop3A_67 : i32 to index
      %parallel_loop3A_69 = tpu.vector_load %arg11[%parallel_loop3A_68] {strides = array<i32>} : memref<10240xf32, #tpu.memory_space<vmem>>, vector<16xf32>,
      tpu.vector_store %arg11[%parallel_loop3A_68], %broadcast_in_dim3A_22 {strides = array<i32>} : memref<10240xf32, #tpu.memory_space<vmem>>, vector<16xf32>,
      %parallel_loop3A_70 = arith.constant 8 : i32
      %parallel_loop3A_71 = arith.muli %parallel_loop3A_53, %parallel_loop3A_70 : i32
      %parallel_loop3A_72 = arith.constant 0 : i32
      %parallel_loop3A_73 = arith.addi %parallel_loop3A_71, %parallel_loop3A_72 : i32
      %parallel_loop3A_74 = arith.constant 16 : i32
      %parallel_loop3A_75 = arith.muli %parallel_loop3A_73, %parallel_loop3A_74 : i32
      %parallel_loop3A_76 = arith.index_cast %parallel_loop3A_75 : i32 to index
      %parallel_loop3A_77 = tpu.vector_load %arg12[%parallel_loop3A_76] {strides = array<i32>} : memref<10240xf32, #tpu.memory_space<vmem>>, vector<16xf32>,
      tpu.vector_store %arg12[%parallel_loop3A_76], %broadcast_in_dim3A_22 {strides = array<i32>} : memref<10240xf32, #tpu.memory_space<vmem>>, vector<16xf32>,
      %parallel_loop3A_78 = arith.constant 8 : i32
      %parallel_loop3A_79 = arith.muli %parallel_loop3A_53, %parallel_loop3A_78 : i32
      %parallel_loop3A_80 = arith.constant 0 : i32
      %parallel_loop3A_81 = arith.addi %parallel_loop3A_79, %parallel_loop3A_80 : i32
      %parallel_loop3A_82 = arith.constant 16 : i32
      %parallel_loop3A_83 = arith.muli %parallel_loop3A_81, %parallel_loop3A_82 : i32
      %parallel_loop3A_84 = arith.index_cast %parallel_loop3A_83 : i32 to index
      %parallel_loop3A_85 = tpu.vector_load %arg13[%parallel_loop3A_84] {strides = array<i32>} : memref<10240xf32, #tpu.memory_space<vmem>>, vector<16xf32>,
      tpu.vector_store %arg13[%parallel_loop3A_84], %broadcast_in_dim3A_22 {strides = array<i32>} : memref<10240xf32, #tpu.memory_space<vmem>>, vector<16xf32>,
      %parallel_loop3A_86 = arith.constant 8 : i32
      %parallel_loop3A_87 = arith.muli %parallel_loop3A_53, %parallel_loop3A_86 : i32
      %parallel_loop3A_88 = arith.constant 1 : i32
      %parallel_loop3A_89 = arith.addi %parallel_loop3A_87, %parallel_loop3A_88 : i32
      %parallel_loop3A_90 = arith.constant 16 : i32
      %parallel_loop3A_91 = arith.muli %parallel_loop3A_89, %parallel_loop3A_90 : i32
      %parallel_loop3A_92 = arith.index_cast %parallel_loop3A_91 : i32 to index
      %parallel_loop3A_93 = tpu.vector_load %arg10[%parallel_loop3A_92] {strides = array<i32>} : memref<10240xf32, #tpu.memory_space<vmem>>, vector<16xf32>,
      tpu.vector_store %arg10[%parallel_loop3A_92], %broadcast_in_dim3A_22 {strides = array<i32>} : memref<10240xf32, #tpu.memory_space<vmem>>, vector<16xf32>,
      %parallel_loop3A_94 = arith.constant 8 : i32
      %parallel_loop3A_95 = arith.muli %parallel_loop3A_53, %parallel_loop3A_94 : i32
      %parallel_loop3A_96 = arith.constant 1 : i32
      %parallel_loop3A_97 = arith.addi %parallel_loop3A_95, %parallel_loop3A_96 : i32
      %parallel_loop3A_98 = arith.constant 16 : i32
      %parallel_loop3A_99 = arith.muli %parallel_loop3A_97, %parallel_loop3A_98 : i32
      %parallel_loop3A_100 = arith.index_cast %parallel_loop3A_99 : i32 to index
      %parallel_loop3A_101 = tpu.vector_load %arg11[%parallel_loop3A_100] {strides = array<i32>} : memref<10240xf32, #tpu.memory_space<vmem>>, vector<16xf32>,
      tpu.vector_store %arg11[%parallel_loop3A_100], %broadcast_in_dim3A_22 {strides = array<i32>} : memref<10240xf32, #tpu.memory_space<vmem>>, vector<16xf32>,
      %parallel_loop3A_102 = arith.constant 8 : i32
      %parallel_loop3A_103 = arith.muli %parallel_loop3A_53, %parallel_loop3A_102 : i32
      %parallel_loop3A_104 = arith.constant 1 : i32
      %parallel_loop3A_105 = arith.addi %parallel_loop3A_103, %parallel_loop3A_104 : i32
      %parallel_loop3A_106 = arith.constant 16 : i32
      %parallel_loop3A_107 = arith.muli %parallel_loop3A_105, %parallel_loop3A_106 : i32
      %parallel_loop3A_108 = arith.index_cast %parallel_loop3A_107 : i32 to index
      %parallel_loop3A_109 = tpu.vector_load %arg12[%parallel_loop3A_108] {strides = array<i32>} : memref<10240xf32, #tpu.memory_space<vmem>>, vector<16xf32>,
      tpu.vector_store %arg12[%parallel_loop3A_108], %broadcast_in_dim3A_22 {strides = array<i32>} : memref<10240xf32, #tpu.memory_space<vmem>>, vector<16xf32>,
      %parallel_loop3A_110 = arith.constant 8 : i32
      %parallel_loop3A_111 = arith.muli %parallel_loop3A_53, %parallel_loop3A_110 : i32
      %parallel_loop3A_112 = arith.constant 1 : i32
      %parallel_loop3A_113 = arith.addi %parallel_loop3A_111, %parallel_loop3A_112 : i32
      %parallel_loop3A_114 = arith.constant 16 : i32
      %parallel_loop3A_115 = arith.muli %parallel_loop3A_113, %parallel_loop3A_114 : i32
      %parallel_loop3A_116 = arith.index_cast %parallel_loop3A_115 : i32 to index
      %parallel_loop3A_117 = tpu.vector_load %arg13[%parallel_loop3A_116] {strides = array<i32>} : memref<10240xf32, #tpu.memory_space<vmem>>, vector<16xf32>,
      tpu.vector_store %arg13[%parallel_loop3A_116], %broadcast_in_dim3A_22 {strides = array<i32>} : memref<10240xf32, #tpu.memory_space<vmem>>, vector<16xf32>,
      %parallel_loop3A_118 = arith.constant 8 : i32
      %parallel_loop3A_119 = arith.muli %parallel_loop3A_53, %parallel_loop3A_118 : i32
      %parallel_loop3A_120 = arith.constant 2 : i32
      %parallel_loop3A_121 = arith.addi %parallel_loop3A_119, %parallel_loop3A_120 : i32
      %parallel_loop3A_122 = arith.constant 16 : i32
      %parallel_loop3A_123 = arith.muli %parallel_loop3A_121, %parallel_loop3A_122 : i32
      %parallel_loop3A_124 = arith.index_cast %parallel_loop3A_123 : i32 to index
      %parallel_loop3A_125 = tpu.vector_load %arg10[%parallel_loop3A_124] {strides = array<i32>} : memref<10240xf32, #tpu.memory_space<vmem>>, vector<16xf32>,
      tpu.vector_store %arg10[%parallel_loop3A_124], %broadcast_in_dim3A_22 {strides = array<i32>} : memref<10240xf32, #tpu.memory_space<vmem>>, vector<16xf32>,
      %parallel_loop3A_126 = arith.constant 8 : i32
      %parallel_loop3A_127 = arith.muli %parallel_loop3A_53, %parallel_loop3A_126 : i32
      %parallel_loop3A_128 = arith.constant 2 : i32
      %parallel_loop3A_129 = arith.addi %parallel_loop3A_127, %parallel_loop3A_128 : i32
      %parallel_loop3A_130 = arith.constant 16 : i32
      %parallel_loop3A_131 = arith.muli %parallel_loop3A_129, %parallel_loop3A_130 : i32
      %parallel_loop3A_132 = arith.index_cast %parallel_loop3A_131 : i32 to index
      %parallel_loop3A_133 = tpu.vector_load %arg11[%parallel_loop3A_132] {strides = array<i32>} : memref<10240xf32, #tpu.memory_space<vmem>>, vector<16xf32>,
      tpu.vector_store %arg11[%parallel_loop3A_132], %broadcast_in_dim3A_22 {strides = array<i32>} : memref<10240xf32, #tpu.memory_space<vmem>>, vector<16xf32>,
      %parallel_loop3A_134 = arith.constant 8 : i32
      %parallel_loop3A_135 = arith.muli %parallel_loop3A_53, %parallel_loop3A_134 : i32
      %parallel_loop3A_136 = arith.constant 2 : i32
      %parallel_loop3A_137 = arith.addi %parallel_loop3A_135, %parallel_loop3A_136 : i32
      %parallel_loop3A_138 = arith.constant 16 : i32
      %parallel_loop3A_139 = arith.muli %parallel_loop3A_137, %parallel_loop3A_138 : i32
      %parallel_loop3A_140 = arith.index_cast %parallel_loop3A_139 : i32 to index
      %parallel_loop3A_141 = tpu.vector_load %arg12[%parallel_loop3A_140] {strides = array<i32>} : memref<10240xf32, #tpu.memory_space<vmem>>, vector<16xf32>,
      tpu.vector_store %arg12[%parallel_loop3A_140], %broadcast_in_dim3A_22 {strides = array<i32>} : memref<10240xf32, #tpu.memory_space<vmem>>, vector<16xf32>,
      %parallel_loop3A_142 = arith.constant 8 : i32
      %parallel_loop3A_143 = arith.muli %parallel_loop3A_53, %parallel_loop3A_142 : i32
      %parallel_loop3A_144 = arith.constant 2 : i32
      %parallel_loop3A_145 = arith.addi %parallel_loop3A_143, %parallel_loop3A_144 : i32
      %parallel_loop3A_146 = arith.constant 16 : i32
      %parallel_loop3A_147 = arith.muli %parallel_loop3A_145, %parallel_loop3A_146 : i32
      %parallel_loop3A_148 = arith.index_cast %parallel_loop3A_147 : i32 to index
      %parallel_loop3A_149 = tpu.vector_load %arg13[%parallel_loop3A_148] {strides = array<i32>} : memref<10240xf32, #tpu.memory_space<vmem>>, vector<16xf32>,
      tpu.vector_store %arg13[%parallel_loop3A_148], %broadcast_in_dim3A_22 {strides = array<i32>} : memref<10240xf32, #tpu.memory_space<vmem>>, vector<16xf32>,
      %parallel_loop3A_150 = arith.constant 8 : i32
      %parallel_loop3A_151 = arith.muli %parallel_loop3A_53, %parallel_loop3A_150 : i32
      %parallel_loop3A_152 = arith.constant 3 : i32
      %parallel_loop3A_153 = arith.addi %parallel_loop3A_151, %parallel_loop3A_152 : i32
      %parallel_loop3A_154 = arith.constant 16 : i32
      %parallel_loop3A_155 = arith.muli %parallel_loop3A_153, %parallel_loop3A_154 : i32
      %parallel_loop3A_156 = arith.index_cast %parallel_loop3A_155 : i32 to index
      %parallel_loop3A_157 = tpu.vector_load %arg10[%parallel_loop3A_156] {strides = array<i32>} : memref<10240xf32, #tpu.memory_space<vmem>>, vector<16xf32>,
      tpu.vector_store %arg10[%parallel_loop3A_156], %broadcast_in_dim3A_22 {strides = array<i32>} : memref<10240xf32, #tpu.memory_space<vmem>>, vector<16xf32>,
      %parallel_loop3A_158 = arith.constant 8 : i32
      %parallel_loop3A_159 = arith.muli %parallel_loop3A_53, %parallel_loop3A_158 : i32
      %parallel_loop3A_160 = arith.constant 3 : i32
      %parallel_loop3A_161 = arith.addi %parallel_loop3A_159, %parallel_loop3A_160 : i32
      %parallel_loop3A_162 = arith.constant 16 : i32
      %parallel_loop3A_163 = arith.muli %parallel_loop3A_161, %parallel_loop3A_162 : i32
      %parallel_loop3A_164 = arith.index_cast %parallel_loop3A_163 : i32 to index
      %parallel_loop3A_165 = tpu.vector_load %arg11[%parallel_loop3A_164] {strides = array<i32>} : memref<10240xf32, #tpu.memory_space<vmem>>, vector<16xf32>,
      tpu.vector_store %arg11[%parallel_loop3A_164], %broadcast_in_dim3A_22 {strides = array<i32>} : memref<10240xf32, #tpu.memory_space<vmem>>, vector<16xf32>,
      %parallel_loop3A_166 = arith.constant 8 : i32
      %parallel_loop3A_167 = arith.muli %parallel_loop3A_53, %parallel_loop3A_166 : i32
      %parallel_loop3A_168 = arith.constant 3 : i32
      %parallel_loop3A_169 = arith.addi %parallel_loop3A_167, %parallel_loop3A_168 : i32
      %parallel_loop3A_170 = arith.constant 16 : i32
      %parallel_loop3A_171 = arith.muli %parallel_loop3A_169, %parallel_loop3A_170 : i32
      %parallel_loop3A_172 = arith.index_cast %parallel_loop3A_171 : i32 to index
      %parallel_loop3A_173 = tpu.vector_load %arg12[%parallel_loop3A_172] {strides = array<i32>} : memref<10240xf32, #tpu.memory_space<vmem>>, vector<16xf32>,
      tpu.vector_store %arg12[%parallel_loop3A_172], %broadcast_in_dim3A_22 {strides = array<i32>} : memref<10240xf32, #tpu.memory_space<vmem>>, vector<16xf32>,
      %parallel_loop3A_174 = arith.constant 8 : i32
      %parallel_loop3A_175 = arith.muli %parallel_loop3A_53, %parallel_loop3A_174 : i32
      %parallel_loop3A_176 = arith.constant 3 : i32
      %parallel_loop3A_177 = arith.addi %parallel_loop3A_175, %parallel_loop3A_176 : i32
      %parallel_loop3A_178 = arith.constant 16 : i32
      %parallel_loop3A_179 = arith.muli %parallel_loop3A_177, %parallel_loop3A_178 : i32
      %parallel_loop3A_180 = arith.index_cast %parallel_loop3A_179 : i32 to index
      %parallel_loop3A_181 = tpu.vector_load %arg13[%parallel_loop3A_180] {strides = array<i32>} : memref<10240xf32, #tpu.memory_space<vmem>>, vector<16xf32>,
      tpu.vector_store %arg13[%parallel_loop3A_180], %broadcast_in_dim3A_22 {strides = array<i32>} : memref<10240xf32, #tpu.memory_space<vmem>>, vector<16xf32>,
      %parallel_loop3A_182 = arith.constant 8 : i32
      %parallel_loop3A_183 = arith.muli %parallel_loop3A_53, %parallel_loop3A_182 : i32
      %parallel_loop3A_184 = arith.constant 4 : i32
      %parallel_loop3A_185 = arith.addi %parallel_loop3A_183, %parallel_loop3A_184 : i32
      %parallel_loop3A_186 = arith.constant 16 : i32
      %parallel_loop3A_187 = arith.muli %parallel_loop3A_185, %parallel_loop3A_186 : i32
      %parallel_loop3A_188 = arith.index_cast %parallel_loop3A_187 : i32 to index
      %parallel_loop3A_189 = tpu.vector_load %arg10[%parallel_loop3A_188] {strides = array<i32>} : memref<10240xf32, #tpu.memory_space<vmem>>, vector<16xf32>,
      tpu.vector_store %arg10[%parallel_loop3A_188], %broadcast_in_dim3A_22 {strides = array<i32>} : memref<10240xf32, #tpu.memory_space<vmem>>, vector<16xf32>,
      %parallel_loop3A_190 = arith.constant 8 : i32
      %parallel_loop3A_191 = arith.muli %parallel_loop3A_53, %parallel_loop3A_190 : i32
      %parallel_loop3A_192 = arith.constant 4 : i32
      %parallel_loop3A_193 = arith.addi %parallel_loop3A_191, %parallel_loop3A_192 : i32
      %parallel_loop3A_194 = arith.constant 16 : i32
      %parallel_loop3A_195 = arith.muli %parallel_loop3A_193, %parallel_loop3A_194 : i32
      %parallel_loop3A_196 = arith.index_cast %parallel_loop3A_195 : i32 to index
      %parallel_loop3A_197 = tpu.vector_load %arg11[%parallel_loop3A_196] {strides = array<i32>} : memref<10240xf32, #tpu.memory_space<vmem>>, vector<16xf32>,
      tpu.vector_store %arg11[%parallel_loop3A_196], %broadcast_in_dim3A_22 {strides = array<i32>} : memref<10240xf32, #tpu.memory_space<vmem>>, vector<16xf32>,
      %parallel_loop3A_198 = arith.constant 8 : i32
      %parallel_loop3A_199 = arith.muli %parallel_loop3A_53, %parallel_loop3A_198 : i32
      %parallel_loop3A_200 = arith.constant 4 : i32
      %parallel_loop3A_201 = arith.addi %parallel_loop3A_199, %parallel_loop3A_200 : i32
      %parallel_loop3A_202 = arith.constant 16 : i32
      %parallel_loop3A_203 = arith.muli %parallel_loop3A_201, %parallel_loop3A_202 : i32
      %parallel_loop3A_204 = arith.index_cast %parallel_loop3A_203 : i32 to index
      %parallel_loop3A_205 = tpu.vector_load %arg12[%parallel_loop3A_204] {strides = array<i32>} : memref<10240xf32, #tpu.memory_space<vmem>>, vector<16xf32>,
      tpu.vector_store %arg12[%parallel_loop3A_204], %broadcast_in_dim3A_22 {strides = array<i32>} : memref<10240xf32, #tpu.memory_space<vmem>>, vector<16xf32>,
      %parallel_loop3A_206 = arith.constant 8 : i32
      %parallel_loop3A_207 = arith.muli %parallel_loop3A_53, %parallel_loop3A_206 : i32
      %parallel_loop3A_208 = arith.constant 4 : i32
      %parallel_loop3A_209 = arith.addi %parallel_loop3A_207, %parallel_loop3A_208 : i32
      %parallel_loop3A_210 = arith.constant 16 : i32
      %parallel_loop3A_211 = arith.muli %parallel_loop3A_209, %parallel_loop3A_210 : i32
      %parallel_loop3A_212 = arith.index_cast %parallel_loop3A_211 : i32 to index
      %parallel_loop3A_213 = tpu.vector_load %arg13[%parallel_loop3A_212] {strides = array<i32>} : memref<10240xf32, #tpu.memory_space<vmem>>, vector<16xf32>,
      tpu.vector_store %arg13[%parallel_loop3A_212], %broadcast_in_dim3A_22 {strides = array<i32>} : memref<10240xf32, #tpu.memory_space<vmem>>, vector<16xf32>,
      %parallel_loop3A_214 = arith.constant 8 : i32
      %parallel_loop3A_215 = arith.muli %parallel_loop3A_53, %parallel_loop3A_214 : i32
      %parallel_loop3A_216 = arith.constant 5 : i32
      %parallel_loop3A_217 = arith.addi %parallel_loop3A_215, %parallel_loop3A_216 : i32
      %parallel_loop3A_218 = arith.constant 16 : i32
      %parallel_loop3A_219 = arith.muli %parallel_loop3A_217, %parallel_loop3A_218 : i32
      %parallel_loop3A_220 = arith.index_cast %parallel_loop3A_219 : i32 to index
      %parallel_loop3A_221 = tpu.vector_load %arg10[%parallel_loop3A_220] {strides = array<i32>} : memref<10240xf32, #tpu.memory_space<vmem>>, vector<16xf32>,
      tpu.vector_store %arg10[%parallel_loop3A_220], %broadcast_in_dim3A_22 {strides = array<i32>} : memref<10240xf32, #tpu.memory_space<vmem>>, vector<16xf32>,
      %parallel_loop3A_222 = arith.constant 8 : i32
      %parallel_loop3A_223 = arith.muli %parallel_loop3A_53, %parallel_loop3A_222 : i32
      %parallel_loop3A_224 = arith.constant 5 : i32
      %parallel_loop3A_225 = arith.addi %parallel_loop3A_223, %parallel_loop3A_224 : i32
      %parallel_loop3A_226 = arith.constant 16 : i32
      %parallel_loop3A_227 = arith.muli %parallel_loop3A_225, %parallel_loop3A_226 : i32
      %parallel_loop3A_228 = arith.index_cast %parallel_loop3A_227 : i32 to index
      %parallel_loop3A_229 = tpu.vector_load %arg11[%parallel_loop3A_228] {strides = array<i32>} : memref<10240xf32, #tpu.memory_space<vmem>>, vector<16xf32>,
      tpu.vector_store %arg11[%parallel_loop3A_228], %broadcast_in_dim3A_22 {strides = array<i32>} : memref<10240xf32, #tpu.memory_space<vmem>>, vector<16xf32>,
      %parallel_loop3A_230 = arith.constant 8 : i32
      %parallel_loop3A_231 = arith.muli %parallel_loop3A_53, %parallel_loop3A_230 : i32
      %parallel_loop3A_232 = arith.constant 5 : i32
      %parallel_loop3A_233 = arith.addi %parallel_loop3A_231, %parallel_loop3A_232 : i32
      %parallel_loop3A_234 = arith.constant 16 : i32
      %parallel_loop3A_235 = arith.muli %parallel_loop3A_233, %parallel_loop3A_234 : i32
      %parallel_loop3A_236 = arith.index_cast %parallel_loop3A_235 : i32 to index
      %parallel_loop3A_237 = tpu.vector_load %arg12[%parallel_loop3A_236] {strides = array<i32>} : memref<10240xf32, #tpu.memory_space<vmem>>, vector<16xf32>,
      tpu.vector_store %arg12[%parallel_loop3A_236], %broadcast_in_dim3A_22 {strides = array<i32>} : memref<10240xf32, #tpu.memory_space<vmem>>, vector<16xf32>,
      %parallel_loop3A_238 = arith.constant 8 : i32
      %parallel_loop3A_239 = arith.muli %parallel_loop3A_53, %parallel_loop3A_238 : i32
      %parallel_loop3A_240 = arith.constant 5 : i32
      %parallel_loop3A_241 = arith.addi %parallel_loop3A_239, %parallel_loop3A_240 : i32
      %parallel_loop3A_242 = arith.constant 16 : i32
      %parallel_loop3A_243 = arith.muli %parallel_loop3A_241, %parallel_loop3A_242 : i32
      %parallel_loop3A_244 = arith.index_cast %parallel_loop3A_243 : i32 to index
      %parallel_loop3A_245 = tpu.vector_load %arg13[%parallel_loop3A_244] {strides = array<i32>} : memref<10240xf32, #tpu.memory_space<vmem>>, vector<16xf32>,
      tpu.vector_store %arg13[%parallel_loop3A_244], %broadcast_in_dim3A_22 {strides = array<i32>} : memref<10240xf32, #tpu.memory_space<vmem>>, vector<16xf32>,
      %parallel_loop3A_246 = arith.constant 8 : i32
      %parallel_loop3A_247 = arith.muli %parallel_loop3A_53, %parallel_loop3A_246 : i32
      %parallel_loop3A_248 = arith.constant 6 : i32
      %parallel_loop3A_249 = arith.addi %parallel_loop3A_247, %parallel_loop3A_248 : i32
      %parallel_loop3A_250 = arith.constant 16 : i32
      %parallel_loop3A_251 = arith.muli %parallel_loop3A_249, %parallel_loop3A_250 : i32
      %parallel_loop3A_252 = arith.index_cast %parallel_loop3A_251 : i32 to index
      %parallel_loop3A_253 = tpu.vector_load %arg10[%parallel_loop3A_252] {strides = array<i32>} : memref<10240xf32, #tpu.memory_space<vmem>>, vector<16xf32>,
      tpu.vector_store %arg10[%parallel_loop3A_252], %broadcast_in_dim3A_22 {strides = array<i32>} : memref<10240xf32, #tpu.memory_space<vmem>>, vector<16xf32>,
      %parallel_loop3A_254 = arith.constant 8 : i32
      %parallel_loop3A_255 = arith.muli %parallel_loop3A_53, %parallel_loop3A_254 : i32
      %parallel_loop3A_256 = arith.constant 6 : i32
      %parallel_loop3A_257 = arith.addi %parallel_loop3A_255, %parallel_loop3A_256 : i32
      %parallel_loop3A_258 = arith.constant 16 : i32
      %parallel_loop3A_259 = arith.muli %parallel_loop3A_257, %parallel_loop3A_258 : i32
      %parallel_loop3A_260 = arith.index_cast %parallel_loop3A_259 : i32 to index
      %parallel_loop3A_261 = tpu.vector_load %arg11[%parallel_loop3A_260] {strides = array<i32>} : memref<10240xf32, #tpu.memory_space<vmem>>, vector<16xf32>,
      tpu.vector_store %arg11[%parallel_loop3A_260], %broadcast_in_dim3A_22 {strides = array<i32>} : memref<10240xf32, #tpu.memory_space<vmem>>, vector<16xf32>,
      %parallel_loop3A_262 = arith.constant 8 : i32
      %parallel_loop3A_263 = arith.muli %parallel_loop3A_53, %parallel_loop3A_262 : i32
      %parallel_loop3A_264 = arith.constant 6 : i32
      %parallel_loop3A_265 = arith.addi %parallel_loop3A_263, %parallel_loop3A_264 : i32
      %parallel_loop3A_266 = arith.constant 16 : i32
      %parallel_loop3A_267 = arith.muli %parallel_loop3A_265, %parallel_loop3A_266 : i32
      %parallel_loop3A_268 = arith.index_cast %parallel_loop3A_267 : i32 to index
      %parallel_loop3A_269 = tpu.vector_load %arg12[%parallel_loop3A_268] {strides = array<i32>} : memref<10240xf32, #tpu.memory_space<vmem>>, vector<16xf32>,
      tpu.vector_store %arg12[%parallel_loop3A_268], %broadcast_in_dim3A_22 {strides = array<i32>} : memref<10240xf32, #tpu.memory_space<vmem>>, vector<16xf32>,
      %parallel_loop3A_270 = arith.constant 8 : i32
      %parallel_loop3A_271 = arith.muli %parallel_loop3A_53, %parallel_loop3A_270 : i32
      %parallel_loop3A_272 = arith.constant 6 : i32
      %parallel_loop3A_273 = arith.addi %parallel_loop3A_271, %parallel_loop3A_272 : i32
      %parallel_loop3A_274 = arith.constant 16 : i32
      %parallel_loop3A_275 = arith.muli %parallel_loop3A_273, %parallel_loop3A_274 : i32
      %parallel_loop3A_276 = arith.index_cast %parallel_loop3A_275 : i32 to index
      %parallel_loop3A_277 = tpu.vector_load %arg13[%parallel_loop3A_276] {strides = array<i32>} : memref<10240xf32, #tpu.memory_space<vmem>>, vector<16xf32>,
      tpu.vector_store %arg13[%parallel_loop3A_276], %broadcast_in_dim3A_22 {strides = array<i32>} : memref<10240xf32, #tpu.memory_space<vmem>>, vector<16xf32>,
      %parallel_loop3A_278 = arith.constant 8 : i32
      %parallel_loop3A_279 = arith.muli %parallel_loop3A_53, %parallel_loop3A_278 : i32
      %parallel_loop3A_280 = arith.constant 7 : i32
      %parallel_loop3A_281 = arith.addi %parallel_loop3A_279, %parallel_loop3A_280 : i32
      %parallel_loop3A_282 = arith.constant 16 : i32
      %parallel_loop3A_283 = arith.muli %parallel_loop3A_281, %parallel_loop3A_282 : i32
      %parallel_loop3A_284 = arith.index_cast %parallel_loop3A_283 : i32 to index
      %parallel_loop3A_285 = tpu.vector_load %arg10[%parallel_loop3A_284] {strides = array<i32>} : memref<10240xf32, #tpu.memory_space<vmem>>, vector<16xf32>,
      tpu.vector_store %arg10[%parallel_loop3A_284], %broadcast_in_dim3A_22 {strides = array<i32>} : memref<10240xf32, #tpu.memory_space<vmem>>, vector<16xf32>,
      %parallel_loop3A_286 = arith.constant 8 : i32
      %parallel_loop3A_287 = arith.muli %parallel_loop3A_53, %parallel_loop3A_286 : i32
      %parallel_loop3A_288 = arith.constant 7 : i32
      %parallel_loop3A_289 = arith.addi %parallel_loop3A_287, %parallel_loop3A_288 : i32
      %parallel_loop3A_290 = arith.constant 16 : i32
      %parallel_loop3A_291 = arith.muli %parallel_loop3A_289, %parallel_loop3A_290 : i32
      %parallel_loop3A_292 = arith.index_cast %parallel_loop3A_291 : i32 to index
      %parallel_loop3A_293 = tpu.vector_load %arg11[%parallel_loop3A_292] {strides = array<i32>} : memref<10240xf32, #tpu.memory_space<vmem>>, vector<16xf32>,
      tpu.vector_store %arg11[%parallel_loop3A_292], %broadcast_in_dim3A_22 {strides = array<i32>} : memref<10240xf32, #tpu.memory_space<vmem>>, vector<16xf32>,
      %parallel_loop3A_294 = arith.constant 8 : i32
      %parallel_loop3A_295 = arith.muli %parallel_loop3A_53, %parallel_loop3A_294 : i32
      %parallel_loop3A_296 = arith.constant 7 : i32
      %parallel_loop3A_297 = arith.addi %parallel_loop3A_295, %parallel_loop3A_296 : i32
      %parallel_loop3A_298 = arith.constant 16 : i32
      %parallel_loop3A_299 = arith.muli %parallel_loop3A_297, %parallel_loop3A_298 : i32
      %parallel_loop3A_300 = arith.index_cast %parallel_loop3A_299 : i32 to index
      %parallel_loop3A_301 = tpu.vector_load %arg12[%parallel_loop3A_300] {strides = array<i32>} : memref<10240xf32, #tpu.memory_space<vmem>>, vector<16xf32>,
      tpu.vector_store %arg12[%parallel_loop3A_300], %broadcast_in_dim3A_22 {strides = array<i32>} : memref<10240xf32, #tpu.memory_space<vmem>>, vector<16xf32>,
      %parallel_loop3A_302 = arith.constant 8 : i32
      %parallel_loop3A_303 = arith.muli %parallel_loop3A_53, %parallel_loop3A_302 : i32
      %parallel_loop3A_304 = arith.constant 7 : i32
      %parallel_loop3A_305 = arith.addi %parallel_loop3A_303, %parallel_loop3A_304 : i32
      %parallel_loop3A_306 = arith.constant 16 : i32
      %parallel_loop3A_307 = arith.muli %parallel_loop3A_305, %parallel_loop3A_306 : i32
      %parallel_loop3A_308 = arith.index_cast %parallel_loop3A_307 : i32 to index
      %parallel_loop3A_309 = tpu.vector_load %arg13[%parallel_loop3A_308] {strides = array<i32>} : memref<10240xf32, #tpu.memory_space<vmem>>, vector<16xf32>,
      tpu.vector_store %arg13[%parallel_loop3A_308], %broadcast_in_dim3A_22 {strides = array<i32>} : memref<10240xf32, #tpu.memory_space<vmem>>, vector<16xf32>,
    } {sc.loop_unroll_factor = 1 : i64, sc.parallel_access}
    %dma_wait3A = arith.constant 0 : i32
    %dma_wait3A_25 = arith.constant 0 : i32
    %dma_wait3A_26 = tpu.memref_slice %arg2[%dma_wait3A, %dma_wait3A_25] : memref<2x10240xf32, #tpu.memory_space<hbm>> -> memref<1x10240xf32, #tpu.memory_space<hbm>>
    %dma_wait3A_27 = tpu.memref_squeeze %dma_wait3A_26 : memref<1x10240xf32, #tpu.memory_space<hbm>> -> memref<10240xf32, #tpu.memory_space<hbm>>
    %dma_wait3A_28 = arith.constant 0 : i32
    %dma_wait3A_29 = tpu.memref_slice %arg2[%dma_wait3A, %dma_wait3A_28] : memref<2x10240xf32, #tpu.memory_space<hbm>> -> memref<1x10240xf32, #tpu.memory_space<hbm>>
    %dma_wait3A_30 = tpu.memref_squeeze %dma_wait3A_29 : memref<1x10240xf32, #tpu.memory_space<hbm>> -> memref<10240xf32, #tpu.memory_space<hbm>>
    tpu.wait_dma2 semaphore(%arg14 : memref<!tpu.dma_semaphore, #tpu.memory_space<semaphore_mem>>) src(%dma_wait3A_30 : memref<10240xf32, #tpu.memory_space<hbm>>) dst(%arg6 : memref<10240xf32, #tpu.memory_space<vmem>>)
    %dma_wait3A_31 = arith.constant 1 : i32
    %dma_wait3A_32 = arith.constant 0 : i32
    %dma_wait3A_33 = tpu.memref_slice %arg2[%dma_wait3A_31, %dma_wait3A_32] : memref<2x10240xf32, #tpu.memory_space<hbm>> -> memref<1x10240xf32, #tpu.memory_space<hbm>>
    %dma_wait3A_34 = tpu.memref_squeeze %dma_wait3A_33 : memref<1x10240xf32, #tpu.memory_space<hbm>> -> memref<10240xf32, #tpu.memory_space<hbm>>
    %dma_wait3A_35 = arith.constant 0 : i32
    %dma_wait3A_36 = tpu.memref_slice %arg2[%dma_wait3A_31, %dma_wait3A_35] : memref<2x10240xf32, #tpu.memory_space<hbm>> -> memref<1x10240xf32, #tpu.memory_space<hbm>>
    %dma_wait3A_37 = tpu.memref_squeeze %dma_wait3A_36 : memref<1x10240xf32, #tpu.memory_space<hbm>> -> memref<10240xf32, #tpu.memory_space<hbm>>
    tpu.wait_dma2 semaphore(%arg14 : memref<!tpu.dma_semaphore, #tpu.memory_space<semaphore_mem>>) src(%dma_wait3A_37 : memref<10240xf32, #tpu.memory_space<hbm>>) dst(%arg7 : memref<10240xf32, #tpu.memory_space<vmem>>)
    %dma_wait3A_38 = tpu.memref_slice %arg3[%mul3A_15] : memref<320000xi32, #tpu.memory_space<hbm>> -> memref<10000xi32, #tpu.memory_space<hbm>>
    %dma_wait3A_39 = tpu.memref_slice %arg3[%mul3A_15] : memref<320000xi32, #tpu.memory_space<hbm>> -> memref<10000xi32, #tpu.memory_space<hbm>>
    tpu.wait_dma2 semaphore(%arg14 : memref<!tpu.dma_semaphore, #tpu.memory_space<semaphore_mem>>) src(%dma_wait3A_39 : memref<10000xi32, #tpu.memory_space<hbm>>) dst(%arg8 : memref<10000xi32, #tpu.memory_space<vmem>>)
    %dma_wait3A_40 = tpu.memref_slice %arg4[%mul3A_19] : memref<320000xi32, #tpu.memory_space<hbm>> -> memref<10000xi32, #tpu.memory_space<hbm>>
    %dma_wait3A_41 = tpu.memref_slice %arg4[%mul3A_19] : memref<320000xi32, #tpu.memory_space<hbm>> -> memref<10000xi32, #tpu.memory_space<hbm>>
    tpu.wait_dma2 semaphore(%arg14 : memref<!tpu.dma_semaphore, #tpu.memory_space<semaphore_mem>>) src(%dma_wait3A_41 : memref<10000xi32, #tpu.memory_space<hbm>>) dst(%arg9 : memref<10000xi32, #tpu.memory_space<vmem>>)
    %parallel_loop3A_42 = arith.constant 0 : i32
    %parallel_loop3A_43 = arith.constant 312 : i32
    %parallel_loop3A_44 = arith.constant 1 : i32
    scf.for %parallel_loop3A_53 = %parallel_loop3A_42 to %parallel_loop3A_43 step %parallel_loop3A_44  : i32 {
      %parallel_loop3A_54 = arith.constant 2 : i32
      %parallel_loop3A_55 = arith.muli %parallel_loop3A_53, %parallel_loop3A_54 : i32
      %parallel_loop3A_56 = arith.constant 0 : i32
      %parallel_loop3A_57 = arith.addi %parallel_loop3A_55, %parallel_loop3A_56 : i32
      %parallel_loop3A_58 = arith.constant 16 : i32
      %parallel_loop3A_59 = arith.muli %parallel_loop3A_57, %parallel_loop3A_58 : i32
      %parallel_loop3A_60 = arith.index_cast %parallel_loop3A_59 : i32 to index
      %parallel_loop3A_61 = tpu.vector_load %arg8[%parallel_loop3A_60] {strides = array<i32>} : memref<10000xi32, #tpu.memory_space<vmem>>, vector<16xi32>,
      %parallel_loop3A_62 = arith.constant 2 : i32
      %parallel_loop3A_63 = arith.muli %parallel_loop3A_53, %parallel_loop3A_62 : i32
      %parallel_loop3A_64 = arith.constant 0 : i32
      %parallel_loop3A_65 = arith.addi %parallel_loop3A_63, %parallel_loop3A_64 : i32
      %parallel_loop3A_66 = arith.constant 16 : i32
      %parallel_loop3A_67 = arith.muli %parallel_loop3A_65, %parallel_loop3A_66 : i32
      %parallel_loop3A_68 = arith.index_cast %parallel_loop3A_67 : i32 to index
      %parallel_loop3A_69 = tpu.vector_load %arg9[%parallel_loop3A_68] {strides = array<i32>} : memref<10000xi32, #tpu.memory_space<vmem>>, vector<16xi32>,
      %parallel_loop3A_70 = tpu.vector_load_idx %arg6[%parallel_loop3A_61] : memref<10240xf32, #tpu.memory_space<vmem>>[vector<16xi32>], vector<16xf32>,
      tpu.vector_store_idx %arg10[%parallel_loop3A_69], %parallel_loop3A_70 {add = true} : memref<10240xf32, #tpu.memory_space<vmem>>[vector<16xi32>], vector<16xf32>,
      %parallel_loop3A_71 = tpu.vector_load_idx %arg7[%parallel_loop3A_61] : memref<10240xf32, #tpu.memory_space<vmem>>[vector<16xi32>], vector<16xf32>,
      tpu.vector_store_idx %arg11[%parallel_loop3A_69], %parallel_loop3A_71 {add = true} : memref<10240xf32, #tpu.memory_space<vmem>>[vector<16xi32>], vector<16xf32>,
      %parallel_loop3A_72 = arith.constant 2 : i32
      %parallel_loop3A_73 = arith.muli %parallel_loop3A_53, %parallel_loop3A_72 : i32
      %parallel_loop3A_74 = arith.constant 1 : i32
      %parallel_loop3A_75 = arith.addi %parallel_loop3A_73, %parallel_loop3A_74 : i32
      %parallel_loop3A_76 = arith.constant 16 : i32
      %parallel_loop3A_77 = arith.muli %parallel_loop3A_75, %parallel_loop3A_76 : i32
      %parallel_loop3A_78 = arith.index_cast %parallel_loop3A_77 : i32 to index
      %parallel_loop3A_79 = tpu.vector_load %arg8[%parallel_loop3A_78] {strides = array<i32>} : memref<10000xi32, #tpu.memory_space<vmem>>, vector<16xi32>,
      %parallel_loop3A_80 = arith.constant 2 : i32
      %parallel_loop3A_81 = arith.muli %parallel_loop3A_53, %parallel_loop3A_80 : i32
      %parallel_loop3A_82 = arith.constant 1 : i32
      %parallel_loop3A_83 = arith.addi %parallel_loop3A_81, %parallel_loop3A_82 : i32
      %parallel_loop3A_84 = arith.constant 16 : i32
      %parallel_loop3A_85 = arith.muli %parallel_loop3A_83, %parallel_loop3A_84 : i32
      %parallel_loop3A_86 = arith.index_cast %parallel_loop3A_85 : i32 to index
      %parallel_loop3A_87 = tpu.vector_load %arg9[%parallel_loop3A_86] {strides = array<i32>} : memref<10000xi32, #tpu.memory_space<vmem>>, vector<16xi32>,
      %parallel_loop3A_88 = tpu.vector_load_idx %arg6[%parallel_loop3A_79] : memref<10240xf32, #tpu.memory_space<vmem>>[vector<16xi32>], vector<16xf32>,
      tpu.vector_store_idx %arg12[%parallel_loop3A_87], %parallel_loop3A_88 {add = true} : memref<10240xf32, #tpu.memory_space<vmem>>[vector<16xi32>], vector<16xf32>,
      %parallel_loop3A_89 = tpu.vector_load_idx %arg7[%parallel_loop3A_79] : memref<10240xf32, #tpu.memory_space<vmem>>[vector<16xi32>], vector<16xf32>,
      tpu.vector_store_idx %arg13[%parallel_loop3A_87], %parallel_loop3A_89 {add = true} : memref<10240xf32, #tpu.memory_space<vmem>>[vector<16xi32>], vector<16xf32>,
    } {sc.loop_unroll_factor = 1 : i64, sc.parallel_access}
    %get3A = arith.constant 9984 : index
    %get3A_45 = tpu.vector_load %arg8[%get3A] {strides = array<i32>} : memref<10000xi32, #tpu.memory_space<vmem>>, vector<16xi32>,
    %get3A_46 = arith.constant 9984 : index
    %get3A_47 = tpu.vector_load %arg9[%get3A_46] {strides = array<i32>} : memref<10000xi32, #tpu.memory_space<vmem>>, vector<16xi32>,
    %gather3A = tpu.vector_load_idx %arg6[%get3A_45] : memref<10240xf32, #tpu.memory_space<vmem>>[vector<16xi32>], vector<16xf32>,
    tpu.vector_store_idx %arg10[%get3A_47], %gather3A {add = true} : memref<10240xf32, #tpu.memory_space<vmem>>[vector<16xi32>], vector<16xf32>,
    %gather3A_48 = tpu.vector_load_idx %arg7[%get3A_45] : memref<10240xf32, #tpu.memory_space<vmem>>[vector<16xi32>], vector<16xf32>,
    tpu.vector_store_idx %arg11[%get3A_47], %gather3A_48 {add = true} : memref<10240xf32, #tpu.memory_space<vmem>>[vector<16xi32>], vector<16xf32>,
    %parallel_loop3A_49 = arith.constant 0 : i32
    %parallel_loop3A_50 = arith.constant 160 : i32
    %parallel_loop3A_51 = arith.constant 1 : i32
    scf.for %parallel_loop3A_53 = %parallel_loop3A_49 to %parallel_loop3A_50 step %parallel_loop3A_51  : i32 {
      %parallel_loop3A_54 = arith.constant 4 : i32
      %parallel_loop3A_55 = arith.muli %parallel_loop3A_53, %parallel_loop3A_54 : i32
      %parallel_loop3A_56 = arith.constant 0 : i32
      %parallel_loop3A_57 = arith.addi %parallel_loop3A_55, %parallel_loop3A_56 : i32
      %parallel_loop3A_58 = arith.constant 16 : i32
      %parallel_loop3A_59 = arith.muli %parallel_loop3A_57, %parallel_loop3A_58 : i32
      %parallel_loop3A_60 = arith.index_cast %parallel_loop3A_59 : i32 to index
      %parallel_loop3A_61 = tpu.vector_load %arg10[%parallel_loop3A_60] {strides = array<i32>} : memref<10240xf32, #tpu.memory_space<vmem>>, vector<16xf32>,
      %parallel_loop3A_62 = arith.index_cast %parallel_loop3A_59 : i32 to index
      %parallel_loop3A_63 = tpu.vector_load %arg12[%parallel_loop3A_62] {strides = array<i32>} : memref<10240xf32, #tpu.memory_space<vmem>>, vector<16xf32>,
      %parallel_loop3A_64 = arith.addf %parallel_loop3A_61, %parallel_loop3A_63 : vector<16xf32>
      %parallel_loop3A_65 = arith.index_cast %parallel_loop3A_59 : i32 to index
      %parallel_loop3A_66 = tpu.vector_load %arg10[%parallel_loop3A_65] {strides = array<i32>} : memref<10240xf32, #tpu.memory_space<vmem>>, vector<16xf32>,
      tpu.vector_store %arg10[%parallel_loop3A_65], %parallel_loop3A_64 {strides = array<i32>} : memref<10240xf32, #tpu.memory_space<vmem>>, vector<16xf32>,
      %parallel_loop3A_67 = arith.index_cast %parallel_loop3A_59 : i32 to index
      %parallel_loop3A_68 = tpu.vector_load %arg11[%parallel_loop3A_67] {strides = array<i32>} : memref<10240xf32, #tpu.memory_space<vmem>>, vector<16xf32>,
      %parallel_loop3A_69 = arith.index_cast %parallel_loop3A_59 : i32 to index
      %parallel_loop3A_70 = tpu.vector_load %arg13[%parallel_loop3A_69] {strides = array<i32>} : memref<10240xf32, #tpu.memory_space<vmem>>, vector<16xf32>,
      %parallel_loop3A_71 = arith.addf %parallel_loop3A_68, %parallel_loop3A_70 : vector<16xf32>
      %parallel_loop3A_72 = arith.index_cast %parallel_loop3A_59 : i32 to index
      %parallel_loop3A_73 = tpu.vector_load %arg11[%parallel_loop3A_72] {strides = array<i32>} : memref<10240xf32, #tpu.memory_space<vmem>>, vector<16xf32>,
      tpu.vector_store %arg11[%parallel_loop3A_72], %parallel_loop3A_71 {strides = array<i32>} : memref<10240xf32, #tpu.memory_space<vmem>>, vector<16xf32>,
      %parallel_loop3A_74 = arith.constant 4 : i32
      %parallel_loop3A_75 = arith.muli %parallel_loop3A_53, %parallel_loop3A_74 : i32
      %parallel_loop3A_76 = arith.constant 1 : i32
      %parallel_loop3A_77 = arith.addi %parallel_loop3A_75, %parallel_loop3A_76 : i32
      %parallel_loop3A_78 = arith.constant 16 : i32
      %parallel_loop3A_79 = arith.muli %parallel_loop3A_77, %parallel_loop3A_78 : i32
      %parallel_loop3A_80 = arith.index_cast %parallel_loop3A_79 : i32 to index
      %parallel_loop3A_81 = tpu.vector_load %arg10[%parallel_loop3A_80] {strides = array<i32>} : memref<10240xf32, #tpu.memory_space<vmem>>, vector<16xf32>,
      %parallel_loop3A_82 = arith.index_cast %parallel_loop3A_79 : i32 to index
      %parallel_loop3A_83 = tpu.vector_load %arg12[%parallel_loop3A_82] {strides = array<i32>} : memref<10240xf32, #tpu.memory_space<vmem>>, vector<16xf32>,
      %parallel_loop3A_84 = arith.addf %parallel_loop3A_81, %parallel_loop3A_83 : vector<16xf32>
      %parallel_loop3A_85 = arith.index_cast %parallel_loop3A_79 : i32 to index
      %parallel_loop3A_86 = tpu.vector_load %arg10[%parallel_loop3A_85] {strides = array<i32>} : memref<10240xf32, #tpu.memory_space<vmem>>, vector<16xf32>,
      tpu.vector_store %arg10[%parallel_loop3A_85], %parallel_loop3A_84 {strides = array<i32>} : memref<10240xf32, #tpu.memory_space<vmem>>, vector<16xf32>,
      %parallel_loop3A_87 = arith.index_cast %parallel_loop3A_79 : i32 to index
      %parallel_loop3A_88 = tpu.vector_load %arg11[%parallel_loop3A_87] {strides = array<i32>} : memref<10240xf32, #tpu.memory_space<vmem>>, vector<16xf32>,
      %parallel_loop3A_89 = arith.index_cast %parallel_loop3A_79 : i32 to index
      %parallel_loop3A_90 = tpu.vector_load %arg13[%parallel_loop3A_89] {strides = array<i32>} : memref<10240xf32, #tpu.memory_space<vmem>>, vector<16xf32>,
      %parallel_loop3A_91 = arith.addf %parallel_loop3A_88, %parallel_loop3A_90 : vector<16xf32>
      %parallel_loop3A_92 = arith.index_cast %parallel_loop3A_79 : i32 to index
      %parallel_loop3A_93 = tpu.vector_load %arg11[%parallel_loop3A_92] {strides = array<i32>} : memref<10240xf32, #tpu.memory_space<vmem>>, vector<16xf32>,
      tpu.vector_store %arg11[%parallel_loop3A_92], %parallel_loop3A_91 {strides = array<i32>} : memref<10240xf32, #tpu.memory_space<vmem>>, vector<16xf32>,
      %parallel_loop3A_94 = arith.constant 4 : i32
      %parallel_loop3A_95 = arith.muli %parallel_loop3A_53, %parallel_loop3A_94 : i32
      %parallel_loop3A_96 = arith.constant 2 : i32
      %parallel_loop3A_97 = arith.addi %parallel_loop3A_95, %parallel_loop3A_96 : i32
      %parallel_loop3A_98 = arith.constant 16 : i32
      %parallel_loop3A_99 = arith.muli %parallel_loop3A_97, %parallel_loop3A_98 : i32
      %parallel_loop3A_100 = arith.index_cast %parallel_loop3A_99 : i32 to index
      %parallel_loop3A_101 = tpu.vector_load %arg10[%parallel_loop3A_100] {strides = array<i32>} : memref<10240xf32, #tpu.memory_space<vmem>>, vector<16xf32>,
      %parallel_loop3A_102 = arith.index_cast %parallel_loop3A_99 : i32 to index
      %parallel_loop3A_103 = tpu.vector_load %arg12[%parallel_loop3A_102] {strides = array<i32>} : memref<10240xf32, #tpu.memory_space<vmem>>, vector<16xf32>,
      %parallel_loop3A_104 = arith.addf %parallel_loop3A_101, %parallel_loop3A_103 : vector<16xf32>
      %parallel_loop3A_105 = arith.index_cast %parallel_loop3A_99 : i32 to index
      %parallel_loop3A_106 = tpu.vector_load %arg10[%parallel_loop3A_105] {strides = array<i32>} : memref<10240xf32, #tpu.memory_space<vmem>>, vector<16xf32>,
      tpu.vector_store %arg10[%parallel_loop3A_105], %parallel_loop3A_104 {strides = array<i32>} : memref<10240xf32, #tpu.memory_space<vmem>>, vector<16xf32>,
      %parallel_loop3A_107 = arith.index_cast %parallel_loop3A_99 : i32 to index
      %parallel_loop3A_108 = tpu.vector_load %arg11[%parallel_loop3A_107] {strides = array<i32>} : memref<10240xf32, #tpu.memory_space<vmem>>, vector<16xf32>,
      %parallel_loop3A_109 = arith.index_cast %parallel_loop3A_99 : i32 to index
      %parallel_loop3A_110 = tpu.vector_load %arg13[%parallel_loop3A_109] {strides = array<i32>} : memref<10240xf32, #tpu.memory_space<vmem>>, vector<16xf32>,
      %parallel_loop3A_111 = arith.addf %parallel_loop3A_108, %parallel_loop3A_110 : vector<16xf32>
      %parallel_loop3A_112 = arith.index_cast %parallel_loop3A_99 : i32 to index
      %parallel_loop3A_113 = tpu.vector_load %arg11[%parallel_loop3A_112] {strides = array<i32>} : memref<10240xf32, #tpu.memory_space<vmem>>, vector<16xf32>,
      tpu.vector_store %arg11[%parallel_loop3A_112], %parallel_loop3A_111 {strides = array<i32>} : memref<10240xf32, #tpu.memory_space<vmem>>, vector<16xf32>,
      %parallel_loop3A_114 = arith.constant 4 : i32
      %parallel_loop3A_115 = arith.muli %parallel_loop3A_53, %parallel_loop3A_114 : i32
      %parallel_loop3A_116 = arith.constant 3 : i32
      %parallel_loop3A_117 = arith.addi %parallel_loop3A_115, %parallel_loop3A_116 : i32
      %parallel_loop3A_118 = arith.constant 16 : i32
      %parallel_loop3A_119 = arith.muli %parallel_loop3A_117, %parallel_loop3A_118 : i32
      %parallel_loop3A_120 = arith.index_cast %parallel_loop3A_119 : i32 to index
      %parallel_loop3A_121 = tpu.vector_load %arg10[%parallel_loop3A_120] {strides = array<i32>} : memref<10240xf32, #tpu.memory_space<vmem>>, vector<16xf32>,
      %parallel_loop3A_122 = arith.index_cast %parallel_loop3A_119 : i32 to index
      %parallel_loop3A_123 = tpu.vector_load %arg12[%parallel_loop3A_122] {strides = array<i32>} : memref<10240xf32, #tpu.memory_space<vmem>>, vector<16xf32>,
      %parallel_loop3A_124 = arith.addf %parallel_loop3A_121, %parallel_loop3A_123 : vector<16xf32>
      %parallel_loop3A_125 = arith.index_cast %parallel_loop3A_119 : i32 to index
      %parallel_loop3A_126 = tpu.vector_load %arg10[%parallel_loop3A_125] {strides = array<i32>} : memref<10240xf32, #tpu.memory_space<vmem>>, vector<16xf32>,
      tpu.vector_store %arg10[%parallel_loop3A_125], %parallel_loop3A_124 {strides = array<i32>} : memref<10240xf32, #tpu.memory_space<vmem>>, vector<16xf32>,
      %parallel_loop3A_127 = arith.index_cast %parallel_loop3A_119 : i32 to index
      %parallel_loop3A_128 = tpu.vector_load %arg11[%parallel_loop3A_127] {strides = array<i32>} : memref<10240xf32, #tpu.memory_space<vmem>>, vector<16xf32>,
      %parallel_loop3A_129 = arith.index_cast %parallel_loop3A_119 : i32 to index
      %parallel_loop3A_130 = tpu.vector_load %arg13[%parallel_loop3A_129] {strides = array<i32>} : memref<10240xf32, #tpu.memory_space<vmem>>, vector<16xf32>,
      %parallel_loop3A_131 = arith.addf %parallel_loop3A_128, %parallel_loop3A_130 : vector<16xf32>
      %parallel_loop3A_132 = arith.index_cast %parallel_loop3A_119 : i32 to index
      %parallel_loop3A_133 = tpu.vector_load %arg11[%parallel_loop3A_132] {strides = array<i32>} : memref<10240xf32, #tpu.memory_space<vmem>>, vector<16xf32>,
      tpu.vector_store %arg11[%parallel_loop3A_132], %parallel_loop3A_131 {strides = array<i32>} : memref<10240xf32, #tpu.memory_space<vmem>>, vector<16xf32>,
    } {sc.loop_unroll_factor = 1 : i64, sc.parallel_access}
    %run_scoped3A = arith.constant 0 : i32
    "tpu.region"() ({
      %run_scoped3A_53 = tpu.sem_alloc : memref<!tpu.dma_semaphore, #tpu.memory_space<semaphore_mem>>
      %dma_start3A_54 = arith.constant 0 : i32
      %dma_start3A_55 = tpu.memref_slice %arg5[%add3A, %run_scoped3A, %dma_start3A_54] : memref<32x2x10240xf32, #tpu.memory_space<hbm>> -> memref<1x1x10240xf32, #tpu.memory_space<hbm>>
      %dma_start3A_56 = tpu.memref_squeeze %dma_start3A_55 : memref<1x1x10240xf32, #tpu.memory_space<hbm>> -> memref<10240xf32, #tpu.memory_space<hbm>>
      %dma_start3A_57 = arith.constant 0 : i32
      %dma_start3A_58 = tpu.memref_slice %arg5[%add3A, %run_scoped3A, %dma_start3A_57] : memref<32x2x10240xf32, #tpu.memory_space<hbm>> -> memref<1x1x10240xf32, #tpu.memory_space<hbm>>
      %dma_start3A_59 = tpu.memref_squeeze %dma_start3A_58 : memref<1x1x10240xf32, #tpu.memory_space<hbm>> -> memref<10240xf32, #tpu.memory_space<hbm>>
      tpu.enqueue_dma source(%arg10 : memref<10240xf32, #tpu.memory_space<vmem>>) target(%dma_start3A_59 : memref<10240xf32, #tpu.memory_space<hbm>>) target_semaphore(%run_scoped3A_53 : memref<!tpu.dma_semaphore, #tpu.memory_space<semaphore_mem>>)
      %dma_wait3A_60 = arith.constant 0 : i32
      %dma_wait3A_61 = tpu.memref_slice %arg5[%add3A, %run_scoped3A, %dma_wait3A_60] : memref<32x2x10240xf32, #tpu.memory_space<hbm>> -> memref<1x1x10240xf32, #tpu.memory_space<hbm>>
      %dma_wait3A_62 = tpu.memref_squeeze %dma_wait3A_61 : memref<1x1x10240xf32, #tpu.memory_space<hbm>> -> memref<10240xf32, #tpu.memory_space<hbm>>
      %dma_wait3A_63 = arith.constant 0 : i32
      %dma_wait3A_64 = tpu.memref_slice %arg5[%add3A, %run_scoped3A, %dma_wait3A_63] : memref<32x2x10240xf32, #tpu.memory_space<hbm>> -> memref<1x1x10240xf32, #tpu.memory_space<hbm>>
      %dma_wait3A_65 = tpu.memref_squeeze %dma_wait3A_64 : memref<1x1x10240xf32, #tpu.memory_space<hbm>> -> memref<10240xf32, #tpu.memory_space<hbm>>
      tpu.wait_dma2 semaphore(%run_scoped3A_53 : memref<!tpu.dma_semaphore, #tpu.memory_space<semaphore_mem>>) src(%arg10 : memref<10240xf32, #tpu.memory_space<vmem>>) dst(%dma_wait3A_65 : memref<10240xf32, #tpu.memory_space<hbm>>)
      tpu.yield
    }) : () -> ()
    %run_scoped3A_52 = arith.constant 1 : i32
    "tpu.region"() ({
      %run_scoped3A_53 = tpu.sem_alloc : memref<!tpu.dma_semaphore, #tpu.memory_space<semaphore_mem>>
      %dma_start3A_54 = arith.constant 0 : i32
      %dma_start3A_55 = tpu.memref_slice %arg5[%add3A, %run_scoped3A_52, %dma_start3A_54] : memref<32x2x10240xf32, #tpu.memory_space<hbm>> -> memref<1x1x10240xf32, #tpu.memory_space<hbm>>
      %dma_start3A_56 = tpu.memref_squeeze %dma_start3A_55 : memref<1x1x10240xf32, #tpu.memory_space<hbm>> -> memref<10240xf32, #tpu.memory_space<hbm>>
      %dma_start3A_57 = arith.constant 0 : i32
      %dma_start3A_58 = tpu.memref_slice %arg5[%add3A, %run_scoped3A_52, %dma_start3A_57] : memref<32x2x10240xf32, #tpu.memory_space<hbm>> -> memref<1x1x10240xf32, #tpu.memory_space<hbm>>
      %dma_start3A_59 = tpu.memref_squeeze %dma_start3A_58 : memref<1x1x10240xf32, #tpu.memory_space<hbm>> -> memref<10240xf32, #tpu.memory_space<hbm>>
      tpu.enqueue_dma source(%arg11 : memref<10240xf32, #tpu.memory_space<vmem>>) target(%dma_start3A_59 : memref<10240xf32, #tpu.memory_space<hbm>>) target_semaphore(%run_scoped3A_53 : memref<!tpu.dma_semaphore, #tpu.memory_space<semaphore_mem>>)
      %dma_wait3A_60 = arith.constant 0 : i32
      %dma_wait3A_61 = tpu.memref_slice %arg5[%add3A, %run_scoped3A_52, %dma_wait3A_60] : memref<32x2x10240xf32, #tpu.memory_space<hbm>> -> memref<1x1x10240xf32, #tpu.memory_space<hbm>>
      %dma_wait3A_62 = tpu.memref_squeeze %dma_wait3A_61 : memref<1x1x10240xf32, #tpu.memory_space<hbm>> -> memref<10240xf32, #tpu.memory_space<hbm>>
      %dma_wait3A_63 = arith.constant 0 : i32
      %dma_wait3A_64 = tpu.memref_slice %arg5[%add3A, %run_scoped3A_52, %dma_wait3A_63] : memref<32x2x10240xf32, #tpu.memory_space<hbm>> -> memref<1x1x10240xf32, #tpu.memory_space<hbm>>
      %dma_wait3A_65 = tpu.memref_squeeze %dma_wait3A_64 : memref<1x1x10240xf32, #tpu.memory_space<hbm>> -> memref<10240xf32, #tpu.memory_space<hbm>>
      tpu.wait_dma2 semaphore(%run_scoped3A_53 : memref<!tpu.dma_semaphore, #tpu.memory_space<semaphore_mem>>) src(%arg11 : memref<10240xf32, #tpu.memory_space<vmem>>) dst(%dma_wait3A_65 : memref<10240xf32, #tpu.memory_space<hbm>>)
      tpu.yield
    }) : () -> ()
    return
  }
}

#map = affine_map<(d0, d1) -> (0, 0)>
#map1 = affine_map<(d0, d1) -> (0)>
module attributes {stable_mosaic.version = 14 : i64} {
  func.func @k(%arg0: i32, %arg1: i32, %arg2: memref<2x320000xi32, #tpu.memory_space<hbm>>, %arg3: memref<320000xi32, #tpu.memory_space<hbm>>, %arg4: memref<320000xi32, #tpu.memory_space<hbm>>, %arg5: memref<32x10240xf32, #tpu.memory_space<hbm>>, %arg6: memref<2x10112xi32, #tpu.memory_space<vmem>>, %arg7: memref<10240xf32, #tpu.memory_space<vmem>>, %arg8: memref<10240xf32, #tpu.memory_space<vmem>>, %arg9: memref<10240xf32, #tpu.memory_space<vmem>>, %arg10: memref<10240xf32, #tpu.memory_space<vmem>>, %arg11: memref<!tpu.dma_semaphore, #tpu.memory_space<semaphore_mem>>) attributes {dimension_semantics = [#tpu.dimension_semantics<core_parallel>, #tpu.dimension_semantics<subcore_parallel>], iteration_bounds = array<i64: 2, 16>, scalar_prefetch = 0 : i64, scratch_operands = 6 : i64, tpu.core_type = #tpu.core_type<sc_vector_subcore>, window_params = [{transform_indices = #map}, {transform_indices = #map1}, {transform_indices = #map1}, {transform_indices = #map}]} {
    %mul3A = arith.constant 16 : i32
    %mul3A_0 = arith.muli %arg0, %mul3A : i32
    %add3A = arith.addi %mul3A_0, %arg1 : i32
    %lt3A = arith.constant 4 : i32
    %lt3A_1 = arith.cmpi slt, %add3A, %lt3A : i32
    %mul3A_2 = arith.constant 10112 : i32
    %mul3A_3 = arith.muli %add3A, %mul3A_2 : i32
    %sub3A = arith.constant 4 : i32
    %sub3A_4 = arith.subi %add3A, %sub3A : i32
    %mul3A_5 = arith.constant 9984 : i32
    %mul3A_6 = arith.muli %sub3A_4, %mul3A_5 : i32
    %add3A_7 = arith.constant 40448 : i32
    %add3A_8 = arith.addi %add3A_7, %mul3A_6 : i32
    %select_n3A = arith.select %lt3A_1, %mul3A_3, %add3A_8 : i32
    %multiple_of3A = tpu.assume_multiple %select_n3A, 128 : i32
    %broadcast_in_dim3A = arith.constant 1.000000e+00 : f32
    %broadcast_in_dim3A_9 = vector.broadcast %broadcast_in_dim3A : f32 to vector<16xf32>
    %lt3A_10 = arith.constant 4 : i32
    %lt3A_11 = arith.cmpi slt, %add3A, %lt3A_10 : i32
    %convert_element_type3A = arith.extui %lt3A_11 : i1 to i32
    %cond3A = arith.constant 0 : i32
    %cond3A_12 = arith.cmpi ne, %convert_element_type3A, %cond3A : i32
    scf.if %cond3A_12 {
      %dma_start3A = arith.constant 0 : i32
      %dma_start3A_17 = arith.constant 0 : i32
      %dma_start3A_18 = tpu.memref_slice %arg6[%dma_start3A, %dma_start3A_17] : memref<2x10112xi32, #tpu.memory_space<vmem>> -> memref<2x10112xi32, #tpu.memory_space<vmem>>
      %dma_start3A_19 = arith.constant 0 : i32
      %dma_start3A_20 = tpu.memref_slice %arg2[%dma_start3A_19, %multiple_of3A] : memref<2x320000xi32, #tpu.memory_space<hbm>> -> memref<2x10112xi32, #tpu.memory_space<hbm>>
      %dma_start3A_21 = arith.constant 0 : i32
      %dma_start3A_22 = arith.constant 0 : i32
      %dma_start3A_23 = tpu.memref_slice %arg6[%dma_start3A_21, %dma_start3A_22] : memref<2x10112xi32, #tpu.memory_space<vmem>> -> memref<2x10112xi32, #tpu.memory_space<vmem>>
      %dma_start3A_24 = arith.constant 0 : i32
      %dma_start3A_25 = tpu.memref_slice %arg2[%dma_start3A_24, %multiple_of3A] : memref<2x320000xi32, #tpu.memory_space<hbm>> -> memref<2x10112xi32, #tpu.memory_space<hbm>>
      tpu.enqueue_dma source(%dma_start3A_25 : memref<2x10112xi32, #tpu.memory_space<hbm>>) target(%dma_start3A_23 : memref<2x10112xi32, #tpu.memory_space<vmem>>) target_semaphore(%arg11 : memref<!tpu.dma_semaphore, #tpu.memory_space<semaphore_mem>>)
      %broadcast_in_dim3A_26 = arith.constant 0.000000e+00 : f32
      %broadcast_in_dim3A_27 = vector.broadcast %broadcast_in_dim3A_26 : f32 to vector<16xf32>
      %parallel_loop3A = arith.constant 0 : i32
      %parallel_loop3A_28 = arith.constant 80 : i32
      %parallel_loop3A_29 = arith.constant 1 : i32
      scf.for %parallel_loop3A_81 = %parallel_loop3A to %parallel_loop3A_28 step %parallel_loop3A_29  : i32 {
        %parallel_loop3A_82 = arith.constant 8 : i32
        %parallel_loop3A_83 = arith.muli %parallel_loop3A_81, %parallel_loop3A_82 : i32
        %parallel_loop3A_84 = arith.constant 0 : i32
        %parallel_loop3A_85 = arith.addi %parallel_loop3A_83, %parallel_loop3A_84 : i32
        %parallel_loop3A_86 = arith.constant 16 : i32
        %parallel_loop3A_87 = arith.muli %parallel_loop3A_85, %parallel_loop3A_86 : i32
        %parallel_loop3A_88 = arith.index_cast %parallel_loop3A_87 : i32 to index
        %parallel_loop3A_89 = tpu.vector_load %arg7[%parallel_loop3A_88] {strides = array<i32>} : memref<10240xf32, #tpu.memory_space<vmem>>, vector<16xf32>,
        tpu.vector_store %arg7[%parallel_loop3A_88], %broadcast_in_dim3A_27 {strides = array<i32>} : memref<10240xf32, #tpu.memory_space<vmem>>, vector<16xf32>,
        %parallel_loop3A_90 = arith.constant 8 : i32
        %parallel_loop3A_91 = arith.muli %parallel_loop3A_81, %parallel_loop3A_90 : i32
        %parallel_loop3A_92 = arith.constant 0 : i32
        %parallel_loop3A_93 = arith.addi %parallel_loop3A_91, %parallel_loop3A_92 : i32
        %parallel_loop3A_94 = arith.constant 16 : i32
        %parallel_loop3A_95 = arith.muli %parallel_loop3A_93, %parallel_loop3A_94 : i32
        %parallel_loop3A_96 = arith.index_cast %parallel_loop3A_95 : i32 to index
        %parallel_loop3A_97 = tpu.vector_load %arg8[%parallel_loop3A_96] {strides = array<i32>} : memref<10240xf32, #tpu.memory_space<vmem>>, vector<16xf32>,
        tpu.vector_store %arg8[%parallel_loop3A_96], %broadcast_in_dim3A_27 {strides = array<i32>} : memref<10240xf32, #tpu.memory_space<vmem>>, vector<16xf32>,
        %parallel_loop3A_98 = arith.constant 8 : i32
        %parallel_loop3A_99 = arith.muli %parallel_loop3A_81, %parallel_loop3A_98 : i32
        %parallel_loop3A_100 = arith.constant 0 : i32
        %parallel_loop3A_101 = arith.addi %parallel_loop3A_99, %parallel_loop3A_100 : i32
        %parallel_loop3A_102 = arith.constant 16 : i32
        %parallel_loop3A_103 = arith.muli %parallel_loop3A_101, %parallel_loop3A_102 : i32
        %parallel_loop3A_104 = arith.index_cast %parallel_loop3A_103 : i32 to index
        %parallel_loop3A_105 = tpu.vector_load %arg9[%parallel_loop3A_104] {strides = array<i32>} : memref<10240xf32, #tpu.memory_space<vmem>>, vector<16xf32>,
        tpu.vector_store %arg9[%parallel_loop3A_104], %broadcast_in_dim3A_27 {strides = array<i32>} : memref<10240xf32, #tpu.memory_space<vmem>>, vector<16xf32>,
        %parallel_loop3A_106 = arith.constant 8 : i32
        %parallel_loop3A_107 = arith.muli %parallel_loop3A_81, %parallel_loop3A_106 : i32
        %parallel_loop3A_108 = arith.constant 0 : i32
        %parallel_loop3A_109 = arith.addi %parallel_loop3A_107, %parallel_loop3A_108 : i32
        %parallel_loop3A_110 = arith.constant 16 : i32
        %parallel_loop3A_111 = arith.muli %parallel_loop3A_109, %parallel_loop3A_110 : i32
        %parallel_loop3A_112 = arith.index_cast %parallel_loop3A_111 : i32 to index
        %parallel_loop3A_113 = tpu.vector_load %arg10[%parallel_loop3A_112] {strides = array<i32>} : memref<10240xf32, #tpu.memory_space<vmem>>, vector<16xf32>,
        tpu.vector_store %arg10[%parallel_loop3A_112], %broadcast_in_dim3A_27 {strides = array<i32>} : memref<10240xf32, #tpu.memory_space<vmem>>, vector<16xf32>,
        %parallel_loop3A_114 = arith.constant 8 : i32
        %parallel_loop3A_115 = arith.muli %parallel_loop3A_81, %parallel_loop3A_114 : i32
        %parallel_loop3A_116 = arith.constant 1 : i32
        %parallel_loop3A_117 = arith.addi %parallel_loop3A_115, %parallel_loop3A_116 : i32
        %parallel_loop3A_118 = arith.constant 16 : i32
        %parallel_loop3A_119 = arith.muli %parallel_loop3A_117, %parallel_loop3A_118 : i32
        %parallel_loop3A_120 = arith.index_cast %parallel_loop3A_119 : i32 to index
        %parallel_loop3A_121 = tpu.vector_load %arg7[%parallel_loop3A_120] {strides = array<i32>} : memref<10240xf32, #tpu.memory_space<vmem>>, vector<16xf32>,
        tpu.vector_store %arg7[%parallel_loop3A_120], %broadcast_in_dim3A_27 {strides = array<i32>} : memref<10240xf32, #tpu.memory_space<vmem>>, vector<16xf32>,
        %parallel_loop3A_122 = arith.constant 8 : i32
        %parallel_loop3A_123 = arith.muli %parallel_loop3A_81, %parallel_loop3A_122 : i32
        %parallel_loop3A_124 = arith.constant 1 : i32
        %parallel_loop3A_125 = arith.addi %parallel_loop3A_123, %parallel_loop3A_124 : i32
        %parallel_loop3A_126 = arith.constant 16 : i32
        %parallel_loop3A_127 = arith.muli %parallel_loop3A_125, %parallel_loop3A_126 : i32
        %parallel_loop3A_128 = arith.index_cast %parallel_loop3A_127 : i32 to index
        %parallel_loop3A_129 = tpu.vector_load %arg8[%parallel_loop3A_128] {strides = array<i32>} : memref<10240xf32, #tpu.memory_space<vmem>>, vector<16xf32>,
        tpu.vector_store %arg8[%parallel_loop3A_128], %broadcast_in_dim3A_27 {strides = array<i32>} : memref<10240xf32, #tpu.memory_space<vmem>>, vector<16xf32>,
        %parallel_loop3A_130 = arith.constant 8 : i32
        %parallel_loop3A_131 = arith.muli %parallel_loop3A_81, %parallel_loop3A_130 : i32
        %parallel_loop3A_132 = arith.constant 1 : i32
        %parallel_loop3A_133 = arith.addi %parallel_loop3A_131, %parallel_loop3A_132 : i32
        %parallel_loop3A_134 = arith.constant 16 : i32
        %parallel_loop3A_135 = arith.muli %parallel_loop3A_133, %parallel_loop3A_134 : i32
        %parallel_loop3A_136 = arith.index_cast %parallel_loop3A_135 : i32 to index
        %parallel_loop3A_137 = tpu.vector_load %arg9[%parallel_loop3A_136] {strides = array<i32>} : memref<10240xf32, #tpu.memory_space<vmem>>, vector<16xf32>,
        tpu.vector_store %arg9[%parallel_loop3A_136], %broadcast_in_dim3A_27 {strides = array<i32>} : memref<10240xf32, #tpu.memory_space<vmem>>, vector<16xf32>,
        %parallel_loop3A_138 = arith.constant 8 : i32
        %parallel_loop3A_139 = arith.muli %parallel_loop3A_81, %parallel_loop3A_138 : i32
        %parallel_loop3A_140 = arith.constant 1 : i32
        %parallel_loop3A_141 = arith.addi %parallel_loop3A_139, %parallel_loop3A_140 : i32
        %parallel_loop3A_142 = arith.constant 16 : i32
        %parallel_loop3A_143 = arith.muli %parallel_loop3A_141, %parallel_loop3A_142 : i32
        %parallel_loop3A_144 = arith.index_cast %parallel_loop3A_143 : i32 to index
        %parallel_loop3A_145 = tpu.vector_load %arg10[%parallel_loop3A_144] {strides = array<i32>} : memref<10240xf32, #tpu.memory_space<vmem>>, vector<16xf32>,
        tpu.vector_store %arg10[%parallel_loop3A_144], %broadcast_in_dim3A_27 {strides = array<i32>} : memref<10240xf32, #tpu.memory_space<vmem>>, vector<16xf32>,
        %parallel_loop3A_146 = arith.constant 8 : i32
        %parallel_loop3A_147 = arith.muli %parallel_loop3A_81, %parallel_loop3A_146 : i32
        %parallel_loop3A_148 = arith.constant 2 : i32
        %parallel_loop3A_149 = arith.addi %parallel_loop3A_147, %parallel_loop3A_148 : i32
        %parallel_loop3A_150 = arith.constant 16 : i32
        %parallel_loop3A_151 = arith.muli %parallel_loop3A_149, %parallel_loop3A_150 : i32
        %parallel_loop3A_152 = arith.index_cast %parallel_loop3A_151 : i32 to index
        %parallel_loop3A_153 = tpu.vector_load %arg7[%parallel_loop3A_152] {strides = array<i32>} : memref<10240xf32, #tpu.memory_space<vmem>>, vector<16xf32>,
        tpu.vector_store %arg7[%parallel_loop3A_152], %broadcast_in_dim3A_27 {strides = array<i32>} : memref<10240xf32, #tpu.memory_space<vmem>>, vector<16xf32>,
        %parallel_loop3A_154 = arith.constant 8 : i32
        %parallel_loop3A_155 = arith.muli %parallel_loop3A_81, %parallel_loop3A_154 : i32
        %parallel_loop3A_156 = arith.constant 2 : i32
        %parallel_loop3A_157 = arith.addi %parallel_loop3A_155, %parallel_loop3A_156 : i32
        %parallel_loop3A_158 = arith.constant 16 : i32
        %parallel_loop3A_159 = arith.muli %parallel_loop3A_157, %parallel_loop3A_158 : i32
        %parallel_loop3A_160 = arith.index_cast %parallel_loop3A_159 : i32 to index
        %parallel_loop3A_161 = tpu.vector_load %arg8[%parallel_loop3A_160] {strides = array<i32>} : memref<10240xf32, #tpu.memory_space<vmem>>, vector<16xf32>,
        tpu.vector_store %arg8[%parallel_loop3A_160], %broadcast_in_dim3A_27 {strides = array<i32>} : memref<10240xf32, #tpu.memory_space<vmem>>, vector<16xf32>,
        %parallel_loop3A_162 = arith.constant 8 : i32
        %parallel_loop3A_163 = arith.muli %parallel_loop3A_81, %parallel_loop3A_162 : i32
        %parallel_loop3A_164 = arith.constant 2 : i32
        %parallel_loop3A_165 = arith.addi %parallel_loop3A_163, %parallel_loop3A_164 : i32
        %parallel_loop3A_166 = arith.constant 16 : i32
        %parallel_loop3A_167 = arith.muli %parallel_loop3A_165, %parallel_loop3A_166 : i32
        %parallel_loop3A_168 = arith.index_cast %parallel_loop3A_167 : i32 to index
        %parallel_loop3A_169 = tpu.vector_load %arg9[%parallel_loop3A_168] {strides = array<i32>} : memref<10240xf32, #tpu.memory_space<vmem>>, vector<16xf32>,
        tpu.vector_store %arg9[%parallel_loop3A_168], %broadcast_in_dim3A_27 {strides = array<i32>} : memref<10240xf32, #tpu.memory_space<vmem>>, vector<16xf32>,
        %parallel_loop3A_170 = arith.constant 8 : i32
        %parallel_loop3A_171 = arith.muli %parallel_loop3A_81, %parallel_loop3A_170 : i32
        %parallel_loop3A_172 = arith.constant 2 : i32
        %parallel_loop3A_173 = arith.addi %parallel_loop3A_171, %parallel_loop3A_172 : i32
        %parallel_loop3A_174 = arith.constant 16 : i32
        %parallel_loop3A_175 = arith.muli %parallel_loop3A_173, %parallel_loop3A_174 : i32
        %parallel_loop3A_176 = arith.index_cast %parallel_loop3A_175 : i32 to index
        %parallel_loop3A_177 = tpu.vector_load %arg10[%parallel_loop3A_176] {strides = array<i32>} : memref<10240xf32, #tpu.memory_space<vmem>>, vector<16xf32>,
        tpu.vector_store %arg10[%parallel_loop3A_176], %broadcast_in_dim3A_27 {strides = array<i32>} : memref<10240xf32, #tpu.memory_space<vmem>>, vector<16xf32>,
        %parallel_loop3A_178 = arith.constant 8 : i32
        %parallel_loop3A_179 = arith.muli %parallel_loop3A_81, %parallel_loop3A_178 : i32
        %parallel_loop3A_180 = arith.constant 3 : i32
        %parallel_loop3A_181 = arith.addi %parallel_loop3A_179, %parallel_loop3A_180 : i32
        %parallel_loop3A_182 = arith.constant 16 : i32
        %parallel_loop3A_183 = arith.muli %parallel_loop3A_181, %parallel_loop3A_182 : i32
        %parallel_loop3A_184 = arith.index_cast %parallel_loop3A_183 : i32 to index
        %parallel_loop3A_185 = tpu.vector_load %arg7[%parallel_loop3A_184] {strides = array<i32>} : memref<10240xf32, #tpu.memory_space<vmem>>, vector<16xf32>,
        tpu.vector_store %arg7[%parallel_loop3A_184], %broadcast_in_dim3A_27 {strides = array<i32>} : memref<10240xf32, #tpu.memory_space<vmem>>, vector<16xf32>,
        %parallel_loop3A_186 = arith.constant 8 : i32
        %parallel_loop3A_187 = arith.muli %parallel_loop3A_81, %parallel_loop3A_186 : i32
        %parallel_loop3A_188 = arith.constant 3 : i32
        %parallel_loop3A_189 = arith.addi %parallel_loop3A_187, %parallel_loop3A_188 : i32
        %parallel_loop3A_190 = arith.constant 16 : i32
        %parallel_loop3A_191 = arith.muli %parallel_loop3A_189, %parallel_loop3A_190 : i32
        %parallel_loop3A_192 = arith.index_cast %parallel_loop3A_191 : i32 to index
        %parallel_loop3A_193 = tpu.vector_load %arg8[%parallel_loop3A_192] {strides = array<i32>} : memref<10240xf32, #tpu.memory_space<vmem>>, vector<16xf32>,
        tpu.vector_store %arg8[%parallel_loop3A_192], %broadcast_in_dim3A_27 {strides = array<i32>} : memref<10240xf32, #tpu.memory_space<vmem>>, vector<16xf32>,
        %parallel_loop3A_194 = arith.constant 8 : i32
        %parallel_loop3A_195 = arith.muli %parallel_loop3A_81, %parallel_loop3A_194 : i32
        %parallel_loop3A_196 = arith.constant 3 : i32
        %parallel_loop3A_197 = arith.addi %parallel_loop3A_195, %parallel_loop3A_196 : i32
        %parallel_loop3A_198 = arith.constant 16 : i32
        %parallel_loop3A_199 = arith.muli %parallel_loop3A_197, %parallel_loop3A_198 : i32
        %parallel_loop3A_200 = arith.index_cast %parallel_loop3A_199 : i32 to index
        %parallel_loop3A_201 = tpu.vector_load %arg9[%parallel_loop3A_200] {strides = array<i32>} : memref<10240xf32, #tpu.memory_space<vmem>>, vector<16xf32>,
        tpu.vector_store %arg9[%parallel_loop3A_200], %broadcast_in_dim3A_27 {strides = array<i32>} : memref<10240xf32, #tpu.memory_space<vmem>>, vector<16xf32>,
        %parallel_loop3A_202 = arith.constant 8 : i32
        %parallel_loop3A_203 = arith.muli %parallel_loop3A_81, %parallel_loop3A_202 : i32
        %parallel_loop3A_204 = arith.constant 3 : i32
        %parallel_loop3A_205 = arith.addi %parallel_loop3A_203, %parallel_loop3A_204 : i32
        %parallel_loop3A_206 = arith.constant 16 : i32
        %parallel_loop3A_207 = arith.muli %parallel_loop3A_205, %parallel_loop3A_206 : i32
        %parallel_loop3A_208 = arith.index_cast %parallel_loop3A_207 : i32 to index
        %parallel_loop3A_209 = tpu.vector_load %arg10[%parallel_loop3A_208] {strides = array<i32>} : memref<10240xf32, #tpu.memory_space<vmem>>, vector<16xf32>,
        tpu.vector_store %arg10[%parallel_loop3A_208], %broadcast_in_dim3A_27 {strides = array<i32>} : memref<10240xf32, #tpu.memory_space<vmem>>, vector<16xf32>,
        %parallel_loop3A_210 = arith.constant 8 : i32
        %parallel_loop3A_211 = arith.muli %parallel_loop3A_81, %parallel_loop3A_210 : i32
        %parallel_loop3A_212 = arith.constant 4 : i32
        %parallel_loop3A_213 = arith.addi %parallel_loop3A_211, %parallel_loop3A_212 : i32
        %parallel_loop3A_214 = arith.constant 16 : i32
        %parallel_loop3A_215 = arith.muli %parallel_loop3A_213, %parallel_loop3A_214 : i32
        %parallel_loop3A_216 = arith.index_cast %parallel_loop3A_215 : i32 to index
        %parallel_loop3A_217 = tpu.vector_load %arg7[%parallel_loop3A_216] {strides = array<i32>} : memref<10240xf32, #tpu.memory_space<vmem>>, vector<16xf32>,
        tpu.vector_store %arg7[%parallel_loop3A_216], %broadcast_in_dim3A_27 {strides = array<i32>} : memref<10240xf32, #tpu.memory_space<vmem>>, vector<16xf32>,
        %parallel_loop3A_218 = arith.constant 8 : i32
        %parallel_loop3A_219 = arith.muli %parallel_loop3A_81, %parallel_loop3A_218 : i32
        %parallel_loop3A_220 = arith.constant 4 : i32
        %parallel_loop3A_221 = arith.addi %parallel_loop3A_219, %parallel_loop3A_220 : i32
        %parallel_loop3A_222 = arith.constant 16 : i32
        %parallel_loop3A_223 = arith.muli %parallel_loop3A_221, %parallel_loop3A_222 : i32
        %parallel_loop3A_224 = arith.index_cast %parallel_loop3A_223 : i32 to index
        %parallel_loop3A_225 = tpu.vector_load %arg8[%parallel_loop3A_224] {strides = array<i32>} : memref<10240xf32, #tpu.memory_space<vmem>>, vector<16xf32>,
        tpu.vector_store %arg8[%parallel_loop3A_224], %broadcast_in_dim3A_27 {strides = array<i32>} : memref<10240xf32, #tpu.memory_space<vmem>>, vector<16xf32>,
        %parallel_loop3A_226 = arith.constant 8 : i32
        %parallel_loop3A_227 = arith.muli %parallel_loop3A_81, %parallel_loop3A_226 : i32
        %parallel_loop3A_228 = arith.constant 4 : i32
        %parallel_loop3A_229 = arith.addi %parallel_loop3A_227, %parallel_loop3A_228 : i32
        %parallel_loop3A_230 = arith.constant 16 : i32
        %parallel_loop3A_231 = arith.muli %parallel_loop3A_229, %parallel_loop3A_230 : i32
        %parallel_loop3A_232 = arith.index_cast %parallel_loop3A_231 : i32 to index
        %parallel_loop3A_233 = tpu.vector_load %arg9[%parallel_loop3A_232] {strides = array<i32>} : memref<10240xf32, #tpu.memory_space<vmem>>, vector<16xf32>,
        tpu.vector_store %arg9[%parallel_loop3A_232], %broadcast_in_dim3A_27 {strides = array<i32>} : memref<10240xf32, #tpu.memory_space<vmem>>, vector<16xf32>,
        %parallel_loop3A_234 = arith.constant 8 : i32
        %parallel_loop3A_235 = arith.muli %parallel_loop3A_81, %parallel_loop3A_234 : i32
        %parallel_loop3A_236 = arith.constant 4 : i32
        %parallel_loop3A_237 = arith.addi %parallel_loop3A_235, %parallel_loop3A_236 : i32
        %parallel_loop3A_238 = arith.constant 16 : i32
        %parallel_loop3A_239 = arith.muli %parallel_loop3A_237, %parallel_loop3A_238 : i32
        %parallel_loop3A_240 = arith.index_cast %parallel_loop3A_239 : i32 to index
        %parallel_loop3A_241 = tpu.vector_load %arg10[%parallel_loop3A_240] {strides = array<i32>} : memref<10240xf32, #tpu.memory_space<vmem>>, vector<16xf32>,
        tpu.vector_store %arg10[%parallel_loop3A_240], %broadcast_in_dim3A_27 {strides = array<i32>} : memref<10240xf32, #tpu.memory_space<vmem>>, vector<16xf32>,
        %parallel_loop3A_242 = arith.constant 8 : i32
        %parallel_loop3A_243 = arith.muli %parallel_loop3A_81, %parallel_loop3A_242 : i32
        %parallel_loop3A_244 = arith.constant 5 : i32
        %parallel_loop3A_245 = arith.addi %parallel_loop3A_243, %parallel_loop3A_244 : i32
        %parallel_loop3A_246 = arith.constant 16 : i32
        %parallel_loop3A_247 = arith.muli %parallel_loop3A_245, %parallel_loop3A_246 : i32
        %parallel_loop3A_248 = arith.index_cast %parallel_loop3A_247 : i32 to index
        %parallel_loop3A_249 = tpu.vector_load %arg7[%parallel_loop3A_248] {strides = array<i32>} : memref<10240xf32, #tpu.memory_space<vmem>>, vector<16xf32>,
        tpu.vector_store %arg7[%parallel_loop3A_248], %broadcast_in_dim3A_27 {strides = array<i32>} : memref<10240xf32, #tpu.memory_space<vmem>>, vector<16xf32>,
        %parallel_loop3A_250 = arith.constant 8 : i32
        %parallel_loop3A_251 = arith.muli %parallel_loop3A_81, %parallel_loop3A_250 : i32
        %parallel_loop3A_252 = arith.constant 5 : i32
        %parallel_loop3A_253 = arith.addi %parallel_loop3A_251, %parallel_loop3A_252 : i32
        %parallel_loop3A_254 = arith.constant 16 : i32
        %parallel_loop3A_255 = arith.muli %parallel_loop3A_253, %parallel_loop3A_254 : i32
        %parallel_loop3A_256 = arith.index_cast %parallel_loop3A_255 : i32 to index
        %parallel_loop3A_257 = tpu.vector_load %arg8[%parallel_loop3A_256] {strides = array<i32>} : memref<10240xf32, #tpu.memory_space<vmem>>, vector<16xf32>,
        tpu.vector_store %arg8[%parallel_loop3A_256], %broadcast_in_dim3A_27 {strides = array<i32>} : memref<10240xf32, #tpu.memory_space<vmem>>, vector<16xf32>,
        %parallel_loop3A_258 = arith.constant 8 : i32
        %parallel_loop3A_259 = arith.muli %parallel_loop3A_81, %parallel_loop3A_258 : i32
        %parallel_loop3A_260 = arith.constant 5 : i32
        %parallel_loop3A_261 = arith.addi %parallel_loop3A_259, %parallel_loop3A_260 : i32
        %parallel_loop3A_262 = arith.constant 16 : i32
        %parallel_loop3A_263 = arith.muli %parallel_loop3A_261, %parallel_loop3A_262 : i32
        %parallel_loop3A_264 = arith.index_cast %parallel_loop3A_263 : i32 to index
        %parallel_loop3A_265 = tpu.vector_load %arg9[%parallel_loop3A_264] {strides = array<i32>} : memref<10240xf32, #tpu.memory_space<vmem>>, vector<16xf32>,
        tpu.vector_store %arg9[%parallel_loop3A_264], %broadcast_in_dim3A_27 {strides = array<i32>} : memref<10240xf32, #tpu.memory_space<vmem>>, vector<16xf32>,
        %parallel_loop3A_266 = arith.constant 8 : i32
        %parallel_loop3A_267 = arith.muli %parallel_loop3A_81, %parallel_loop3A_266 : i32
        %parallel_loop3A_268 = arith.constant 5 : i32
        %parallel_loop3A_269 = arith.addi %parallel_loop3A_267, %parallel_loop3A_268 : i32
        %parallel_loop3A_270 = arith.constant 16 : i32
        %parallel_loop3A_271 = arith.muli %parallel_loop3A_269, %parallel_loop3A_270 : i32
        %parallel_loop3A_272 = arith.index_cast %parallel_loop3A_271 : i32 to index
        %parallel_loop3A_273 = tpu.vector_load %arg10[%parallel_loop3A_272] {strides = array<i32>} : memref<10240xf32, #tpu.memory_space<vmem>>, vector<16xf32>,
        tpu.vector_store %arg10[%parallel_loop3A_272], %broadcast_in_dim3A_27 {strides = array<i32>} : memref<10240xf32, #tpu.memory_space<vmem>>, vector<16xf32>,
        %parallel_loop3A_274 = arith.constant 8 : i32
        %parallel_loop3A_275 = arith.muli %parallel_loop3A_81, %parallel_loop3A_274 : i32
        %parallel_loop3A_276 = arith.constant 6 : i32
        %parallel_loop3A_277 = arith.addi %parallel_loop3A_275, %parallel_loop3A_276 : i32
        %parallel_loop3A_278 = arith.constant 16 : i32
        %parallel_loop3A_279 = arith.muli %parallel_loop3A_277, %parallel_loop3A_278 : i32
        %parallel_loop3A_280 = arith.index_cast %parallel_loop3A_279 : i32 to index
        %parallel_loop3A_281 = tpu.vector_load %arg7[%parallel_loop3A_280] {strides = array<i32>} : memref<10240xf32, #tpu.memory_space<vmem>>, vector<16xf32>,
        tpu.vector_store %arg7[%parallel_loop3A_280], %broadcast_in_dim3A_27 {strides = array<i32>} : memref<10240xf32, #tpu.memory_space<vmem>>, vector<16xf32>,
        %parallel_loop3A_282 = arith.constant 8 : i32
        %parallel_loop3A_283 = arith.muli %parallel_loop3A_81, %parallel_loop3A_282 : i32
        %parallel_loop3A_284 = arith.constant 6 : i32
        %parallel_loop3A_285 = arith.addi %parallel_loop3A_283, %parallel_loop3A_284 : i32
        %parallel_loop3A_286 = arith.constant 16 : i32
        %parallel_loop3A_287 = arith.muli %parallel_loop3A_285, %parallel_loop3A_286 : i32
        %parallel_loop3A_288 = arith.index_cast %parallel_loop3A_287 : i32 to index
        %parallel_loop3A_289 = tpu.vector_load %arg8[%parallel_loop3A_288] {strides = array<i32>} : memref<10240xf32, #tpu.memory_space<vmem>>, vector<16xf32>,
        tpu.vector_store %arg8[%parallel_loop3A_288], %broadcast_in_dim3A_27 {strides = array<i32>} : memref<10240xf32, #tpu.memory_space<vmem>>, vector<16xf32>,
        %parallel_loop3A_290 = arith.constant 8 : i32
        %parallel_loop3A_291 = arith.muli %parallel_loop3A_81, %parallel_loop3A_290 : i32
        %parallel_loop3A_292 = arith.constant 6 : i32
        %parallel_loop3A_293 = arith.addi %parallel_loop3A_291, %parallel_loop3A_292 : i32
        %parallel_loop3A_294 = arith.constant 16 : i32
        %parallel_loop3A_295 = arith.muli %parallel_loop3A_293, %parallel_loop3A_294 : i32
        %parallel_loop3A_296 = arith.index_cast %parallel_loop3A_295 : i32 to index
        %parallel_loop3A_297 = tpu.vector_load %arg9[%parallel_loop3A_296] {strides = array<i32>} : memref<10240xf32, #tpu.memory_space<vmem>>, vector<16xf32>,
        tpu.vector_store %arg9[%parallel_loop3A_296], %broadcast_in_dim3A_27 {strides = array<i32>} : memref<10240xf32, #tpu.memory_space<vmem>>, vector<16xf32>,
        %parallel_loop3A_298 = arith.constant 8 : i32
        %parallel_loop3A_299 = arith.muli %parallel_loop3A_81, %parallel_loop3A_298 : i32
        %parallel_loop3A_300 = arith.constant 6 : i32
        %parallel_loop3A_301 = arith.addi %parallel_loop3A_299, %parallel_loop3A_300 : i32
        %parallel_loop3A_302 = arith.constant 16 : i32
        %parallel_loop3A_303 = arith.muli %parallel_loop3A_301, %parallel_loop3A_302 : i32
        %parallel_loop3A_304 = arith.index_cast %parallel_loop3A_303 : i32 to index
        %parallel_loop3A_305 = tpu.vector_load %arg10[%parallel_loop3A_304] {strides = array<i32>} : memref<10240xf32, #tpu.memory_space<vmem>>, vector<16xf32>,
        tpu.vector_store %arg10[%parallel_loop3A_304], %broadcast_in_dim3A_27 {strides = array<i32>} : memref<10240xf32, #tpu.memory_space<vmem>>, vector<16xf32>,
        %parallel_loop3A_306 = arith.constant 8 : i32
        %parallel_loop3A_307 = arith.muli %parallel_loop3A_81, %parallel_loop3A_306 : i32
        %parallel_loop3A_308 = arith.constant 7 : i32
        %parallel_loop3A_309 = arith.addi %parallel_loop3A_307, %parallel_loop3A_308 : i32
        %parallel_loop3A_310 = arith.constant 16 : i32
        %parallel_loop3A_311 = arith.muli %parallel_loop3A_309, %parallel_loop3A_310 : i32
        %parallel_loop3A_312 = arith.index_cast %parallel_loop3A_311 : i32 to index
        %parallel_loop3A_313 = tpu.vector_load %arg7[%parallel_loop3A_312] {strides = array<i32>} : memref<10240xf32, #tpu.memory_space<vmem>>, vector<16xf32>,
        tpu.vector_store %arg7[%parallel_loop3A_312], %broadcast_in_dim3A_27 {strides = array<i32>} : memref<10240xf32, #tpu.memory_space<vmem>>, vector<16xf32>,
        %parallel_loop3A_314 = arith.constant 8 : i32
        %parallel_loop3A_315 = arith.muli %parallel_loop3A_81, %parallel_loop3A_314 : i32
        %parallel_loop3A_316 = arith.constant 7 : i32
        %parallel_loop3A_317 = arith.addi %parallel_loop3A_315, %parallel_loop3A_316 : i32
        %parallel_loop3A_318 = arith.constant 16 : i32
        %parallel_loop3A_319 = arith.muli %parallel_loop3A_317, %parallel_loop3A_318 : i32
        %parallel_loop3A_320 = arith.index_cast %parallel_loop3A_319 : i32 to index
        %parallel_loop3A_321 = tpu.vector_load %arg8[%parallel_loop3A_320] {strides = array<i32>} : memref<10240xf32, #tpu.memory_space<vmem>>, vector<16xf32>,
        tpu.vector_store %arg8[%parallel_loop3A_320], %broadcast_in_dim3A_27 {strides = array<i32>} : memref<10240xf32, #tpu.memory_space<vmem>>, vector<16xf32>,
        %parallel_loop3A_322 = arith.constant 8 : i32
        %parallel_loop3A_323 = arith.muli %parallel_loop3A_81, %parallel_loop3A_322 : i32
        %parallel_loop3A_324 = arith.constant 7 : i32
        %parallel_loop3A_325 = arith.addi %parallel_loop3A_323, %parallel_loop3A_324 : i32
        %parallel_loop3A_326 = arith.constant 16 : i32
        %parallel_loop3A_327 = arith.muli %parallel_loop3A_325, %parallel_loop3A_326 : i32
        %parallel_loop3A_328 = arith.index_cast %parallel_loop3A_327 : i32 to index
        %parallel_loop3A_329 = tpu.vector_load %arg9[%parallel_loop3A_328] {strides = array<i32>} : memref<10240xf32, #tpu.memory_space<vmem>>, vector<16xf32>,
        tpu.vector_store %arg9[%parallel_loop3A_328], %broadcast_in_dim3A_27 {strides = array<i32>} : memref<10240xf32, #tpu.memory_space<vmem>>, vector<16xf32>,
        %parallel_loop3A_330 = arith.constant 8 : i32
        %parallel_loop3A_331 = arith.muli %parallel_loop3A_81, %parallel_loop3A_330 : i32
        %parallel_loop3A_332 = arith.constant 7 : i32
        %parallel_loop3A_333 = arith.addi %parallel_loop3A_331, %parallel_loop3A_332 : i32
        %parallel_loop3A_334 = arith.constant 16 : i32
        %parallel_loop3A_335 = arith.muli %parallel_loop3A_333, %parallel_loop3A_334 : i32
        %parallel_loop3A_336 = arith.index_cast %parallel_loop3A_335 : i32 to index
        %parallel_loop3A_337 = tpu.vector_load %arg10[%parallel_loop3A_336] {strides = array<i32>} : memref<10240xf32, #tpu.memory_space<vmem>>, vector<16xf32>,
        tpu.vector_store %arg10[%parallel_loop3A_336], %broadcast_in_dim3A_27 {strides = array<i32>} : memref<10240xf32, #tpu.memory_space<vmem>>, vector<16xf32>,
      } {sc.loop_unroll_factor = 1 : i64, sc.parallel_access}
      %dma_wait3A = arith.constant 0 : i32
      %dma_wait3A_30 = arith.constant 0 : i32
      %dma_wait3A_31 = tpu.memref_slice %arg6[%dma_wait3A, %dma_wait3A_30] : memref<2x10112xi32, #tpu.memory_space<vmem>> -> memref<2x10112xi32, #tpu.memory_space<vmem>>
      %dma_wait3A_32 = arith.constant 0 : i32
      %dma_wait3A_33 = tpu.memref_slice %arg2[%dma_wait3A_32, %multiple_of3A] : memref<2x320000xi32, #tpu.memory_space<hbm>> -> memref<2x10112xi32, #tpu.memory_space<hbm>>
      %dma_wait3A_34 = arith.constant 0 : i32
      %dma_wait3A_35 = arith.constant 0 : i32
      %dma_wait3A_36 = tpu.memref_slice %arg6[%dma_wait3A_34, %dma_wait3A_35] : memref<2x10112xi32, #tpu.memory_space<vmem>> -> memref<2x10112xi32, #tpu.memory_space<vmem>>
      %dma_wait3A_37 = arith.constant 0 : i32
      %dma_wait3A_38 = tpu.memref_slice %arg2[%dma_wait3A_37, %multiple_of3A] : memref<2x320000xi32, #tpu.memory_space<hbm>> -> memref<2x10112xi32, #tpu.memory_space<hbm>>
      tpu.wait_dma2 semaphore(%arg11 : memref<!tpu.dma_semaphore, #tpu.memory_space<semaphore_mem>>) src(%dma_wait3A_38 : memref<2x10112xi32, #tpu.memory_space<hbm>>) dst(%dma_wait3A_36 : memref<2x10112xi32, #tpu.memory_space<vmem>>)
      %parallel_loop3A_39 = arith.constant 0 : i32
      %parallel_loop3A_40 = arith.constant 158 : i32
      %parallel_loop3A_41 = arith.constant 1 : i32
      scf.for %parallel_loop3A_81 = %parallel_loop3A_39 to %parallel_loop3A_40 step %parallel_loop3A_41  : i32 {
        %parallel_loop3A_82 = arith.constant 4 : i32
        %parallel_loop3A_83 = arith.muli %parallel_loop3A_81, %parallel_loop3A_82 : i32
        %parallel_loop3A_84 = arith.constant 0 : i32
        %parallel_loop3A_85 = arith.addi %parallel_loop3A_83, %parallel_loop3A_84 : i32
        %parallel_loop3A_86 = arith.constant 16 : i32
        %parallel_loop3A_87 = arith.muli %parallel_loop3A_85, %parallel_loop3A_86 : i32
        %parallel_loop3A_88 = arith.constant 1 : i32
        %parallel_loop3A_89 = arith.index_cast %parallel_loop3A_88 : i32 to index
        %parallel_loop3A_90 = arith.index_cast %parallel_loop3A_87 : i32 to index
        %parallel_loop3A_91 = tpu.vector_load %arg6[%parallel_loop3A_89, %parallel_loop3A_90] {strides = array<i32>} : memref<2x10112xi32, #tpu.memory_space<vmem>>, vector<16xi32>,
        tpu.vector_store_idx %arg7[%parallel_loop3A_91], %broadcast_in_dim3A_9 {add = true} : memref<10240xf32, #tpu.memory_space<vmem>>[vector<16xi32>], vector<16xf32>,
        %parallel_loop3A_92 = arith.constant 4 : i32
        %parallel_loop3A_93 = arith.muli %parallel_loop3A_81, %parallel_loop3A_92 : i32
        %parallel_loop3A_94 = arith.constant 1 : i32
        %parallel_loop3A_95 = arith.addi %parallel_loop3A_93, %parallel_loop3A_94 : i32
        %parallel_loop3A_96 = arith.constant 16 : i32
        %parallel_loop3A_97 = arith.muli %parallel_loop3A_95, %parallel_loop3A_96 : i32
        %parallel_loop3A_98 = arith.constant 1 : i32
        %parallel_loop3A_99 = arith.index_cast %parallel_loop3A_98 : i32 to index
        %parallel_loop3A_100 = arith.index_cast %parallel_loop3A_97 : i32 to index
        %parallel_loop3A_101 = tpu.vector_load %arg6[%parallel_loop3A_99, %parallel_loop3A_100] {strides = array<i32>} : memref<2x10112xi32, #tpu.memory_space<vmem>>, vector<16xi32>,
        tpu.vector_store_idx %arg8[%parallel_loop3A_101], %broadcast_in_dim3A_9 {add = true} : memref<10240xf32, #tpu.memory_space<vmem>>[vector<16xi32>], vector<16xf32>,
        %parallel_loop3A_102 = arith.constant 4 : i32
        %parallel_loop3A_103 = arith.muli %parallel_loop3A_81, %parallel_loop3A_102 : i32
        %parallel_loop3A_104 = arith.constant 2 : i32
        %parallel_loop3A_105 = arith.addi %parallel_loop3A_103, %parallel_loop3A_104 : i32
        %parallel_loop3A_106 = arith.constant 16 : i32
        %parallel_loop3A_107 = arith.muli %parallel_loop3A_105, %parallel_loop3A_106 : i32
        %parallel_loop3A_108 = arith.constant 1 : i32
        %parallel_loop3A_109 = arith.index_cast %parallel_loop3A_108 : i32 to index
        %parallel_loop3A_110 = arith.index_cast %parallel_loop3A_107 : i32 to index
        %parallel_loop3A_111 = tpu.vector_load %arg6[%parallel_loop3A_109, %parallel_loop3A_110] {strides = array<i32>} : memref<2x10112xi32, #tpu.memory_space<vmem>>, vector<16xi32>,
        tpu.vector_store_idx %arg9[%parallel_loop3A_111], %broadcast_in_dim3A_9 {add = true} : memref<10240xf32, #tpu.memory_space<vmem>>[vector<16xi32>], vector<16xf32>,
        %parallel_loop3A_112 = arith.constant 4 : i32
        %parallel_loop3A_113 = arith.muli %parallel_loop3A_81, %parallel_loop3A_112 : i32
        %parallel_loop3A_114 = arith.constant 3 : i32
        %parallel_loop3A_115 = arith.addi %parallel_loop3A_113, %parallel_loop3A_114 : i32
        %parallel_loop3A_116 = arith.constant 16 : i32
        %parallel_loop3A_117 = arith.muli %parallel_loop3A_115, %parallel_loop3A_116 : i32
        %parallel_loop3A_118 = arith.constant 1 : i32
        %parallel_loop3A_119 = arith.index_cast %parallel_loop3A_118 : i32 to index
        %parallel_loop3A_120 = arith.index_cast %parallel_loop3A_117 : i32 to index
        %parallel_loop3A_121 = tpu.vector_load %arg6[%parallel_loop3A_119, %parallel_loop3A_120] {strides = array<i32>} : memref<2x10112xi32, #tpu.memory_space<vmem>>, vector<16xi32>,
        tpu.vector_store_idx %arg10[%parallel_loop3A_121], %broadcast_in_dim3A_9 {add = true} : memref<10240xf32, #tpu.memory_space<vmem>>[vector<16xi32>], vector<16xf32>,
      } {sc.loop_unroll_factor = 1 : i64, sc.parallel_access}
      %dma_start3A_42 = arith.constant 0 : i32
      %dma_start3A_43 = arith.constant 0 : i32
      %dma_start3A_44 = tpu.memref_slice %arg6[%dma_start3A_42, %dma_start3A_43] : memref<2x10112xi32, #tpu.memory_space<vmem>> -> memref<1x10112xi32, #tpu.memory_space<vmem>>
      %dma_start3A_45 = tpu.memref_squeeze %dma_start3A_44 : memref<1x10112xi32, #tpu.memory_space<vmem>> -> memref<10112xi32, #tpu.memory_space<vmem>>
      %dma_start3A_46 = tpu.memref_slice %arg3[%multiple_of3A] : memref<320000xi32, #tpu.memory_space<hbm>> -> memref<10112xi32, #tpu.memory_space<hbm>>
      %dma_start3A_47 = tpu.memref_slice %arg3[%multiple_of3A] : memref<320000xi32, #tpu.memory_space<hbm>> -> memref<10112xi32, #tpu.memory_space<hbm>>
      %dma_start3A_48 = arith.constant 0 : i32
      %dma_start3A_49 = tpu.memref_slice %arg6[%dma_start3A_42, %dma_start3A_48] : memref<2x10112xi32, #tpu.memory_space<vmem>> -> memref<1x10112xi32, #tpu.memory_space<vmem>>
      %dma_start3A_50 = tpu.memref_squeeze %dma_start3A_49 : memref<1x10112xi32, #tpu.memory_space<vmem>> -> memref<10112xi32, #tpu.memory_space<vmem>>
      tpu.enqueue_dma source(%dma_start3A_50 : memref<10112xi32, #tpu.memory_space<vmem>>) target(%dma_start3A_47 : memref<10112xi32, #tpu.memory_space<hbm>>) target_semaphore(%arg11 : memref<!tpu.dma_semaphore, #tpu.memory_space<semaphore_mem>>)
      %dma_start3A_51 = arith.constant 1 : i32
      %dma_start3A_52 = arith.constant 0 : i32
      %dma_start3A_53 = tpu.memref_slice %arg6[%dma_start3A_51, %dma_start3A_52] : memref<2x10112xi32, #tpu.memory_space<vmem>> -> memref<1x10112xi32, #tpu.memory_space<vmem>>
      %dma_start3A_54 = tpu.memref_squeeze %dma_start3A_53 : memref<1x10112xi32, #tpu.memory_space<vmem>> -> memref<10112xi32, #tpu.memory_space<vmem>>
      %dma_start3A_55 = tpu.memref_slice %arg4[%multiple_of3A] : memref<320000xi32, #tpu.memory_space<hbm>> -> memref<10112xi32, #tpu.memory_space<hbm>>
      %dma_start3A_56 = tpu.memref_slice %arg4[%multiple_of3A] : memref<320000xi32, #tpu.memory_space<hbm>> -> memref<10112xi32, #tpu.memory_space<hbm>>
      %dma_start3A_57 = arith.constant 0 : i32
      %dma_start3A_58 = tpu.memref_slice %arg6[%dma_start3A_51, %dma_start3A_57] : memref<2x10112xi32, #tpu.memory_space<vmem>> -> memref<1x10112xi32, #tpu.memory_space<vmem>>
      %dma_start3A_59 = tpu.memref_squeeze %dma_start3A_58 : memref<1x10112xi32, #tpu.memory_space<vmem>> -> memref<10112xi32, #tpu.memory_space<vmem>>
      tpu.enqueue_dma source(%dma_start3A_59 : memref<10112xi32, #tpu.memory_space<vmem>>) target(%dma_start3A_56 : memref<10112xi32, #tpu.memory_space<hbm>>) target_semaphore(%arg11 : memref<!tpu.dma_semaphore, #tpu.memory_space<semaphore_mem>>)
      %parallel_loop3A_60 = arith.constant 0 : i32
      %parallel_loop3A_61 = arith.constant 160 : i32
      %parallel_loop3A_62 = arith.constant 1 : i32
      scf.for %parallel_loop3A_81 = %parallel_loop3A_60 to %parallel_loop3A_61 step %parallel_loop3A_62  : i32 {
        %parallel_loop3A_82 = arith.constant 4 : i32
        %parallel_loop3A_83 = arith.muli %parallel_loop3A_81, %parallel_loop3A_82 : i32
        %parallel_loop3A_84 = arith.constant 0 : i32
        %parallel_loop3A_85 = arith.addi %parallel_loop3A_83, %parallel_loop3A_84 : i32
        %parallel_loop3A_86 = arith.constant 16 : i32
        %parallel_loop3A_87 = arith.muli %parallel_loop3A_85, %parallel_loop3A_86 : i32
        %parallel_loop3A_88 = arith.index_cast %parallel_loop3A_87 : i32 to index
        %parallel_loop3A_89 = tpu.vector_load %arg7[%parallel_loop3A_88] {strides = array<i32>} : memref<10240xf32, #tpu.memory_space<vmem>>, vector<16xf32>,
        %parallel_loop3A_90 = arith.index_cast %parallel_loop3A_87 : i32 to index
        %parallel_loop3A_91 = tpu.vector_load %arg8[%parallel_loop3A_90] {strides = array<i32>} : memref<10240xf32, #tpu.memory_space<vmem>>, vector<16xf32>,
        %parallel_loop3A_92 = arith.addf %parallel_loop3A_89, %parallel_loop3A_91 : vector<16xf32>
        %parallel_loop3A_93 = arith.index_cast %parallel_loop3A_87 : i32 to index
        %parallel_loop3A_94 = tpu.vector_load %arg9[%parallel_loop3A_93] {strides = array<i32>} : memref<10240xf32, #tpu.memory_space<vmem>>, vector<16xf32>,
        %parallel_loop3A_95 = arith.index_cast %parallel_loop3A_87 : i32 to index
        %parallel_loop3A_96 = tpu.vector_load %arg10[%parallel_loop3A_95] {strides = array<i32>} : memref<10240xf32, #tpu.memory_space<vmem>>, vector<16xf32>,
        %parallel_loop3A_97 = arith.addf %parallel_loop3A_94, %parallel_loop3A_96 : vector<16xf32>
        %parallel_loop3A_98 = arith.addf %parallel_loop3A_92, %parallel_loop3A_97 : vector<16xf32>
        %parallel_loop3A_99 = arith.index_cast %parallel_loop3A_87 : i32 to index
        %parallel_loop3A_100 = tpu.vector_load %arg7[%parallel_loop3A_99] {strides = array<i32>} : memref<10240xf32, #tpu.memory_space<vmem>>, vector<16xf32>,
        tpu.vector_store %arg7[%parallel_loop3A_99], %parallel_loop3A_98 {strides = array<i32>} : memref<10240xf32, #tpu.memory_space<vmem>>, vector<16xf32>,
        %parallel_loop3A_101 = arith.constant 4 : i32
        %parallel_loop3A_102 = arith.muli %parallel_loop3A_81, %parallel_loop3A_101 : i32
        %parallel_loop3A_103 = arith.constant 1 : i32
        %parallel_loop3A_104 = arith.addi %parallel_loop3A_102, %parallel_loop3A_103 : i32
        %parallel_loop3A_105 = arith.constant 16 : i32
        %parallel_loop3A_106 = arith.muli %parallel_loop3A_104, %parallel_loop3A_105 : i32
        %parallel_loop3A_107 = arith.index_cast %parallel_loop3A_106 : i32 to index
        %parallel_loop3A_108 = tpu.vector_load %arg7[%parallel_loop3A_107] {strides = array<i32>} : memref<10240xf32, #tpu.memory_space<vmem>>, vector<16xf32>,
        %parallel_loop3A_109 = arith.index_cast %parallel_loop3A_106 : i32 to index
        %parallel_loop3A_110 = tpu.vector_load %arg8[%parallel_loop3A_109] {strides = array<i32>} : memref<10240xf32, #tpu.memory_space<vmem>>, vector<16xf32>,
        %parallel_loop3A_111 = arith.addf %parallel_loop3A_108, %parallel_loop3A_110 : vector<16xf32>
        %parallel_loop3A_112 = arith.index_cast %parallel_loop3A_106 : i32 to index
        %parallel_loop3A_113 = tpu.vector_load %arg9[%parallel_loop3A_112] {strides = array<i32>} : memref<10240xf32, #tpu.memory_space<vmem>>, vector<16xf32>,
        %parallel_loop3A_114 = arith.index_cast %parallel_loop3A_106 : i32 to index
        %parallel_loop3A_115 = tpu.vector_load %arg10[%parallel_loop3A_114] {strides = array<i32>} : memref<10240xf32, #tpu.memory_space<vmem>>, vector<16xf32>,
        %parallel_loop3A_116 = arith.addf %parallel_loop3A_113, %parallel_loop3A_115 : vector<16xf32>
        %parallel_loop3A_117 = arith.addf %parallel_loop3A_111, %parallel_loop3A_116 : vector<16xf32>
        %parallel_loop3A_118 = arith.index_cast %parallel_loop3A_106 : i32 to index
        %parallel_loop3A_119 = tpu.vector_load %arg7[%parallel_loop3A_118] {strides = array<i32>} : memref<10240xf32, #tpu.memory_space<vmem>>, vector<16xf32>,
        tpu.vector_store %arg7[%parallel_loop3A_118], %parallel_loop3A_117 {strides = array<i32>} : memref<10240xf32, #tpu.memory_space<vmem>>, vector<16xf32>,
        %parallel_loop3A_120 = arith.constant 4 : i32
        %parallel_loop3A_121 = arith.muli %parallel_loop3A_81, %parallel_loop3A_120 : i32
        %parallel_loop3A_122 = arith.constant 2 : i32
        %parallel_loop3A_123 = arith.addi %parallel_loop3A_121, %parallel_loop3A_122 : i32
        %parallel_loop3A_124 = arith.constant 16 : i32
        %parallel_loop3A_125 = arith.muli %parallel_loop3A_123, %parallel_loop3A_124 : i32
        %parallel_loop3A_126 = arith.index_cast %parallel_loop3A_125 : i32 to index
        %parallel_loop3A_127 = tpu.vector_load %arg7[%parallel_loop3A_126] {strides = array<i32>} : memref<10240xf32, #tpu.memory_space<vmem>>, vector<16xf32>,
        %parallel_loop3A_128 = arith.index_cast %parallel_loop3A_125 : i32 to index
        %parallel_loop3A_129 = tpu.vector_load %arg8[%parallel_loop3A_128] {strides = array<i32>} : memref<10240xf32, #tpu.memory_space<vmem>>, vector<16xf32>,
        %parallel_loop3A_130 = arith.addf %parallel_loop3A_127, %parallel_loop3A_129 : vector<16xf32>
        %parallel_loop3A_131 = arith.index_cast %parallel_loop3A_125 : i32 to index
        %parallel_loop3A_132 = tpu.vector_load %arg9[%parallel_loop3A_131] {strides = array<i32>} : memref<10240xf32, #tpu.memory_space<vmem>>, vector<16xf32>,
        %parallel_loop3A_133 = arith.index_cast %parallel_loop3A_125 : i32 to index
        %parallel_loop3A_134 = tpu.vector_load %arg10[%parallel_loop3A_133] {strides = array<i32>} : memref<10240xf32, #tpu.memory_space<vmem>>, vector<16xf32>,
        %parallel_loop3A_135 = arith.addf %parallel_loop3A_132, %parallel_loop3A_134 : vector<16xf32>
        %parallel_loop3A_136 = arith.addf %parallel_loop3A_130, %parallel_loop3A_135 : vector<16xf32>
        %parallel_loop3A_137 = arith.index_cast %parallel_loop3A_125 : i32 to index
        %parallel_loop3A_138 = tpu.vector_load %arg7[%parallel_loop3A_137] {strides = array<i32>} : memref<10240xf32, #tpu.memory_space<vmem>>, vector<16xf32>,
        tpu.vector_store %arg7[%parallel_loop3A_137], %parallel_loop3A_136 {strides = array<i32>} : memref<10240xf32, #tpu.memory_space<vmem>>, vector<16xf32>,
        %parallel_loop3A_139 = arith.constant 4 : i32
        %parallel_loop3A_140 = arith.muli %parallel_loop3A_81, %parallel_loop3A_139 : i32
        %parallel_loop3A_141 = arith.constant 3 : i32
        %parallel_loop3A_142 = arith.addi %parallel_loop3A_140, %parallel_loop3A_141 : i32
        %parallel_loop3A_143 = arith.constant 16 : i32
        %parallel_loop3A_144 = arith.muli %parallel_loop3A_142, %parallel_loop3A_143 : i32
        %parallel_loop3A_145 = arith.index_cast %parallel_loop3A_144 : i32 to index
        %parallel_loop3A_146 = tpu.vector_load %arg7[%parallel_loop3A_145] {strides = array<i32>} : memref<10240xf32, #tpu.memory_space<vmem>>, vector<16xf32>,
        %parallel_loop3A_147 = arith.index_cast %parallel_loop3A_144 : i32 to index
        %parallel_loop3A_148 = tpu.vector_load %arg8[%parallel_loop3A_147] {strides = array<i32>} : memref<10240xf32, #tpu.memory_space<vmem>>, vector<16xf32>,
        %parallel_loop3A_149 = arith.addf %parallel_loop3A_146, %parallel_loop3A_148 : vector<16xf32>
        %parallel_loop3A_150 = arith.index_cast %parallel_loop3A_144 : i32 to index
        %parallel_loop3A_151 = tpu.vector_load %arg9[%parallel_loop3A_150] {strides = array<i32>} : memref<10240xf32, #tpu.memory_space<vmem>>, vector<16xf32>,
        %parallel_loop3A_152 = arith.index_cast %parallel_loop3A_144 : i32 to index
        %parallel_loop3A_153 = tpu.vector_load %arg10[%parallel_loop3A_152] {strides = array<i32>} : memref<10240xf32, #tpu.memory_space<vmem>>, vector<16xf32>,
        %parallel_loop3A_154 = arith.addf %parallel_loop3A_151, %parallel_loop3A_153 : vector<16xf32>
        %parallel_loop3A_155 = arith.addf %parallel_loop3A_149, %parallel_loop3A_154 : vector<16xf32>
        %parallel_loop3A_156 = arith.index_cast %parallel_loop3A_144 : i32 to index
        %parallel_loop3A_157 = tpu.vector_load %arg7[%parallel_loop3A_156] {strides = array<i32>} : memref<10240xf32, #tpu.memory_space<vmem>>, vector<16xf32>,
        tpu.vector_store %arg7[%parallel_loop3A_156], %parallel_loop3A_155 {strides = array<i32>} : memref<10240xf32, #tpu.memory_space<vmem>>, vector<16xf32>,
      } {sc.loop_unroll_factor = 1 : i64, sc.parallel_access}
      %dma_wait3A_63 = arith.constant 0 : i32
      %dma_wait3A_64 = arith.constant 0 : i32
      %dma_wait3A_65 = tpu.memref_slice %arg6[%dma_wait3A_63, %dma_wait3A_64] : memref<2x10112xi32, #tpu.memory_space<vmem>> -> memref<1x10112xi32, #tpu.memory_space<vmem>>
      %dma_wait3A_66 = tpu.memref_squeeze %dma_wait3A_65 : memref<1x10112xi32, #tpu.memory_space<vmem>> -> memref<10112xi32, #tpu.memory_space<vmem>>
      %dma_wait3A_67 = tpu.memref_slice %arg3[%multiple_of3A] : memref<320000xi32, #tpu.memory_space<hbm>> -> memref<10112xi32, #tpu.memory_space<hbm>>
      %dma_wait3A_68 = tpu.memref_slice %arg3[%multiple_of3A] : memref<320000xi32, #tpu.memory_space<hbm>> -> memref<10112xi32, #tpu.memory_space<hbm>>
      %dma_wait3A_69 = arith.constant 0 : i32
      %dma_wait3A_70 = tpu.memref_slice %arg6[%dma_wait3A_63, %dma_wait3A_69] : memref<2x10112xi32, #tpu.memory_space<vmem>> -> memref<1x10112xi32, #tpu.memory_space<vmem>>
      %dma_wait3A_71 = tpu.memref_squeeze %dma_wait3A_70 : memref<1x10112xi32, #tpu.memory_space<vmem>> -> memref<10112xi32, #tpu.memory_space<vmem>>
      tpu.wait_dma2 semaphore(%arg11 : memref<!tpu.dma_semaphore, #tpu.memory_space<semaphore_mem>>) src(%dma_wait3A_71 : memref<10112xi32, #tpu.memory_space<vmem>>) dst(%dma_wait3A_68 : memref<10112xi32, #tpu.memory_space<hbm>>)
      %dma_wait3A_72 = arith.constant 1 : i32
      %dma_wait3A_73 = arith.constant 0 : i32
      %dma_wait3A_74 = tpu.memref_slice %arg6[%dma_wait3A_72, %dma_wait3A_73] : memref<2x10112xi32, #tpu.memory_space<vmem>> -> memref<1x10112xi32, #tpu.memory_space<vmem>>
      %dma_wait3A_75 = tpu.memref_squeeze %dma_wait3A_74 : memref<1x10112xi32, #tpu.memory_space<vmem>> -> memref<10112xi32, #tpu.memory_space<vmem>>
      %dma_wait3A_76 = tpu.memref_slice %arg4[%multiple_of3A] : memref<320000xi32, #tpu.memory_space<hbm>> -> memref<10112xi32, #tpu.memory_space<hbm>>
      %dma_wait3A_77 = tpu.memref_slice %arg4[%multiple_of3A] : memref<320000xi32, #tpu.memory_space<hbm>> -> memref<10112xi32, #tpu.memory_space<hbm>>
      %dma_wait3A_78 = arith.constant 0 : i32
      %dma_wait3A_79 = tpu.memref_slice %arg6[%dma_wait3A_72, %dma_wait3A_78] : memref<2x10112xi32, #tpu.memory_space<vmem>> -> memref<1x10112xi32, #tpu.memory_space<vmem>>
      %dma_wait3A_80 = tpu.memref_squeeze %dma_wait3A_79 : memref<1x10112xi32, #tpu.memory_space<vmem>> -> memref<10112xi32, #tpu.memory_space<vmem>>
      tpu.wait_dma2 semaphore(%arg11 : memref<!tpu.dma_semaphore, #tpu.memory_space<semaphore_mem>>) src(%dma_wait3A_80 : memref<10112xi32, #tpu.memory_space<vmem>>) dst(%dma_wait3A_77 : memref<10112xi32, #tpu.memory_space<hbm>>)
    } else {
    }
    %ge3A = arith.constant 4 : i32
    %ge3A_13 = arith.cmpi sge, %add3A, %ge3A : i32
    %convert_element_type3A_14 = arith.extui %ge3A_13 : i1 to i32
    %cond3A_15 = arith.constant 0 : i32
    %cond3A_16 = arith.cmpi ne, %convert_element_type3A_14, %cond3A_15 : i32
    scf.if %cond3A_16 {
      %dma_start3A = arith.constant 0 : i32
      %dma_start3A_17 = arith.constant 0 : i32
      %dma_start3A_18 = tpu.memref_slice %arg6[%dma_start3A, %dma_start3A_17] : memref<2x10112xi32, #tpu.memory_space<vmem>> -> memref<2x9984xi32, #tpu.memory_space<vmem>>
      %dma_start3A_19 = arith.constant 0 : i32
      %dma_start3A_20 = tpu.memref_slice %arg2[%dma_start3A_19, %multiple_of3A] : memref<2x320000xi32, #tpu.memory_space<hbm>> -> memref<2x9984xi32, #tpu.memory_space<hbm>>
      %dma_start3A_21 = arith.constant 0 : i32
      %dma_start3A_22 = arith.constant 0 : i32
      %dma_start3A_23 = tpu.memref_slice %arg6[%dma_start3A_21, %dma_start3A_22] : memref<2x10112xi32, #tpu.memory_space<vmem>> -> memref<2x9984xi32, #tpu.memory_space<vmem>>
      %dma_start3A_24 = arith.constant 0 : i32
      %dma_start3A_25 = tpu.memref_slice %arg2[%dma_start3A_24, %multiple_of3A] : memref<2x320000xi32, #tpu.memory_space<hbm>> -> memref<2x9984xi32, #tpu.memory_space<hbm>>
      tpu.enqueue_dma source(%dma_start3A_25 : memref<2x9984xi32, #tpu.memory_space<hbm>>) target(%dma_start3A_23 : memref<2x9984xi32, #tpu.memory_space<vmem>>) target_semaphore(%arg11 : memref<!tpu.dma_semaphore, #tpu.memory_space<semaphore_mem>>)
      %broadcast_in_dim3A_26 = arith.constant 0.000000e+00 : f32
      %broadcast_in_dim3A_27 = vector.broadcast %broadcast_in_dim3A_26 : f32 to vector<16xf32>
      %parallel_loop3A = arith.constant 0 : i32
      %parallel_loop3A_28 = arith.constant 80 : i32
      %parallel_loop3A_29 = arith.constant 1 : i32
      scf.for %parallel_loop3A_81 = %parallel_loop3A to %parallel_loop3A_28 step %parallel_loop3A_29  : i32 {
        %parallel_loop3A_82 = arith.constant 8 : i32
        %parallel_loop3A_83 = arith.muli %parallel_loop3A_81, %parallel_loop3A_82 : i32
        %parallel_loop3A_84 = arith.constant 0 : i32
        %parallel_loop3A_85 = arith.addi %parallel_loop3A_83, %parallel_loop3A_84 : i32
        %parallel_loop3A_86 = arith.constant 16 : i32
        %parallel_loop3A_87 = arith.muli %parallel_loop3A_85, %parallel_loop3A_86 : i32
        %parallel_loop3A_88 = arith.index_cast %parallel_loop3A_87 : i32 to index
        %parallel_loop3A_89 = tpu.vector_load %arg7[%parallel_loop3A_88] {strides = array<i32>} : memref<10240xf32, #tpu.memory_space<vmem>>, vector<16xf32>,
        tpu.vector_store %arg7[%parallel_loop3A_88], %broadcast_in_dim3A_27 {strides = array<i32>} : memref<10240xf32, #tpu.memory_space<vmem>>, vector<16xf32>,
        %parallel_loop3A_90 = arith.constant 8 : i32
        %parallel_loop3A_91 = arith.muli %parallel_loop3A_81, %parallel_loop3A_90 : i32
        %parallel_loop3A_92 = arith.constant 0 : i32
        %parallel_loop3A_93 = arith.addi %parallel_loop3A_91, %parallel_loop3A_92 : i32
        %parallel_loop3A_94 = arith.constant 16 : i32
        %parallel_loop3A_95 = arith.muli %parallel_loop3A_93, %parallel_loop3A_94 : i32
        %parallel_loop3A_96 = arith.index_cast %parallel_loop3A_95 : i32 to index
        %parallel_loop3A_97 = tpu.vector_load %arg8[%parallel_loop3A_96] {strides = array<i32>} : memref<10240xf32, #tpu.memory_space<vmem>>, vector<16xf32>,
        tpu.vector_store %arg8[%parallel_loop3A_96], %broadcast_in_dim3A_27 {strides = array<i32>} : memref<10240xf32, #tpu.memory_space<vmem>>, vector<16xf32>,
        %parallel_loop3A_98 = arith.constant 8 : i32
        %parallel_loop3A_99 = arith.muli %parallel_loop3A_81, %parallel_loop3A_98 : i32
        %parallel_loop3A_100 = arith.constant 0 : i32
        %parallel_loop3A_101 = arith.addi %parallel_loop3A_99, %parallel_loop3A_100 : i32
        %parallel_loop3A_102 = arith.constant 16 : i32
        %parallel_loop3A_103 = arith.muli %parallel_loop3A_101, %parallel_loop3A_102 : i32
        %parallel_loop3A_104 = arith.index_cast %parallel_loop3A_103 : i32 to index
        %parallel_loop3A_105 = tpu.vector_load %arg9[%parallel_loop3A_104] {strides = array<i32>} : memref<10240xf32, #tpu.memory_space<vmem>>, vector<16xf32>,
        tpu.vector_store %arg9[%parallel_loop3A_104], %broadcast_in_dim3A_27 {strides = array<i32>} : memref<10240xf32, #tpu.memory_space<vmem>>, vector<16xf32>,
        %parallel_loop3A_106 = arith.constant 8 : i32
        %parallel_loop3A_107 = arith.muli %parallel_loop3A_81, %parallel_loop3A_106 : i32
        %parallel_loop3A_108 = arith.constant 0 : i32
        %parallel_loop3A_109 = arith.addi %parallel_loop3A_107, %parallel_loop3A_108 : i32
        %parallel_loop3A_110 = arith.constant 16 : i32
        %parallel_loop3A_111 = arith.muli %parallel_loop3A_109, %parallel_loop3A_110 : i32
        %parallel_loop3A_112 = arith.index_cast %parallel_loop3A_111 : i32 to index
        %parallel_loop3A_113 = tpu.vector_load %arg10[%parallel_loop3A_112] {strides = array<i32>} : memref<10240xf32, #tpu.memory_space<vmem>>, vector<16xf32>,
        tpu.vector_store %arg10[%parallel_loop3A_112], %broadcast_in_dim3A_27 {strides = array<i32>} : memref<10240xf32, #tpu.memory_space<vmem>>, vector<16xf32>,
        %parallel_loop3A_114 = arith.constant 8 : i32
        %parallel_loop3A_115 = arith.muli %parallel_loop3A_81, %parallel_loop3A_114 : i32
        %parallel_loop3A_116 = arith.constant 1 : i32
        %parallel_loop3A_117 = arith.addi %parallel_loop3A_115, %parallel_loop3A_116 : i32
        %parallel_loop3A_118 = arith.constant 16 : i32
        %parallel_loop3A_119 = arith.muli %parallel_loop3A_117, %parallel_loop3A_118 : i32
        %parallel_loop3A_120 = arith.index_cast %parallel_loop3A_119 : i32 to index
        %parallel_loop3A_121 = tpu.vector_load %arg7[%parallel_loop3A_120] {strides = array<i32>} : memref<10240xf32, #tpu.memory_space<vmem>>, vector<16xf32>,
        tpu.vector_store %arg7[%parallel_loop3A_120], %broadcast_in_dim3A_27 {strides = array<i32>} : memref<10240xf32, #tpu.memory_space<vmem>>, vector<16xf32>,
        %parallel_loop3A_122 = arith.constant 8 : i32
        %parallel_loop3A_123 = arith.muli %parallel_loop3A_81, %parallel_loop3A_122 : i32
        %parallel_loop3A_124 = arith.constant 1 : i32
        %parallel_loop3A_125 = arith.addi %parallel_loop3A_123, %parallel_loop3A_124 : i32
        %parallel_loop3A_126 = arith.constant 16 : i32
        %parallel_loop3A_127 = arith.muli %parallel_loop3A_125, %parallel_loop3A_126 : i32
        %parallel_loop3A_128 = arith.index_cast %parallel_loop3A_127 : i32 to index
        %parallel_loop3A_129 = tpu.vector_load %arg8[%parallel_loop3A_128] {strides = array<i32>} : memref<10240xf32, #tpu.memory_space<vmem>>, vector<16xf32>,
        tpu.vector_store %arg8[%parallel_loop3A_128], %broadcast_in_dim3A_27 {strides = array<i32>} : memref<10240xf32, #tpu.memory_space<vmem>>, vector<16xf32>,
        %parallel_loop3A_130 = arith.constant 8 : i32
        %parallel_loop3A_131 = arith.muli %parallel_loop3A_81, %parallel_loop3A_130 : i32
        %parallel_loop3A_132 = arith.constant 1 : i32
        %parallel_loop3A_133 = arith.addi %parallel_loop3A_131, %parallel_loop3A_132 : i32
        %parallel_loop3A_134 = arith.constant 16 : i32
        %parallel_loop3A_135 = arith.muli %parallel_loop3A_133, %parallel_loop3A_134 : i32
        %parallel_loop3A_136 = arith.index_cast %parallel_loop3A_135 : i32 to index
        %parallel_loop3A_137 = tpu.vector_load %arg9[%parallel_loop3A_136] {strides = array<i32>} : memref<10240xf32, #tpu.memory_space<vmem>>, vector<16xf32>,
        tpu.vector_store %arg9[%parallel_loop3A_136], %broadcast_in_dim3A_27 {strides = array<i32>} : memref<10240xf32, #tpu.memory_space<vmem>>, vector<16xf32>,
        %parallel_loop3A_138 = arith.constant 8 : i32
        %parallel_loop3A_139 = arith.muli %parallel_loop3A_81, %parallel_loop3A_138 : i32
        %parallel_loop3A_140 = arith.constant 1 : i32
        %parallel_loop3A_141 = arith.addi %parallel_loop3A_139, %parallel_loop3A_140 : i32
        %parallel_loop3A_142 = arith.constant 16 : i32
        %parallel_loop3A_143 = arith.muli %parallel_loop3A_141, %parallel_loop3A_142 : i32
        %parallel_loop3A_144 = arith.index_cast %parallel_loop3A_143 : i32 to index
        %parallel_loop3A_145 = tpu.vector_load %arg10[%parallel_loop3A_144] {strides = array<i32>} : memref<10240xf32, #tpu.memory_space<vmem>>, vector<16xf32>,
        tpu.vector_store %arg10[%parallel_loop3A_144], %broadcast_in_dim3A_27 {strides = array<i32>} : memref<10240xf32, #tpu.memory_space<vmem>>, vector<16xf32>,
        %parallel_loop3A_146 = arith.constant 8 : i32
        %parallel_loop3A_147 = arith.muli %parallel_loop3A_81, %parallel_loop3A_146 : i32
        %parallel_loop3A_148 = arith.constant 2 : i32
        %parallel_loop3A_149 = arith.addi %parallel_loop3A_147, %parallel_loop3A_148 : i32
        %parallel_loop3A_150 = arith.constant 16 : i32
        %parallel_loop3A_151 = arith.muli %parallel_loop3A_149, %parallel_loop3A_150 : i32
        %parallel_loop3A_152 = arith.index_cast %parallel_loop3A_151 : i32 to index
        %parallel_loop3A_153 = tpu.vector_load %arg7[%parallel_loop3A_152] {strides = array<i32>} : memref<10240xf32, #tpu.memory_space<vmem>>, vector<16xf32>,
        tpu.vector_store %arg7[%parallel_loop3A_152], %broadcast_in_dim3A_27 {strides = array<i32>} : memref<10240xf32, #tpu.memory_space<vmem>>, vector<16xf32>,
        %parallel_loop3A_154 = arith.constant 8 : i32
        %parallel_loop3A_155 = arith.muli %parallel_loop3A_81, %parallel_loop3A_154 : i32
        %parallel_loop3A_156 = arith.constant 2 : i32
        %parallel_loop3A_157 = arith.addi %parallel_loop3A_155, %parallel_loop3A_156 : i32
        %parallel_loop3A_158 = arith.constant 16 : i32
        %parallel_loop3A_159 = arith.muli %parallel_loop3A_157, %parallel_loop3A_158 : i32
        %parallel_loop3A_160 = arith.index_cast %parallel_loop3A_159 : i32 to index
        %parallel_loop3A_161 = tpu.vector_load %arg8[%parallel_loop3A_160] {strides = array<i32>} : memref<10240xf32, #tpu.memory_space<vmem>>, vector<16xf32>,
        tpu.vector_store %arg8[%parallel_loop3A_160], %broadcast_in_dim3A_27 {strides = array<i32>} : memref<10240xf32, #tpu.memory_space<vmem>>, vector<16xf32>,
        %parallel_loop3A_162 = arith.constant 8 : i32
        %parallel_loop3A_163 = arith.muli %parallel_loop3A_81, %parallel_loop3A_162 : i32
        %parallel_loop3A_164 = arith.constant 2 : i32
        %parallel_loop3A_165 = arith.addi %parallel_loop3A_163, %parallel_loop3A_164 : i32
        %parallel_loop3A_166 = arith.constant 16 : i32
        %parallel_loop3A_167 = arith.muli %parallel_loop3A_165, %parallel_loop3A_166 : i32
        %parallel_loop3A_168 = arith.index_cast %parallel_loop3A_167 : i32 to index
        %parallel_loop3A_169 = tpu.vector_load %arg9[%parallel_loop3A_168] {strides = array<i32>} : memref<10240xf32, #tpu.memory_space<vmem>>, vector<16xf32>,
        tpu.vector_store %arg9[%parallel_loop3A_168], %broadcast_in_dim3A_27 {strides = array<i32>} : memref<10240xf32, #tpu.memory_space<vmem>>, vector<16xf32>,
        %parallel_loop3A_170 = arith.constant 8 : i32
        %parallel_loop3A_171 = arith.muli %parallel_loop3A_81, %parallel_loop3A_170 : i32
        %parallel_loop3A_172 = arith.constant 2 : i32
        %parallel_loop3A_173 = arith.addi %parallel_loop3A_171, %parallel_loop3A_172 : i32
        %parallel_loop3A_174 = arith.constant 16 : i32
        %parallel_loop3A_175 = arith.muli %parallel_loop3A_173, %parallel_loop3A_174 : i32
        %parallel_loop3A_176 = arith.index_cast %parallel_loop3A_175 : i32 to index
        %parallel_loop3A_177 = tpu.vector_load %arg10[%parallel_loop3A_176] {strides = array<i32>} : memref<10240xf32, #tpu.memory_space<vmem>>, vector<16xf32>,
        tpu.vector_store %arg10[%parallel_loop3A_176], %broadcast_in_dim3A_27 {strides = array<i32>} : memref<10240xf32, #tpu.memory_space<vmem>>, vector<16xf32>,
        %parallel_loop3A_178 = arith.constant 8 : i32
        %parallel_loop3A_179 = arith.muli %parallel_loop3A_81, %parallel_loop3A_178 : i32
        %parallel_loop3A_180 = arith.constant 3 : i32
        %parallel_loop3A_181 = arith.addi %parallel_loop3A_179, %parallel_loop3A_180 : i32
        %parallel_loop3A_182 = arith.constant 16 : i32
        %parallel_loop3A_183 = arith.muli %parallel_loop3A_181, %parallel_loop3A_182 : i32
        %parallel_loop3A_184 = arith.index_cast %parallel_loop3A_183 : i32 to index
        %parallel_loop3A_185 = tpu.vector_load %arg7[%parallel_loop3A_184] {strides = array<i32>} : memref<10240xf32, #tpu.memory_space<vmem>>, vector<16xf32>,
        tpu.vector_store %arg7[%parallel_loop3A_184], %broadcast_in_dim3A_27 {strides = array<i32>} : memref<10240xf32, #tpu.memory_space<vmem>>, vector<16xf32>,
        %parallel_loop3A_186 = arith.constant 8 : i32
        %parallel_loop3A_187 = arith.muli %parallel_loop3A_81, %parallel_loop3A_186 : i32
        %parallel_loop3A_188 = arith.constant 3 : i32
        %parallel_loop3A_189 = arith.addi %parallel_loop3A_187, %parallel_loop3A_188 : i32
        %parallel_loop3A_190 = arith.constant 16 : i32
        %parallel_loop3A_191 = arith.muli %parallel_loop3A_189, %parallel_loop3A_190 : i32
        %parallel_loop3A_192 = arith.index_cast %parallel_loop3A_191 : i32 to index
        %parallel_loop3A_193 = tpu.vector_load %arg8[%parallel_loop3A_192] {strides = array<i32>} : memref<10240xf32, #tpu.memory_space<vmem>>, vector<16xf32>,
        tpu.vector_store %arg8[%parallel_loop3A_192], %broadcast_in_dim3A_27 {strides = array<i32>} : memref<10240xf32, #tpu.memory_space<vmem>>, vector<16xf32>,
        %parallel_loop3A_194 = arith.constant 8 : i32
        %parallel_loop3A_195 = arith.muli %parallel_loop3A_81, %parallel_loop3A_194 : i32
        %parallel_loop3A_196 = arith.constant 3 : i32
        %parallel_loop3A_197 = arith.addi %parallel_loop3A_195, %parallel_loop3A_196 : i32
        %parallel_loop3A_198 = arith.constant 16 : i32
        %parallel_loop3A_199 = arith.muli %parallel_loop3A_197, %parallel_loop3A_198 : i32
        %parallel_loop3A_200 = arith.index_cast %parallel_loop3A_199 : i32 to index
        %parallel_loop3A_201 = tpu.vector_load %arg9[%parallel_loop3A_200] {strides = array<i32>} : memref<10240xf32, #tpu.memory_space<vmem>>, vector<16xf32>,
        tpu.vector_store %arg9[%parallel_loop3A_200], %broadcast_in_dim3A_27 {strides = array<i32>} : memref<10240xf32, #tpu.memory_space<vmem>>, vector<16xf32>,
        %parallel_loop3A_202 = arith.constant 8 : i32
        %parallel_loop3A_203 = arith.muli %parallel_loop3A_81, %parallel_loop3A_202 : i32
        %parallel_loop3A_204 = arith.constant 3 : i32
        %parallel_loop3A_205 = arith.addi %parallel_loop3A_203, %parallel_loop3A_204 : i32
        %parallel_loop3A_206 = arith.constant 16 : i32
        %parallel_loop3A_207 = arith.muli %parallel_loop3A_205, %parallel_loop3A_206 : i32
        %parallel_loop3A_208 = arith.index_cast %parallel_loop3A_207 : i32 to index
        %parallel_loop3A_209 = tpu.vector_load %arg10[%parallel_loop3A_208] {strides = array<i32>} : memref<10240xf32, #tpu.memory_space<vmem>>, vector<16xf32>,
        tpu.vector_store %arg10[%parallel_loop3A_208], %broadcast_in_dim3A_27 {strides = array<i32>} : memref<10240xf32, #tpu.memory_space<vmem>>, vector<16xf32>,
        %parallel_loop3A_210 = arith.constant 8 : i32
        %parallel_loop3A_211 = arith.muli %parallel_loop3A_81, %parallel_loop3A_210 : i32
        %parallel_loop3A_212 = arith.constant 4 : i32
        %parallel_loop3A_213 = arith.addi %parallel_loop3A_211, %parallel_loop3A_212 : i32
        %parallel_loop3A_214 = arith.constant 16 : i32
        %parallel_loop3A_215 = arith.muli %parallel_loop3A_213, %parallel_loop3A_214 : i32
        %parallel_loop3A_216 = arith.index_cast %parallel_loop3A_215 : i32 to index
        %parallel_loop3A_217 = tpu.vector_load %arg7[%parallel_loop3A_216] {strides = array<i32>} : memref<10240xf32, #tpu.memory_space<vmem>>, vector<16xf32>,
        tpu.vector_store %arg7[%parallel_loop3A_216], %broadcast_in_dim3A_27 {strides = array<i32>} : memref<10240xf32, #tpu.memory_space<vmem>>, vector<16xf32>,
        %parallel_loop3A_218 = arith.constant 8 : i32
        %parallel_loop3A_219 = arith.muli %parallel_loop3A_81, %parallel_loop3A_218 : i32
        %parallel_loop3A_220 = arith.constant 4 : i32
        %parallel_loop3A_221 = arith.addi %parallel_loop3A_219, %parallel_loop3A_220 : i32
        %parallel_loop3A_222 = arith.constant 16 : i32
        %parallel_loop3A_223 = arith.muli %parallel_loop3A_221, %parallel_loop3A_222 : i32
        %parallel_loop3A_224 = arith.index_cast %parallel_loop3A_223 : i32 to index
        %parallel_loop3A_225 = tpu.vector_load %arg8[%parallel_loop3A_224] {strides = array<i32>} : memref<10240xf32, #tpu.memory_space<vmem>>, vector<16xf32>,
        tpu.vector_store %arg8[%parallel_loop3A_224], %broadcast_in_dim3A_27 {strides = array<i32>} : memref<10240xf32, #tpu.memory_space<vmem>>, vector<16xf32>,
        %parallel_loop3A_226 = arith.constant 8 : i32
        %parallel_loop3A_227 = arith.muli %parallel_loop3A_81, %parallel_loop3A_226 : i32
        %parallel_loop3A_228 = arith.constant 4 : i32
        %parallel_loop3A_229 = arith.addi %parallel_loop3A_227, %parallel_loop3A_228 : i32
        %parallel_loop3A_230 = arith.constant 16 : i32
        %parallel_loop3A_231 = arith.muli %parallel_loop3A_229, %parallel_loop3A_230 : i32
        %parallel_loop3A_232 = arith.index_cast %parallel_loop3A_231 : i32 to index
        %parallel_loop3A_233 = tpu.vector_load %arg9[%parallel_loop3A_232] {strides = array<i32>} : memref<10240xf32, #tpu.memory_space<vmem>>, vector<16xf32>,
        tpu.vector_store %arg9[%parallel_loop3A_232], %broadcast_in_dim3A_27 {strides = array<i32>} : memref<10240xf32, #tpu.memory_space<vmem>>, vector<16xf32>,
        %parallel_loop3A_234 = arith.constant 8 : i32
        %parallel_loop3A_235 = arith.muli %parallel_loop3A_81, %parallel_loop3A_234 : i32
        %parallel_loop3A_236 = arith.constant 4 : i32
        %parallel_loop3A_237 = arith.addi %parallel_loop3A_235, %parallel_loop3A_236 : i32
        %parallel_loop3A_238 = arith.constant 16 : i32
        %parallel_loop3A_239 = arith.muli %parallel_loop3A_237, %parallel_loop3A_238 : i32
        %parallel_loop3A_240 = arith.index_cast %parallel_loop3A_239 : i32 to index
        %parallel_loop3A_241 = tpu.vector_load %arg10[%parallel_loop3A_240] {strides = array<i32>} : memref<10240xf32, #tpu.memory_space<vmem>>, vector<16xf32>,
        tpu.vector_store %arg10[%parallel_loop3A_240], %broadcast_in_dim3A_27 {strides = array<i32>} : memref<10240xf32, #tpu.memory_space<vmem>>, vector<16xf32>,
        %parallel_loop3A_242 = arith.constant 8 : i32
        %parallel_loop3A_243 = arith.muli %parallel_loop3A_81, %parallel_loop3A_242 : i32
        %parallel_loop3A_244 = arith.constant 5 : i32
        %parallel_loop3A_245 = arith.addi %parallel_loop3A_243, %parallel_loop3A_244 : i32
        %parallel_loop3A_246 = arith.constant 16 : i32
        %parallel_loop3A_247 = arith.muli %parallel_loop3A_245, %parallel_loop3A_246 : i32
        %parallel_loop3A_248 = arith.index_cast %parallel_loop3A_247 : i32 to index
        %parallel_loop3A_249 = tpu.vector_load %arg7[%parallel_loop3A_248] {strides = array<i32>} : memref<10240xf32, #tpu.memory_space<vmem>>, vector<16xf32>,
        tpu.vector_store %arg7[%parallel_loop3A_248], %broadcast_in_dim3A_27 {strides = array<i32>} : memref<10240xf32, #tpu.memory_space<vmem>>, vector<16xf32>,
        %parallel_loop3A_250 = arith.constant 8 : i32
        %parallel_loop3A_251 = arith.muli %parallel_loop3A_81, %parallel_loop3A_250 : i32
        %parallel_loop3A_252 = arith.constant 5 : i32
        %parallel_loop3A_253 = arith.addi %parallel_loop3A_251, %parallel_loop3A_252 : i32
        %parallel_loop3A_254 = arith.constant 16 : i32
        %parallel_loop3A_255 = arith.muli %parallel_loop3A_253, %parallel_loop3A_254 : i32
        %parallel_loop3A_256 = arith.index_cast %parallel_loop3A_255 : i32 to index
        %parallel_loop3A_257 = tpu.vector_load %arg8[%parallel_loop3A_256] {strides = array<i32>} : memref<10240xf32, #tpu.memory_space<vmem>>, vector<16xf32>,
        tpu.vector_store %arg8[%parallel_loop3A_256], %broadcast_in_dim3A_27 {strides = array<i32>} : memref<10240xf32, #tpu.memory_space<vmem>>, vector<16xf32>,
        %parallel_loop3A_258 = arith.constant 8 : i32
        %parallel_loop3A_259 = arith.muli %parallel_loop3A_81, %parallel_loop3A_258 : i32
        %parallel_loop3A_260 = arith.constant 5 : i32
        %parallel_loop3A_261 = arith.addi %parallel_loop3A_259, %parallel_loop3A_260 : i32
        %parallel_loop3A_262 = arith.constant 16 : i32
        %parallel_loop3A_263 = arith.muli %parallel_loop3A_261, %parallel_loop3A_262 : i32
        %parallel_loop3A_264 = arith.index_cast %parallel_loop3A_263 : i32 to index
        %parallel_loop3A_265 = tpu.vector_load %arg9[%parallel_loop3A_264] {strides = array<i32>} : memref<10240xf32, #tpu.memory_space<vmem>>, vector<16xf32>,
        tpu.vector_store %arg9[%parallel_loop3A_264], %broadcast_in_dim3A_27 {strides = array<i32>} : memref<10240xf32, #tpu.memory_space<vmem>>, vector<16xf32>,
        %parallel_loop3A_266 = arith.constant 8 : i32
        %parallel_loop3A_267 = arith.muli %parallel_loop3A_81, %parallel_loop3A_266 : i32
        %parallel_loop3A_268 = arith.constant 5 : i32
        %parallel_loop3A_269 = arith.addi %parallel_loop3A_267, %parallel_loop3A_268 : i32
        %parallel_loop3A_270 = arith.constant 16 : i32
        %parallel_loop3A_271 = arith.muli %parallel_loop3A_269, %parallel_loop3A_270 : i32
        %parallel_loop3A_272 = arith.index_cast %parallel_loop3A_271 : i32 to index
        %parallel_loop3A_273 = tpu.vector_load %arg10[%parallel_loop3A_272] {strides = array<i32>} : memref<10240xf32, #tpu.memory_space<vmem>>, vector<16xf32>,
        tpu.vector_store %arg10[%parallel_loop3A_272], %broadcast_in_dim3A_27 {strides = array<i32>} : memref<10240xf32, #tpu.memory_space<vmem>>, vector<16xf32>,
        %parallel_loop3A_274 = arith.constant 8 : i32
        %parallel_loop3A_275 = arith.muli %parallel_loop3A_81, %parallel_loop3A_274 : i32
        %parallel_loop3A_276 = arith.constant 6 : i32
        %parallel_loop3A_277 = arith.addi %parallel_loop3A_275, %parallel_loop3A_276 : i32
        %parallel_loop3A_278 = arith.constant 16 : i32
        %parallel_loop3A_279 = arith.muli %parallel_loop3A_277, %parallel_loop3A_278 : i32
        %parallel_loop3A_280 = arith.index_cast %parallel_loop3A_279 : i32 to index
        %parallel_loop3A_281 = tpu.vector_load %arg7[%parallel_loop3A_280] {strides = array<i32>} : memref<10240xf32, #tpu.memory_space<vmem>>, vector<16xf32>,
        tpu.vector_store %arg7[%parallel_loop3A_280], %broadcast_in_dim3A_27 {strides = array<i32>} : memref<10240xf32, #tpu.memory_space<vmem>>, vector<16xf32>,
        %parallel_loop3A_282 = arith.constant 8 : i32
        %parallel_loop3A_283 = arith.muli %parallel_loop3A_81, %parallel_loop3A_282 : i32
        %parallel_loop3A_284 = arith.constant 6 : i32
        %parallel_loop3A_285 = arith.addi %parallel_loop3A_283, %parallel_loop3A_284 : i32
        %parallel_loop3A_286 = arith.constant 16 : i32
        %parallel_loop3A_287 = arith.muli %parallel_loop3A_285, %parallel_loop3A_286 : i32
        %parallel_loop3A_288 = arith.index_cast %parallel_loop3A_287 : i32 to index
        %parallel_loop3A_289 = tpu.vector_load %arg8[%parallel_loop3A_288] {strides = array<i32>} : memref<10240xf32, #tpu.memory_space<vmem>>, vector<16xf32>,
        tpu.vector_store %arg8[%parallel_loop3A_288], %broadcast_in_dim3A_27 {strides = array<i32>} : memref<10240xf32, #tpu.memory_space<vmem>>, vector<16xf32>,
        %parallel_loop3A_290 = arith.constant 8 : i32
        %parallel_loop3A_291 = arith.muli %parallel_loop3A_81, %parallel_loop3A_290 : i32
        %parallel_loop3A_292 = arith.constant 6 : i32
        %parallel_loop3A_293 = arith.addi %parallel_loop3A_291, %parallel_loop3A_292 : i32
        %parallel_loop3A_294 = arith.constant 16 : i32
        %parallel_loop3A_295 = arith.muli %parallel_loop3A_293, %parallel_loop3A_294 : i32
        %parallel_loop3A_296 = arith.index_cast %parallel_loop3A_295 : i32 to index
        %parallel_loop3A_297 = tpu.vector_load %arg9[%parallel_loop3A_296] {strides = array<i32>} : memref<10240xf32, #tpu.memory_space<vmem>>, vector<16xf32>,
        tpu.vector_store %arg9[%parallel_loop3A_296], %broadcast_in_dim3A_27 {strides = array<i32>} : memref<10240xf32, #tpu.memory_space<vmem>>, vector<16xf32>,
        %parallel_loop3A_298 = arith.constant 8 : i32
        %parallel_loop3A_299 = arith.muli %parallel_loop3A_81, %parallel_loop3A_298 : i32
        %parallel_loop3A_300 = arith.constant 6 : i32
        %parallel_loop3A_301 = arith.addi %parallel_loop3A_299, %parallel_loop3A_300 : i32
        %parallel_loop3A_302 = arith.constant 16 : i32
        %parallel_loop3A_303 = arith.muli %parallel_loop3A_301, %parallel_loop3A_302 : i32
        %parallel_loop3A_304 = arith.index_cast %parallel_loop3A_303 : i32 to index
        %parallel_loop3A_305 = tpu.vector_load %arg10[%parallel_loop3A_304] {strides = array<i32>} : memref<10240xf32, #tpu.memory_space<vmem>>, vector<16xf32>,
        tpu.vector_store %arg10[%parallel_loop3A_304], %broadcast_in_dim3A_27 {strides = array<i32>} : memref<10240xf32, #tpu.memory_space<vmem>>, vector<16xf32>,
        %parallel_loop3A_306 = arith.constant 8 : i32
        %parallel_loop3A_307 = arith.muli %parallel_loop3A_81, %parallel_loop3A_306 : i32
        %parallel_loop3A_308 = arith.constant 7 : i32
        %parallel_loop3A_309 = arith.addi %parallel_loop3A_307, %parallel_loop3A_308 : i32
        %parallel_loop3A_310 = arith.constant 16 : i32
        %parallel_loop3A_311 = arith.muli %parallel_loop3A_309, %parallel_loop3A_310 : i32
        %parallel_loop3A_312 = arith.index_cast %parallel_loop3A_311 : i32 to index
        %parallel_loop3A_313 = tpu.vector_load %arg7[%parallel_loop3A_312] {strides = array<i32>} : memref<10240xf32, #tpu.memory_space<vmem>>, vector<16xf32>,
        tpu.vector_store %arg7[%parallel_loop3A_312], %broadcast_in_dim3A_27 {strides = array<i32>} : memref<10240xf32, #tpu.memory_space<vmem>>, vector<16xf32>,
        %parallel_loop3A_314 = arith.constant 8 : i32
        %parallel_loop3A_315 = arith.muli %parallel_loop3A_81, %parallel_loop3A_314 : i32
        %parallel_loop3A_316 = arith.constant 7 : i32
        %parallel_loop3A_317 = arith.addi %parallel_loop3A_315, %parallel_loop3A_316 : i32
        %parallel_loop3A_318 = arith.constant 16 : i32
        %parallel_loop3A_319 = arith.muli %parallel_loop3A_317, %parallel_loop3A_318 : i32
        %parallel_loop3A_320 = arith.index_cast %parallel_loop3A_319 : i32 to index
        %parallel_loop3A_321 = tpu.vector_load %arg8[%parallel_loop3A_320] {strides = array<i32>} : memref<10240xf32, #tpu.memory_space<vmem>>, vector<16xf32>,
        tpu.vector_store %arg8[%parallel_loop3A_320], %broadcast_in_dim3A_27 {strides = array<i32>} : memref<10240xf32, #tpu.memory_space<vmem>>, vector<16xf32>,
        %parallel_loop3A_322 = arith.constant 8 : i32
        %parallel_loop3A_323 = arith.muli %parallel_loop3A_81, %parallel_loop3A_322 : i32
        %parallel_loop3A_324 = arith.constant 7 : i32
        %parallel_loop3A_325 = arith.addi %parallel_loop3A_323, %parallel_loop3A_324 : i32
        %parallel_loop3A_326 = arith.constant 16 : i32
        %parallel_loop3A_327 = arith.muli %parallel_loop3A_325, %parallel_loop3A_326 : i32
        %parallel_loop3A_328 = arith.index_cast %parallel_loop3A_327 : i32 to index
        %parallel_loop3A_329 = tpu.vector_load %arg9[%parallel_loop3A_328] {strides = array<i32>} : memref<10240xf32, #tpu.memory_space<vmem>>, vector<16xf32>,
        tpu.vector_store %arg9[%parallel_loop3A_328], %broadcast_in_dim3A_27 {strides = array<i32>} : memref<10240xf32, #tpu.memory_space<vmem>>, vector<16xf32>,
        %parallel_loop3A_330 = arith.constant 8 : i32
        %parallel_loop3A_331 = arith.muli %parallel_loop3A_81, %parallel_loop3A_330 : i32
        %parallel_loop3A_332 = arith.constant 7 : i32
        %parallel_loop3A_333 = arith.addi %parallel_loop3A_331, %parallel_loop3A_332 : i32
        %parallel_loop3A_334 = arith.constant 16 : i32
        %parallel_loop3A_335 = arith.muli %parallel_loop3A_333, %parallel_loop3A_334 : i32
        %parallel_loop3A_336 = arith.index_cast %parallel_loop3A_335 : i32 to index
        %parallel_loop3A_337 = tpu.vector_load %arg10[%parallel_loop3A_336] {strides = array<i32>} : memref<10240xf32, #tpu.memory_space<vmem>>, vector<16xf32>,
        tpu.vector_store %arg10[%parallel_loop3A_336], %broadcast_in_dim3A_27 {strides = array<i32>} : memref<10240xf32, #tpu.memory_space<vmem>>, vector<16xf32>,
      } {sc.loop_unroll_factor = 1 : i64, sc.parallel_access}
      %dma_wait3A = arith.constant 0 : i32
      %dma_wait3A_30 = arith.constant 0 : i32
      %dma_wait3A_31 = tpu.memref_slice %arg6[%dma_wait3A, %dma_wait3A_30] : memref<2x10112xi32, #tpu.memory_space<vmem>> -> memref<2x9984xi32, #tpu.memory_space<vmem>>
      %dma_wait3A_32 = arith.constant 0 : i32
      %dma_wait3A_33 = tpu.memref_slice %arg2[%dma_wait3A_32, %multiple_of3A] : memref<2x320000xi32, #tpu.memory_space<hbm>> -> memref<2x9984xi32, #tpu.memory_space<hbm>>
      %dma_wait3A_34 = arith.constant 0 : i32
      %dma_wait3A_35 = arith.constant 0 : i32
      %dma_wait3A_36 = tpu.memref_slice %arg6[%dma_wait3A_34, %dma_wait3A_35] : memref<2x10112xi32, #tpu.memory_space<vmem>> -> memref<2x9984xi32, #tpu.memory_space<vmem>>
      %dma_wait3A_37 = arith.constant 0 : i32
      %dma_wait3A_38 = tpu.memref_slice %arg2[%dma_wait3A_37, %multiple_of3A] : memref<2x320000xi32, #tpu.memory_space<hbm>> -> memref<2x9984xi32, #tpu.memory_space<hbm>>
      tpu.wait_dma2 semaphore(%arg11 : memref<!tpu.dma_semaphore, #tpu.memory_space<semaphore_mem>>) src(%dma_wait3A_38 : memref<2x9984xi32, #tpu.memory_space<hbm>>) dst(%dma_wait3A_36 : memref<2x9984xi32, #tpu.memory_space<vmem>>)
      %parallel_loop3A_39 = arith.constant 0 : i32
      %parallel_loop3A_40 = arith.constant 156 : i32
      %parallel_loop3A_41 = arith.constant 1 : i32
      scf.for %parallel_loop3A_81 = %parallel_loop3A_39 to %parallel_loop3A_40 step %parallel_loop3A_41  : i32 {
        %parallel_loop3A_82 = arith.constant 4 : i32
        %parallel_loop3A_83 = arith.muli %parallel_loop3A_81, %parallel_loop3A_82 : i32
        %parallel_loop3A_84 = arith.constant 0 : i32
        %parallel_loop3A_85 = arith.addi %parallel_loop3A_83, %parallel_loop3A_84 : i32
        %parallel_loop3A_86 = arith.constant 16 : i32
        %parallel_loop3A_87 = arith.muli %parallel_loop3A_85, %parallel_loop3A_86 : i32
        %parallel_loop3A_88 = arith.constant 1 : i32
        %parallel_loop3A_89 = arith.index_cast %parallel_loop3A_88 : i32 to index
        %parallel_loop3A_90 = arith.index_cast %parallel_loop3A_87 : i32 to index
        %parallel_loop3A_91 = tpu.vector_load %arg6[%parallel_loop3A_89, %parallel_loop3A_90] {strides = array<i32>} : memref<2x10112xi32, #tpu.memory_space<vmem>>, vector<16xi32>,
        tpu.vector_store_idx %arg7[%parallel_loop3A_91], %broadcast_in_dim3A_9 {add = true} : memref<10240xf32, #tpu.memory_space<vmem>>[vector<16xi32>], vector<16xf32>,
        %parallel_loop3A_92 = arith.constant 4 : i32
        %parallel_loop3A_93 = arith.muli %parallel_loop3A_81, %parallel_loop3A_92 : i32
        %parallel_loop3A_94 = arith.constant 1 : i32
        %parallel_loop3A_95 = arith.addi %parallel_loop3A_93, %parallel_loop3A_94 : i32
        %parallel_loop3A_96 = arith.constant 16 : i32
        %parallel_loop3A_97 = arith.muli %parallel_loop3A_95, %parallel_loop3A_96 : i32
        %parallel_loop3A_98 = arith.constant 1 : i32
        %parallel_loop3A_99 = arith.index_cast %parallel_loop3A_98 : i32 to index
        %parallel_loop3A_100 = arith.index_cast %parallel_loop3A_97 : i32 to index
        %parallel_loop3A_101 = tpu.vector_load %arg6[%parallel_loop3A_99, %parallel_loop3A_100] {strides = array<i32>} : memref<2x10112xi32, #tpu.memory_space<vmem>>, vector<16xi32>,
        tpu.vector_store_idx %arg8[%parallel_loop3A_101], %broadcast_in_dim3A_9 {add = true} : memref<10240xf32, #tpu.memory_space<vmem>>[vector<16xi32>], vector<16xf32>,
        %parallel_loop3A_102 = arith.constant 4 : i32
        %parallel_loop3A_103 = arith.muli %parallel_loop3A_81, %parallel_loop3A_102 : i32
        %parallel_loop3A_104 = arith.constant 2 : i32
        %parallel_loop3A_105 = arith.addi %parallel_loop3A_103, %parallel_loop3A_104 : i32
        %parallel_loop3A_106 = arith.constant 16 : i32
        %parallel_loop3A_107 = arith.muli %parallel_loop3A_105, %parallel_loop3A_106 : i32
        %parallel_loop3A_108 = arith.constant 1 : i32
        %parallel_loop3A_109 = arith.index_cast %parallel_loop3A_108 : i32 to index
        %parallel_loop3A_110 = arith.index_cast %parallel_loop3A_107 : i32 to index
        %parallel_loop3A_111 = tpu.vector_load %arg6[%parallel_loop3A_109, %parallel_loop3A_110] {strides = array<i32>} : memref<2x10112xi32, #tpu.memory_space<vmem>>, vector<16xi32>,
        tpu.vector_store_idx %arg9[%parallel_loop3A_111], %broadcast_in_dim3A_9 {add = true} : memref<10240xf32, #tpu.memory_space<vmem>>[vector<16xi32>], vector<16xf32>,
        %parallel_loop3A_112 = arith.constant 4 : i32
        %parallel_loop3A_113 = arith.muli %parallel_loop3A_81, %parallel_loop3A_112 : i32
        %parallel_loop3A_114 = arith.constant 3 : i32
        %parallel_loop3A_115 = arith.addi %parallel_loop3A_113, %parallel_loop3A_114 : i32
        %parallel_loop3A_116 = arith.constant 16 : i32
        %parallel_loop3A_117 = arith.muli %parallel_loop3A_115, %parallel_loop3A_116 : i32
        %parallel_loop3A_118 = arith.constant 1 : i32
        %parallel_loop3A_119 = arith.index_cast %parallel_loop3A_118 : i32 to index
        %parallel_loop3A_120 = arith.index_cast %parallel_loop3A_117 : i32 to index
        %parallel_loop3A_121 = tpu.vector_load %arg6[%parallel_loop3A_119, %parallel_loop3A_120] {strides = array<i32>} : memref<2x10112xi32, #tpu.memory_space<vmem>>, vector<16xi32>,
        tpu.vector_store_idx %arg10[%parallel_loop3A_121], %broadcast_in_dim3A_9 {add = true} : memref<10240xf32, #tpu.memory_space<vmem>>[vector<16xi32>], vector<16xf32>,
      } {sc.loop_unroll_factor = 1 : i64, sc.parallel_access}
      %dma_start3A_42 = arith.constant 0 : i32
      %dma_start3A_43 = arith.constant 0 : i32
      %dma_start3A_44 = tpu.memref_slice %arg6[%dma_start3A_42, %dma_start3A_43] : memref<2x10112xi32, #tpu.memory_space<vmem>> -> memref<1x9984xi32, #tpu.memory_space<vmem>>
      %dma_start3A_45 = tpu.memref_squeeze %dma_start3A_44 : memref<1x9984xi32, #tpu.memory_space<vmem>> -> memref<9984xi32, #tpu.memory_space<vmem>>
      %dma_start3A_46 = tpu.memref_slice %arg3[%multiple_of3A] : memref<320000xi32, #tpu.memory_space<hbm>> -> memref<9984xi32, #tpu.memory_space<hbm>>
      %dma_start3A_47 = tpu.memref_slice %arg3[%multiple_of3A] : memref<320000xi32, #tpu.memory_space<hbm>> -> memref<9984xi32, #tpu.memory_space<hbm>>
      %dma_start3A_48 = arith.constant 0 : i32
      %dma_start3A_49 = tpu.memref_slice %arg6[%dma_start3A_42, %dma_start3A_48] : memref<2x10112xi32, #tpu.memory_space<vmem>> -> memref<1x9984xi32, #tpu.memory_space<vmem>>
      %dma_start3A_50 = tpu.memref_squeeze %dma_start3A_49 : memref<1x9984xi32, #tpu.memory_space<vmem>> -> memref<9984xi32, #tpu.memory_space<vmem>>
      tpu.enqueue_dma source(%dma_start3A_50 : memref<9984xi32, #tpu.memory_space<vmem>>) target(%dma_start3A_47 : memref<9984xi32, #tpu.memory_space<hbm>>) target_semaphore(%arg11 : memref<!tpu.dma_semaphore, #tpu.memory_space<semaphore_mem>>)
      %dma_start3A_51 = arith.constant 1 : i32
      %dma_start3A_52 = arith.constant 0 : i32
      %dma_start3A_53 = tpu.memref_slice %arg6[%dma_start3A_51, %dma_start3A_52] : memref<2x10112xi32, #tpu.memory_space<vmem>> -> memref<1x9984xi32, #tpu.memory_space<vmem>>
      %dma_start3A_54 = tpu.memref_squeeze %dma_start3A_53 : memref<1x9984xi32, #tpu.memory_space<vmem>> -> memref<9984xi32, #tpu.memory_space<vmem>>
      %dma_start3A_55 = tpu.memref_slice %arg4[%multiple_of3A] : memref<320000xi32, #tpu.memory_space<hbm>> -> memref<9984xi32, #tpu.memory_space<hbm>>
      %dma_start3A_56 = tpu.memref_slice %arg4[%multiple_of3A] : memref<320000xi32, #tpu.memory_space<hbm>> -> memref<9984xi32, #tpu.memory_space<hbm>>
      %dma_start3A_57 = arith.constant 0 : i32
      %dma_start3A_58 = tpu.memref_slice %arg6[%dma_start3A_51, %dma_start3A_57] : memref<2x10112xi32, #tpu.memory_space<vmem>> -> memref<1x9984xi32, #tpu.memory_space<vmem>>
      %dma_start3A_59 = tpu.memref_squeeze %dma_start3A_58 : memref<1x9984xi32, #tpu.memory_space<vmem>> -> memref<9984xi32, #tpu.memory_space<vmem>>
      tpu.enqueue_dma source(%dma_start3A_59 : memref<9984xi32, #tpu.memory_space<vmem>>) target(%dma_start3A_56 : memref<9984xi32, #tpu.memory_space<hbm>>) target_semaphore(%arg11 : memref<!tpu.dma_semaphore, #tpu.memory_space<semaphore_mem>>)
      %parallel_loop3A_60 = arith.constant 0 : i32
      %parallel_loop3A_61 = arith.constant 160 : i32
      %parallel_loop3A_62 = arith.constant 1 : i32
      scf.for %parallel_loop3A_81 = %parallel_loop3A_60 to %parallel_loop3A_61 step %parallel_loop3A_62  : i32 {
        %parallel_loop3A_82 = arith.constant 4 : i32
        %parallel_loop3A_83 = arith.muli %parallel_loop3A_81, %parallel_loop3A_82 : i32
        %parallel_loop3A_84 = arith.constant 0 : i32
        %parallel_loop3A_85 = arith.addi %parallel_loop3A_83, %parallel_loop3A_84 : i32
        %parallel_loop3A_86 = arith.constant 16 : i32
        %parallel_loop3A_87 = arith.muli %parallel_loop3A_85, %parallel_loop3A_86 : i32
        %parallel_loop3A_88 = arith.index_cast %parallel_loop3A_87 : i32 to index
        %parallel_loop3A_89 = tpu.vector_load %arg7[%parallel_loop3A_88] {strides = array<i32>} : memref<10240xf32, #tpu.memory_space<vmem>>, vector<16xf32>,
        %parallel_loop3A_90 = arith.index_cast %parallel_loop3A_87 : i32 to index
        %parallel_loop3A_91 = tpu.vector_load %arg8[%parallel_loop3A_90] {strides = array<i32>} : memref<10240xf32, #tpu.memory_space<vmem>>, vector<16xf32>,
        %parallel_loop3A_92 = arith.addf %parallel_loop3A_89, %parallel_loop3A_91 : vector<16xf32>
        %parallel_loop3A_93 = arith.index_cast %parallel_loop3A_87 : i32 to index
        %parallel_loop3A_94 = tpu.vector_load %arg9[%parallel_loop3A_93] {strides = array<i32>} : memref<10240xf32, #tpu.memory_space<vmem>>, vector<16xf32>,
        %parallel_loop3A_95 = arith.index_cast %parallel_loop3A_87 : i32 to index
        %parallel_loop3A_96 = tpu.vector_load %arg10[%parallel_loop3A_95] {strides = array<i32>} : memref<10240xf32, #tpu.memory_space<vmem>>, vector<16xf32>,
        %parallel_loop3A_97 = arith.addf %parallel_loop3A_94, %parallel_loop3A_96 : vector<16xf32>
        %parallel_loop3A_98 = arith.addf %parallel_loop3A_92, %parallel_loop3A_97 : vector<16xf32>
        %parallel_loop3A_99 = arith.index_cast %parallel_loop3A_87 : i32 to index
        %parallel_loop3A_100 = tpu.vector_load %arg7[%parallel_loop3A_99] {strides = array<i32>} : memref<10240xf32, #tpu.memory_space<vmem>>, vector<16xf32>,
        tpu.vector_store %arg7[%parallel_loop3A_99], %parallel_loop3A_98 {strides = array<i32>} : memref<10240xf32, #tpu.memory_space<vmem>>, vector<16xf32>,
        %parallel_loop3A_101 = arith.constant 4 : i32
        %parallel_loop3A_102 = arith.muli %parallel_loop3A_81, %parallel_loop3A_101 : i32
        %parallel_loop3A_103 = arith.constant 1 : i32
        %parallel_loop3A_104 = arith.addi %parallel_loop3A_102, %parallel_loop3A_103 : i32
        %parallel_loop3A_105 = arith.constant 16 : i32
        %parallel_loop3A_106 = arith.muli %parallel_loop3A_104, %parallel_loop3A_105 : i32
        %parallel_loop3A_107 = arith.index_cast %parallel_loop3A_106 : i32 to index
        %parallel_loop3A_108 = tpu.vector_load %arg7[%parallel_loop3A_107] {strides = array<i32>} : memref<10240xf32, #tpu.memory_space<vmem>>, vector<16xf32>,
        %parallel_loop3A_109 = arith.index_cast %parallel_loop3A_106 : i32 to index
        %parallel_loop3A_110 = tpu.vector_load %arg8[%parallel_loop3A_109] {strides = array<i32>} : memref<10240xf32, #tpu.memory_space<vmem>>, vector<16xf32>,
        %parallel_loop3A_111 = arith.addf %parallel_loop3A_108, %parallel_loop3A_110 : vector<16xf32>
        %parallel_loop3A_112 = arith.index_cast %parallel_loop3A_106 : i32 to index
        %parallel_loop3A_113 = tpu.vector_load %arg9[%parallel_loop3A_112] {strides = array<i32>} : memref<10240xf32, #tpu.memory_space<vmem>>, vector<16xf32>,
        %parallel_loop3A_114 = arith.index_cast %parallel_loop3A_106 : i32 to index
        %parallel_loop3A_115 = tpu.vector_load %arg10[%parallel_loop3A_114] {strides = array<i32>} : memref<10240xf32, #tpu.memory_space<vmem>>, vector<16xf32>,
        %parallel_loop3A_116 = arith.addf %parallel_loop3A_113, %parallel_loop3A_115 : vector<16xf32>
        %parallel_loop3A_117 = arith.addf %parallel_loop3A_111, %parallel_loop3A_116 : vector<16xf32>
        %parallel_loop3A_118 = arith.index_cast %parallel_loop3A_106 : i32 to index
        %parallel_loop3A_119 = tpu.vector_load %arg7[%parallel_loop3A_118] {strides = array<i32>} : memref<10240xf32, #tpu.memory_space<vmem>>, vector<16xf32>,
        tpu.vector_store %arg7[%parallel_loop3A_118], %parallel_loop3A_117 {strides = array<i32>} : memref<10240xf32, #tpu.memory_space<vmem>>, vector<16xf32>,
        %parallel_loop3A_120 = arith.constant 4 : i32
        %parallel_loop3A_121 = arith.muli %parallel_loop3A_81, %parallel_loop3A_120 : i32
        %parallel_loop3A_122 = arith.constant 2 : i32
        %parallel_loop3A_123 = arith.addi %parallel_loop3A_121, %parallel_loop3A_122 : i32
        %parallel_loop3A_124 = arith.constant 16 : i32
        %parallel_loop3A_125 = arith.muli %parallel_loop3A_123, %parallel_loop3A_124 : i32
        %parallel_loop3A_126 = arith.index_cast %parallel_loop3A_125 : i32 to index
        %parallel_loop3A_127 = tpu.vector_load %arg7[%parallel_loop3A_126] {strides = array<i32>} : memref<10240xf32, #tpu.memory_space<vmem>>, vector<16xf32>,
        %parallel_loop3A_128 = arith.index_cast %parallel_loop3A_125 : i32 to index
        %parallel_loop3A_129 = tpu.vector_load %arg8[%parallel_loop3A_128] {strides = array<i32>} : memref<10240xf32, #tpu.memory_space<vmem>>, vector<16xf32>,
        %parallel_loop3A_130 = arith.addf %parallel_loop3A_127, %parallel_loop3A_129 : vector<16xf32>
        %parallel_loop3A_131 = arith.index_cast %parallel_loop3A_125 : i32 to index
        %parallel_loop3A_132 = tpu.vector_load %arg9[%parallel_loop3A_131] {strides = array<i32>} : memref<10240xf32, #tpu.memory_space<vmem>>, vector<16xf32>,
        %parallel_loop3A_133 = arith.index_cast %parallel_loop3A_125 : i32 to index
        %parallel_loop3A_134 = tpu.vector_load %arg10[%parallel_loop3A_133] {strides = array<i32>} : memref<10240xf32, #tpu.memory_space<vmem>>, vector<16xf32>,
        %parallel_loop3A_135 = arith.addf %parallel_loop3A_132, %parallel_loop3A_134 : vector<16xf32>
        %parallel_loop3A_136 = arith.addf %parallel_loop3A_130, %parallel_loop3A_135 : vector<16xf32>
        %parallel_loop3A_137 = arith.index_cast %parallel_loop3A_125 : i32 to index
        %parallel_loop3A_138 = tpu.vector_load %arg7[%parallel_loop3A_137] {strides = array<i32>} : memref<10240xf32, #tpu.memory_space<vmem>>, vector<16xf32>,
        tpu.vector_store %arg7[%parallel_loop3A_137], %parallel_loop3A_136 {strides = array<i32>} : memref<10240xf32, #tpu.memory_space<vmem>>, vector<16xf32>,
        %parallel_loop3A_139 = arith.constant 4 : i32
        %parallel_loop3A_140 = arith.muli %parallel_loop3A_81, %parallel_loop3A_139 : i32
        %parallel_loop3A_141 = arith.constant 3 : i32
        %parallel_loop3A_142 = arith.addi %parallel_loop3A_140, %parallel_loop3A_141 : i32
        %parallel_loop3A_143 = arith.constant 16 : i32
        %parallel_loop3A_144 = arith.muli %parallel_loop3A_142, %parallel_loop3A_143 : i32
        %parallel_loop3A_145 = arith.index_cast %parallel_loop3A_144 : i32 to index
        %parallel_loop3A_146 = tpu.vector_load %arg7[%parallel_loop3A_145] {strides = array<i32>} : memref<10240xf32, #tpu.memory_space<vmem>>, vector<16xf32>,
        %parallel_loop3A_147 = arith.index_cast %parallel_loop3A_144 : i32 to index
        %parallel_loop3A_148 = tpu.vector_load %arg8[%parallel_loop3A_147] {strides = array<i32>} : memref<10240xf32, #tpu.memory_space<vmem>>, vector<16xf32>,
        %parallel_loop3A_149 = arith.addf %parallel_loop3A_146, %parallel_loop3A_148 : vector<16xf32>
        %parallel_loop3A_150 = arith.index_cast %parallel_loop3A_144 : i32 to index
        %parallel_loop3A_151 = tpu.vector_load %arg9[%parallel_loop3A_150] {strides = array<i32>} : memref<10240xf32, #tpu.memory_space<vmem>>, vector<16xf32>,
        %parallel_loop3A_152 = arith.index_cast %parallel_loop3A_144 : i32 to index
        %parallel_loop3A_153 = tpu.vector_load %arg10[%parallel_loop3A_152] {strides = array<i32>} : memref<10240xf32, #tpu.memory_space<vmem>>, vector<16xf32>,
        %parallel_loop3A_154 = arith.addf %parallel_loop3A_151, %parallel_loop3A_153 : vector<16xf32>
        %parallel_loop3A_155 = arith.addf %parallel_loop3A_149, %parallel_loop3A_154 : vector<16xf32>
        %parallel_loop3A_156 = arith.index_cast %parallel_loop3A_144 : i32 to index
        %parallel_loop3A_157 = tpu.vector_load %arg7[%parallel_loop3A_156] {strides = array<i32>} : memref<10240xf32, #tpu.memory_space<vmem>>, vector<16xf32>,
        tpu.vector_store %arg7[%parallel_loop3A_156], %parallel_loop3A_155 {strides = array<i32>} : memref<10240xf32, #tpu.memory_space<vmem>>, vector<16xf32>,
      } {sc.loop_unroll_factor = 1 : i64, sc.parallel_access}
      %dma_wait3A_63 = arith.constant 0 : i32
      %dma_wait3A_64 = arith.constant 0 : i32
      %dma_wait3A_65 = tpu.memref_slice %arg6[%dma_wait3A_63, %dma_wait3A_64] : memref<2x10112xi32, #tpu.memory_space<vmem>> -> memref<1x9984xi32, #tpu.memory_space<vmem>>
      %dma_wait3A_66 = tpu.memref_squeeze %dma_wait3A_65 : memref<1x9984xi32, #tpu.memory_space<vmem>> -> memref<9984xi32, #tpu.memory_space<vmem>>
      %dma_wait3A_67 = tpu.memref_slice %arg3[%multiple_of3A] : memref<320000xi32, #tpu.memory_space<hbm>> -> memref<9984xi32, #tpu.memory_space<hbm>>
      %dma_wait3A_68 = tpu.memref_slice %arg3[%multiple_of3A] : memref<320000xi32, #tpu.memory_space<hbm>> -> memref<9984xi32, #tpu.memory_space<hbm>>
      %dma_wait3A_69 = arith.constant 0 : i32
      %dma_wait3A_70 = tpu.memref_slice %arg6[%dma_wait3A_63, %dma_wait3A_69] : memref<2x10112xi32, #tpu.memory_space<vmem>> -> memref<1x9984xi32, #tpu.memory_space<vmem>>
      %dma_wait3A_71 = tpu.memref_squeeze %dma_wait3A_70 : memref<1x9984xi32, #tpu.memory_space<vmem>> -> memref<9984xi32, #tpu.memory_space<vmem>>
      tpu.wait_dma2 semaphore(%arg11 : memref<!tpu.dma_semaphore, #tpu.memory_space<semaphore_mem>>) src(%dma_wait3A_71 : memref<9984xi32, #tpu.memory_space<vmem>>) dst(%dma_wait3A_68 : memref<9984xi32, #tpu.memory_space<hbm>>)
      %dma_wait3A_72 = arith.constant 1 : i32
      %dma_wait3A_73 = arith.constant 0 : i32
      %dma_wait3A_74 = tpu.memref_slice %arg6[%dma_wait3A_72, %dma_wait3A_73] : memref<2x10112xi32, #tpu.memory_space<vmem>> -> memref<1x9984xi32, #tpu.memory_space<vmem>>
      %dma_wait3A_75 = tpu.memref_squeeze %dma_wait3A_74 : memref<1x9984xi32, #tpu.memory_space<vmem>> -> memref<9984xi32, #tpu.memory_space<vmem>>
      %dma_wait3A_76 = tpu.memref_slice %arg4[%multiple_of3A] : memref<320000xi32, #tpu.memory_space<hbm>> -> memref<9984xi32, #tpu.memory_space<hbm>>
      %dma_wait3A_77 = tpu.memref_slice %arg4[%multiple_of3A] : memref<320000xi32, #tpu.memory_space<hbm>> -> memref<9984xi32, #tpu.memory_space<hbm>>
      %dma_wait3A_78 = arith.constant 0 : i32
      %dma_wait3A_79 = tpu.memref_slice %arg6[%dma_wait3A_72, %dma_wait3A_78] : memref<2x10112xi32, #tpu.memory_space<vmem>> -> memref<1x9984xi32, #tpu.memory_space<vmem>>
      %dma_wait3A_80 = tpu.memref_squeeze %dma_wait3A_79 : memref<1x9984xi32, #tpu.memory_space<vmem>> -> memref<9984xi32, #tpu.memory_space<vmem>>
      tpu.wait_dma2 semaphore(%arg11 : memref<!tpu.dma_semaphore, #tpu.memory_space<semaphore_mem>>) src(%dma_wait3A_80 : memref<9984xi32, #tpu.memory_space<vmem>>) dst(%dma_wait3A_77 : memref<9984xi32, #tpu.memory_space<hbm>>)
    } else {
    }
    "tpu.region"() ({
      %run_scoped3A = tpu.sem_alloc : memref<!tpu.dma_semaphore, #tpu.memory_space<semaphore_mem>>
      %dma_start3A = arith.constant 0 : i32
      %dma_start3A_17 = tpu.memref_slice %arg5[%add3A, %dma_start3A] : memref<32x10240xf32, #tpu.memory_space<hbm>> -> memref<1x10240xf32, #tpu.memory_space<hbm>>
      %dma_start3A_18 = tpu.memref_squeeze %dma_start3A_17 : memref<1x10240xf32, #tpu.memory_space<hbm>> -> memref<10240xf32, #tpu.memory_space<hbm>>
      %dma_start3A_19 = arith.constant 0 : i32
      %dma_start3A_20 = tpu.memref_slice %arg5[%add3A, %dma_start3A_19] : memref<32x10240xf32, #tpu.memory_space<hbm>> -> memref<1x10240xf32, #tpu.memory_space<hbm>>
      %dma_start3A_21 = tpu.memref_squeeze %dma_start3A_20 : memref<1x10240xf32, #tpu.memory_space<hbm>> -> memref<10240xf32, #tpu.memory_space<hbm>>
      tpu.enqueue_dma source(%arg7 : memref<10240xf32, #tpu.memory_space<vmem>>) target(%dma_start3A_21 : memref<10240xf32, #tpu.memory_space<hbm>>) target_semaphore(%run_scoped3A : memref<!tpu.dma_semaphore, #tpu.memory_space<semaphore_mem>>)
      %dma_wait3A = arith.constant 0 : i32
      %dma_wait3A_22 = tpu.memref_slice %arg5[%add3A, %dma_wait3A] : memref<32x10240xf32, #tpu.memory_space<hbm>> -> memref<1x10240xf32, #tpu.memory_space<hbm>>
      %dma_wait3A_23 = tpu.memref_squeeze %dma_wait3A_22 : memref<1x10240xf32, #tpu.memory_space<hbm>> -> memref<10240xf32, #tpu.memory_space<hbm>>
      %dma_wait3A_24 = arith.constant 0 : i32
      %dma_wait3A_25 = tpu.memref_slice %arg5[%add3A, %dma_wait3A_24] : memref<32x10240xf32, #tpu.memory_space<hbm>> -> memref<1x10240xf32, #tpu.memory_space<hbm>>
      %dma_wait3A_26 = tpu.memref_squeeze %dma_wait3A_25 : memref<1x10240xf32, #tpu.memory_space<hbm>> -> memref<10240xf32, #tpu.memory_space<hbm>>
      tpu.wait_dma2 semaphore(%run_scoped3A : memref<!tpu.dma_semaphore, #tpu.memory_space<semaphore_mem>>) src(%arg7 : memref<10240xf32, #tpu.memory_space<vmem>>) dst(%dma_wait3A_26 : memref<10240xf32, #tpu.memory_space<hbm>>)
      tpu.yield
    }) : () -> ()
    return
  }
}

module attributes {stable_mosaic.version = 14 : i64} {
  func.func @k(%arg0: memref<10000x128xf32, #tpu.memory_space<vmem>>, %arg1: memref<8x128xf32, #tpu.memory_space<vmem>>, %arg2: memref<8x10000xf32, #tpu.memory_space<vmem>>) attributes {dimension_semantics = [], scalar_prefetch = 0 : i64, scratch_operands = 0 : i64, tpu.core_type = #tpu.core_type<tc>} {
    %get3A = arith.constant 0 : index
    %get3A_0 = arith.constant 0 : index
    %get3A_1 = vector.load %arg1[%get3A, %get3A_0] : memref<8x128xf32, #tpu.memory_space<vmem>>, vector<8x128xf32>
    %get3A_2 = arith.constant 0 : index
    %get3A_3 = arith.constant 0 : index
    %get3A_4 = vector.load %arg0[%get3A_2, %get3A_3] : memref<10000x128xf32, #tpu.memory_space<vmem>>, vector<10000x128xf32>
    %dot_general3A = arith.constant dense<0.000000e+00> : vector<8x10000xf32>
    %dot_general3A_5 = tpu.matmul %get3A_1, %get3A_4, %dot_general3A {dimension_numbers = #tpu.dot_dimension_numbers<[1], [1], [0], [0], [0, 0, 1, 0], [], []>, transpose_lhs_hint = false} : vector<8x128xf32>, vector<10000x128xf32>, vector<8x10000xf32> -> vector<8x10000xf32>
    %swap3A = arith.constant 0 : index
    %swap3A_6 = arith.constant 0 : index
    %swap3A_7 = vector.load %arg2[%swap3A, %swap3A_6] : memref<8x10000xf32, #tpu.memory_space<vmem>>, vector<8x10000xf32>
    tpu.vector_store %arg2[%swap3A, %swap3A_6], %dot_general3A_5 {strides = array<i32>} : memref<8x10000xf32, #tpu.memory_space<vmem>>, vector<8x10000xf32>,
    return
  }
}

module attributes {stable_mosaic.version = 14 : i64} {
  func.func @k(%arg0: memref<8x10000xf32, #tpu.memory_space<vmem>>, %arg1: memref<32x10240xf32, #tpu.memory_space<vmem>>, %arg2: memref<8x10240xf32, #tpu.memory_space<vmem>>, %arg3: memref<2x10240xf32, #tpu.memory_space<vmem>>) attributes {dimension_semantics = [], scalar_prefetch = 0 : i64, scratch_operands = 0 : i64, tpu.core_type = #tpu.core_type<tc>} {
    %get3A = arith.constant 0 : index
    %get3A_0 = arith.constant 0 : index
    %get3A_1 = vector.load %arg0[%get3A, %get3A_0] : memref<8x10000xf32, #tpu.memory_space<vmem>>, vector<8x10000xf32>
    %get3A_2 = arith.constant 0 : index
    %get3A_3 = arith.constant 0 : index
    %get3A_4 = vector.load %arg1[%get3A_2, %get3A_3] : memref<32x10240xf32, #tpu.memory_space<vmem>>, vector<32x10240xf32>
    %reduce_sum3A = arith.constant dense<0.000000e+00> : vector<10240xf32>
    %reduce_sum3A_5 = vector.multi_reduction <add>, %get3A_4, %reduce_sum3A [0] : vector<32x10240xf32> to vector<10240xf32>
    %slice3A = vector.extract_strided_slice %reduce_sum3A_5 {offsets = [0], sizes = [10000], strides = [1]} : vector<10240xf32> to vector<10000xf32>
    %max3A = arith.constant 1.000000e+00 : f32
    %max3A_6 = vector.broadcast %max3A : f32 to vector<10000xf32>
    %max3A_7 = arith.maximumf %slice3A, %max3A_6 : vector<10000xf32>
    %rsqrt3A = math.rsqrt %max3A_7 : vector<10000xf32>
    %slice3A_8 = vector.extract_strided_slice %get3A_1 {offsets = [0, 0], sizes = [2, 10000], strides = [1, 1]} : vector<8x10000xf32> to vector<2x10000xf32>
    %slice3A_9 = vector.extract_strided_slice %get3A_1 {offsets = [4, 0], sizes = [2, 10000], strides = [1, 1]} : vector<8x10000xf32> to vector<2x10000xf32>
    %sub3A = arith.subf %slice3A_8, %slice3A_9 : vector<2x10000xf32>
    %slice3A_10 = vector.extract_strided_slice %get3A_1 {offsets = [2, 0], sizes = [2, 10000], strides = [1, 1]} : vector<8x10000xf32> to vector<2x10000xf32>
    %broadcast_in_dim3A = vector.shape_cast %rsqrt3A : vector<10000xf32> to vector<1x10000xf32>
    %broadcast_in_dim3A_11 = arith.constant 0.000000e+00 : f32
    %broadcast_in_dim3A_12 = vector.broadcast %broadcast_in_dim3A_11 : f32 to vector<3x10000xf32>
    %concatenate3A = tpu.concatenate %sub3A, %slice3A_10, %broadcast_in_dim3A, %broadcast_in_dim3A_12 in 0 : vector<2x10000xf32>, vector<2x10000xf32>, vector<1x10000xf32>, vector<3x10000xf32> -> vector<8x10000xf32>
    %jit3A = arith.constant 0 : i32
    %convert_element_type3A = arith.sitofp %jit3A : i32 to f32
    %pad3A = vector.broadcast %convert_element_type3A : f32 to vector<8x240xf32>
    %pad3A_13 = tpu.concatenate %concatenate3A, %pad3A in 1 : vector<8x10000xf32>, vector<8x240xf32> -> vector<8x10240xf32>
    %swap3A = arith.constant 0 : index
    %swap3A_14 = arith.constant 0 : index
    %swap3A_15 = vector.load %arg2[%swap3A, %swap3A_14] : memref<8x10240xf32, #tpu.memory_space<vmem>>, vector<8x10240xf32>
    tpu.vector_store %arg2[%swap3A, %swap3A_14], %pad3A_13 {strides = array<i32>} : memref<8x10240xf32, #tpu.memory_space<vmem>>, vector<8x10240xf32>,
    %slice3A_16 = vector.extract_strided_slice %get3A_1 {offsets = [4, 0], sizes = [2, 10000], strides = [1, 1]} : vector<8x10000xf32> to vector<2x10000xf32>
    %broadcast_in_dim3A_17 = vector.shape_cast %rsqrt3A : vector<10000xf32> to vector<1x10000xf32>
    %mul3A = vector.broadcast %broadcast_in_dim3A_17 : vector<1x10000xf32> to vector<2x10000xf32>
    %mul3A_18 = arith.mulf %slice3A_16, %mul3A : vector<2x10000xf32>
    %jit3A_19 = arith.constant 0 : i32
    %convert_element_type3A_20 = arith.sitofp %jit3A_19 : i32 to f32
    %pad3A_21 = vector.broadcast %convert_element_type3A_20 : f32 to vector<2x240xf32>
    %pad3A_22 = tpu.concatenate %mul3A_18, %pad3A_21 in 1 : vector<2x10000xf32>, vector<2x240xf32> -> vector<2x10240xf32>
    %swap3A_23 = arith.constant 0 : index
    %swap3A_24 = arith.constant 0 : index
    %swap3A_25 = vector.load %arg3[%swap3A_23, %swap3A_24] : memref<2x10240xf32, #tpu.memory_space<vmem>>, vector<2x10240xf32>
    tpu.vector_store %arg3[%swap3A_23, %swap3A_24], %pad3A_22 {strides = array<i32>} : memref<2x10240xf32, #tpu.memory_space<vmem>>, vector<2x10240xf32>,
    return
  }
}

module attributes {stable_mosaic.version = 14 : i64} {
  func.func @k(%arg0: memref<8x10240xf32, #tpu.memory_space<vmem>>, %arg1: memref<32x2x10240xf32, #tpu.memory_space<vmem>>, %arg2: memref<2x10240xf32, #tpu.memory_space<vmem>>) attributes {dimension_semantics = [], scalar_prefetch = 0 : i64, scratch_operands = 0 : i64, tpu.core_type = #tpu.core_type<tc>} {
    %get3A = arith.constant 0 : index
    %get3A_0 = arith.constant 0 : index
    %get3A_1 = arith.constant 0 : index
    %get3A_2 = vector.load %arg1[%get3A, %get3A_0, %get3A_1] : memref<32x2x10240xf32, #tpu.memory_space<vmem>>, vector<32x2x10240xf32>
    %reduce_sum3A = arith.constant dense<0.000000e+00> : vector<2x10240xf32>
    %reduce_sum3A_3 = vector.multi_reduction <add>, %get3A_2, %reduce_sum3A [0] : vector<32x2x10240xf32> to vector<2x10240xf32>
    %get3A_4 = arith.constant 2 : index
    %get3A_5 = arith.constant 0 : index
    %get3A_6 = vector.load %arg0[%get3A_4, %get3A_5] : memref<8x10240xf32, #tpu.memory_space<vmem>>, vector<2x10240xf32>
    %get3A_7 = arith.constant 4 : index
    %get3A_8 = arith.constant 0 : index
    %get3A_9 = vector.load %arg0[%get3A_7, %get3A_8] : memref<8x10240xf32, #tpu.memory_space<vmem>>, vector<1x10240xf32>
    %get3A_10 = vector.shape_cast %get3A_9 : vector<1x10240xf32> to vector<10240xf32>
    %broadcast_in_dim3A = vector.shape_cast %get3A_10 : vector<10240xf32> to vector<1x10240xf32>
    %neg3A = arith.constant 0.000000e+00 : f32
    %neg3A_11 = vector.broadcast %neg3A : f32 to vector<2x10240xf32>
    %neg3A_12 = arith.subf %neg3A_11, %get3A_6 : vector<2x10240xf32>
    %mul3A = arith.constant 2.000000e+00 : f32
    %mul3A_13 = vector.broadcast %mul3A : f32 to vector<1x10240xf32>
    %mul3A_14 = arith.mulf %mul3A_13, %broadcast_in_dim3A : vector<1x10240xf32>
    %mul3A_15 = vector.broadcast %mul3A_14 : vector<1x10240xf32> to vector<2x10240xf32>
    %mul3A_16 = arith.mulf %mul3A_15, %reduce_sum3A_3 : vector<2x10240xf32>
    %add3A = arith.addf %neg3A_12, %mul3A_16 : vector<2x10240xf32>
    %mul3A_17 = vector.broadcast %broadcast_in_dim3A : vector<1x10240xf32> to vector<2x10240xf32>
    %mul3A_18 = arith.mulf %add3A, %mul3A_17 : vector<2x10240xf32>
    %swap3A = arith.constant 0 : index
    %swap3A_19 = arith.constant 0 : index
    %swap3A_20 = vector.load %arg2[%swap3A, %swap3A_19] : memref<2x10240xf32, #tpu.memory_space<vmem>>, vector<2x10240xf32>
    tpu.vector_store %arg2[%swap3A, %swap3A_19], %mul3A_18 {strides = array<i32>} : memref<2x10240xf32, #tpu.memory_space<vmem>>, vector<2x10240xf32>,
    return
  }
}

module attributes {stable_mosaic.version = 14 : i64} {
  func.func @k(%arg0: memref<8x10240xf32, #tpu.memory_space<vmem>>, %arg1: memref<32x2x10240xf32, #tpu.memory_space<vmem>>, %arg2: memref<2x10000xf32, #tpu.memory_space<vmem>>) attributes {dimension_semantics = [], scalar_prefetch = 0 : i64, scratch_operands = 0 : i64, tpu.core_type = #tpu.core_type<tc>} {
    %get3A = arith.constant 0 : index
    %get3A_0 = arith.constant 0 : index
    %get3A_1 = arith.constant 0 : index
    %get3A_2 = vector.load %arg1[%get3A, %get3A_0, %get3A_1] : memref<32x2x10240xf32, #tpu.memory_space<vmem>>, vector<32x2x10240xf32>
    %reduce_sum3A = arith.constant dense<0.000000e+00> : vector<2x10240xf32>
    %reduce_sum3A_3 = vector.multi_reduction <add>, %get3A_2, %reduce_sum3A [0] : vector<32x2x10240xf32> to vector<2x10240xf32>
    %get3A_4 = arith.constant 0 : index
    %get3A_5 = arith.constant 0 : index
    %get3A_6 = vector.load %arg0[%get3A_4, %get3A_5] : memref<8x10240xf32, #tpu.memory_space<vmem>>, vector<2x10240xf32>
    %get3A_7 = arith.constant 4 : index
    %get3A_8 = arith.constant 0 : index
    %get3A_9 = vector.load %arg0[%get3A_7, %get3A_8] : memref<8x10240xf32, #tpu.memory_space<vmem>>, vector<1x10240xf32>
    %get3A_10 = vector.shape_cast %get3A_9 : vector<1x10240xf32> to vector<10240xf32>
    %broadcast_in_dim3A = vector.shape_cast %get3A_10 : vector<10240xf32> to vector<1x10240xf32>
    %mul3A = vector.broadcast %broadcast_in_dim3A : vector<1x10240xf32> to vector<2x10240xf32>
    %mul3A_11 = arith.mulf %mul3A, %reduce_sum3A_3 : vector<2x10240xf32>
    %add3A = arith.addf %get3A_6, %mul3A_11 : vector<2x10240xf32>
    %slice3A = vector.extract_strided_slice %add3A {offsets = [0, 0], sizes = [2, 10000], strides = [1, 1]} : vector<2x10240xf32> to vector<2x10000xf32>
    %swap3A = arith.constant 0 : index
    %swap3A_12 = arith.constant 0 : index
    %swap3A_13 = vector.load %arg2[%swap3A, %swap3A_12] : memref<2x10000xf32, #tpu.memory_space<vmem>>, vector<2x10000xf32>
    tpu.vector_store %arg2[%swap3A, %swap3A_12], %slice3A {strides = array<i32>} : memref<2x10000xf32, #tpu.memory_space<vmem>>, vector<2x10000xf32>,
    return
  }
}

</mosaic_0001>

<sc_bundles>
// kernel: kernel.12.cloned.1.call-start
scs
__scs_entry_jumppad:
0x0: {  	(pc) =	sbr.rel $0x88, $3  }
0x1: {  	(tag) =	ssettag $0x0;
	lr =	simm.s32 $0x1  }
0x2: {  	[smem:$0x3F9E] =	sst lr;
	_ =	strace $0xD0000000  }
0x3: {  	_ = 	snop  }
0x4: {  	_ = 	snop  }
0x5: {  	_ = 	snop  }
0x6: {  	_ = 	snop  }
0x7: {  	_ = 	snop  }
__scs_overlays_trampoline_lowered:
0x8: {  	[smem:$0x3FAD] =	sst s0  }
0x9: {  	[smem:$0x3FAE] =	sst s1  }
0xa: {  	[smem:$0x3FAF] =	sst s2  }
0xb: {  	[smem:$0x3FB0] =	sst s3  }
0xc: {  	[smem:$0x3FB1] =	sst s4  }
0xd: {  	[smem:$0x3FB2] =	sst s5  }
0xe: {  	[smem:$0x3FB3] =	sst s6  }
0xf: {  	[smem:$0x3FB4] =	sst s7  }
0x10: {  	[smem:$0x3FB5] =	sst s8  }
0x11: {  	[smem:$0x3FB6] =	sst s9;
	s0 =	simm.s32 @!p0 $0x0  }
0x12: {  	s1 =	sld [smem:$0x3F9C];
	s0 =	simm.s32 @p0 $0x1  }
0x13: {  	[smem:$0x3FB7] =	sst s0;
	s0 =	simm.s32 @!p1 $0x0  }
0x14: {  	s2 =	sld [smem:$0x3F9B];
	s0 =	simm.s32 @p1 $0x1  }
0x15: {  	[smem:$0x3FB8] =	sst s0;
	s0 =	simm.s32 @!p2 $0x0  }
0x16: {  	s3 =	sld [smem:$0x3FDB];
	s0 =	simm.s32 @p2 $0x1  }
0x17: {  	s4 =	simm.s32 $0x1BF5;
	[smem:$0x3FBA] =	sst s0  }
0x18: {  	s0 =	sld [smem:$0x3F9D];
	_ =	swait.ge [sflag:s4], $0x0  }
0x19: {  	s7 =	sld [smem:$0x3F9E]  }
0x1a: {  	s8 =	sadd.s32 $0xFFFFE003, lr  }
0x1b: {  	s9 =	sadd.s32 $0xFFFFFEF7, lr;
	s5 =	simm.s32 $0xFFFFFFFF;
	p2 =	slt.u32 s8, $0xFFFFF086  }
0x1c: {  	p1 =	slt.u32 s9, $0xF7A;
	s5 =	simm.s32 @!p2 $0x0  }
0x1d: {  	s5 =	simm.s32 @p1 $0x1;
	p0 =	seq.s32 s7, s2  }
0x1e: {  	s7 =	smul.u32 @!p0 $0xF7A, s2;
	p2 =	seq.s32 @!p0 s5, $0x0  }
0x1f: {  	s9 =	smul.u32 $0xF7A, s1;
	s8 =	simm.s32 @!p0 $0x1BF5;
	p2 =	por !p2, p0  }
0x20: {  	[sflag:s8] =	ssyncset.s32 @!p0 $0xFFFFF086;
	s6 =	sadd.s32 @!p0 s3, s7;
	s7 =	simm.s32 @!p0 $0x108  }
0x21: {  	s3 =	sadd.s32 s3, s9;
	s6 =	sadd.s32 @!p0 $0x88, s6;
	s7 =	simm.s32 @p2 $0x1082  }
0x22: {  	[simem:s7], [sflag:s8] =	dma.local @!p0 [hbm:s6], $0xF7A  }
0x23: {  	s9 =	sor.u32 $0xD0000000, s2;
	s6 =	simm.s32 $0x108;
	_ =	swait.ge @!p0 [sflag:s8], $0x0  }
0x24: {  	s3 =	sadd.s32 $0x88, s3;
	s6 =	simm.s32 @!p1 $0x1082;
	[sflag:s4] =	ssyncset.s32 $0xFFFFF086  }
0x25: {  	[simem:s6], [sflag:s4] =	dma.local [hbm:s3], $0xF7A  }
0x26: {  	[smem:$0x3F9E] =	sst s1;
	(tag) =	ssettag s2;
	_ =	strace s9  }
0x27: {  	s1 =	sld [smem:$0x3FAE]  }
0x28: {  	s2 =	sld [smem:$0x3FAF]  }
0x29: {  	s4 =	sld [smem:$0x3FB1]  }
0x2a: {  	p0 =	seq.s32 s5, $0x0;
	s5 =	sld [smem:$0x3FB2]  }
0x2b: {  	s6 =	sld [smem:$0x3FB3]  }
0x2c: {  	s7 =	sld [smem:$0x3FB4]  }
0x2d: {  	s3 =	simm.s32 $0x108;
	s8 =	sld [smem:$0x3FB5]  }
0x2e: {  	s3 =	simm.s32 @!p0 $0x1082;
	s9 =	sld [smem:$0x3FB6]  }
0x2f: {  	lr =	sadd.s32 s0, s3;
	s0 =	sld [smem:$0x3FAD]  }
0x30: {  	s3 =	sld [smem:$0x3FB0]  }
0x31: {  	[smem:$0x3FB9] =	sst s10  }
0x32: {  	s10 =	sld [smem:$0x3FB7];
	_ =	sdelay $0x3  }
0x33: {  	p0 =	seq.s32 s10, $0x1;
	s10 =	sld [smem:$0x3FB9];
	_ =	sdelay $0x3  }
0x34: {  	[smem:$0x3FB9] =	sst s10  }
0x35: {  	s10 =	sld [smem:$0x3FB8];
	_ =	sdelay $0x3  }
0x36: {  	p1 =	seq.s32 s10, $0x1;
	s10 =	sld [smem:$0x3FB9];
	_ =	sdelay $0x3  }
0x37: {  	[smem:$0x3FB9] =	sst s10  }
0x38: {  	s10 =	sld [smem:$0x3FBA]  }
0x39: {  	_ = 	snop;
	(pc) =	sbr.ind lr, $3  }
0x3a: {  	_ = 	snop  }
0x3b: {  	_ = 	snop  }
0x3c: {  	p2 =	seq.s32 s10, $0x1;
	s10 =	sld [smem:$0x3FB9]  }
0x3d: {  	_ =	shalt  }
0x3e: {  	_ =	shalt  }
0x3f: {  	_ =	shalt  }
0x40: {  	_ =	shalt  }
0x41: {  	_ =	shalt  }
0x42: {  	_ =	shalt  }
0x43: {  	_ =	shalt  }
0x44: {  	_ =	shalt  }
0x45: {  	_ =	shalt  }
0x46: {  	_ =	shalt  }
0x47: {  	_ =	shalt  }
0x48: {  	_ =	shalt  }
0x49: {  	_ =	shalt  }
0x4a: {  	_ =	shalt  }
0x4b: {  	_ =	shalt  }
0x4c: {  	_ =	shalt  }
0x4d: {  	_ =	shalt  }
0x4e: {  	_ =	shalt  }
0x4f: {  	_ =	shalt  }
0x50: {  	_ =	shalt  }
0x51: {  	_ =	shalt  }
0x52: {  	_ =	shalt  }
0x53: {  	_ =	shalt  }
0x54: {  	_ =	shalt  }
0x55: {  	_ =	shalt  }
0x56: {  	_ =	shalt  }
0x57: {  	_ =	shalt  }
0x58: {  	_ =	shalt  }
0x59: {  	_ =	shalt  }
0x5a: {  	_ =	shalt  }
0x5b: {  	_ =	shalt  }
0x5c: {  	_ =	shalt  }
0x5d: {  	_ =	shalt  }
0x5e: {  	_ =	shalt  }
0x5f: {  	_ =	shalt  }
0x60: {  	_ =	shalt  }
0x61: {  	_ =	shalt  }
0x62: {  	_ =	shalt  }
0x63: {  	_ =	shalt  }
0x64: {  	_ =	shalt  }
0x65: {  	_ =	shalt  }
0x66: {  	_ =	shalt  }
0x67: {  	_ =	shalt  }
0x68: {  	_ =	shalt  }
0x69: {  	_ =	shalt  }
0x6a: {  	_ =	shalt  }
0x6b: {  	_ =	shalt  }
0x6c: {  	_ =	shalt  }
0x6d: {  	_ =	shalt  }
0x6e: {  	_ =	shalt  }
0x6f: {  	_ =	shalt  }
0x70: {  	_ =	shalt  }
0x71: {  	_ =	shalt  }
0x72: {  	_ =	shalt  }
0x73: {  	_ =	shalt  }
0x74: {  	_ =	shalt  }
0x75: {  	_ =	shalt  }
0x76: {  	_ =	shalt  }
0x77: {  	_ =	shalt  }
0x78: {  	_ =	shalt  }
0x79: {  	_ =	shalt  }
0x7a: {  	_ =	shalt  }
0x7b: {  	_ =	shalt  }
0x7c: {  	_ =	shalt  }
0x7d: {  	_ =	shalt  }
0x7e: {  	_ =	shalt  }
0x7f: {  	_ =	shalt  }
0x80: {  	_ =	shalt  }
0x81: {  	_ =	shalt  }
0x82: {  	_ =	shalt  }
0x83: {  	_ =	shalt  }
0x84: {  	_ =	shalt  }
0x85: {  	_ =	shalt  }
0x86: {  	_ =	shalt  }
0x87: {  	_ =	shalt  }
.Lfunc_end0:
.L_simem_size_0:
called_computation.1_lowered:
.L_overlay_start_0:
0x88: {  	s2 =	sld [smem:$0x3FD9]  }
0x89: {  	s3 =	sld [smem:$0x3FFE];
	_ =	sdelay $0x1  }
0x8a: {  	s1 =	srdreg.scid  }
0x8b: {  	s0 =	sand.u32 $0x1, s1  }
0x8c: {  	s16 =	sshll.u32 s0, $0xA;
	s2 =	sadd.s32 s3, s2  }
0x8d: {  	s2 =	sadd.s32 s2, s16  }
0x8e: {  	[smem:$0x3FC5] =	sst s2  }
0x8f: {  	_ = 	snop  }
0x90: {  	(tm) =	ssettm $0x1  }
0x91: {  	s17 =	sld [smem:$0x3FFB];
	_ =	sdelay $0x3  }
0x92: {  	_ =	strace s17  }
0x93: {  	s2 =	sld [smem:$0x3FFC];
	_ =	sdelay $0x3  }
0x94: {  	_ =	strace s2  }
0x95: {  	s2 =	sld [smem:$0x3FFD];
	_ =	sdelay $0x3  }
0x96: {  	_ =	strace s2  }
0x97: {  	_ =	strace $0x8FFFFFFF  }
0x98: {  	s18 =	sld [smem:$0x3FDB];
	_ =	sdelay $0x1  }
0x99: {  	s19 =	simm.s32 $_scs_section_size  }
0x9a: {  	s4 =	simm.s32 $_size__tile_overlayer_lowered;
	s5 =	simm.s32 $_tile_overlayer_lowered  }
0x9b: {  	s22 =	simm.s32 $0x1BFF;
	s21 =	sshll.u32 s5, $0x1;
	s2 =	sadd.s32 s19, s18  }
0x9c: {  	s6 =	simm.s32 $0x0;
	s20 =	sshll.u32 s4, $0x1;
	s4 =	sadd.s32 s21, s2  }
0x9d: {  	[timem:s6], [sflag:s22] =	dma.local [hbm:s4], s20  }
0x9e: {  	_ =	swait.ge [sflag:s22], s20  }
0x9f: {  	s3 =	ssub.s32 $0x0, s20;
	[sflag:s22] =	ssyncset.done $0x0  }
0xa0: {  	[sflag:s22] =	ssyncadd.s32 s3;
	_ =	sdelay $0x1  }
0xa1: {  	s23 =	simm.s32 $0x1B8B  }
0xa2: {  	_ =	swait.ge [sflag:s23], $0x1  }
0xa3: {  	[sflag:s23] =	ssyncset.done $0x0  }
0xa4: {  	s25 =	simm.s32 $0x1B8E;
	s24 =	sld [smem:$0x3FFE];
	[sflag:s23] =	ssyncadd.s32 $0xFFFFFFFF  }
0xa5: {  	s26 =	simm.s32 $execute0_lowered;
	[smem:$0x3FD2] =	sst s25  }
0xa6: {  	s4 =	sshll.u32 s26, $0x1;
	_ =	strace $0x80000049;
	[dreg:$0x1] =	wrdreg $0xFFFFFFFF  }
0xa7: {  	s28 =	simm.s32 $_size_execute0_lowered;
	s2 =	sadd.s32 s2, s4;
	[dreg:$0x0] =	wrdreg $0x0  }
0xa8: {  	s4 =	sshll.u32 s28, $0x1;
	[dreg:$0x2] =	wrdreg s2  }
0xa9: {  	[dreg:$0x3] =	wrdreg s4  }
0xaa: {  	[dreg:$0x4] =	wrdreg $0xC0  }
0xab: {  	_ =	task [dreg:s6], $0x5FFFF  }
0xac: {  	[dreg:$0x1] =	wrdreg $0xFFFFFFFF  }
0xad: {  	[dreg:$0x0] =	wrdreg $0x60  }
0xae: {  	[dreg:$0x2] =	wrdreg s24  }
0xaf: {  	[dreg:$0x3] =	wrdreg $0x9  }
0xb0: {  	_ =	task.clear_ibuf [dreg:s6], $0x4FFFF;
	_ =	strace $0x90000049  }
0xb1: {  	s29 =	simm.s32 $0x9;
	_ =	strace $0x8000004B  }
0xb2: {  	_ =	swait.ge [sflag:s29], $0x1  }
0xb3: {  	[sflag:s29] =	ssyncadd.s32 $0xFFFFFFFF  }
0xb4: {  	_ =	strace $0x9000004B  }
0xb5: {  	_ =	sfence  }
0xb6: {  	s30 =	sld [smem:$0x0];
	_ =	sdelay $0x2  }
0xb7: {  	s31 =	sshll.u32 s1, $0xD;
	s1 =	sshrl.u32 s1, $0x2  }
0xb8: {  	s3 =	sand.u32 $0x4000, s31;
	s1 =	sadd.s32 s1, s30  }
0xb9: {  	s0 =	sor.u32 s3, s0;
	s1 =	sshll.u32 s1, $0x11  }
0xba: {  	s0 =	sor.u32 s1, s0  }
0xbb: {  	s0 =	sadd.s32 $0x8F2B, s0  }
0xbc: {  	[sflag:s0] =	ssyncadd.remote.s32 $0x1  }
0xbd: {  	_ =	sfence.sel $0xFFFF  }
0xbe: {  	[dreg:$0x0] =	wrdreg $0xFFFFFFFF;
	(pc) =	sbr.abs _section_cstart, $3  }
0xbf: {  	[dreg:$0x1] =	wrdreg $0xFFFFFFFF  }
0xc0: {  	_ =	task.clear_ibuf [dreg:s6], $0x2FFFF;
	_ =	strace $0x9FFFFFFF  }
0xc1: {  	(tm) =	ssettm $0x7FFFFFFF  }
tec
execute0_lowered:
.L_overlay_start_1:
0x0: {  	(tag) =	ssettag $0x1  }
0x1: {  	s0 =	srdreg.scid;
	s4 =	rddreg [dreg:$0x0];
	s2 =	simm.s32 $0x0  }
0x2: {  	s11 =	simm.s32 $0x100;
	s12 =	simm.s32 $0x2800;
	s13 =	simm.s32 $0x5000  }
0x3: {  	s14 =	simm.s32 $0x7780;
	s15 =	simm.s32 $0x1;
	s16 =	simm.s32 $0x9F00  }
0x4: {  	s17 =	simm.s32 $0xC700;
	s18 =	simm.s32 $0xEF00;
	s3 =	sand.u32 $0x1, s0  }
0x5: {  	s19 =	simm.s32 $0x11700;
	s0 =	stileid.u32;
	s1 =	sshll.u32 s3, $0x4  }
0x6: {  	s20 =	simm.s32 $0x2;
	s21 =	simm.s32 $0x0;
	s5 =	sor.u32 s0, s1  }
0x7: {  	[smem:$0x7FF] =	sst s2;
	s7 =	ssub.s32 $0x2, s3;
	s6 =	smul.u32 $0x4E2, s5  }
0x8: {  	s3 =	sadd.s32 $0x2200, s4;
	s8 =	sshrl.u32 s7, $0x1;
	s5 =	smul.u32 $0xA00, s5  }
0x9: {  	s1 =	rddreg [dreg:$0x1];
	_ =	strace $0x8000004A;
	s10 =	ssub.s32 s7, s8  }
0xa: {  	s6 =	sadd.s32 s6, s4;
	s9 =	sadd.s32 s5, s4;
	s4 =	sadd.s32 $0x2210, s4  }
0xb: {  	s5 =	sadd.s32 $0xC200, s6;
	s6 =	sadd.s32 $0x16000, s6;
	s7 =	sadd.s32 $0x1FE00, s9  }
0xc: {  	v0 =	vimm.f32 $0.0e+00;
	s8 =	sadd.s32 $0x1FE10, s9;
	s9 =	smax.u32 s10, $0x1;
	s10 =	simm.s32 $0x80  }
.LBB2_1:
0xd: {  	[tilespmem:s2], [sflag:$0x1] =	stream.strided.gather [hbm4b:s3+s10], $0x2800, s11, s10, $0x38;
	[tilespmem:$0x13F00] =	vst v63  }
0xe: {  	_ = 	snop  }
0xf: {  	[tilespmem:s12], [sflag:$0x1] =	stream.strided.gather [hbm4b:s4+s10], $0x2800, s11, s10, $0x38;
	[tilespmem:$0x13F00] =	vst v63  }
0x10: {  	_ = 	snop  }
0x11: {  	[tilespmem:s13], [sflag:$0x1] =	stream.linear.gather [hbm4b:s5+s2], $0x2710, $0x38;
	[tilespmem:$0x13F00] =	vst v63  }
0x12: {  	s22 =	simm.s32 $0x0;
	s23 =	simm.s32 $0x200  }
0x13: {  	[tilespmem:s14], [sflag:$0x1] =	stream.linear.gather [hbm4b:s6+s2], $0x2710, $0x38;
	[tilespmem:$0x13F00] =	vst v63  }
.LBB2_2:
0x14: {  	p0 =	sne.s32 s23, $0x9E00;
	[tilespmem:s22+$0x11770] =	vst v0  }
0x15: {  	[tilespmem:s22+$0x9F00] =	vst v0  }
0x16: {  	[tilespmem:s22+$0xC700] =	vst v0  }
0x17: {  	[tilespmem:s22+$0xEF00] =	vst v0  }
0x18: {  	[tilespmem:s22+$0x11700] =	vst v0  }
0x19: {  	[tilespmem:s22+$0x9F10] =	vst v0  }
0x1a: {  	[tilespmem:s22+$0xC710] =	vst v0  }
0x1b: {  	[tilespmem:s22+$0xEF10] =	vst v0  }
0x1c: {  	[tilespmem:s22+$0x11710] =	vst v0  }
0x1d: {  	[tilespmem:s22+$0x9F20] =	vst v0  }
0x1e: {  	[tilespmem:s22+$0xC720] =	vst v0  }
0x1f: {  	[tilespmem:s22+$0xEF20] =	vst v0  }
0x20: {  	[tilespmem:s22+$0x11720] =	vst v0  }
0x21: {  	[tilespmem:s22+$0x9F30] =	vst v0  }
0x22: {  	[tilespmem:s22+$0xC730] =	vst v0  }
0x23: {  	[tilespmem:s22+$0xEF30] =	vst v0  }
0x24: {  	[tilespmem:s22+$0x11730] =	vst v0  }
0x25: {  	[tilespmem:s22+$0x9F40] =	vst v0  }
0x26: {  	[tilespmem:s22+$0xC740] =	vst v0  }
0x27: {  	[tilespmem:s22+$0xEF40] =	vst v0  }
0x28: {  	[tilespmem:s22+$0x11740] =	vst v0  }
0x29: {  	[tilespmem:s22+$0x9F50] =	vst v0  }
0x2a: {  	[tilespmem:s22+$0xC750] =	vst v0  }
0x2b: {  	[tilespmem:s22+$0xEF50] =	vst v0  }
0x2c: {  	[tilespmem:s22+$0x11750] =	vst v0  }
0x2d: {  	[tilespmem:s22+$0x9F60] =	vst v0  }
0x2e: {  	[tilespmem:s22+$0xC760] =	vst v0  }
.Ltmp0:
0x2f: {  	[tilespmem:s22+$0xEF60] =	vst v0;
	(pc) =	sbr.rel @p0 .LBB2_2-.Ltmp0, $4  }
0x30: {  	[tilespmem:s22+$0x11760] =	vst v0  }
0x31: {  	[tilespmem:s22+$0x9F70] =	vst v0  }
0x32: {  	[tilespmem:s22+$0xC770] =	vst v0  }
0x33: {  	[tilespmem:s22+$0xEF70] =	vst v0;
	s22 =	sshra.s32 s23, $0x2;
	s23 =	sadd.s32 $0x200, s23  }
0x34: {  	[tilespmem:s22+$0x11770] =	vst v0  }
0x35: {  	[tilespmem:s22+$0x9F00] =	vst v0  }
0x36: {  	[tilespmem:s22+$0xC700] =	vst v0  }
0x37: {  	[tilespmem:s22+$0xEF00] =	vst v0  }
0x38: {  	[tilespmem:s22+$0x11700] =	vst v0  }
0x39: {  	[tilespmem:s22+$0x9F10] =	vst v0  }
0x3a: {  	[tilespmem:s22+$0xC710] =	vst v0  }
0x3b: {  	[tilespmem:s22+$0xEF10] =	vst v0  }
0x3c: {  	[tilespmem:s22+$0x11710] =	vst v0  }
0x3d: {  	[tilespmem:s22+$0x9F20] =	vst v0  }
0x3e: {  	[tilespmem:s22+$0xC720] =	vst v0  }
0x3f: {  	[tilespmem:s22+$0xEF20] =	vst v0  }
0x40: {  	[tilespmem:s22+$0x11720] =	vst v0  }
0x41: {  	[tilespmem:s22+$0x9F30] =	vst v0  }
0x42: {  	[tilespmem:s22+$0xC730] =	vst v0  }
0x43: {  	[tilespmem:s22+$0xEF30] =	vst v0  }
0x44: {  	[tilespmem:s22+$0x11730] =	vst v0  }
0x45: {  	[tilespmem:s22+$0x9F40] =	vst v0  }
0x46: {  	[tilespmem:s22+$0xC740] =	vst v0  }
0x47: {  	[tilespmem:s22+$0xEF40] =	vst v0  }
0x48: {  	[tilespmem:s22+$0x11740] =	vst v0  }
0x49: {  	[tilespmem:s22+$0x9F50] =	vst v0  }
0x4a: {  	[tilespmem:s22+$0xC750] =	vst v0  }
0x4b: {  	[tilespmem:s22+$0xEF50] =	vst v0  }
0x4c: {  	[tilespmem:s22+$0x11750] =	vst v0  }
0x4d: {  	[tilespmem:s22+$0x9F60] =	vst v0  }
0x4e: {  	[tilespmem:s22+$0xC760] =	vst v0  }
0x4f: {  	[tilespmem:s22+$0xEF60] =	vst v0  }
0x50: {  	[tilespmem:s22+$0x11760] =	vst v0  }
0x51: {  	[tilespmem:s22+$0x9F70] =	vst v0  }
0x52: {  	[tilespmem:s22+$0xC770] =	vst v0  }
0x53: {  	[tilespmem:s22+$0xEF70] =	vst v0  }
0x54: {  	_ =	swait.ge [sflag:s15], $0x2800  }
0x55: {  	[sflag:s15] =	ssyncset.done $0x0  }
0x56: {  	[sflag:s15] =	ssyncadd.s32 $0xFFFFD800  }
0x57: {  	_ =	swait.ge [sflag:s15], $0x2800  }
0x58: {  	[sflag:s15] =	ssyncset.done $0x0  }
0x59: {  	[sflag:s15] =	ssyncadd.s32 $0xFFFFD800  }
0x5a: {  	_ =	swait.ge [sflag:s15], $0x2710  }
0x5b: {  	[sflag:s15] =	ssyncset.done $0x0  }
0x5c: {  	[sflag:s15] =	ssyncadd.s32 $0xFFFFD8F0  }
0x5d: {  	_ =	swait.ge [sflag:s15], $0x2710  }
0x5e: {  	[sflag:s15] =	ssyncset.done $0x0  }
0x5f: {  	s24 =	simm.s32 $0x0;
	[sflag:s15] =	ssyncadd.s32 $0xFFFFD8F0  }
0x60: {  	v1 =	vld [tilespmem:s24+$0x5000];
	_ =	sdelay $0x4  }
0x61: {  	v2 =	vld [tilespmem:s24+$0x7780];
	_ =	sdelay $0x2  }
0x62: {  	v3 =	vld.idx.msk [tilespmem:v1+s2+$0x0], $0xffff  }
0x63: {  	s22 =	simm.s32 $0x20  }
0x64: {  	v4 =	vld [tilespmem:s22+$0x5000];
	_ =	sdelay $0x2  }
0x65: {  	[tilespmem:v2+s16+$0x0] =	vst.idx.add.f32.msk $0xffff, v3  }
0x66: {  	v1 =	vld.idx.msk [tilespmem:v1+s12+$0x0], $0xffff  }
0x67: {  	v7 =	vld [tilespmem:s22+$0x7780];
	_ =	sdelay $0x2  }
0x68: {  	v3 =	vld.idx.msk [tilespmem:v4+s2+$0x0], $0xffff  }
0x69: {  	[tilespmem:v2+s17+$0x0] =	vst.idx.add.f32.msk $0xffff, v1  }
0x6a: {  	s23 =	simm.s32 $0x40;
	v1 =	vld [tilespmem:s24+$0x5010]  }
0x6b: {  	v5 =	vld [tilespmem:s23+$0x5000];
	_ =	sdelay $0x1  }
0x6c: {  	[tilespmem:v7+s16+$0x0] =	vst.idx.add.f32.msk $0xffff, v3  }
0x6d: {  	v2 =	vld.idx.msk [tilespmem:v4+s12+$0x0], $0xffff  }
0x6e: {  	v3 =	vld [tilespmem:s24+$0x7790];
	_ =	sdelay $0x1  }
0x6f: {  	v8 =	vld [tilespmem:s23+$0x7780]  }
0x70: {  	v6 =	vld.idx.msk [tilespmem:v1+s2+$0x0], $0xffff  }
0x71: {  	v10 =	vld.idx.msk [tilespmem:v5+s2+$0x0], $0xffff  }
0x72: {  	[tilespmem:v7+s17+$0x0] =	vst.idx.add.f32.msk $0xffff, v2  }
0x73: {  	s24 =	simm.s32 $0x60;
	v4 =	vld [tilespmem:s22+$0x5010]  }
0x74: {  	s25 =	simm.s32 $0x200;
	v9 =	vld [tilespmem:s24+$0x5000];
	v7 =	vmov v8;
	v2 =	vmov v3  }
.LBB2_4:
0x75: {  	p0 =	sne.s32 s25, $0x9B80;
	[tilespmem:v3+s18+$0x0] =	vst.idx.add.f32.msk $0xffff, v6  }
0x76: {  	v11 =	vld.idx.msk [tilespmem:v1+s12+$0x0], $0xffff  }
0x77: {  	[tilespmem:v8+s16+$0x0] =	vst.idx.add.f32.msk $0xffff, v10  }
0x78: {  	v12 =	vld.idx.msk [tilespmem:v5+s12+$0x0], $0xffff;
	v1 =	vmov v4  }
0x79: {  	v3 =	vld [tilespmem:s22+$0x7790];
	v5 =	vmov v9;
	s22 =	smov.u32 s23;
	s23 =	smov.u32 s24  }
0x7a: {  	v8 =	vld [tilespmem:s23+$0x7780]  }
0x7b: {  	v6 =	vld.idx.msk [tilespmem:v4+s2+$0x0], $0xffff  }
.Ltmp1:
0x7c: {  	[tilespmem:v2+s19+$0x0] =	vst.idx.add.f32.msk $0xffff, v11;
	(pc) =	sbr.rel @p0 .LBB2_4-.Ltmp1, $4  }
0x7d: {  	v10 =	vld.idx.msk [tilespmem:v9+s2+$0x0], $0xffff  }
0x7e: {  	[tilespmem:v7+s17+$0x0] =	vst.idx.add.f32.msk $0xffff, v12;
	v2 =	vmov v3  }
0x7f: {  	s24 =	sshra.s32 s25, $0x2;
	v4 =	vld [tilespmem:s22+$0x5010];
	v7 =	vmov v8  }
0x80: {  	s25 =	sadd.s32 $0x80, s25;
	v9 =	vld [tilespmem:s24+$0x5000]  }
0x81: {  	_ =	sdelay $0x4  }
0x82: {  	v11 =	vld [tilespmem:s24+$0x7780];
	_ =	sdelay $0x2  }
0x83: {  	v12 =	vld.idx.msk [tilespmem:v9+s2+$0x0], $0xffff;
	_ =	sdelay $0x2  }
0x84: {  	[tilespmem:v8+s16+$0x0] =	vst.idx.add.f32.msk $0xffff, v10  }
0x85: {  	v5 =	vld.idx.msk [tilespmem:v5+s12+$0x0], $0xffff  }
0x86: {  	[tilespmem:v11+s16+$0x0] =	vst.idx.add.f32.msk $0xffff, v12  }
0x87: {  	v8 =	vld.idx.msk [tilespmem:v9+s12+$0x0], $0xffff;
	_ =	sdelay $0x1  }
0x88: {  	v63 =	vld [tilespmem:s22+$0x7790]  }
0x89: {  	[tilespmem:v7+s17+$0x0] =	vst.idx.add.f32.msk $0xffff, v5  }
0x8a: {  	v5 =	vld [tilespmem:s23+$0x5010]  }
0x8b: {  	[tilespmem:v11+s17+$0x0] =	vst.idx.add.f32.msk $0xffff, v8  }
0x8c: {  	v7 =	vld [tilespmem:s24+$0x5010];
	_ =	sdelay $0x1  }
0x8d: {  	v8 =	vld.idx.msk [tilespmem:v4+s2+$0x0], $0xffff  }
0x8e: {  	v10 =	vld [tilespmem:s23+$0x7790]  }
0x8f: {  	[tilespmem:v3+s18+$0x0] =	vst.idx.add.f32.msk $0xffff, v6  }
0x90: {  	v3 =	vld [tilespmem:s24+$0x7790]  }
0x91: {  	v6 =	vld.idx.msk [tilespmem:v5+s2+$0x0], $0xffff  }
0x92: {  	[tilespmem:v63+s18+$0x0] =	vst.idx.add.f32.msk $0xffff, v8  }
0x93: {  	v8 =	vld.idx.msk [tilespmem:v7+s2+$0x0], $0xffff  }
0x94: {  	v1 =	vld.idx.msk [tilespmem:v1+s12+$0x0], $0xffff  }
0x95: {  	v4 =	vld.idx.msk [tilespmem:v4+s12+$0x0], $0xffff  }
0x96: {  	[tilespmem:v10+s18+$0x0] =	vst.idx.add.f32.msk $0xffff, v6  }
0x97: {  	v5 =	vld.idx.msk [tilespmem:v5+s12+$0x0], $0xffff  }
0x98: {  	[tilespmem:v3+s18+$0x0] =	vst.idx.add.f32.msk $0xffff, v8  }
0x99: {  	v6 =	vld.idx.msk [tilespmem:v7+s12+$0x0], $0xffff;
	_ =	sdelay $0x1  }
0x9a: {  	[tilespmem:v2+s19+$0x0] =	vst.idx.add.f32.msk $0xffff, v1  }
0x9b: {  	[tilespmem:v63+s19+$0x0] =	vst.idx.add.f32.msk $0xffff, v4  }
0x9c: {  	[tilespmem:v10+s19+$0x0] =	vst.idx.add.f32.msk $0xffff, v5  }
0x9d: {  	[tilespmem:v3+s19+$0x0] =	vst.idx.add.f32.msk $0xffff, v6  }
0x9e: {  	v1 =	vld [tilespmem:$0x7700];
	_ =	sdelay $0x4  }
0x9f: {  	v2 =	vld [tilespmem:$0x9E80];
	_ =	sdelay $0x1  }
0xa0: {  	s31 =	simm.s32 $0x0  }
0xa1: {  	v3 =	vld.idx.msk [tilespmem:v1+s31+$0x0], $0xffff;
	_ =	sdelay $0x4  }
0xa2: {  	[tilespmem:v2+s16+$0x0] =	vst.idx.add.f32.msk $0xffff, v3  }
0xa3: {  	v1 =	vld.idx.msk [tilespmem:v1+s12+$0x0], $0xffff;
	_ =	sdelay $0x4  }
0xa4: {  	s22 =	simm.s32 $0x0;
	[tilespmem:v2+s17+$0x0] =	vst.idx.add.f32.msk $0xffff, v1  }
0xa5: {  	v1 =	vld [tilespmem:s22+$0xC730]  }
0xa6: {  	v2 =	vld [tilespmem:s22+$0x11730]  }
0xa7: {  	v3 =	vld [tilespmem:s22+$0x9F00]  }
0xa8: {  	v4 =	vld [tilespmem:s22+$0xEF00]  }
0xa9: {  	v5 =	vld [tilespmem:s22+$0xC700]  }
0xaa: {  	v6 =	vld [tilespmem:s22+$0x11700]  }
0xab: {  	v7 =	vld [tilespmem:s22+$0x9F10]  }
0xac: {  	v8 =	vld [tilespmem:s22+$0xC710]  }
0xad: {  	v1 =	vadd.f32 v2, v1;
	v2 =	vld [tilespmem:s22+$0xEF10]  }
0xae: {  	v3 =	vadd.f32 v4, v3;
	v4 =	vld [tilespmem:s22+$0x11710]  }
0xaf: {  	v9 =	vld [tilespmem:s22+$0xEF20]  }
0xb0: {  	[tilespmem:s22+$0xC730] =	vst v1;
	v1 =	vadd.f32 v6, v5;
	v5 =	vld [tilespmem:s22+$0x9F20]  }
0xb1: {  	[tilespmem:s22+$0x9F00] =	vst v3;
	v3 =	vld [tilespmem:s22+$0x11720]  }
0xb2: {  	[tilespmem:s22+$0xC700] =	vst v1;
	v1 =	vld [tilespmem:s22+$0xC720];
	v2 =	vadd.f32 v2, v7  }
0xb3: {  	v7 =	vadd.f32 v4, v8;
	v4 =	vld [tilespmem:s22+$0xEF30]  }
0xb4: {  	s23 =	simm.s32 $0x40;
	[tilespmem:s22+$0x9F10] =	vst v2;
	v2 =	vld [tilespmem:s22+$0x9F30]  }
0xb5: {  	s24 =	simm.s32 $0x200;
	v6 =	vld [tilespmem:s23+$0xC730];
	[tilespmem:s22+$0xC710] =	vst v7;
	v5 =	vadd.f32 v9, v5  }
.LBB2_6:
0xb6: {  	p0 =	sne.s32 s24, $0x9F00;
	v7 =	vld [tilespmem:s23+$0x11730]  }
0xb7: {  	v8 =	vld [tilespmem:s23+$0x9F00];
	[tilespmem:s22+$0x9F20] =	vst v5;
	v1 =	vadd.f32 v3, v1  }
0xb8: {  	v3 =	vld [tilespmem:s23+$0xEF00]  }
0xb9: {  	v5 =	vld [tilespmem:s23+$0xC700];
	[tilespmem:s22+$0xC720] =	vst v1;
	v1 =	vadd.f32 v4, v2  }
0xba: {  	v2 =	vld [tilespmem:s23+$0x11700]  }
0xbb: {  	v4 =	vld [tilespmem:s23+$0x9F10];
	v6 =	vadd.f32 v7, v6;
	[tilespmem:s22+$0x9F30] =	vst v1;
	s22 =	smov.u32 s23  }
0xbc: {  	v1 =	vld [tilespmem:s22+$0xEF10]  }
0xbd: {  	v3 =	vadd.f32 v3, v8;
	v7 =	vld [tilespmem:s22+$0xC710];
	[tilespmem:s22+$0xC730] =	vst v6  }
0xbe: {  	v6 =	vld [tilespmem:s22+$0x11710]  }
0xbf: {  	[tilespmem:s22+$0x9F00] =	vst v3;
	v2 =	vadd.f32 v2, v5;
	v5 =	vld [tilespmem:s22+$0x9F20]  }
0xc0: {  	v8 =	vld [tilespmem:s22+$0xEF20]  }
.Ltmp2:
0xc1: {  	[tilespmem:s22+$0xC700] =	vst v2;
	v2 =	vadd.f32 v1, v4;
	v1 =	vld [tilespmem:s22+$0xC720];
	(pc) =	sbr.rel @p0 .LBB2_6-.Ltmp2, $4  }
0xc2: {  	v3 =	vld [tilespmem:s22+$0x11720]  }
0xc3: {  	[tilespmem:s22+$0x9F10] =	vst v2;
	v7 =	vadd.f32 v6, v7;
	v2 =	vld [tilespmem:s22+$0x9F30]  }
0xc4: {  	s23 =	sshra.s32 s24, $0x2;
	v4 =	vld [tilespmem:s22+$0xEF30]  }
0xc5: {  	s24 =	sadd.s32 $0x100, s24;
	v6 =	vld [tilespmem:s23+$0xC730];
	[tilespmem:s22+$0xC710] =	vst v7;
	v5 =	vadd.f32 v8, v5  }
0xc6: {  	v7 =	vld [tilespmem:s23+$0x11730]  }
0xc7: {  	v8 =	vld [tilespmem:s23+$0x9F00]  }
0xc8: {  	v9 =	vld [tilespmem:s23+$0xEF00]  }
0xc9: {  	v10 =	vld [tilespmem:s23+$0xC700]  }
0xca: {  	v11 =	vld [tilespmem:s23+$0x11700]  }
0xcb: {  	v12 =	vld [tilespmem:s23+$0x9F10]  }
0xcc: {  	v56 =	vld [tilespmem:s23+$0xEF10]  }
0xcd: {  	v13 =	vld [tilespmem:s23+$0xC710]  }
0xce: {  	v57 =	vld [tilespmem:s23+$0x11710]  }
0xcf: {  	v59 =	vld [tilespmem:s23+$0x9F20]  }
0xd0: {  	v60 =	vld [tilespmem:s23+$0xEF20];
	v1 =	vadd.f32 v3, v1  }
0xd1: {  	v61 =	vld [tilespmem:s23+$0xC720];
	[tilespmem:s22+$0x9F20] =	vst v5;
	v2 =	vadd.f32 v4, v2  }
0xd2: {  	v62 =	vld [tilespmem:s23+$0x11720];
	[tilespmem:s22+$0xC720] =	vst v1;
	v6 =	vadd.f32 v7, v6  }
0xd3: {  	v63 =	vld [tilespmem:s23+$0x9F30];
	v8 =	vadd.f32 v9, v8;
	[tilespmem:s22+$0x9F30] =	vst v2  }
0xd4: {  	v3 =	vld [tilespmem:s23+$0xEF30];
	v58 =	vadd.f32 v11, v10;
	[tilespmem:s23+$0xC730] =	vst v6  }
0xd5: {  	v7 =	vadd.f32 v56, v12;
	[tilespmem:s23+$0x9F00] =	vst v8  }
0xd6: {  	v1 =	vadd.f32 v57, v13;
	[tilespmem:s23+$0xC700] =	vst v58  }
0xd7: {  	v2 =	vadd.f32 v60, v59;
	[tilespmem:s23+$0x9F10] =	vst v7  }
0xd8: {  	[tilespmem:s23+$0xC710] =	vst v1;
	v1 =	vadd.f32 v62, v61  }
0xd9: {  	[tilespmem:s23+$0x9F20] =	vst v2;
	v2 =	vadd.f32 v3, v63  }
0xda: {  	[tilespmem:s23+$0xC720] =	vst v1  }
0xdb: {  	[tilespmem:s23+$0x9F30] =	vst v2  }
0xdc: {  	[hbm4b:s7+s10] =	stream.strided.scatter [tilespmem:s16], [sflag:$0x2], $0x2800, s11, s10, $0x38;
	[tilespmem:$0x13F00] =	vst v63  }
0xdd: {  	s21 =	sadd.s32 $0x1, s21;
	_ =	swait.ge [sflag:s20], $0x2800  }
0xde: {  	p0 =	sne.s32 s21, s9;
	[sflag:s20] =	ssyncset.done $0x0  }
.Ltmp3:
0xdf: {  	[sflag:s20] =	ssyncadd.s32 $0xFFFFD800;
	(pc) =	sbr.rel @p0 .LBB2_1-.Ltmp3, $4  }
0xe0: {  	[hbm4b:s8+s10] =	stream.strided.scatter [tilespmem:s17], [sflag:$0x2], $0x2800, s11, s10, $0x38;
	[tilespmem:$0x13F00] =	vst v63  }
0xe1: {  	_ =	swait.ge [sflag:s20], $0x2800  }
0xe2: {  	[sflag:s20] =	ssyncset.done $0x0  }
0xe3: {  	[sflag:s20] =	ssyncadd.s32 $0xFFFFD800  }
0xe4: {  	_ =	sfence.sel $0x180000  }
0xe5: {  	[bflag:$0x0] =	sbarrier.arrive $0xFFFF  }
0xe6: {  	p0 =	sne.s32 s0, $0x0;
	_ =	strace $0x9000004A  }
0xe7: {  	s0 =	sadd.s32 @!p0 $0x100000, s1;
	[bflag:$0x2] =	sbarrier.arrive $0xFFFF  }
0xe8: {  	[sflag:s0] =	ssyncadd.tile.s32 @!p0 $0x1;
	_ =	shalt  }
.Lfunc_end2:
_tile_overlayer_lowered:
.L_overlay_start_2:
0xe9: {  	(tag) =	ssettag $0x2  }
0xea: {  	s0 =	rddreg [dreg:$0x0];
	s2 =	stileid.u32  }
0xeb: {  	s1 =	rddreg [dreg:$0x1];
	p0 =	sne.s32 s2, $0x0  }
0xec: {  	s3 =	rddreg [dreg:$0x2];
	[bflag:$0x3] =	sbarrier.arrive $0xFFFF;
	s2 =	simm.s32 @!p0 $0x1C02  }
0xed: {  	[timem:s3], [sflag:s2] =	dma.local @!p0 [hbm:s0], s1  }
0xee: {  	s0 =	simm.s32 @!p0 $0x2  }
0xef: {  	_ =	swait.ge @!p0 [sflag:s0], s1  }
0xf0: {  	s1 =	ssub.s32 @!p0 $0x0, s1;
	[sflag:s0] =	ssyncset.done @!p0 $0x0  }
0xf1: {  	[sflag:s0] =	ssyncadd.s32 @!p0 s1  }
0xf2: {  	[bflag:$0x3] =	sbarrier.arrive $0xFFFF  }
0xf3: {  	_ =	shalt  }

// kernel: kernel.15.cloned.1.call-start
scs
__scs_entry_jumppad:
0x0: {  	(pc) =	sbr.rel $0x88, $3  }
0x1: {  	(tag) =	ssettag $0x0;
	lr =	simm.s32 $0x1  }
0x2: {  	[smem:$0x3F9E] =	sst lr;
	_ =	strace $0xD0000000  }
0x3: {  	_ = 	snop  }
0x4: {  	_ = 	snop  }
0x5: {  	_ = 	snop  }
0x6: {  	_ = 	snop  }
0x7: {  	_ = 	snop  }
__scs_overlays_trampoline_lowered:
0x8: {  	[smem:$0x3FAD] =	sst s0  }
0x9: {  	[smem:$0x3FAE] =	sst s1  }
0xa: {  	[smem:$0x3FAF] =	sst s2  }
0xb: {  	[smem:$0x3FB0] =	sst s3  }
0xc: {  	[smem:$0x3FB1] =	sst s4  }
0xd: {  	[smem:$0x3FB2] =	sst s5  }
0xe: {  	[smem:$0x3FB3] =	sst s6  }
0xf: {  	[smem:$0x3FB4] =	sst s7  }
0x10: {  	[smem:$0x3FB5] =	sst s8  }
0x11: {  	[smem:$0x3FB6] =	sst s9;
	s0 =	simm.s32 @!p0 $0x0  }
0x12: {  	s1 =	sld [smem:$0x3F9C];
	s0 =	simm.s32 @p0 $0x1  }
0x13: {  	[smem:$0x3FB7] =	sst s0;
	s0 =	simm.s32 @!p1 $0x0  }
0x14: {  	s2 =	sld [smem:$0x3F9B];
	s0 =	simm.s32 @p1 $0x1  }
0x15: {  	[smem:$0x3FB8] =	sst s0;
	s0 =	simm.s32 @!p2 $0x0  }
0x16: {  	s3 =	sld [smem:$0x3FDB];
	s0 =	simm.s32 @p2 $0x1  }
0x17: {  	s4 =	simm.s32 $0x1BF5;
	[smem:$0x3FBA] =	sst s0  }
0x18: {  	s0 =	sld [smem:$0x3F9D];
	_ =	swait.ge [sflag:s4], $0x0  }
0x19: {  	s7 =	sld [smem:$0x3F9E]  }
0x1a: {  	s8 =	sadd.s32 $0xFFFFE003, lr  }
0x1b: {  	s9 =	sadd.s32 $0xFFFFFEF7, lr;
	s5 =	simm.s32 $0xFFFFFFFF;
	p2 =	slt.u32 s8, $0xFFFFF086  }
0x1c: {  	p1 =	slt.u32 s9, $0xF7A;
	s5 =	simm.s32 @!p2 $0x0  }
0x1d: {  	s5 =	simm.s32 @p1 $0x1;
	p0 =	seq.s32 s7, s2  }
0x1e: {  	s7 =	smul.u32 @!p0 $0xF7A, s2;
	p2 =	seq.s32 @!p0 s5, $0x0  }
0x1f: {  	s9 =	smul.u32 $0xF7A, s1;
	s8 =	simm.s32 @!p0 $0x1BF5;
	p2 =	por !p2, p0  }
0x20: {  	[sflag:s8] =	ssyncset.s32 @!p0 $0xFFFFF086;
	s6 =	sadd.s32 @!p0 s3, s7;
	s7 =	simm.s32 @!p0 $0x108  }
0x21: {  	s3 =	sadd.s32 s3, s9;
	s6 =	sadd.s32 @!p0 $0x88, s6;
	s7 =	simm.s32 @p2 $0x1082  }
0x22: {  	[simem:s7], [sflag:s8] =	dma.local @!p0 [hbm:s6], $0xF7A  }
0x23: {  	s9 =	sor.u32 $0xD0000000, s2;
	s6 =	simm.s32 $0x108;
	_ =	swait.ge @!p0 [sflag:s8], $0x0  }
0x24: {  	s3 =	sadd.s32 $0x88, s3;
	s6 =	simm.s32 @!p1 $0x1082;
	[sflag:s4] =	ssyncset.s32 $0xFFFFF086  }
0x25: {  	[simem:s6], [sflag:s4] =	dma.local [hbm:s3], $0xF7A  }
0x26: {  	[smem:$0x3F9E] =	sst s1;
	(tag) =	ssettag s2;
	_ =	strace s9  }
0x27: {  	s1 =	sld [smem:$0x3FAE]  }
0x28: {  	s2 =	sld [smem:$0x3FAF]  }
0x29: {  	s4 =	sld [smem:$0x3FB1]  }
0x2a: {  	p0 =	seq.s32 s5, $0x0;
	s5 =	sld [smem:$0x3FB2]  }
0x2b: {  	s6 =	sld [smem:$0x3FB3]  }
0x2c: {  	s7 =	sld [smem:$0x3FB4]  }
0x2d: {  	s3 =	simm.s32 $0x108;
	s8 =	sld [smem:$0x3FB5]  }
0x2e: {  	s3 =	simm.s32 @!p0 $0x1082;
	s9 =	sld [smem:$0x3FB6]  }
0x2f: {  	lr =	sadd.s32 s0, s3;
	s0 =	sld [smem:$0x3FAD]  }
0x30: {  	s3 =	sld [smem:$0x3FB0]  }
0x31: {  	[smem:$0x3FB9] =	sst s10  }
0x32: {  	s10 =	sld [smem:$0x3FB7];
	_ =	sdelay $0x3  }
0x33: {  	p0 =	seq.s32 s10, $0x1;
	s10 =	sld [smem:$0x3FB9];
	_ =	sdelay $0x3  }
0x34: {  	[smem:$0x3FB9] =	sst s10  }
0x35: {  	s10 =	sld [smem:$0x3FB8];
	_ =	sdelay $0x3  }
0x36: {  	p1 =	seq.s32 s10, $0x1;
	s10 =	sld [smem:$0x3FB9];
	_ =	sdelay $0x3  }
0x37: {  	[smem:$0x3FB9] =	sst s10  }
0x38: {  	s10 =	sld [smem:$0x3FBA]  }
0x39: {  	_ = 	snop;
	(pc) =	sbr.ind lr, $3  }
0x3a: {  	_ = 	snop  }
0x3b: {  	_ = 	snop  }
0x3c: {  	p2 =	seq.s32 s10, $0x1;
	s10 =	sld [smem:$0x3FB9]  }
0x3d: {  	_ =	shalt  }
0x3e: {  	_ =	shalt  }
0x3f: {  	_ =	shalt  }
0x40: {  	_ =	shalt  }
0x41: {  	_ =	shalt  }
0x42: {  	_ =	shalt  }
0x43: {  	_ =	shalt  }
0x44: {  	_ =	shalt  }
0x45: {  	_ =	shalt  }
0x46: {  	_ =	shalt  }
0x47: {  	_ =	shalt  }
0x48: {  	_ =	shalt  }
0x49: {  	_ =	shalt  }
0x4a: {  	_ =	shalt  }
0x4b: {  	_ =	shalt  }
0x4c: {  	_ =	shalt  }
0x4d: {  	_ =	shalt  }
0x4e: {  	_ =	shalt  }
0x4f: {  	_ =	shalt  }
0x50: {  	_ =	shalt  }
0x51: {  	_ =	shalt  }
0x52: {  	_ =	shalt  }
0x53: {  	_ =	shalt  }
0x54: {  	_ =	shalt  }
0x55: {  	_ =	shalt  }
0x56: {  	_ =	shalt  }
0x57: {  	_ =	shalt  }
0x58: {  	_ =	shalt  }
0x59: {  	_ =	shalt  }
0x5a: {  	_ =	shalt  }
0x5b: {  	_ =	shalt  }
0x5c: {  	_ =	shalt  }
0x5d: {  	_ =	shalt  }
0x5e: {  	_ =	shalt  }
0x5f: {  	_ =	shalt  }
0x60: {  	_ =	shalt  }
0x61: {  	_ =	shalt  }
0x62: {  	_ =	shalt  }
0x63: {  	_ =	shalt  }
0x64: {  	_ =	shalt  }
0x65: {  	_ =	shalt  }
0x66: {  	_ =	shalt  }
0x67: {  	_ =	shalt  }
0x68: {  	_ =	shalt  }
0x69: {  	_ =	shalt  }
0x6a: {  	_ =	shalt  }
0x6b: {  	_ =	shalt  }
0x6c: {  	_ =	shalt  }
0x6d: {  	_ =	shalt  }
0x6e: {  	_ =	shalt  }
0x6f: {  	_ =	shalt  }
0x70: {  	_ =	shalt  }
0x71: {  	_ =	shalt  }
0x72: {  	_ =	shalt  }
0x73: {  	_ =	shalt  }
0x74: {  	_ =	shalt  }
0x75: {  	_ =	shalt  }
0x76: {  	_ =	shalt  }
0x77: {  	_ =	shalt  }
0x78: {  	_ =	shalt  }
0x79: {  	_ =	shalt  }
0x7a: {  	_ =	shalt  }
0x7b: {  	_ =	shalt  }
0x7c: {  	_ =	shalt  }
0x7d: {  	_ =	shalt  }
0x7e: {  	_ =	shalt  }
0x7f: {  	_ =	shalt  }
0x80: {  	_ =	shalt  }
0x81: {  	_ =	shalt  }
0x82: {  	_ =	shalt  }
0x83: {  	_ =	shalt  }
0x84: {  	_ =	shalt  }
0x85: {  	_ =	shalt  }
0x86: {  	_ =	shalt  }
0x87: {  	_ =	shalt  }
.Lfunc_end0:
.L_simem_size_0:
called_computation.2_lowered:
.L_overlay_start_0:
0x88: {  	s2 =	sld [smem:$0x3FD9]  }
0x89: {  	s3 =	sld [smem:$0x3FFE];
	_ =	sdelay $0x1  }
0x8a: {  	s1 =	srdreg.scid  }
0x8b: {  	s0 =	sand.u32 $0x1, s1  }
0x8c: {  	s16 =	sshll.u32 s0, $0xA;
	s2 =	sadd.s32 s3, s2  }
0x8d: {  	s2 =	sadd.s32 s2, s16  }
0x8e: {  	[smem:$0x3FC5] =	sst s2  }
0x8f: {  	_ = 	snop  }
0x90: {  	(tm) =	ssettm $0x1  }
0x91: {  	s17 =	sld [smem:$0x3FFB];
	_ =	sdelay $0x3  }
0x92: {  	_ =	strace s17  }
0x93: {  	s2 =	sld [smem:$0x3FFC];
	_ =	sdelay $0x3  }
0x94: {  	_ =	strace s2  }
0x95: {  	s2 =	sld [smem:$0x3FFD];
	_ =	sdelay $0x3  }
0x96: {  	_ =	strace s2  }
0x97: {  	_ =	strace $0x8FFFFFFF  }
0x98: {  	s18 =	sld [smem:$0x3FDB];
	_ =	sdelay $0x1  }
0x99: {  	s19 =	simm.s32 $_scs_section_size  }
0x9a: {  	s4 =	simm.s32 $_size__tile_overlayer_lowered;
	s5 =	simm.s32 $_tile_overlayer_lowered  }
0x9b: {  	s22 =	simm.s32 $0x1BFF;
	s21 =	sshll.u32 s5, $0x1;
	s2 =	sadd.s32 s19, s18  }
0x9c: {  	s6 =	simm.s32 $0x0;
	s20 =	sshll.u32 s4, $0x1;
	s4 =	sadd.s32 s21, s2  }
0x9d: {  	[timem:s6], [sflag:s22] =	dma.local [hbm:s4], s20  }
0x9e: {  	_ =	swait.ge [sflag:s22], s20  }
0x9f: {  	s3 =	ssub.s32 $0x0, s20;
	[sflag:s22] =	ssyncset.done $0x0  }
0xa0: {  	[sflag:s22] =	ssyncadd.s32 s3;
	_ =	sdelay $0x1  }
0xa1: {  	s23 =	simm.s32 $0x1B8B  }
0xa2: {  	_ =	swait.ge [sflag:s23], $0x1  }
0xa3: {  	[sflag:s23] =	ssyncset.done $0x0  }
0xa4: {  	s25 =	simm.s32 $0x1B8E;
	s24 =	sld [smem:$0x3FFE];
	[sflag:s23] =	ssyncadd.s32 $0xFFFFFFFF  }
0xa5: {  	s26 =	simm.s32 $execute0_lowered;
	[smem:$0x3FD2] =	sst s25  }
0xa6: {  	s4 =	sshll.u32 s26, $0x1;
	_ =	strace $0x8000004C;
	[dreg:$0x1] =	wrdreg $0xFFFFFFFF  }
0xa7: {  	s28 =	simm.s32 $_size_execute0_lowered;
	s2 =	sadd.s32 s2, s4;
	[dreg:$0x0] =	wrdreg $0x0  }
0xa8: {  	s4 =	sshll.u32 s28, $0x1;
	[dreg:$0x2] =	wrdreg s2  }
0xa9: {  	[dreg:$0x3] =	wrdreg s4  }
0xaa: {  	[dreg:$0x4] =	wrdreg $0xC0  }
0xab: {  	_ =	task [dreg:s6], $0x5FFFF  }
0xac: {  	[dreg:$0x1] =	wrdreg $0xFFFFFFFF  }
0xad: {  	[dreg:$0x0] =	wrdreg $0x60  }
0xae: {  	[dreg:$0x2] =	wrdreg s24  }
0xaf: {  	[dreg:$0x3] =	wrdreg $0x9  }
0xb0: {  	_ =	task.clear_ibuf [dreg:s6], $0x4FFFF;
	_ =	strace $0x9000004C  }
0xb1: {  	s29 =	simm.s32 $0x9;
	_ =	strace $0x8000004E  }
0xb2: {  	_ =	swait.ge [sflag:s29], $0x1  }
0xb3: {  	[sflag:s29] =	ssyncadd.s32 $0xFFFFFFFF  }
0xb4: {  	_ =	strace $0x9000004E  }
0xb5: {  	_ =	sfence  }
0xb6: {  	s30 =	sld [smem:$0x0];
	_ =	sdelay $0x2  }
0xb7: {  	s31 =	sshll.u32 s1, $0xD;
	s1 =	sshrl.u32 s1, $0x2  }
0xb8: {  	s3 =	sand.u32 $0x4000, s31;
	s1 =	sadd.s32 s1, s30  }
0xb9: {  	s0 =	sor.u32 s3, s0;
	s1 =	sshll.u32 s1, $0x11  }
0xba: {  	s0 =	sor.u32 s1, s0  }
0xbb: {  	s0 =	sadd.s32 $0x8F2B, s0  }
0xbc: {  	[sflag:s0] =	ssyncadd.remote.s32 $0x1  }
0xbd: {  	_ =	sfence.sel $0xFFFF  }
0xbe: {  	[dreg:$0x0] =	wrdreg $0xFFFFFFFF;
	(pc) =	sbr.abs _section_cstart, $3  }
0xbf: {  	[dreg:$0x1] =	wrdreg $0xFFFFFFFF  }
0xc0: {  	_ =	task.clear_ibuf [dreg:s6], $0x2FFFF;
	_ =	strace $0x9FFFFFFF  }
0xc1: {  	(tm) =	ssettm $0x7FFFFFFF  }
tec
execute0_lowered:
.L_overlay_start_1:
0x0: {  	(tag) =	ssettag $0x1  }
0x1: {  	s0 =	srdreg.scid;
	s4 =	rddreg [dreg:$0x0];
	s2 =	simm.s32 $0x0  }
0x2: {  	s11 =	simm.s32 $0x100;
	s12 =	simm.s32 $0x2800;
	s13 =	simm.s32 $0x5000  }
0x3: {  	s14 =	simm.s32 $0x7780;
	s15 =	simm.s32 $0x1;
	s16 =	simm.s32 $0x9F00  }
0x4: {  	s17 =	simm.s32 $0xC700;
	s18 =	simm.s32 $0xEF00;
	s3 =	sand.u32 $0x1, s0  }
0x5: {  	s19 =	simm.s32 $0x11700;
	s0 =	stileid.u32;
	s1 =	sshll.u32 s3, $0x4  }
0x6: {  	s20 =	simm.s32 $0x2;
	s21 =	simm.s32 $0x0;
	s5 =	sor.u32 s0, s1  }
0x7: {  	[smem:$0x7FF] =	sst s2;
	s7 =	ssub.s32 $0x2, s3;
	s6 =	smul.u32 $0x4E2, s5  }
0x8: {  	s3 =	sadd.s32 $0x2200, s4;
	s8 =	sshrl.u32 s7, $0x1;
	s5 =	smul.u32 $0xA00, s5  }
0x9: {  	s1 =	rddreg [dreg:$0x1];
	_ =	strace $0x8000004D;
	s10 =	ssub.s32 s7, s8  }
0xa: {  	s6 =	sadd.s32 s6, s4;
	s9 =	sadd.s32 s5, s4;
	s4 =	sadd.s32 $0x2210, s4  }
0xb: {  	s5 =	sadd.s32 $0xC200, s6;
	s6 =	sadd.s32 $0x16000, s6;
	s7 =	sadd.s32 $0x1FE00, s9  }
0xc: {  	v0 =	vimm.f32 $0.0e+00;
	s8 =	sadd.s32 $0x1FE10, s9;
	s9 =	smax.u32 s10, $0x1;
	s10 =	simm.s32 $0x80  }
.LBB2_1:
0xd: {  	[tilespmem:s2], [sflag:$0x1] =	stream.strided.gather [hbm4b:s3+s10], $0x2800, s11, s10, $0x38;
	[tilespmem:$0x13F00] =	vst v63  }
0xe: {  	_ = 	snop  }
0xf: {  	[tilespmem:s12], [sflag:$0x1] =	stream.strided.gather [hbm4b:s4+s10], $0x2800, s11, s10, $0x38;
	[tilespmem:$0x13F00] =	vst v63  }
0x10: {  	_ = 	snop  }
0x11: {  	[tilespmem:s13], [sflag:$0x1] =	stream.linear.gather [hbm4b:s5+s2], $0x2710, $0x38;
	[tilespmem:$0x13F00] =	vst v63  }
0x12: {  	s22 =	simm.s32 $0x0;
	s23 =	simm.s32 $0x200  }
0x13: {  	[tilespmem:s14], [sflag:$0x1] =	stream.linear.gather [hbm4b:s6+s2], $0x2710, $0x38;
	[tilespmem:$0x13F00] =	vst v63  }
.LBB2_2:
0x14: {  	p0 =	sne.s32 s23, $0x9E00;
	[tilespmem:s22+$0x11770] =	vst v0  }
0x15: {  	[tilespmem:s22+$0x9F00] =	vst v0  }
0x16: {  	[tilespmem:s22+$0xC700] =	vst v0  }
0x17: {  	[tilespmem:s22+$0xEF00] =	vst v0  }
0x18: {  	[tilespmem:s22+$0x11700] =	vst v0  }
0x19: {  	[tilespmem:s22+$0x9F10] =	vst v0  }
0x1a: {  	[tilespmem:s22+$0xC710] =	vst v0  }
0x1b: {  	[tilespmem:s22+$0xEF10] =	vst v0  }
0x1c: {  	[tilespmem:s22+$0x11710] =	vst v0  }
0x1d: {  	[tilespmem:s22+$0x9F20] =	vst v0  }
0x1e: {  	[tilespmem:s22+$0xC720] =	vst v0  }
0x1f: {  	[tilespmem:s22+$0xEF20] =	vst v0  }
0x20: {  	[tilespmem:s22+$0x11720] =	vst v0  }
0x21: {  	[tilespmem:s22+$0x9F30] =	vst v0  }
0x22: {  	[tilespmem:s22+$0xC730] =	vst v0  }
0x23: {  	[tilespmem:s22+$0xEF30] =	vst v0  }
0x24: {  	[tilespmem:s22+$0x11730] =	vst v0  }
0x25: {  	[tilespmem:s22+$0x9F40] =	vst v0  }
0x26: {  	[tilespmem:s22+$0xC740] =	vst v0  }
0x27: {  	[tilespmem:s22+$0xEF40] =	vst v0  }
0x28: {  	[tilespmem:s22+$0x11740] =	vst v0  }
0x29: {  	[tilespmem:s22+$0x9F50] =	vst v0  }
0x2a: {  	[tilespmem:s22+$0xC750] =	vst v0  }
0x2b: {  	[tilespmem:s22+$0xEF50] =	vst v0  }
0x2c: {  	[tilespmem:s22+$0x11750] =	vst v0  }
0x2d: {  	[tilespmem:s22+$0x9F60] =	vst v0  }
0x2e: {  	[tilespmem:s22+$0xC760] =	vst v0  }
.Ltmp0:
0x2f: {  	[tilespmem:s22+$0xEF60] =	vst v0;
	(pc) =	sbr.rel @p0 .LBB2_2-.Ltmp0, $4  }
0x30: {  	[tilespmem:s22+$0x11760] =	vst v0  }
0x31: {  	[tilespmem:s22+$0x9F70] =	vst v0  }
0x32: {  	[tilespmem:s22+$0xC770] =	vst v0  }
0x33: {  	[tilespmem:s22+$0xEF70] =	vst v0;
	s22 =	sshra.s32 s23, $0x2;
	s23 =	sadd.s32 $0x200, s23  }
0x34: {  	[tilespmem:s22+$0x11770] =	vst v0  }
0x35: {  	[tilespmem:s22+$0x9F00] =	vst v0  }
0x36: {  	[tilespmem:s22+$0xC700] =	vst v0  }
0x37: {  	[tilespmem:s22+$0xEF00] =	vst v0  }
0x38: {  	[tilespmem:s22+$0x11700] =	vst v0  }
0x39: {  	[tilespmem:s22+$0x9F10] =	vst v0  }
0x3a: {  	[tilespmem:s22+$0xC710] =	vst v0  }
0x3b: {  	[tilespmem:s22+$0xEF10] =	vst v0  }
0x3c: {  	[tilespmem:s22+$0x11710] =	vst v0  }
0x3d: {  	[tilespmem:s22+$0x9F20] =	vst v0  }
0x3e: {  	[tilespmem:s22+$0xC720] =	vst v0  }
0x3f: {  	[tilespmem:s22+$0xEF20] =	vst v0  }
0x40: {  	[tilespmem:s22+$0x11720] =	vst v0  }
0x41: {  	[tilespmem:s22+$0x9F30] =	vst v0  }
0x42: {  	[tilespmem:s22+$0xC730] =	vst v0  }
0x43: {  	[tilespmem:s22+$0xEF30] =	vst v0  }
0x44: {  	[tilespmem:s22+$0x11730] =	vst v0  }
0x45: {  	[tilespmem:s22+$0x9F40] =	vst v0  }
0x46: {  	[tilespmem:s22+$0xC740] =	vst v0  }
0x47: {  	[tilespmem:s22+$0xEF40] =	vst v0  }
0x48: {  	[tilespmem:s22+$0x11740] =	vst v0  }
0x49: {  	[tilespmem:s22+$0x9F50] =	vst v0  }
0x4a: {  	[tilespmem:s22+$0xC750] =	vst v0  }
0x4b: {  	[tilespmem:s22+$0xEF50] =	vst v0  }
0x4c: {  	[tilespmem:s22+$0x11750] =	vst v0  }
0x4d: {  	[tilespmem:s22+$0x9F60] =	vst v0  }
0x4e: {  	[tilespmem:s22+$0xC760] =	vst v0  }
0x4f: {  	[tilespmem:s22+$0xEF60] =	vst v0  }
0x50: {  	[tilespmem:s22+$0x11760] =	vst v0  }
0x51: {  	[tilespmem:s22+$0x9F70] =	vst v0  }
0x52: {  	[tilespmem:s22+$0xC770] =	vst v0  }
0x53: {  	[tilespmem:s22+$0xEF70] =	vst v0  }
0x54: {  	_ =	swait.ge [sflag:s15], $0x2800  }
0x55: {  	[sflag:s15] =	ssyncset.done $0x0  }
0x56: {  	[sflag:s15] =	ssyncadd.s32 $0xFFFFD800  }
0x57: {  	_ =	swait.ge [sflag:s15], $0x2800  }
0x58: {  	[sflag:s15] =	ssyncset.done $0x0  }
0x59: {  	[sflag:s15] =	ssyncadd.s32 $0xFFFFD800  }
0x5a: {  	_ =	swait.ge [sflag:s15], $0x2710  }
0x5b: {  	[sflag:s15] =	ssyncset.done $0x0  }
0x5c: {  	[sflag:s15] =	ssyncadd.s32 $0xFFFFD8F0  }
0x5d: {  	_ =	swait.ge [sflag:s15], $0x2710  }
0x5e: {  	[sflag:s15] =	ssyncset.done $0x0  }
0x5f: {  	s24 =	simm.s32 $0x0;
	[sflag:s15] =	ssyncadd.s32 $0xFFFFD8F0  }
0x60: {  	v1 =	vld [tilespmem:s24+$0x5000];
	_ =	sdelay $0x4  }
0x61: {  	v2 =	vld [tilespmem:s24+$0x7780];
	_ =	sdelay $0x2  }
0x62: {  	v3 =	vld.idx.msk [tilespmem:v1+s2+$0x0], $0xffff  }
0x63: {  	s22 =	simm.s32 $0x20  }
0x64: {  	v4 =	vld [tilespmem:s22+$0x5000];
	_ =	sdelay $0x2  }
0x65: {  	[tilespmem:v2+s16+$0x0] =	vst.idx.add.f32.msk $0xffff, v3  }
0x66: {  	v1 =	vld.idx.msk [tilespmem:v1+s12+$0x0], $0xffff  }
0x67: {  	v7 =	vld [tilespmem:s22+$0x7780];
	_ =	sdelay $0x2  }
0x68: {  	v3 =	vld.idx.msk [tilespmem:v4+s2+$0x0], $0xffff  }
0x69: {  	[tilespmem:v2+s17+$0x0] =	vst.idx.add.f32.msk $0xffff, v1  }
0x6a: {  	s23 =	simm.s32 $0x40;
	v1 =	vld [tilespmem:s24+$0x5010]  }
0x6b: {  	v5 =	vld [tilespmem:s23+$0x5000];
	_ =	sdelay $0x1  }
0x6c: {  	[tilespmem:v7+s16+$0x0] =	vst.idx.add.f32.msk $0xffff, v3  }
0x6d: {  	v2 =	vld.idx.msk [tilespmem:v4+s12+$0x0], $0xffff  }
0x6e: {  	v3 =	vld [tilespmem:s24+$0x7790];
	_ =	sdelay $0x1  }
0x6f: {  	v8 =	vld [tilespmem:s23+$0x7780]  }
0x70: {  	v6 =	vld.idx.msk [tilespmem:v1+s2+$0x0], $0xffff  }
0x71: {  	v10 =	vld.idx.msk [tilespmem:v5+s2+$0x0], $0xffff  }
0x72: {  	[tilespmem:v7+s17+$0x0] =	vst.idx.add.f32.msk $0xffff, v2  }
0x73: {  	s24 =	simm.s32 $0x60;
	v4 =	vld [tilespmem:s22+$0x5010]  }
0x74: {  	s25 =	simm.s32 $0x200;
	v9 =	vld [tilespmem:s24+$0x5000];
	v7 =	vmov v8;
	v2 =	vmov v3  }
.LBB2_4:
0x75: {  	p0 =	sne.s32 s25, $0x9B80;
	[tilespmem:v3+s18+$0x0] =	vst.idx.add.f32.msk $0xffff, v6  }
0x76: {  	v11 =	vld.idx.msk [tilespmem:v1+s12+$0x0], $0xffff  }
0x77: {  	[tilespmem:v8+s16+$0x0] =	vst.idx.add.f32.msk $0xffff, v10  }
0x78: {  	v12 =	vld.idx.msk [tilespmem:v5+s12+$0x0], $0xffff;
	v1 =	vmov v4  }
0x79: {  	v3 =	vld [tilespmem:s22+$0x7790];
	v5 =	vmov v9;
	s22 =	smov.u32 s23;
	s23 =	smov.u32 s24  }
0x7a: {  	v8 =	vld [tilespmem:s23+$0x7780]  }
0x7b: {  	v6 =	vld.idx.msk [tilespmem:v4+s2+$0x0], $0xffff  }
.Ltmp1:
0x7c: {  	[tilespmem:v2+s19+$0x0] =	vst.idx.add.f32.msk $0xffff, v11;
	(pc) =	sbr.rel @p0 .LBB2_4-.Ltmp1, $4  }
0x7d: {  	v10 =	vld.idx.msk [tilespmem:v9+s2+$0x0], $0xffff  }
0x7e: {  	[tilespmem:v7+s17+$0x0] =	vst.idx.add.f32.msk $0xffff, v12;
	v2 =	vmov v3  }
0x7f: {  	s24 =	sshra.s32 s25, $0x2;
	v4 =	vld [tilespmem:s22+$0x5010];
	v7 =	vmov v8  }
0x80: {  	s25 =	sadd.s32 $0x80, s25;
	v9 =	vld [tilespmem:s24+$0x5000]  }
0x81: {  	_ =	sdelay $0x4  }
0x82: {  	v11 =	vld [tilespmem:s24+$0x7780];
	_ =	sdelay $0x2  }
0x83: {  	v12 =	vld.idx.msk [tilespmem:v9+s2+$0x0], $0xffff;
	_ =	sdelay $0x2  }
0x84: {  	[tilespmem:v8+s16+$0x0] =	vst.idx.add.f32.msk $0xffff, v10  }
0x85: {  	v5 =	vld.idx.msk [tilespmem:v5+s12+$0x0], $0xffff  }
0x86: {  	[tilespmem:v11+s16+$0x0] =	vst.idx.add.f32.msk $0xffff, v12  }
0x87: {  	v8 =	vld.idx.msk [tilespmem:v9+s12+$0x0], $0xffff;
	_ =	sdelay $0x1  }
0x88: {  	v63 =	vld [tilespmem:s22+$0x7790]  }
0x89: {  	[tilespmem:v7+s17+$0x0] =	vst.idx.add.f32.msk $0xffff, v5  }
0x8a: {  	v5 =	vld [tilespmem:s23+$0x5010]  }
0x8b: {  	[tilespmem:v11+s17+$0x0] =	vst.idx.add.f32.msk $0xffff, v8  }
0x8c: {  	v7 =	vld [tilespmem:s24+$0x5010];
	_ =	sdelay $0x1  }
0x8d: {  	v8 =	vld.idx.msk [tilespmem:v4+s2+$0x0], $0xffff  }
0x8e: {  	v10 =	vld [tilespmem:s23+$0x7790]  }
0x8f: {  	[tilespmem:v3+s18+$0x0] =	vst.idx.add.f32.msk $0xffff, v6  }
0x90: {  	v3 =	vld [tilespmem:s24+$0x7790]  }
0x91: {  	v6 =	vld.idx.msk [tilespmem:v5+s2+$0x0], $0xffff  }
0x92: {  	[tilespmem:v63+s18+$0x0] =	vst.idx.add.f32.msk $0xffff, v8  }
0x93: {  	v8 =	vld.idx.msk [tilespmem:v7+s2+$0x0], $0xffff  }
0x94: {  	v1 =	vld.idx.msk [tilespmem:v1+s12+$0x0], $0xffff  }
0x95: {  	v4 =	vld.idx.msk [tilespmem:v4+s12+$0x0], $0xffff  }
0x96: {  	[tilespmem:v10+s18+$0x0] =	vst.idx.add.f32.msk $0xffff, v6  }
0x97: {  	v5 =	vld.idx.msk [tilespmem:v5+s12+$0x0], $0xffff  }
0x98: {  	[tilespmem:v3+s18+$0x0] =	vst.idx.add.f32.msk $0xffff, v8  }
0x99: {  	v6 =	vld.idx.msk [tilespmem:v7+s12+$0x0], $0xffff;
	_ =	sdelay $0x1  }
0x9a: {  	[tilespmem:v2+s19+$0x0] =	vst.idx.add.f32.msk $0xffff, v1  }
0x9b: {  	[tilespmem:v63+s19+$0x0] =	vst.idx.add.f32.msk $0xffff, v4  }
0x9c: {  	[tilespmem:v10+s19+$0x0] =	vst.idx.add.f32.msk $0xffff, v5  }
0x9d: {  	[tilespmem:v3+s19+$0x0] =	vst.idx.add.f32.msk $0xffff, v6  }
0x9e: {  	v1 =	vld [tilespmem:$0x7700];
	_ =	sdelay $0x4  }
0x9f: {  	v2 =	vld [tilespmem:$0x9E80];
	_ =	sdelay $0x1  }
0xa0: {  	s31 =	simm.s32 $0x0  }
0xa1: {  	v3 =	vld.idx.msk [tilespmem:v1+s31+$0x0], $0xffff;
	_ =	sdelay $0x4  }
0xa2: {  	[tilespmem:v2+s16+$0x0] =	vst.idx.add.f32.msk $0xffff, v3  }
0xa3: {  	v1 =	vld.idx.msk [tilespmem:v1+s12+$0x0], $0xffff;
	_ =	sdelay $0x4  }
0xa4: {  	s22 =	simm.s32 $0x0;
	[tilespmem:v2+s17+$0x0] =	vst.idx.add.f32.msk $0xffff, v1  }
0xa5: {  	v1 =	vld [tilespmem:s22+$0xC730]  }
0xa6: {  	v2 =	vld [tilespmem:s22+$0x11730]  }
0xa7: {  	v3 =	vld [tilespmem:s22+$0x9F00]  }
0xa8: {  	v4 =	vld [tilespmem:s22+$0xEF00]  }
0xa9: {  	v5 =	vld [tilespmem:s22+$0xC700]  }
0xaa: {  	v6 =	vld [tilespmem:s22+$0x11700]  }
0xab: {  	v7 =	vld [tilespmem:s22+$0x9F10]  }
0xac: {  	v8 =	vld [tilespmem:s22+$0xC710]  }
0xad: {  	v1 =	vadd.f32 v2, v1;
	v2 =	vld [tilespmem:s22+$0xEF10]  }
0xae: {  	v3 =	vadd.f32 v4, v3;
	v4 =	vld [tilespmem:s22+$0x11710]  }
0xaf: {  	v9 =	vld [tilespmem:s22+$0xEF20]  }
0xb0: {  	[tilespmem:s22+$0xC730] =	vst v1;
	v1 =	vadd.f32 v6, v5;
	v5 =	vld [tilespmem:s22+$0x9F20]  }
0xb1: {  	[tilespmem:s22+$0x9F00] =	vst v3;
	v3 =	vld [tilespmem:s22+$0x11720]  }
0xb2: {  	[tilespmem:s22+$0xC700] =	vst v1;
	v1 =	vld [tilespmem:s22+$0xC720];
	v2 =	vadd.f32 v2, v7  }
0xb3: {  	v7 =	vadd.f32 v4, v8;
	v4 =	vld [tilespmem:s22+$0xEF30]  }
0xb4: {  	s23 =	simm.s32 $0x40;
	[tilespmem:s22+$0x9F10] =	vst v2;
	v2 =	vld [tilespmem:s22+$0x9F30]  }
0xb5: {  	s24 =	simm.s32 $0x200;
	v6 =	vld [tilespmem:s23+$0xC730];
	[tilespmem:s22+$0xC710] =	vst v7;
	v5 =	vadd.f32 v9, v5  }
.LBB2_6:
0xb6: {  	p0 =	sne.s32 s24, $0x9F00;
	v7 =	vld [tilespmem:s23+$0x11730]  }
0xb7: {  	v8 =	vld [tilespmem:s23+$0x9F00];
	[tilespmem:s22+$0x9F20] =	vst v5;
	v1 =	vadd.f32 v3, v1  }
0xb8: {  	v3 =	vld [tilespmem:s23+$0xEF00]  }
0xb9: {  	v5 =	vld [tilespmem:s23+$0xC700];
	[tilespmem:s22+$0xC720] =	vst v1;
	v1 =	vadd.f32 v4, v2  }
0xba: {  	v2 =	vld [tilespmem:s23+$0x11700]  }
0xbb: {  	v4 =	vld [tilespmem:s23+$0x9F10];
	v6 =	vadd.f32 v7, v6;
	[tilespmem:s22+$0x9F30] =	vst v1;
	s22 =	smov.u32 s23  }
0xbc: {  	v1 =	vld [tilespmem:s22+$0xEF10]  }
0xbd: {  	v3 =	vadd.f32 v3, v8;
	v7 =	vld [tilespmem:s22+$0xC710];
	[tilespmem:s22+$0xC730] =	vst v6  }
0xbe: {  	v6 =	vld [tilespmem:s22+$0x11710]  }
0xbf: {  	[tilespmem:s22+$0x9F00] =	vst v3;
	v2 =	vadd.f32 v2, v5;
	v5 =	vld [tilespmem:s22+$0x9F20]  }
0xc0: {  	v8 =	vld [tilespmem:s22+$0xEF20]  }
.Ltmp2:
0xc1: {  	[tilespmem:s22+$0xC700] =	vst v2;
	v2 =	vadd.f32 v1, v4;
	v1 =	vld [tilespmem:s22+$0xC720];
	(pc) =	sbr.rel @p0 .LBB2_6-.Ltmp2, $4  }
0xc2: {  	v3 =	vld [tilespmem:s22+$0x11720]  }
0xc3: {  	[tilespmem:s22+$0x9F10] =	vst v2;
	v7 =	vadd.f32 v6, v7;
	v2 =	vld [tilespmem:s22+$0x9F30]  }
0xc4: {  	s23 =	sshra.s32 s24, $0x2;
	v4 =	vld [tilespmem:s22+$0xEF30]  }
0xc5: {  	s24 =	sadd.s32 $0x100, s24;
	v6 =	vld [tilespmem:s23+$0xC730];
	[tilespmem:s22+$0xC710] =	vst v7;
	v5 =	vadd.f32 v8, v5  }
0xc6: {  	v7 =	vld [tilespmem:s23+$0x11730]  }
0xc7: {  	v8 =	vld [tilespmem:s23+$0x9F00]  }
0xc8: {  	v9 =	vld [tilespmem:s23+$0xEF00]  }
0xc9: {  	v10 =	vld [tilespmem:s23+$0xC700]  }
0xca: {  	v11 =	vld [tilespmem:s23+$0x11700]  }
0xcb: {  	v12 =	vld [tilespmem:s23+$0x9F10]  }
0xcc: {  	v56 =	vld [tilespmem:s23+$0xEF10]  }
0xcd: {  	v13 =	vld [tilespmem:s23+$0xC710]  }
0xce: {  	v57 =	vld [tilespmem:s23+$0x11710]  }
0xcf: {  	v59 =	vld [tilespmem:s23+$0x9F20]  }
0xd0: {  	v60 =	vld [tilespmem:s23+$0xEF20];
	v1 =	vadd.f32 v3, v1  }
0xd1: {  	v61 =	vld [tilespmem:s23+$0xC720];
	[tilespmem:s22+$0x9F20] =	vst v5;
	v2 =	vadd.f32 v4, v2  }
0xd2: {  	v62 =	vld [tilespmem:s23+$0x11720];
	[tilespmem:s22+$0xC720] =	vst v1;
	v6 =	vadd.f32 v7, v6  }
0xd3: {  	v63 =	vld [tilespmem:s23+$0x9F30];
	v8 =	vadd.f32 v9, v8;
	[tilespmem:s22+$0x9F30] =	vst v2  }
0xd4: {  	v3 =	vld [tilespmem:s23+$0xEF30];
	v58 =	vadd.f32 v11, v10;
	[tilespmem:s23+$0xC730] =	vst v6  }
0xd5: {  	v7 =	vadd.f32 v56, v12;
	[tilespmem:s23+$0x9F00] =	vst v8  }
0xd6: {  	v1 =	vadd.f32 v57, v13;
	[tilespmem:s23+$0xC700] =	vst v58  }
0xd7: {  	v2 =	vadd.f32 v60, v59;
	[tilespmem:s23+$0x9F10] =	vst v7  }
0xd8: {  	[tilespmem:s23+$0xC710] =	vst v1;
	v1 =	vadd.f32 v62, v61  }
0xd9: {  	[tilespmem:s23+$0x9F20] =	vst v2;
	v2 =	vadd.f32 v3, v63  }
0xda: {  	[tilespmem:s23+$0xC720] =	vst v1  }
0xdb: {  	[tilespmem:s23+$0x9F30] =	vst v2  }
0xdc: {  	[hbm4b:s7+s10] =	stream.strided.scatter [tilespmem:s16], [sflag:$0x2], $0x2800, s11, s10, $0x38;
	[tilespmem:$0x13F00] =	vst v63  }
0xdd: {  	s21 =	sadd.s32 $0x1, s21;
	_ =	swait.ge [sflag:s20], $0x2800  }
0xde: {  	p0 =	sne.s32 s21, s9;
	[sflag:s20] =	ssyncset.done $0x0  }
.Ltmp3:
0xdf: {  	[sflag:s20] =	ssyncadd.s32 $0xFFFFD800;
	(pc) =	sbr.rel @p0 .LBB2_1-.Ltmp3, $4  }
0xe0: {  	[hbm4b:s8+s10] =	stream.strided.scatter [tilespmem:s17], [sflag:$0x2], $0x2800, s11, s10, $0x38;
	[tilespmem:$0x13F00] =	vst v63  }
0xe1: {  	_ =	swait.ge [sflag:s20], $0x2800  }
0xe2: {  	[sflag:s20] =	ssyncset.done $0x0  }
0xe3: {  	[sflag:s20] =	ssyncadd.s32 $0xFFFFD800  }
0xe4: {  	_ =	sfence.sel $0x180000  }
0xe5: {  	[bflag:$0x0] =	sbarrier.arrive $0xFFFF  }
0xe6: {  	p0 =	sne.s32 s0, $0x0;
	_ =	strace $0x9000004D  }
0xe7: {  	s0 =	sadd.s32 @!p0 $0x100000, s1;
	[bflag:$0x2] =	sbarrier.arrive $0xFFFF  }
0xe8: {  	[sflag:s0] =	ssyncadd.tile.s32 @!p0 $0x1;
	_ =	shalt  }
.Lfunc_end2:
_tile_overlayer_lowered:
.L_overlay_start_2:
0xe9: {  	(tag) =	ssettag $0x2  }
0xea: {  	s0 =	rddreg [dreg:$0x0];
	s2 =	stileid.u32  }
0xeb: {  	s1 =	rddreg [dreg:$0x1];
	p0 =	sne.s32 s2, $0x0  }
0xec: {  	s3 =	rddreg [dreg:$0x2];
	[bflag:$0x3] =	sbarrier.arrive $0xFFFF;
	s2 =	simm.s32 @!p0 $0x1C02  }
0xed: {  	[timem:s3], [sflag:s2] =	dma.local @!p0 [hbm:s0], s1  }
0xee: {  	s0 =	simm.s32 @!p0 $0x2  }
0xef: {  	_ =	swait.ge @!p0 [sflag:s0], s1  }
0xf0: {  	s1 =	ssub.s32 @!p0 $0x0, s1;
	[sflag:s0] =	ssyncset.done @!p0 $0x0  }
0xf1: {  	[sflag:s0] =	ssyncadd.s32 @!p0 s1  }
0xf2: {  	[bflag:$0x3] =	sbarrier.arrive $0xFFFF  }
0xf3: {  	_ =	shalt  }

// kernel: kernel.9.cloned.1.call-start
scs
__scs_entry_jumppad:
0x0: {  	(pc) =	sbr.rel $0x88, $3  }
0x1: {  	(tag) =	ssettag $0x0;
	lr =	simm.s32 $0x1  }
0x2: {  	[smem:$0x3F9E] =	sst lr;
	_ =	strace $0xD0000000  }
0x3: {  	_ = 	snop  }
0x4: {  	_ = 	snop  }
0x5: {  	_ = 	snop  }
0x6: {  	_ = 	snop  }
0x7: {  	_ = 	snop  }
__scs_overlays_trampoline_lowered:
0x8: {  	[smem:$0x3FAD] =	sst s0  }
0x9: {  	[smem:$0x3FAE] =	sst s1  }
0xa: {  	[smem:$0x3FAF] =	sst s2  }
0xb: {  	[smem:$0x3FB0] =	sst s3  }
0xc: {  	[smem:$0x3FB1] =	sst s4  }
0xd: {  	[smem:$0x3FB2] =	sst s5  }
0xe: {  	[smem:$0x3FB3] =	sst s6  }
0xf: {  	[smem:$0x3FB4] =	sst s7  }
0x10: {  	[smem:$0x3FB5] =	sst s8  }
0x11: {  	[smem:$0x3FB6] =	sst s9;
	s0 =	simm.s32 @!p0 $0x0  }
0x12: {  	s1 =	sld [smem:$0x3F9C];
	s0 =	simm.s32 @p0 $0x1  }
0x13: {  	[smem:$0x3FB7] =	sst s0;
	s0 =	simm.s32 @!p1 $0x0  }
0x14: {  	s2 =	sld [smem:$0x3F9B];
	s0 =	simm.s32 @p1 $0x1  }
0x15: {  	[smem:$0x3FB8] =	sst s0;
	s0 =	simm.s32 @!p2 $0x0  }
0x16: {  	s3 =	sld [smem:$0x3FDB];
	s0 =	simm.s32 @p2 $0x1  }
0x17: {  	s4 =	simm.s32 $0x1BF5;
	[smem:$0x3FBA] =	sst s0  }
0x18: {  	s0 =	sld [smem:$0x3F9D];
	_ =	swait.ge [sflag:s4], $0x0  }
0x19: {  	s7 =	sld [smem:$0x3F9E]  }
0x1a: {  	s8 =	sadd.s32 $0xFFFFE003, lr  }
0x1b: {  	s9 =	sadd.s32 $0xFFFFFEF7, lr;
	s5 =	simm.s32 $0xFFFFFFFF;
	p2 =	slt.u32 s8, $0xFFFFF086  }
0x1c: {  	p1 =	slt.u32 s9, $0xF7A;
	s5 =	simm.s32 @!p2 $0x0  }
0x1d: {  	s5 =	simm.s32 @p1 $0x1;
	p0 =	seq.s32 s7, s2  }
0x1e: {  	s7 =	smul.u32 @!p0 $0xF7A, s2;
	p2 =	seq.s32 @!p0 s5, $0x0  }
0x1f: {  	s9 =	smul.u32 $0xF7A, s1;
	s8 =	simm.s32 @!p0 $0x1BF5;
	p2 =	por !p2, p0  }
0x20: {  	[sflag:s8] =	ssyncset.s32 @!p0 $0xFFFFF086;
	s6 =	sadd.s32 @!p0 s3, s7;
	s7 =	simm.s32 @!p0 $0x108  }
0x21: {  	s3 =	sadd.s32 s3, s9;
	s6 =	sadd.s32 @!p0 $0x88, s6;
	s7 =	simm.s32 @p2 $0x1082  }
0x22: {  	[simem:s7], [sflag:s8] =	dma.local @!p0 [hbm:s6], $0xF7A  }
0x23: {  	s9 =	sor.u32 $0xD0000000, s2;
	s6 =	simm.s32 $0x108;
	_ =	swait.ge @!p0 [sflag:s8], $0x0  }
0x24: {  	s3 =	sadd.s32 $0x88, s3;
	s6 =	simm.s32 @!p1 $0x1082;
	[sflag:s4] =	ssyncset.s32 $0xFFFFF086  }
0x25: {  	[simem:s6], [sflag:s4] =	dma.local [hbm:s3], $0xF7A  }
0x26: {  	[smem:$0x3F9E] =	sst s1;
	(tag) =	ssettag s2;
	_ =	strace s9  }
0x27: {  	s1 =	sld [smem:$0x3FAE]  }
0x28: {  	s2 =	sld [smem:$0x3FAF]  }
0x29: {  	s4 =	sld [smem:$0x3FB1]  }
0x2a: {  	p0 =	seq.s32 s5, $0x0;
	s5 =	sld [smem:$0x3FB2]  }
0x2b: {  	s6 =	sld [smem:$0x3FB3]  }
0x2c: {  	s7 =	sld [smem:$0x3FB4]  }
0x2d: {  	s3 =	simm.s32 $0x108;
	s8 =	sld [smem:$0x3FB5]  }
0x2e: {  	s3 =	simm.s32 @!p0 $0x1082;
	s9 =	sld [smem:$0x3FB6]  }
0x2f: {  	lr =	sadd.s32 s0, s3;
	s0 =	sld [smem:$0x3FAD]  }
0x30: {  	s3 =	sld [smem:$0x3FB0]  }
0x31: {  	[smem:$0x3FB9] =	sst s10  }
0x32: {  	s10 =	sld [smem:$0x3FB7];
	_ =	sdelay $0x3  }
0x33: {  	p0 =	seq.s32 s10, $0x1;
	s10 =	sld [smem:$0x3FB9];
	_ =	sdelay $0x3  }
0x34: {  	[smem:$0x3FB9] =	sst s10  }
0x35: {  	s10 =	sld [smem:$0x3FB8];
	_ =	sdelay $0x3  }
0x36: {  	p1 =	seq.s32 s10, $0x1;
	s10 =	sld [smem:$0x3FB9];
	_ =	sdelay $0x3  }
0x37: {  	[smem:$0x3FB9] =	sst s10  }
0x38: {  	s10 =	sld [smem:$0x3FBA]  }
0x39: {  	_ = 	snop;
	(pc) =	sbr.ind lr, $3  }
0x3a: {  	_ = 	snop  }
0x3b: {  	_ = 	snop  }
0x3c: {  	p2 =	seq.s32 s10, $0x1;
	s10 =	sld [smem:$0x3FB9]  }
0x3d: {  	_ =	shalt  }
0x3e: {  	_ =	shalt  }
0x3f: {  	_ =	shalt  }
0x40: {  	_ =	shalt  }
0x41: {  	_ =	shalt  }
0x42: {  	_ =	shalt  }
0x43: {  	_ =	shalt  }
0x44: {  	_ =	shalt  }
0x45: {  	_ =	shalt  }
0x46: {  	_ =	shalt  }
0x47: {  	_ =	shalt  }
0x48: {  	_ =	shalt  }
0x49: {  	_ =	shalt  }
0x4a: {  	_ =	shalt  }
0x4b: {  	_ =	shalt  }
0x4c: {  	_ =	shalt  }
0x4d: {  	_ =	shalt  }
0x4e: {  	_ =	shalt  }
0x4f: {  	_ =	shalt  }
0x50: {  	_ =	shalt  }
0x51: {  	_ =	shalt  }
0x52: {  	_ =	shalt  }
0x53: {  	_ =	shalt  }
0x54: {  	_ =	shalt  }
0x55: {  	_ =	shalt  }
0x56: {  	_ =	shalt  }
0x57: {  	_ =	shalt  }
0x58: {  	_ =	shalt  }
0x59: {  	_ =	shalt  }
0x5a: {  	_ =	shalt  }
0x5b: {  	_ =	shalt  }
0x5c: {  	_ =	shalt  }
0x5d: {  	_ =	shalt  }
0x5e: {  	_ =	shalt  }
0x5f: {  	_ =	shalt  }
0x60: {  	_ =	shalt  }
0x61: {  	_ =	shalt  }
0x62: {  	_ =	shalt  }
0x63: {  	_ =	shalt  }
0x64: {  	_ =	shalt  }
0x65: {  	_ =	shalt  }
0x66: {  	_ =	shalt  }
0x67: {  	_ =	shalt  }
0x68: {  	_ =	shalt  }
0x69: {  	_ =	shalt  }
0x6a: {  	_ =	shalt  }
0x6b: {  	_ =	shalt  }
0x6c: {  	_ =	shalt  }
0x6d: {  	_ =	shalt  }
0x6e: {  	_ =	shalt  }
0x6f: {  	_ =	shalt  }
0x70: {  	_ =	shalt  }
0x71: {  	_ =	shalt  }
0x72: {  	_ =	shalt  }
0x73: {  	_ =	shalt  }
0x74: {  	_ =	shalt  }
0x75: {  	_ =	shalt  }
0x76: {  	_ =	shalt  }
0x77: {  	_ =	shalt  }
0x78: {  	_ =	shalt  }
0x79: {  	_ =	shalt  }
0x7a: {  	_ =	shalt  }
0x7b: {  	_ =	shalt  }
0x7c: {  	_ =	shalt  }
0x7d: {  	_ =	shalt  }
0x7e: {  	_ =	shalt  }
0x7f: {  	_ =	shalt  }
0x80: {  	_ =	shalt  }
0x81: {  	_ =	shalt  }
0x82: {  	_ =	shalt  }
0x83: {  	_ =	shalt  }
0x84: {  	_ =	shalt  }
0x85: {  	_ =	shalt  }
0x86: {  	_ =	shalt  }
0x87: {  	_ =	shalt  }
.Lfunc_end0:
.L_simem_size_0:
called_computation_lowered:
.L_overlay_start_0:
0x88: {  	s2 =	sld [smem:$0x3FD9]  }
0x89: {  	s3 =	sld [smem:$0x3FFE];
	_ =	sdelay $0x1  }
0x8a: {  	s1 =	srdreg.scid  }
0x8b: {  	s0 =	sand.u32 $0x1, s1  }
0x8c: {  	s17 =	sshll.u32 s0, $0xA;
	s2 =	sadd.s32 s3, s2  }
0x8d: {  	s2 =	sadd.s32 s2, s17  }
0x8e: {  	[smem:$0x3FC5] =	sst s2  }
0x8f: {  	_ = 	snop  }
0x90: {  	s2 =	sld [smem:$0x3FC8];
	(tm) =	ssettm $0x1  }
0x91: {  	s18 =	sld [smem:$0x3FFB];
	_ =	sdelay $0x3  }
0x92: {  	_ =	strace s18  }
0x93: {  	s3 =	sld [smem:$0x3FFC];
	_ =	sdelay $0x3  }
0x94: {  	_ =	strace s3  }
0x95: {  	s3 =	sld [smem:$0x3FFD];
	_ =	sdelay $0x3  }
0x96: {  	_ =	strace s3  }
0x97: {  	_ =	strace $0x8FFFFFFF  }
0x98: {  	s19 =	sld [smem:$0x3FDB];
	_ =	sdelay $0x1  }
0x99: {  	s4 =	simm.s32 $_scs_section_size  }
0x9a: {  	s5 =	simm.s32 $_size__tile_overlayer_lowered;
	s6 =	simm.s32 $_tile_overlayer_lowered  }
0x9b: {  	s22 =	simm.s32 $0x1BFF;
	s21 =	sshll.u32 s6, $0x1;
	s3 =	sadd.s32 s4, s19  }
0x9c: {  	s7 =	simm.s32 $0x0;
	s20 =	sshll.u32 s5, $0x1;
	s5 =	sadd.s32 s21, s3  }
0x9d: {  	[timem:s7], [sflag:s22] =	dma.local [hbm:s5], s20  }
0x9e: {  	_ =	swait.ge [sflag:s22], s20  }
0x9f: {  	s4 =	ssub.s32 $0x0, s20;
	[sflag:s22] =	ssyncset.done $0x0  }
0xa0: {  	[sflag:s22] =	ssyncadd.s32 s4;
	_ =	sdelay $0x1  }
0xa1: {  	s23 =	simm.s32 $0x1B8B  }
0xa2: {  	_ =	swait.ge [sflag:s23], $0x1  }
0xa3: {  	[sflag:s23] =	ssyncset.done $0x0  }
0xa4: {  	s25 =	simm.s32 $0x1B8E;
	s24 =	sld [smem:$0x3FFE];
	[sflag:s23] =	ssyncadd.s32 $0xFFFFFFFF  }
0xa5: {  	s26 =	simm.s32 $execute0_lowered;
	[smem:$0x3FD2] =	sst s25  }
0xa6: {  	s5 =	sshll.u32 s26, $0x1;
	_ =	strace $0x80000046;
	[dreg:$0x1] =	wrdreg $0xFFFFFFFF  }
0xa7: {  	s28 =	simm.s32 $_size_execute0_lowered;
	s3 =	sadd.s32 s3, s5;
	[dreg:$0x0] =	wrdreg $0x0  }
0xa8: {  	s5 =	sshll.u32 s28, $0x1;
	[dreg:$0x2] =	wrdreg s3  }
0xa9: {  	[dreg:$0x3] =	wrdreg s5  }
0xaa: {  	[dreg:$0x4] =	wrdreg $0xC0  }
0xab: {  	_ =	task [dreg:s7], $0x5FFFF  }
0xac: {  	[dreg:$0x1] =	wrdreg $0xFFFFFFFF  }
0xad: {  	[dreg:$0x0] =	wrdreg $0x60  }
0xae: {  	[dreg:$0x2] =	wrdreg s2  }
0xaf: {  	[dreg:$0x3] =	wrdreg s24  }
0xb0: {  	[dreg:$0x4] =	wrdreg $0x9  }
0xb1: {  	_ =	task.clear_ibuf [dreg:s7], $0x5FFFF;
	_ =	strace $0x90000046  }
0xb2: {  	s29 =	simm.s32 $0x9;
	_ =	strace $0x80000048  }
0xb3: {  	_ =	swait.ge [sflag:s29], $0x1  }
0xb4: {  	[sflag:s29] =	ssyncadd.s32 $0xFFFFFFFF  }
0xb5: {  	_ =	strace $0x90000048  }
0xb6: {  	_ =	sfence  }
0xb7: {  	s30 =	sld [smem:$0x0];
	_ =	sdelay $0x2  }
0xb8: {  	s31 =	sshll.u32 s1, $0xD;
	s1 =	sshrl.u32 s1, $0x2  }
0xb9: {  	s3 =	sand.u32 $0x4000, s31;
	s1 =	sadd.s32 s1, s30  }
0xba: {  	s0 =	sor.u32 s3, s0;
	s1 =	sshll.u32 s1, $0x11  }
0xbb: {  	s0 =	sor.u32 s1, s0  }
0xbc: {  	s0 =	sadd.s32 $0x8F2B, s0  }
0xbd: {  	[sflag:s0] =	ssyncadd.remote.s32 $0x1  }
0xbe: {  	_ =	sfence.sel $0xFFFF  }
0xbf: {  	[dreg:$0x0] =	wrdreg $0xFFFFFFFF;
	(pc) =	sbr.abs _section_cstart, $3  }
0xc0: {  	[dreg:$0x1] =	wrdreg $0xFFFFFFFF  }
0xc1: {  	_ =	task.clear_ibuf [dreg:s7], $0x2FFFF;
	_ =	strace $0x9FFFFFFF  }
0xc2: {  	(tm) =	ssettm $0x7FFFFFFF  }
0xc3: {  	_ =	shalt  }
tec
execute0_lowered:
.L_overlay_start_1:
0x0: {  	(tag) =	ssettag $0x1  }
0x1: {  	s6 =	rddreg [dreg:$0x0]  }
0x2: {  	s0 =	srdreg.scid;
	s4 =	rddreg [dreg:$0x1]  }
0x3: {  	s2 =	simm.s32 $0x0;
	s12 =	simm.s32 $0x9F00;
	s13 =	simm.s32 $0xC700  }
0x4: {  	s14 =	simm.s32 $0x80;
	s15 =	simm.s32 $0x400;
	s16 =	simm.s32 $0x2  }
0x5: {  	s17 =	simm.s32 $0x0;
	s3 =	sand.u32 $0x1, s0;
	s0 =	stileid.u32  }
0x6: {  	[smem:$0x7FF] =	sst s2;
	s1 =	sshll.u32 s3, $0x4;
	s11 =	sshll.u32 s0, $0x7  }
0x7: {  	s3 =	ssub.s32 $0x2, s3;
	s9 =	sor.u32 s0, s1;
	s1 =	rddreg [dreg:$0x2]  }
0x8: {  	s11 =	sand.u32 $0x380, s11;
	s5 =	smul.u32 $0x2700, s9;
	s8 =	sshrl.u32 s9, $0x3  }
0x9: {  	_ =	strace $0x80000047;
	s30 =	sshrl.u32 s3, $0x1;
	s8 =	smul.u32 $0x14000, s8  }
0xa: {  	s7 =	smul.u32 $0x2780, s9;
	p0 =	slt.u32 s9, $0x4;
	s5 =	sadd.s32 $0x200, s5  }
0xb: {  	s31 =	ssub.s32 s3, s30;
	s10 =	smov.u32 s5;
	s8 =	sor.u32 s11, s8  }
0xc: {  	s5 =	sshrl.u32 s5, $0x2;
	s11 =	simm.s32 $0x7700;
	s10 =	smov.u32 @p0 s7  }
.Ltmp0:
0xd: {  	s8 =	sshrl.u32 s8, $0x3;
	s3 =	sadd.s32 s6, s5;
	(pc) =	sbr.rel .LBB2_1-.Ltmp0, $4  }
0xe: {  	s7 =	sshrl.u32 s7, $0x2;
	p0 =	sgt.u32 s9, $0x3;
	s9 =	simm.s32 $0x1  }
0xf: {  	s10 =	sshrl.u32 s10, $0x3;
	s8 =	sadd.s32 s8, s4;
	s6 =	sadd.s32 s6, s7  }
0x10: {  	s10 =	sadd.s32 s10, s4;
	s7 =	sadd.s32 $0x2200, s8;
	s8 =	smax.u32 s31, $0x1  }
0x11: {  	v0 =	vimm.f32 $0.0e+00;
	v1 =	vimm.f32 $1.000000000e+00;
	s4 =	sadd.s32 $0xC200, s10;
	s5 =	sadd.s32 $0x16000, s10;
	s10 =	simm.s32 $0x4F00  }
.LBB2_23:
0x12: {  	v9 =	vld [tilespmem:s19+$0xC730]  }
0x13: {  	v10 =	vld [tilespmem:s19+$0x4F00]  }
0x14: {  	v11 =	vld [tilespmem:s19+$0x7700]  }
0x15: {  	v12 =	vld [tilespmem:s19+$0x9F00]  }
0x16: {  	v13 =	vld [tilespmem:s19+$0xC700]  }
0x17: {  	v14 =	vld [tilespmem:s19+$0x4F10]  }
0x18: {  	v58 =	vld [tilespmem:s19+$0x7710]  }
0x19: {  	v59 =	vld [tilespmem:s19+$0x9F10]  }
0x1a: {  	v60 =	vld [tilespmem:s19+$0xC710]  }
0x1b: {  	v15 =	vld [tilespmem:s19+$0x4F20]  }
0x1c: {  	v16 =	vld [tilespmem:s19+$0x9F20]  }
0x1d: {  	v2 =	vadd.f32 v3, v2;
	v3 =	vld [tilespmem:s19+$0xC720]  }
0x1e: {  	v4 =	vadd.f32 v5, v4;
	v61 =	vld [tilespmem:s19+$0x7720]  }
0x1f: {  	v2 =	vadd.f32 v2, v7;
	v57 =	vadd.f32 v9, v8  }
0x20: {  	v10 =	vadd.f32 v11, v10;
	v62 =	vadd.f32 v13, v12  }
0x21: {  	v8 =	vadd.f32 v58, v14;
	v4 =	vadd.f32 v57, v4  }
0x22: {  	[tilespmem:s18+$0x4F10] =	vst v6;
	v5 =	vadd.f32 v60, v59;
	v3 =	vadd.f32 v3, v16  }
0x23: {  	v63 =	vadd.f32 v62, v10;
	[tilespmem:s19+$0x4F30] =	vst v4;
	v4 =	vadd.f32 v61, v15  }
0x24: {  	[tilespmem:s18+$0x4F20] =	vst v2;
	v2 =	vadd.f32 v5, v8  }
0x25: {  	[tilespmem:s19+$0x4F00] =	vst v63;
	v3 =	vadd.f32 v3, v4  }
0x26: {  	[tilespmem:s19+$0x4F10] =	vst v2  }
0x27: {  	[tilespmem:s19+$0x4F20] =	vst v3  }
0x28: {  	_ =	swait.ge [sflag:s9], $0x2700  }
0x29: {  	[sflag:s9] =	ssyncset.done $0x0  }
0x2a: {  	[sflag:s9] =	ssyncadd.s32 $0xFFFFD900  }
0x2b: {  	_ =	swait.ge [sflag:s9], $0x2700  }
0x2c: {  	[sflag:s9] =	ssyncset.done $0x0  }
0x2d: {  	[sflag:s9] =	ssyncadd.s32 $0xFFFFD900  }
.LBB2_24:
0x2e: {  	s17 =	sadd.s32 $0x1, s17  }
0x2f: {  	p1 =	sne.s32 s17, s8  }
.Ltmp1:
0x30: {  	_ = 	snop;
	(pc) =	sbr.rel @!p1 .LBB2_25-.Ltmp1, $4  }
0x31: {  	[hbm4b:s7+s14] =	stream.strided.scatter [tilespmem:s10], [sflag:$0x2], $0x2800, s15, s14, $0x38;
	[tilespmem:$0xEF00] =	vst v63  }
0x32: {  	_ =	swait.ge [sflag:s16], $0x2800  }
0x33: {  	[sflag:s16] =	ssyncset.done $0x0  }
0x34: {  	[sflag:s16] =	ssyncadd.s32 $0xFFFFD800  }
.LBB2_1:
.Ltmp2:
0x35: {  	(pc) =	sbr.rel @p0 .LBB2_13-.Ltmp2, $2  }
0x36: {  	_ =	sdelay $0x2  }
0x37: {  	s18 =	simm.s32 $0x0  }
0x38: {  	[tilespmem:s18], [sflag:$0x1] =	stream.linear.gather [hbm4b:s6+s18], $0x4F00, $0x38;
	[tilespmem:$0xEF00] =	vst v63  }
0x39: {  	s18 =	simm.s32 $0x0;
	s19 =	simm.s32 $0x200  }
.LBB2_3:
0x3a: {  	p1 =	sne.s32 s19, $0x9E00;
	[tilespmem:s18+$0xC770] =	vst v0  }
0x3b: {  	[tilespmem:s18+$0x4F00] =	vst v0  }
0x3c: {  	[tilespmem:s18+$0x7700] =	vst v0  }
0x3d: {  	[tilespmem:s18+$0x9F00] =	vst v0  }
0x3e: {  	[tilespmem:s18+$0xC700] =	vst v0  }
0x3f: {  	[tilespmem:s18+$0x4F10] =	vst v0  }
0x40: {  	[tilespmem:s18+$0x7710] =	vst v0  }
0x41: {  	[tilespmem:s18+$0x9F10] =	vst v0  }
0x42: {  	[tilespmem:s18+$0xC710] =	vst v0  }
0x43: {  	[tilespmem:s18+$0x4F20] =	vst v0  }
0x44: {  	[tilespmem:s18+$0x7720] =	vst v0  }
0x45: {  	[tilespmem:s18+$0x9F20] =	vst v0  }
0x46: {  	[tilespmem:s18+$0xC720] =	vst v0  }
0x47: {  	[tilespmem:s18+$0x4F30] =	vst v0  }
0x48: {  	[tilespmem:s18+$0x7730] =	vst v0  }
0x49: {  	[tilespmem:s18+$0x9F30] =	vst v0  }
0x4a: {  	[tilespmem:s18+$0xC730] =	vst v0  }
0x4b: {  	[tilespmem:s18+$0x4F40] =	vst v0  }
0x4c: {  	[tilespmem:s18+$0x7740] =	vst v0  }
0x4d: {  	[tilespmem:s18+$0x9F40] =	vst v0  }
0x4e: {  	[tilespmem:s18+$0xC740] =	vst v0  }
0x4f: {  	[tilespmem:s18+$0x4F50] =	vst v0  }
0x50: {  	[tilespmem:s18+$0x7750] =	vst v0  }
0x51: {  	[tilespmem:s18+$0x9F50] =	vst v0  }
0x52: {  	[tilespmem:s18+$0xC750] =	vst v0  }
0x53: {  	[tilespmem:s18+$0x4F60] =	vst v0  }
0x54: {  	[tilespmem:s18+$0x7760] =	vst v0  }
.Ltmp3:
0x55: {  	[tilespmem:s18+$0x9F60] =	vst v0;
	(pc) =	sbr.rel @p1 .LBB2_3-.Ltmp3, $4  }
0x56: {  	[tilespmem:s18+$0xC760] =	vst v0  }
0x57: {  	[tilespmem:s18+$0x4F70] =	vst v0  }
0x58: {  	[tilespmem:s18+$0x7770] =	vst v0  }
0x59: {  	[tilespmem:s18+$0x9F70] =	vst v0;
	s18 =	sshra.s32 s19, $0x2;
	s19 =	sadd.s32 $0x200, s19  }
0x5a: {  	[tilespmem:s18+$0xC770] =	vst v0  }
0x5b: {  	[tilespmem:s18+$0x4F00] =	vst v0  }
0x5c: {  	[tilespmem:s18+$0x7700] =	vst v0  }
0x5d: {  	[tilespmem:s18+$0x9F00] =	vst v0  }
0x5e: {  	[tilespmem:s18+$0xC700] =	vst v0  }
0x5f: {  	[tilespmem:s18+$0x4F10] =	vst v0  }
0x60: {  	[tilespmem:s18+$0x7710] =	vst v0  }
0x61: {  	[tilespmem:s18+$0x9F10] =	vst v0  }
0x62: {  	[tilespmem:s18+$0xC710] =	vst v0  }
0x63: {  	[tilespmem:s18+$0x4F20] =	vst v0  }
0x64: {  	[tilespmem:s18+$0x7720] =	vst v0  }
0x65: {  	[tilespmem:s18+$0x9F20] =	vst v0  }
0x66: {  	[tilespmem:s18+$0xC720] =	vst v0  }
0x67: {  	[tilespmem:s18+$0x4F30] =	vst v0  }
0x68: {  	[tilespmem:s18+$0x7730] =	vst v0  }
0x69: {  	[tilespmem:s18+$0x9F30] =	vst v0  }
0x6a: {  	[tilespmem:s18+$0xC730] =	vst v0  }
0x6b: {  	[tilespmem:s18+$0x4F40] =	vst v0  }
0x6c: {  	[tilespmem:s18+$0x7740] =	vst v0  }
0x6d: {  	[tilespmem:s18+$0x9F40] =	vst v0  }
0x6e: {  	[tilespmem:s18+$0xC740] =	vst v0  }
0x6f: {  	[tilespmem:s18+$0x4F50] =	vst v0  }
0x70: {  	[tilespmem:s18+$0x7750] =	vst v0  }
0x71: {  	[tilespmem:s18+$0x9F50] =	vst v0  }
0x72: {  	[tilespmem:s18+$0xC750] =	vst v0  }
0x73: {  	[tilespmem:s18+$0x4F60] =	vst v0  }
0x74: {  	[tilespmem:s18+$0x7760] =	vst v0  }
0x75: {  	[tilespmem:s18+$0x9F60] =	vst v0  }
0x76: {  	[tilespmem:s18+$0xC760] =	vst v0  }
0x77: {  	[tilespmem:s18+$0x4F70] =	vst v0  }
0x78: {  	[tilespmem:s18+$0x7770] =	vst v0;
	p1 =	por $0x0, $0x0;
	s19 =	simm.s32 $0x1  }
0x79: {  	[tilespmem:s18+$0x9F70] =	vst v0;
	s19 =	simm.s32 @!p1 $0x0  }
0x7a: {  	_ =	swait.ge [sflag:s9], $0x4F00;
	s23 =	sshll.u32 s19, $0x6  }
0x7b: {  	[sflag:s9] =	ssyncset.done $0x0;
	s21 =	sadd.s32 $0x0, s23  }
0x7c: {  	[sflag:s9] =	ssyncadd.s32 $0xFFFFB100;
	s18 =	sor.u32 $0x80, s21  }
0x7d: {  	v2 =	vld [tilespmem:s18+$0x0];
	_ =	sdelay $0x1  }
0x7e: {  	p1 =	por !p1, !p1;
	s18 =	simm.s32 $0x1  }
0x7f: {  	s18 =	simm.s32 @!p1 $0x0  }
0x80: {  	s18 =	sshll.u32 s18, $0x6  }
0x81: {  	s18 =	sadd.s32 $0x80, s18  }
0x82: {  	s24 =	sor.u32 $0x80, s18  }
0x83: {  	v3 =	vld [tilespmem:s24+$0x0]  }
0x84: {  	s25 =	sor.u32 $0x90, s21;
	[tilespmem:v2+s10+$0x0] =	vst.idx.add.f32.msk $0xffff, v1  }
0x85: {  	s19 =	simm.s32 $0x1;
	p1 =	por !p1, !p1;
	v2 =	vld [tilespmem:s25+$0x0]  }
0x86: {  	s19 =	simm.s32 @!p1 $0x0  }
0x87: {  	s19 =	sshll.u32 s19, $0x6  }
0x88: {  	s19 =	sadd.s32 $0x100, s19  }
0x89: {  	s20 =	sor.u32 $0x80, s19  }
0x8a: {  	v4 =	vld [tilespmem:s20+$0x0]  }
0x8b: {  	s26 =	sor.u32 $0x90, s18;
	[tilespmem:v3+s10+$0x0] =	vst.idx.add.f32.msk $0xffff, v1  }
0x8c: {  	p1 =	por !p1, !p1;
	s20 =	simm.s32 $0x1;
	v3 =	vld [tilespmem:s26+$0x0]  }
0x8d: {  	s22 =	sor.u32 $0xA0, s21;
	s20 =	simm.s32 @!p1 $0x0;
	[tilespmem:v2+s11+$0x0] =	vst.idx.add.f32.msk $0xffff, v1  }
0x8e: {  	s20 =	sshll.u32 s20, $0x6;
	v2 =	vld [tilespmem:s22+$0x0]  }
0x8f: {  	s20 =	sadd.s32 $0x180, s20  }
0x90: {  	s28 =	sor.u32 $0x80, s20  }
0x91: {  	v6 =	vld [tilespmem:s28+$0x0]  }
0x92: {  	s29 =	sor.u32 $0x90, s19;
	[tilespmem:v4+s10+$0x0] =	vst.idx.add.f32.msk $0xffff, v1  }
0x93: {  	v7 =	vld [tilespmem:s29+$0x0]  }
0x94: {  	s23 =	sor.u32 $0xA0, s18;
	p1 =	por !p1, !p1;
	s22 =	simm.s32 $0x1;
	[tilespmem:v3+s11+$0x0] =	vst.idx.add.f32.msk $0xffff, v1  }
0x95: {  	s22 =	simm.s32 @!p1 $0x0;
	v3 =	vld [tilespmem:s23+$0x0]  }
0x96: {  	s30 =	sor.u32 $0xB0, s21;
	s22 =	sshll.u32 s22, $0x6;
	[tilespmem:v2+s12+$0x0] =	vst.idx.add.f32.msk $0xffff, v1  }
0x97: {  	s21 =	sadd.s32 $0x200, s22;
	v2 =	vld [tilespmem:s30+$0x0]  }
0x98: {  	s22 =	sor.u32 $0x80, s21  }
0x99: {  	v5 =	vld [tilespmem:s22+$0x0]  }
0x9a: {  	s31 =	sor.u32 $0x90, s20;
	[tilespmem:v6+s10+$0x0] =	vst.idx.add.f32.msk $0xffff, v1  }
0x9b: {  	v4 =	vld [tilespmem:s31+$0x0]  }
0x9c: {  	s24 =	sor.u32 $0xA0, s19;
	s22 =	simm.s32 $0x200;
	s23 =	simm.s32 $0x140;
	[tilespmem:v7+s11+$0x0] =	vst.idx.add.f32.msk $0xffff, v1  }
.LBB2_5:
0x9d: {  	p2 =	sne.s32 s23, $0x2740;
	p1 =	por !p1, !p1;
	v6 =	vld [tilespmem:s24+$0x0];
	s24 =	simm.s32 $0x1  }
0x9e: {  	s24 =	simm.s32 @!p1 $0x0;
	[tilespmem:v3+s12+$0x0] =	vst.idx.add.f32.msk $0xffff, v1;
	v7 =	vmov v5  }
0x9f: {  	s22 =	sadd.s32 $0x80, s22;
	s18 =	sor.u32 $0xB0, s18;
	s24 =	sshll.u32 s24, $0x6;
	[tilespmem:v2+s13+$0x0] =	vst.idx.add.f32.msk $0xffff, v1  }
0xa0: {  	s24 =	sadd.s32 s24, s22;
	v2 =	vld [tilespmem:s18+$0x0];
	v8 =	vmov v4;
	s18 =	smov.u32 s19;
	s19 =	smov.u32 s20  }
.Ltmp4:
0xa1: {  	s20 =	smov.u32 s21;
	s25 =	sor.u32 $0x80, s24;
	(pc) =	sbr.rel @p2 .LBB2_5-.Ltmp4, $4  }
0xa2: {  	s21 =	smov.u32 s24;
	v5 =	vld [tilespmem:s25+$0x0];
	v3 =	vmov v6  }
0xa3: {  	s24 =	sor.u32 $0x90, s20;
	[tilespmem:v7+s10+$0x0] =	vst.idx.add.f32.msk $0xffff, v1  }
0xa4: {  	v4 =	vld [tilespmem:s24+$0x0]  }
0xa5: {  	s23 =	sadd.s32 $0x40, s23;
	s24 =	sor.u32 $0xA0, s19;
	[tilespmem:v8+s11+$0x0] =	vst.idx.add.f32.msk $0xffff, v1  }
0xa6: {  	_ =	sdelay $0x4  }
0xa7: {  	s22 =	sor.u32 $0x90, s21;
	[tilespmem:v5+s10+$0x0] =	vst.idx.add.f32.msk $0xffff, v1  }
0xa8: {  	v5 =	vld [tilespmem:s22+$0x0];
	_ =	sdelay $0x4  }
0xa9: {  	v6 =	vld [tilespmem:s24+$0x0]  }
0xaa: {  	s26 =	sor.u32 $0xA0, s20;
	[tilespmem:v4+s11+$0x0] =	vst.idx.add.f32.msk $0xffff, v1  }
0xab: {  	v4 =	vld [tilespmem:s26+$0x0]  }
0xac: {  	s28 =	sor.u32 $0xA0, s21;
	[tilespmem:v5+s11+$0x0] =	vst.idx.add.f32.msk $0xffff, v1  }
0xad: {  	v5 =	vld [tilespmem:s28+$0x0];
	_ =	sdelay $0x1  }
0xae: {  	[tilespmem:v3+s12+$0x0] =	vst.idx.add.f32.msk $0xffff, v1;
	s18 =	sor.u32 $0xB0, s18  }
0xaf: {  	v3 =	vld [tilespmem:s18+$0x0]  }
0xb0: {  	s29 =	sor.u32 $0xB0, s19;
	[tilespmem:v6+s12+$0x0] =	vst.idx.add.f32.msk $0xffff, v1  }
0xb1: {  	v6 =	vld [tilespmem:s29+$0x0]  }
0xb2: {  	s30 =	sor.u32 $0xB0, s20;
	[tilespmem:v4+s12+$0x0] =	vst.idx.add.f32.msk $0xffff, v1  }
0xb3: {  	v4 =	vld [tilespmem:s30+$0x0]  }
0xb4: {  	s31 =	sor.u32 $0xB0, s21;
	[tilespmem:v5+s12+$0x0] =	vst.idx.add.f32.msk $0xffff, v1  }
0xb5: {  	v5 =	vld [tilespmem:s31+$0x0];
	_ =	sdelay $0x3  }
0xb6: {  	[tilespmem:v2+s13+$0x0] =	vst.idx.add.f32.msk $0xffff, v1  }
0xb7: {  	[tilespmem:v3+s13+$0x0] =	vst.idx.add.f32.msk $0xffff, v1  }
0xb8: {  	[tilespmem:v6+s13+$0x0] =	vst.idx.add.f32.msk $0xffff, v1  }
0xb9: {  	s19 =	simm.s32 $0x10;
	[tilespmem:v4+s13+$0x0] =	vst.idx.add.f32.msk $0xffff, v1  }
0xba: {  	s21 =	sadd.s32 $0x0, s4;
	s20 =	simm.s32 $0x100;
	s18 =	simm.s32 $0x0;
	[tilespmem:v5+s13+$0x0] =	vst.idx.add.f32.msk $0xffff, v1  }
.LBB2_7:
0xbb: {  	[hbm4b:s21+s2] =	stream.linear.scatter [tilespmem:s18], [sflag:$0x1], $0x80, $0x38;
	[tilespmem:$0xEF00] =	vst v63  }
0xbc: {  	s21 =	smov.u32 s19;
	s18 =	smov.u32 s20;
	p1 =	sne.s32 s19, $0x4E0  }
.Ltmp5:
0xbd: {  	s19 =	sadd.s32 $0x10, s19;
	(pc) =	sbr.rel @p1 .LBB2_7-.Ltmp5, $2  }
0xbe: {  	_ =	sdelay $0x2  }
0xbf: {  	s20 =	sadd.s32 $0x100, s20;
	s21 =	sadd.s32 s21, s4  }
0xc0: {  	[hbm4b:s21+s2] =	stream.linear.scatter [tilespmem:s18], [sflag:$0x1], $0x80, $0x38;
	[tilespmem:$0xEF00] =	vst v63  }
0xc1: {  	s18 =	simm.s32 $0x0;
	s19 =	simm.s32 $0x80  }
0xc2: {  	s20 =	simm.s32 $0x10;
	s22 =	sadd.s32 $0x0, s5;
	s21 =	simm.s32 $0x180  }
.LBB2_9:
0xc3: {  	[hbm4b:s22+s18] =	stream.linear.scatter [tilespmem:s19], [sflag:$0x1], $0x80, $0x38;
	[tilespmem:$0xEF00] =	vst v63  }
0xc4: {  	s22 =	smov.u32 s20;
	s19 =	smov.u32 s21;
	p1 =	sne.s32 s20, $0x4E0  }
.Ltmp6:
0xc5: {  	s20 =	sadd.s32 $0x10, s20;
	(pc) =	sbr.rel @p1 .LBB2_9-.Ltmp6, $2  }
0xc6: {  	_ =	sdelay $0x2  }
0xc7: {  	s21 =	sadd.s32 $0x100, s21;
	s22 =	sadd.s32 s22, s5  }
0xc8: {  	[hbm4b:s22+s18] =	stream.linear.scatter [tilespmem:s19], [sflag:$0x1], $0x80, $0x38;
	[tilespmem:$0xEF00] =	vst v63  }
0xc9: {  	s18 =	simm.s32 $0x0  }
0xca: {  	v2 =	vld [tilespmem:s18+$0x4F30]  }
0xcb: {  	v3 =	vld [tilespmem:s18+$0x7730]  }
0xcc: {  	v4 =	vld [tilespmem:s18+$0x9F30]  }
0xcd: {  	v5 =	vld [tilespmem:s18+$0xC730]  }
0xce: {  	v6 =	vld [tilespmem:s18+$0x4F00]  }
0xcf: {  	v7 =	vld [tilespmem:s18+$0x7700]  }
0xd0: {  	v8 =	vld [tilespmem:s18+$0x9F00]  }
0xd1: {  	v9 =	vld [tilespmem:s18+$0xC700]  }
0xd2: {  	v10 =	vld [tilespmem:s18+$0x4F10]  }
0xd3: {  	v11 =	vld [tilespmem:s18+$0xC710]  }
0xd4: {  	v2 =	vadd.f32 v3, v2;
	v3 =	vadd.f32 v5, v4;
	v4 =	vld [tilespmem:s18+$0x7710]  }
0xd5: {  	v5 =	vld [tilespmem:s18+$0x9F10]  }
0xd6: {  	v12 =	vld [tilespmem:s18+$0x4F20];
	v2 =	vadd.f32 v3, v2  }
0xd7: {  	v3 =	vadd.f32 v7, v6;
	v6 =	vadd.f32 v9, v8;
	v7 =	vld [tilespmem:s18+$0x7720]  }
0xd8: {  	[tilespmem:s18+$0x4F30] =	vst v2;
	v2 =	vld [tilespmem:s18+$0x9F20]  }
0xd9: {  	s19 =	simm.s32 $0x40;
	v6 =	vadd.f32 v6, v3;
	v3 =	vld [tilespmem:s18+$0xC720]  }
0xda: {  	v8 =	vld [tilespmem:s19+$0x9F30];
	v9 =	vadd.f32 v4, v10;
	v10 =	vadd.f32 v11, v5  }
0xdb: {  	v4 =	vld [tilespmem:s19+$0x4F30]  }
0xdc: {  	s20 =	simm.s32 $0x200;
	v5 =	vld [tilespmem:s19+$0x7730];
	[tilespmem:s18+$0x4F00] =	vst v6;
	v6 =	vadd.f32 v10, v9;
	v7 =	vadd.f32 v7, v12  }
.LBB2_11:
0xdd: {  	p1 =	sne.s32 s20, $0x9F00;
	v9 =	vld [tilespmem:s19+$0xC730]  }
0xde: {  	v10 =	vld [tilespmem:s19+$0x4F00];
	[tilespmem:s18+$0x4F10] =	vst v6;
	v2 =	vadd.f32 v3, v2  }
0xdf: {  	v3 =	vld [tilespmem:s19+$0x7700]  }
0xe0: {  	v6 =	vld [tilespmem:s19+$0x9F00];
	v2 =	vadd.f32 v2, v7  }
0xe1: {  	v7 =	vld [tilespmem:s19+$0xC700]  }
0xe2: {  	v4 =	vadd.f32 v5, v4;
	v11 =	vld [tilespmem:s19+$0x4F10];
	v5 =	vadd.f32 v9, v8;
	[tilespmem:s18+$0x4F20] =	vst v2;
	s18 =	smov.u32 s19  }
0xe3: {  	v2 =	vld [tilespmem:s18+$0x7710]  }
0xe4: {  	v3 =	vadd.f32 v3, v10;
	v8 =	vld [tilespmem:s18+$0x9F10];
	v4 =	vadd.f32 v5, v4  }
0xe5: {  	v5 =	vld [tilespmem:s18+$0xC710]  }
0xe6: {  	v6 =	vadd.f32 v7, v6;
	v7 =	vld [tilespmem:s18+$0x4F20];
	[tilespmem:s18+$0x4F30] =	vst v4  }
0xe7: {  	v9 =	vld [tilespmem:s18+$0x7720]  }
.Ltmp7:
0xe8: {  	v6 =	vadd.f32 v6, v3;
	v10 =	vadd.f32 v2, v11;
	v2 =	vld [tilespmem:s18+$0x9F20];
	(pc) =	sbr.rel @p1 .LBB2_11-.Ltmp7, $4  }
0xe9: {  	s19 =	sshra.s32 s20, $0x2;
	v3 =	vld [tilespmem:s18+$0xC720]  }
0xea: {  	v4 =	vld [tilespmem:s19+$0x4F30];
	[tilespmem:s18+$0x4F00] =	vst v6;
	v6 =	vadd.f32 v5, v8  }
0xeb: {  	v5 =	vld [tilespmem:s19+$0x7730]  }
0xec: {  	s20 =	sadd.s32 $0x100, s20;
	v8 =	vld [tilespmem:s19+$0x9F30];
	v6 =	vadd.f32 v6, v10;
	v7 =	vadd.f32 v9, v7  }
0xed: {  	v9 =	vld [tilespmem:s19+$0xC730]  }
0xee: {  	v10 =	vld [tilespmem:s19+$0x4F00]  }
0xef: {  	v11 =	vld [tilespmem:s19+$0x7700]  }
0xf0: {  	v12 =	vld [tilespmem:s19+$0x9F00]  }
0xf1: {  	v13 =	vld [tilespmem:s19+$0xC700]  }
0xf2: {  	v14 =	vld [tilespmem:s19+$0x4F10]  }
0xf3: {  	v58 =	vld [tilespmem:s19+$0x7710]  }
0xf4: {  	v59 =	vld [tilespmem:s19+$0x9F10]  }
0xf5: {  	v60 =	vld [tilespmem:s19+$0xC710]  }
0xf6: {  	v15 =	vld [tilespmem:s19+$0x4F20]  }
0xf7: {  	v16 =	vld [tilespmem:s19+$0x9F20]  }
0xf8: {  	v2 =	vadd.f32 v3, v2;
	v3 =	vld [tilespmem:s19+$0xC720]  }
0xf9: {  	v61 =	vld [tilespmem:s19+$0x7720];
	v4 =	vadd.f32 v5, v4  }
0xfa: {  	v2 =	vadd.f32 v2, v7;
	v57 =	vadd.f32 v9, v8  }
0xfb: {  	v10 =	vadd.f32 v11, v10;
	v62 =	vadd.f32 v13, v12  }
0xfc: {  	v8 =	vadd.f32 v58, v14;
	v4 =	vadd.f32 v57, v4  }
0xfd: {  	[tilespmem:s18+$0x4F10] =	vst v6;
	v5 =	vadd.f32 v60, v59;
	v3 =	vadd.f32 v3, v16  }
0xfe: {  	v63 =	vadd.f32 v62, v10;
	[tilespmem:s19+$0x4F30] =	vst v4;
	v4 =	vadd.f32 v61, v15  }
0xff: {  	[tilespmem:s18+$0x4F20] =	vst v2;
	v2 =	vadd.f32 v5, v8  }
0x100: {  	[tilespmem:s19+$0x4F00] =	vst v63;
	v3 =	vadd.f32 v3, v4  }
0x101: {  	[tilespmem:s19+$0x4F10] =	vst v2  }
0x102: {  	[tilespmem:s19+$0x4F20] =	vst v3  }
0x103: {  	_ =	swait.ge [sflag:s9], $0x2780  }
.Ltmp8:
0x104: {  	[sflag:s9] =	ssyncset.done $0x0;
	(pc) =	sbr.rel .LBB2_24-.Ltmp8, $4  }
0x105: {  	[sflag:s9] =	ssyncadd.s32 $0xFFFFD880  }
0x106: {  	_ =	swait.ge [sflag:s9], $0x2780  }
0x107: {  	[sflag:s9] =	ssyncset.done $0x0  }
0x108: {  	[sflag:s9] =	ssyncadd.s32 $0xFFFFD880  }
.LBB2_13:
0x109: {  	[tilespmem:s18], [sflag:$0x1] =	stream.linear.gather [hbm4b:s3+s18], $0x4E00, $0x38;
	[tilespmem:$0xEF00] =	vst v63  }
0x10a: {  	s18 =	simm.s32 $0x0;
	s19 =	simm.s32 $0x200  }
.LBB2_14:
0x10b: {  	p1 =	sne.s32 s19, $0x9E00;
	[tilespmem:s18+$0xC770] =	vst v0  }
0x10c: {  	[tilespmem:s18+$0x4F00] =	vst v0  }
0x10d: {  	[tilespmem:s18+$0x7700] =	vst v0  }
0x10e: {  	[tilespmem:s18+$0x9F00] =	vst v0  }
0x10f: {  	[tilespmem:s18+$0xC700] =	vst v0  }
0x110: {  	[tilespmem:s18+$0x4F10] =	vst v0  }
0x111: {  	[tilespmem:s18+$0x7710] =	vst v0  }
0x112: {  	[tilespmem:s18+$0x9F10] =	vst v0  }
0x113: {  	[tilespmem:s18+$0xC710] =	vst v0  }
0x114: {  	[tilespmem:s18+$0x4F20] =	vst v0  }
0x115: {  	[tilespmem:s18+$0x7720] =	vst v0  }
0x116: {  	[tilespmem:s18+$0x9F20] =	vst v0  }
0x117: {  	[tilespmem:s18+$0xC720] =	vst v0  }
0x118: {  	[tilespmem:s18+$0x4F30] =	vst v0  }
0x119: {  	[tilespmem:s18+$0x7730] =	vst v0  }
0x11a: {  	[tilespmem:s18+$0x9F30] =	vst v0  }
0x11b: {  	[tilespmem:s18+$0xC730] =	vst v0  }
0x11c: {  	[tilespmem:s18+$0x4F40] =	vst v0  }
0x11d: {  	[tilespmem:s18+$0x7740] =	vst v0  }
0x11e: {  	[tilespmem:s18+$0x9F40] =	vst v0  }
0x11f: {  	[tilespmem:s18+$0xC740] =	vst v0  }
0x120: {  	[tilespmem:s18+$0x4F50] =	vst v0  }
0x121: {  	[tilespmem:s18+$0x7750] =	vst v0  }
0x122: {  	[tilespmem:s18+$0x9F50] =	vst v0  }
0x123: {  	[tilespmem:s18+$0xC750] =	vst v0  }
0x124: {  	[tilespmem:s18+$0x4F60] =	vst v0  }
0x125: {  	[tilespmem:s18+$0x7760] =	vst v0  }
.Ltmp9:
0x126: {  	[tilespmem:s18+$0x9F60] =	vst v0;
	(pc) =	sbr.rel @p1 .LBB2_14-.Ltmp9, $4  }
0x127: {  	[tilespmem:s18+$0xC760] =	vst v0  }
0x128: {  	[tilespmem:s18+$0x4F70] =	vst v0  }
0x129: {  	[tilespmem:s18+$0x7770] =	vst v0  }
0x12a: {  	[tilespmem:s18+$0x9F70] =	vst v0;
	s18 =	sshra.s32 s19, $0x2;
	s19 =	sadd.s32 $0x200, s19  }
0x12b: {  	[tilespmem:s18+$0xC770] =	vst v0  }
0x12c: {  	[tilespmem:s18+$0x4F00] =	vst v0  }
0x12d: {  	[tilespmem:s18+$0x7700] =	vst v0  }
0x12e: {  	[tilespmem:s18+$0x9F00] =	vst v0  }
0x12f: {  	[tilespmem:s18+$0xC700] =	vst v0  }
0x130: {  	[tilespmem:s18+$0x4F10] =	vst v0  }
0x131: {  	[tilespmem:s18+$0x7710] =	vst v0  }
0x132: {  	[tilespmem:s18+$0x9F10] =	vst v0  }
0x133: {  	[tilespmem:s18+$0xC710] =	vst v0  }
0x134: {  	[tilespmem:s18+$0x4F20] =	vst v0  }
0x135: {  	[tilespmem:s18+$0x7720] =	vst v0  }
0x136: {  	[tilespmem:s18+$0x9F20] =	vst v0  }
0x137: {  	[tilespmem:s18+$0xC720] =	vst v0  }
0x138: {  	[tilespmem:s18+$0x4F30] =	vst v0  }
0x139: {  	[tilespmem:s18+$0x7730] =	vst v0  }
0x13a: {  	[tilespmem:s18+$0x9F30] =	vst v0  }
0x13b: {  	[tilespmem:s18+$0xC730] =	vst v0  }
0x13c: {  	[tilespmem:s18+$0x4F40] =	vst v0  }
0x13d: {  	[tilespmem:s18+$0x7740] =	vst v0  }
0x13e: {  	[tilespmem:s18+$0x9F40] =	vst v0  }
0x13f: {  	[tilespmem:s18+$0xC740] =	vst v0  }
0x140: {  	[tilespmem:s18+$0x4F50] =	vst v0  }
0x141: {  	[tilespmem:s18+$0x7750] =	vst v0  }
0x142: {  	[tilespmem:s18+$0x9F50] =	vst v0  }
0x143: {  	[tilespmem:s18+$0xC750] =	vst v0  }
0x144: {  	[tilespmem:s18+$0x4F60] =	vst v0  }
0x145: {  	[tilespmem:s18+$0x7760] =	vst v0  }
0x146: {  	[tilespmem:s18+$0x9F60] =	vst v0  }
0x147: {  	[tilespmem:s18+$0xC760] =	vst v0  }
0x148: {  	[tilespmem:s18+$0x4F70] =	vst v0  }
0x149: {  	[tilespmem:s18+$0x7770] =	vst v0;
	p1 =	por $0x0, $0x0;
	s19 =	simm.s32 $0x1  }
0x14a: {  	[tilespmem:s18+$0x9F70] =	vst v0;
	s19 =	simm.s32 @!p1 $0x0  }
0x14b: {  	_ =	swait.ge [sflag:s9], $0x4E00;
	s23 =	sshll.u32 s19, $0x6  }
0x14c: {  	[sflag:s9] =	ssyncset.done $0x0;
	s21 =	sadd.s32 $0x0, s23  }
0x14d: {  	[sflag:s9] =	ssyncadd.s32 $0xFFFFB200;
	s18 =	sor.u32 $0x80, s21  }
0x14e: {  	v2 =	vld [tilespmem:s18+$0x0];
	_ =	sdelay $0x1  }
0x14f: {  	p1 =	por !p1, !p1;
	s18 =	simm.s32 $0x1  }
0x150: {  	s18 =	simm.s32 @!p1 $0x0  }
0x151: {  	s18 =	sshll.u32 s18, $0x6  }
0x152: {  	s18 =	sadd.s32 $0x80, s18  }
0x153: {  	s24 =	sor.u32 $0x80, s18  }
0x154: {  	v3 =	vld [tilespmem:s24+$0x0]  }
0x155: {  	s25 =	sor.u32 $0x90, s21;
	[tilespmem:v2+s10+$0x0] =	vst.idx.add.f32.msk $0xffff, v1  }
0x156: {  	s19 =	simm.s32 $0x1;
	p1 =	por !p1, !p1;
	v2 =	vld [tilespmem:s25+$0x0]  }
0x157: {  	s19 =	simm.s32 @!p1 $0x0  }
0x158: {  	s19 =	sshll.u32 s19, $0x6  }
0x159: {  	s19 =	sadd.s32 $0x100, s19  }
0x15a: {  	s20 =	sor.u32 $0x80, s19  }
0x15b: {  	v4 =	vld [tilespmem:s20+$0x0]  }
0x15c: {  	s26 =	sor.u32 $0x90, s18;
	[tilespmem:v3+s10+$0x0] =	vst.idx.add.f32.msk $0xffff, v1  }
0x15d: {  	p1 =	por !p1, !p1;
	s20 =	simm.s32 $0x1;
	v3 =	vld [tilespmem:s26+$0x0]  }
0x15e: {  	s22 =	sor.u32 $0xA0, s21;
	s20 =	simm.s32 @!p1 $0x0;
	[tilespmem:v2+s11+$0x0] =	vst.idx.add.f32.msk $0xffff, v1  }
0x15f: {  	s20 =	sshll.u32 s20, $0x6;
	v2 =	vld [tilespmem:s22+$0x0]  }
0x160: {  	s20 =	sadd.s32 $0x180, s20  }
0x161: {  	s28 =	sor.u32 $0x80, s20  }
0x162: {  	v6 =	vld [tilespmem:s28+$0x0]  }
0x163: {  	s29 =	sor.u32 $0x90, s19;
	[tilespmem:v4+s10+$0x0] =	vst.idx.add.f32.msk $0xffff, v1  }
0x164: {  	v7 =	vld [tilespmem:s29+$0x0]  }
0x165: {  	s23 =	sor.u32 $0xA0, s18;
	p1 =	por !p1, !p1;
	s22 =	simm.s32 $0x1;
	[tilespmem:v3+s11+$0x0] =	vst.idx.add.f32.msk $0xffff, v1  }
0x166: {  	s22 =	simm.s32 @!p1 $0x0;
	v3 =	vld [tilespmem:s23+$0x0]  }
0x167: {  	s30 =	sor.u32 $0xB0, s21;
	s22 =	sshll.u32 s22, $0x6;
	[tilespmem:v2+s12+$0x0] =	vst.idx.add.f32.msk $0xffff, v1  }
0x168: {  	s21 =	sadd.s32 $0x200, s22;
	v2 =	vld [tilespmem:s30+$0x0]  }
0x169: {  	s22 =	sor.u32 $0x80, s21  }
0x16a: {  	v5 =	vld [tilespmem:s22+$0x0]  }
0x16b: {  	s31 =	sor.u32 $0x90, s20;
	[tilespmem:v6+s10+$0x0] =	vst.idx.add.f32.msk $0xffff, v1  }
0x16c: {  	v4 =	vld [tilespmem:s31+$0x0]  }
0x16d: {  	s24 =	sor.u32 $0xA0, s19;
	s22 =	simm.s32 $0x200;
	s23 =	simm.s32 $0x140;
	[tilespmem:v7+s11+$0x0] =	vst.idx.add.f32.msk $0xffff, v1  }
.LBB2_16:
0x16e: {  	p2 =	sne.s32 s23, $0x26C0;
	p1 =	por !p1, !p1;
	v6 =	vld [tilespmem:s24+$0x0];
	s24 =	simm.s32 $0x1  }
0x16f: {  	s24 =	simm.s32 @!p1 $0x0;
	[tilespmem:v3+s12+$0x0] =	vst.idx.add.f32.msk $0xffff, v1;
	v7 =	vmov v5  }
0x170: {  	s22 =	sadd.s32 $0x80, s22;
	s18 =	sor.u32 $0xB0, s18;
	s24 =	sshll.u32 s24, $0x6;
	[tilespmem:v2+s13+$0x0] =	vst.idx.add.f32.msk $0xffff, v1  }
0x171: {  	s24 =	sadd.s32 s24, s22;
	v2 =	vld [tilespmem:s18+$0x0];
	v8 =	vmov v4;
	s18 =	smov.u32 s19;
	s19 =	smov.u32 s20  }
.Ltmp10:
0x172: {  	s20 =	smov.u32 s21;
	s25 =	sor.u32 $0x80, s24;
	(pc) =	sbr.rel @p2 .LBB2_16-.Ltmp10, $4  }
0x173: {  	s21 =	smov.u32 s24;
	v5 =	vld [tilespmem:s25+$0x0];
	v3 =	vmov v6  }
0x174: {  	s24 =	sor.u32 $0x90, s20;
	[tilespmem:v7+s10+$0x0] =	vst.idx.add.f32.msk $0xffff, v1  }
0x175: {  	v4 =	vld [tilespmem:s24+$0x0]  }
0x176: {  	s23 =	sadd.s32 $0x40, s23;
	s24 =	sor.u32 $0xA0, s19;
	[tilespmem:v8+s11+$0x0] =	vst.idx.add.f32.msk $0xffff, v1  }
0x177: {  	_ =	sdelay $0x4  }
0x178: {  	s22 =	sor.u32 $0x90, s21;
	[tilespmem:v5+s10+$0x0] =	vst.idx.add.f32.msk $0xffff, v1  }
0x179: {  	v5 =	vld [tilespmem:s22+$0x0];
	_ =	sdelay $0x4  }
0x17a: {  	v6 =	vld [tilespmem:s24+$0x0]  }
0x17b: {  	s26 =	sor.u32 $0xA0, s20;
	[tilespmem:v4+s11+$0x0] =	vst.idx.add.f32.msk $0xffff, v1  }
0x17c: {  	v4 =	vld [tilespmem:s26+$0x0]  }
0x17d: {  	s28 =	sor.u32 $0xA0, s21;
	[tilespmem:v5+s11+$0x0] =	vst.idx.add.f32.msk $0xffff, v1  }
0x17e: {  	v5 =	vld [tilespmem:s28+$0x0];
	_ =	sdelay $0x1  }
0x17f: {  	[tilespmem:v3+s12+$0x0] =	vst.idx.add.f32.msk $0xffff, v1;
	s18 =	sor.u32 $0xB0, s18  }
0x180: {  	v3 =	vld [tilespmem:s18+$0x0]  }
0x181: {  	s29 =	sor.u32 $0xB0, s19;
	[tilespmem:v6+s12+$0x0] =	vst.idx.add.f32.msk $0xffff, v1  }
0x182: {  	v6 =	vld [tilespmem:s29+$0x0]  }
0x183: {  	s30 =	sor.u32 $0xB0, s20;
	[tilespmem:v4+s12+$0x0] =	vst.idx.add.f32.msk $0xffff, v1  }
0x184: {  	v4 =	vld [tilespmem:s30+$0x0]  }
0x185: {  	s31 =	sor.u32 $0xB0, s21;
	[tilespmem:v5+s12+$0x0] =	vst.idx.add.f32.msk $0xffff, v1  }
0x186: {  	v5 =	vld [tilespmem:s31+$0x0];
	_ =	sdelay $0x3  }
0x187: {  	[tilespmem:v2+s13+$0x0] =	vst.idx.add.f32.msk $0xffff, v1  }
0x188: {  	[tilespmem:v3+s13+$0x0] =	vst.idx.add.f32.msk $0xffff, v1  }
0x189: {  	[tilespmem:v6+s13+$0x0] =	vst.idx.add.f32.msk $0xffff, v1  }
0x18a: {  	s19 =	simm.s32 $0x10;
	[tilespmem:v4+s13+$0x0] =	vst.idx.add.f32.msk $0xffff, v1  }
0x18b: {  	s21 =	sadd.s32 $0x0, s4;
	s20 =	simm.s32 $0x100;
	s18 =	simm.s32 $0x0;
	[tilespmem:v5+s13+$0x0] =	vst.idx.add.f32.msk $0xffff, v1  }
.LBB2_18:
0x18c: {  	[hbm4b:s21+s2] =	stream.linear.scatter [tilespmem:s18], [sflag:$0x1], $0x80, $0x38;
	[tilespmem:$0xEF00] =	vst v63  }
0x18d: {  	s21 =	smov.u32 s19;
	s18 =	smov.u32 s20;
	p1 =	sne.s32 s19, $0x4D0  }
.Ltmp11:
0x18e: {  	s19 =	sadd.s32 $0x10, s19;
	(pc) =	sbr.rel @p1 .LBB2_18-.Ltmp11, $2  }
0x18f: {  	_ =	sdelay $0x2  }
0x190: {  	s20 =	sadd.s32 $0x100, s20;
	s21 =	sadd.s32 s21, s4  }
0x191: {  	[hbm4b:s21+s2] =	stream.linear.scatter [tilespmem:s18], [sflag:$0x1], $0x80, $0x38;
	[tilespmem:$0xEF00] =	vst v63  }
0x192: {  	s18 =	simm.s32 $0x0;
	s19 =	simm.s32 $0x80  }
0x193: {  	s20 =	simm.s32 $0x10;
	s22 =	sadd.s32 $0x0, s5;
	s21 =	simm.s32 $0x180  }
.LBB2_20:
0x194: {  	[hbm4b:s22+s18] =	stream.linear.scatter [tilespmem:s19], [sflag:$0x1], $0x80, $0x38;
	[tilespmem:$0xEF00] =	vst v63  }
0x195: {  	s22 =	smov.u32 s20;
	s19 =	smov.u32 s21;
	p1 =	sne.s32 s20, $0x4D0  }
.Ltmp12:
0x196: {  	s20 =	sadd.s32 $0x10, s20;
	(pc) =	sbr.rel @p1 .LBB2_20-.Ltmp12, $2  }
0x197: {  	_ =	sdelay $0x2  }
0x198: {  	s21 =	sadd.s32 $0x100, s21;
	s22 =	sadd.s32 s22, s5  }
0x199: {  	[hbm4b:s22+s18] =	stream.linear.scatter [tilespmem:s19], [sflag:$0x1], $0x80, $0x38;
	[tilespmem:$0xEF00] =	vst v63  }
0x19a: {  	s18 =	simm.s32 $0x0  }
0x19b: {  	v2 =	vld [tilespmem:s18+$0x4F30]  }
0x19c: {  	v3 =	vld [tilespmem:s18+$0x7730]  }
0x19d: {  	v4 =	vld [tilespmem:s18+$0x9F30]  }
0x19e: {  	v5 =	vld [tilespmem:s18+$0xC730]  }
0x19f: {  	v6 =	vld [tilespmem:s18+$0x4F00]  }
0x1a0: {  	v7 =	vld [tilespmem:s18+$0x7700]  }
0x1a1: {  	v8 =	vld [tilespmem:s18+$0x9F00]  }
0x1a2: {  	v9 =	vld [tilespmem:s18+$0xC700]  }
0x1a3: {  	v10 =	vld [tilespmem:s18+$0x4F10]  }
0x1a4: {  	v11 =	vld [tilespmem:s18+$0xC710]  }
0x1a5: {  	v2 =	vadd.f32 v3, v2;
	v3 =	vadd.f32 v5, v4;
	v4 =	vld [tilespmem:s18+$0x7710]  }
0x1a6: {  	v5 =	vld [tilespmem:s18+$0x9F10]  }
0x1a7: {  	v12 =	vld [tilespmem:s18+$0x4F20];
	v2 =	vadd.f32 v3, v2  }
0x1a8: {  	v3 =	vadd.f32 v7, v6;
	v6 =	vadd.f32 v9, v8;
	v7 =	vld [tilespmem:s18+$0x7720]  }
0x1a9: {  	[tilespmem:s18+$0x4F30] =	vst v2;
	v2 =	vld [tilespmem:s18+$0x9F20]  }
0x1aa: {  	s19 =	simm.s32 $0x40;
	v6 =	vadd.f32 v6, v3;
	v3 =	vld [tilespmem:s18+$0xC720]  }
0x1ab: {  	v8 =	vld [tilespmem:s19+$0x9F30];
	v9 =	vadd.f32 v4, v10;
	v10 =	vadd.f32 v11, v5  }
0x1ac: {  	v4 =	vld [tilespmem:s19+$0x4F30]  }
0x1ad: {  	s20 =	simm.s32 $0x200;
	v5 =	vld [tilespmem:s19+$0x7730];
	[tilespmem:s18+$0x4F00] =	vst v6;
	v6 =	vadd.f32 v10, v9;
	v7 =	vadd.f32 v7, v12  }
.LBB2_22:
0x1ae: {  	p1 =	sne.s32 s20, $0x9F00;
	v9 =	vld [tilespmem:s19+$0xC730]  }
0x1af: {  	v2 =	vadd.f32 v3, v2;
	v10 =	vld [tilespmem:s19+$0x4F00];
	[tilespmem:s18+$0x4F10] =	vst v6  }
0x1b0: {  	v3 =	vld [tilespmem:s19+$0x7700]  }
0x1b1: {  	v2 =	vadd.f32 v2, v7;
	v6 =	vld [tilespmem:s19+$0x9F00]  }
0x1b2: {  	v7 =	vld [tilespmem:s19+$0xC700]  }
0x1b3: {  	v4 =	vadd.f32 v5, v4;
	v11 =	vld [tilespmem:s19+$0x4F10];
	v5 =	vadd.f32 v9, v8;
	[tilespmem:s18+$0x4F20] =	vst v2;
	s18 =	smov.u32 s19  }
0x1b4: {  	v2 =	vld [tilespmem:s18+$0x7710]  }
0x1b5: {  	v3 =	vadd.f32 v3, v10;
	v8 =	vld [tilespmem:s18+$0x9F10];
	v4 =	vadd.f32 v5, v4  }
0x1b6: {  	v5 =	vld [tilespmem:s18+$0xC710]  }
0x1b7: {  	v6 =	vadd.f32 v7, v6;
	v7 =	vld [tilespmem:s18+$0x4F20];
	[tilespmem:s18+$0x4F30] =	vst v4  }
0x1b8: {  	v9 =	vld [tilespmem:s18+$0x7720]  }
.Ltmp13:
0x1b9: {  	v6 =	vadd.f32 v6, v3;
	v10 =	vadd.f32 v2, v11;
	v2 =	vld [tilespmem:s18+$0x9F20];
	(pc) =	sbr.rel @p1 .LBB2_22-.Ltmp13, $4  }
0x1ba: {  	s19 =	sshra.s32 s20, $0x2;
	v3 =	vld [tilespmem:s18+$0xC720]  }
0x1bb: {  	v4 =	vld [tilespmem:s19+$0x4F30];
	[tilespmem:s18+$0x4F00] =	vst v6;
	v6 =	vadd.f32 v5, v8  }
0x1bc: {  	v5 =	vld [tilespmem:s19+$0x7730]  }
0x1bd: {  	s20 =	sadd.s32 $0x100, s20;
	v8 =	vld [tilespmem:s19+$0x9F30];
	v6 =	vadd.f32 v6, v10;
	v7 =	vadd.f32 v9, v7  }
.Ltmp14:
0x1be: {  	_ = 	snop;
	(pc) =	sbr.rel .LBB2_23-.Ltmp14, $1  }
0x1bf: {  	_ =	sdelay $0x3  }
.LBB2_25:
0x1c0: {  	_ =	sfence.sel $0x180000  }
0x1c1: {  	[bflag:$0x0] =	sbarrier.arrive $0xFFFF  }
0x1c2: {  	p0 =	sne.s32 s0, $0x0;
	_ =	strace $0x90000047  }
0x1c3: {  	s0 =	sadd.s32 @!p0 $0x100000, s1;
	[bflag:$0x2] =	sbarrier.arrive $0xFFFF  }
0x1c4: {  	[sflag:s0] =	ssyncadd.tile.s32 @!p0 $0x1;
	_ =	shalt  }
.Lfunc_end2:
_tile_overlayer_lowered:
.L_overlay_start_2:
0x1c5: {  	(tag) =	ssettag $0x2  }
0x1c6: {  	s0 =	rddreg [dreg:$0x0];
	s2 =	stileid.u32  }
0x1c7: {  	s1 =	rddreg [dreg:$0x1];
	p0 =	sne.s32 s2, $0x0  }
0x1c8: {  	s3 =	rddreg [dreg:$0x2];
	[bflag:$0x3] =	sbarrier.arrive $0xFFFF;
	s2 =	simm.s32 @!p0 $0x1C02  }
0x1c9: {  	[timem:s3], [sflag:s2] =	dma.local @!p0 [hbm:s0], s1  }
0x1ca: {  	s0 =	simm.s32 @!p0 $0x2  }
0x1cb: {  	_ =	swait.ge @!p0 [sflag:s0], s1  }
0x1cc: {  	s1 =	ssub.s32 @!p0 $0x0, s1;
	[sflag:s0] =	ssyncset.done @!p0 $0x0  }
0x1cd: {  	[sflag:s0] =	ssyncadd.s32 @!p0 s1  }
0x1ce: {  	[bflag:$0x3] =	sbarrier.arrive $0xFFFF  }
0x1cf: {  	_ =	shalt  }

</sc_bundles>
